<compile_context>
chip_gen: v7x
topology: tpu7x:2x2x1
jax: 0.10.2.dev20260603
libtpu: 0.0.44.dev20260713+nightly
codegen_flags: <defaults>
</compile_context>

<pallas_src>
import functools

import jax
import jax.numpy as jnp
import numpy as np
from jax import lax
from jax.experimental import pallas as pl
from jax.experimental.pallas import tpu as pltpu
from jax.experimental.pallas import tpu_sc as plsc


@functools.cache
def _blue_params(n_sample, set_length, nh, nw):
    rng = np.random.default_rng(0)
    idx = [int(v) for v in rng.integers(0, set_length, size=(n_sample,))]
    P = np.zeros((n_sample, nh), np.int32)
    Q = np.zeros((n_sample, nw), np.int32)
    PC = np.zeros((n_sample, nh), np.int32)
    QC = np.zeros((n_sample, nw), np.int32)
    i = np.arange(nh)
    for s in range(n_sample):
        f1 = bool(rng.random() < 0.5)
        f2 = bool(rng.random() < 0.5)
        f3 = bool(rng.random() < 0.5)
        rh = int(rng.integers(0, nh))
        rw = int(rng.integers(0, nw))
        sr = lambda p: (nh - 1 - p) if f2 else p
        sc = lambda q: (nw - 1 - q) if f1 else q
        if not f3:
            P[s] = sr((i - rh) % nh)
            QC[s] = sc((i - rw) % nw)
        else:
            PC[s] = sc(nh - 1 - ((i - rh) % nh))
            Q[s] = sr((i - rw) % nw)
    return idx, P, Q, PC, QC


def kernel(x, data):
    B, C, H, W = x.shape
    S, NH, NW = data.shape
    assert H == 2 * NH and W == 2 * NW
    idx, P, Q, PC, QC = _blue_params(B, S, NH, NW)
    PPC = np.concatenate([P, PC], axis=1)
    QQC = np.concatenate([Q, QC], axis=1)
    L = 16
    NCHUNK = 4
    RPC = NH // 2 // NCHUNK
    f32, i32 = jnp.float32, jnp.int32

    mesh = plsc.VectorSubcoreMesh(core_axis_name="c", subcore_axis_name="s")

    @functools.partial(
        pl.kernel,
        out_type=jax.ShapeDtypeStruct((B * C * H, W), f32),
        mesh=mesh,
        compiler_params=pltpu.CompilerParams(needs_layout_passes=False),
        scratch_types=[
            pltpu.VMEM((NH, NW), f32),
            pltpu.VMEM((2 * NH,), i32),
            pltpu.VMEM((2 * NW,), i32),
            pltpu.VMEM((RPC, W), f32),
            pltpu.VMEM((RPC, W), f32),
            pltpu.VMEM((RPC, W), f32),
            pltpu.SemaphoreType.DMA,
            pltpu.SemaphoreType.DMA,
            pltpu.SemaphoreType.DMA,
            pltpu.SemaphoreType.DMA,
        ],
    )
    def run(data_hbm, ppc_hbm, qqc_hbm, out_hbm,
            tile_v, ppc_v, qqc_v, buf0, buf1, buf2,
            sem_st, sem0, sem1, sem2):
        b = lax.axis_index("s")
        half = lax.axis_index("c")

        idxb = jnp.int32(0)
        for s, v in enumerate(idx):
            idxb = idxb + jnp.where(b == s, jnp.int32(v), jnp.int32(0))
        h_st = pltpu.async_copy(
            data_hbm.at[pl.ds(idxb * NH, NH), :], tile_v, sem_st)
        h_p = pltpu.async_copy(
            ppc_hbm.at[pl.ds(b * 2 * NH, 2 * NH)], ppc_v, sem_st)
        h_q = pltpu.async_copy(
            qqc_hbm.at[pl.ds(b * 2 * NW, 2 * NW)], qqc_v, sem_st)
        h_st.wait()
        h_p.wait()
        h_q.wait()

        qs = [qqc_v[pl.ds(k * L, L)] for k in range(NW // L)]
        qcs = [qqc_v[pl.ds(NW + k * L, L)] for k in range(NW // L)]

        bufs = (buf0, buf1, buf2)
        sems = (sem0, sem1, sem2)
        pending = [None, None, None]
        UR = 2
        for t in range(NCHUNK):
            slot = t % 3
            if pending[slot] is not None:
                for h in pending[slot]:
                    h.wait()
            buf = bufs[slot]
            base = half * (NH // 2) + t * RPC

            def row_body(jj, _, buf=buf, base=base):
                for u in range(UR):
                    ii = jj * UR + u
                    i = base + ii
                    iv = jnp.full((L,), i, i32)
                    pb = plsc.load_gather(ppc_v, [iv])
                    pcb = plsc.load_gather(ppc_v, [iv + NH])
                    for k in range(NW // L):
                        vals = plsc.load_gather(
                            tile_v, [pb + qs[k], pcb + qcs[k]])
                        buf[ii, pl.ds(k * L, L)] = vals
                        buf[ii, pl.ds(NW + k * L, L)] = vals
                return 0

            lax.fori_loop(0, RPC // UR, row_body, 0)

            hs = []
            for c in range(C):
                for v in range(2):
                    row0 = (b * C + c) * H + v * NH + base
                    hs.append(pltpu.async_copy(
                        buf, out_hbm.at[pl.ds(row0, RPC), :], sems[slot]))
            pending[slot] = hs

        for slot in range(3):
            if pending[slot] is not None:
                for h in pending[slot]:
                    h.wait()

    out = run(data.reshape(S * NH, NW),
              jnp.asarray(PPC).reshape(-1),
              jnp.asarray(QQC).reshape(-1))
    return out.reshape(B, C, H, W)

# --- scband reference (transcript-rebuilt; emitter-appended) ---
"""Pipeline reference for scband-blue-noise-loader-52596169507413 (READ-ONLY COPY).

The authoritative reference and input builder live on the scoring server;
editing this copy changes nothing except your own understanding.
"""

import jax, jax.numpy as jnp
import numpy as np


def setup_inputs(seed: int = 0) -> dict:
    key = jax.random.key(seed)
    k1, k2 = jax.random.split(key)
    x = jax.random.normal(k1, (16, 4, 512, 512), dtype=jnp.float32)
    # Blue-noise database buffer (what torch.load(noise_path) would return):
    # set_length=64 tiles of 256x256.
    data = jax.random.normal(k2, (64, 256, 256), dtype=jnp.float32)
    return {"x": x, "data": data}


def reference(x, data):
    # BlueNoiseLoader.forward with repeat_channel=True, repeat_spatial=True.
    B, C, H, W = x.shape
    set_length, nh, nw = data.shape
    rng = np.random.default_rng(0)  # deterministic stand-in for torch/np randomness

    n_sample = B  # repeat_channel=True -> channel handled by repeat, not sampling
    rep_h = int(np.ceil(H / nh))
    rep_w = int(np.ceil(W / nw))
    repamount = (1, C, rep_h, rep_w)

    # idx = torch.randint(0, set_length, (n_sample,))
    idx = jnp.asarray(rng.integers(0, set_length, size=(n_sample,)), dtype=jnp.int32)
    blue = jnp.take(data, idx, axis=0)[:, None, :, :]  # (B, 1, nh, nw)

    # postprocess: per-sample random flips / rot90 / roll (blue-noise preserving)
    outs = []
    for i in range(n_sample):
        b = blue[i]  # (1, nh, nw)
        if rng.random() < 0.5:
            b = jnp.flip(b, axis=-1)
        if rng.random() < 0.5:
            b = jnp.flip(b, axis=-2)
        if rng.random() < 0.5:
            b = jnp.rot90(b, 1, axes=(-2, -1))
        rh = int(rng.integers(0, nh))
        rw = int(rng.integers(0, nw))
        b = jnp.roll(b, (rh, rw), axis=(-2, -1))
        outs.append(b)
    blue = jnp.stack(outs, axis=0)  # (B, 1, nh, nw)

    # blue.repeat(*repamount)  (spreadamount=[1,1] so chunk/cat is a no-op)
    blue = jnp.tile(blue, repamount)  # (B, C, rep_h*nh, rep_w*nw)
    blue = blue[:, :, :H, :W].reshape(B, C, H, W)
    return blue

if __name__ == "__main__":
    import jax
    _d = setup_inputs()
    print(jax.jit(kernel)(*tuple(_d.values())))

</pallas_src>

<mosaic_0001>
#map = affine_map<(d0, d1) -> (0, 0)>
#map1 = affine_map<(d0, d1) -> (0)>
module attributes {stable_mosaic.version = 14 : i64} {
  func.func @run(%arg0: i32, %arg1: i32, %arg2: memref<16384x256xf32, #tpu.memory_space<hbm>>, %arg3: memref<8192xi32, #tpu.memory_space<hbm>>, %arg4: memref<8192xi32, #tpu.memory_space<hbm>>, %arg5: memref<32768x512xf32, #tpu.memory_space<hbm>>, %arg6: memref<256x256xf32, #tpu.memory_space<vmem>>, %arg7: memref<512xi32, #tpu.memory_space<vmem>>, %arg8: memref<512xi32, #tpu.memory_space<vmem>>, %arg9: memref<32x512xf32, #tpu.memory_space<vmem>>, %arg10: memref<32x512xf32, #tpu.memory_space<vmem>>, %arg11: memref<32x512xf32, #tpu.memory_space<vmem>>, %arg12: memref<!tpu.dma_semaphore, #tpu.memory_space<semaphore_mem>>, %arg13: memref<!tpu.dma_semaphore, #tpu.memory_space<semaphore_mem>>, %arg14: memref<!tpu.dma_semaphore, #tpu.memory_space<semaphore_mem>>, %arg15: memref<!tpu.dma_semaphore, #tpu.memory_space<semaphore_mem>>) attributes {dimension_semantics = [#tpu.dimension_semantics<core_parallel>, #tpu.dimension_semantics<subcore_parallel>], iteration_bounds = array<i64: 2, 16>, scalar_prefetch = 0 : i64, scratch_operands = 10 : i64, tpu.core_type = #tpu.core_type<sc_vector_subcore>, window_params = [{transform_indices = #map}, {transform_indices = #map1}, {transform_indices = #map1}, {transform_indices = #map}]} {
    %eq3A = arith.constant 0 : i32
    %eq3A_0 = arith.cmpi eq, %arg1, %eq3A : i32
    %jit3A = arith.constant 54 : i32
    %jit3A_1 = arith.constant 0 : i32
    %select_n3A = arith.select %eq3A_0, %jit3A, %jit3A_1 : i32
    %add3A = arith.constant 0 : i32
    %add3A_2 = arith.addi %add3A, %select_n3A : i32
    %eq3A_3 = arith.constant 1 : i32
    %eq3A_4 = arith.cmpi eq, %arg1, %eq3A_3 : i32
    %jit3A_5 = arith.constant 40 : i32
    %jit3A_6 = arith.constant 0 : i32
    %select_n3A_7 = arith.select %eq3A_4, %jit3A_5, %jit3A_6 : i32
    %add3A_8 = arith.addi %add3A_2, %select_n3A_7 : i32
    %eq3A_9 = arith.constant 2 : i32
    %eq3A_10 = arith.cmpi eq, %arg1, %eq3A_9 : i32
    %jit3A_11 = arith.constant 32 : i32
    %jit3A_12 = arith.constant 0 : i32
    %select_n3A_13 = arith.select %eq3A_10, %jit3A_11, %jit3A_12 : i32
    %add3A_14 = arith.addi %add3A_8, %select_n3A_13 : i32
    %eq3A_15 = arith.constant 3 : i32
    %eq3A_16 = arith.cmpi eq, %arg1, %eq3A_15 : i32
    %jit3A_17 = arith.constant 17 : i32
    %jit3A_18 = arith.constant 0 : i32
    %select_n3A_19 = arith.select %eq3A_16, %jit3A_17, %jit3A_18 : i32
    %add3A_20 = arith.addi %add3A_14, %select_n3A_19 : i32
    %eq3A_21 = arith.constant 4 : i32
    %eq3A_22 = arith.cmpi eq, %arg1, %eq3A_21 : i32
    %jit3A_23 = arith.constant 19 : i32
    %jit3A_24 = arith.constant 0 : i32
    %select_n3A_25 = arith.select %eq3A_22, %jit3A_23, %jit3A_24 : i32
    %add3A_26 = arith.addi %add3A_20, %select_n3A_25 : i32
    %eq3A_27 = arith.constant 5 : i32
    %eq3A_28 = arith.cmpi eq, %arg1, %eq3A_27 : i32
    %jit3A_29 = arith.constant 2 : i32
    %jit3A_30 = arith.constant 0 : i32
    %select_n3A_31 = arith.select %eq3A_28, %jit3A_29, %jit3A_30 : i32
    %add3A_32 = arith.addi %add3A_26, %select_n3A_31 : i32
    %eq3A_33 = arith.constant 6 : i32
    %eq3A_34 = arith.cmpi eq, %arg1, %eq3A_33 : i32
    %jit3A_35 = arith.constant 4 : i32
    %jit3A_36 = arith.constant 0 : i32
    %select_n3A_37 = arith.select %eq3A_34, %jit3A_35, %jit3A_36 : i32
    %add3A_38 = arith.addi %add3A_32, %select_n3A_37 : i32
    %eq3A_39 = arith.constant 7 : i32
    %eq3A_40 = arith.cmpi eq, %arg1, %eq3A_39 : i32
    %jit3A_41 = arith.constant 1 : i32
    %jit3A_42 = arith.constant 0 : i32
    %select_n3A_43 = arith.select %eq3A_40, %jit3A_41, %jit3A_42 : i32
    %add3A_44 = arith.addi %add3A_38, %select_n3A_43 : i32
    %eq3A_45 = arith.constant 8 : i32
    %eq3A_46 = arith.cmpi eq, %arg1, %eq3A_45 : i32
    %jit3A_47 = arith.constant 11 : i32
    %jit3A_48 = arith.constant 0 : i32
    %select_n3A_49 = arith.select %eq3A_46, %jit3A_47, %jit3A_48 : i32
    %add3A_50 = arith.addi %add3A_44, %select_n3A_49 : i32
    %eq3A_51 = arith.constant 9 : i32
    %eq3A_52 = arith.cmpi eq, %arg1, %eq3A_51 : i32
    %jit3A_53 = arith.constant 52 : i32
    %jit3A_54 = arith.constant 0 : i32
    %select_n3A_55 = arith.select %eq3A_52, %jit3A_53, %jit3A_54 : i32
    %add3A_56 = arith.addi %add3A_50, %select_n3A_55 : i32
    %eq3A_57 = arith.constant 10 : i32
    %eq3A_58 = arith.cmpi eq, %arg1, %eq3A_57 : i32
    %jit3A_59 = arith.constant 41 : i32
    %jit3A_60 = arith.constant 0 : i32
    %select_n3A_61 = arith.select %eq3A_58, %jit3A_59, %jit3A_60 : i32
    %add3A_62 = arith.addi %add3A_56, %select_n3A_61 : i32
    %eq3A_63 = arith.constant 11 : i32
    %eq3A_64 = arith.cmpi eq, %arg1, %eq3A_63 : i32
    %jit3A_65 = arith.constant 58 : i32
    %jit3A_66 = arith.constant 0 : i32
    %select_n3A_67 = arith.select %eq3A_64, %jit3A_65, %jit3A_66 : i32
    %add3A_68 = arith.addi %add3A_62, %select_n3A_67 : i32
    %eq3A_69 = arith.constant 12 : i32
    %eq3A_70 = arith.cmpi eq, %arg1, %eq3A_69 : i32
    %jit3A_71 = arith.constant 32 : i32
    %jit3A_72 = arith.constant 0 : i32
    %select_n3A_73 = arith.select %eq3A_70, %jit3A_71, %jit3A_72 : i32
    %add3A_74 = arith.addi %add3A_68, %select_n3A_73 : i32
    %eq3A_75 = arith.constant 13 : i32
    %eq3A_76 = arith.cmpi eq, %arg1, %eq3A_75 : i32
    %jit3A_77 = arith.constant 38 : i32
    %jit3A_78 = arith.constant 0 : i32
    %select_n3A_79 = arith.select %eq3A_76, %jit3A_77, %jit3A_78 : i32
    %add3A_80 = arith.addi %add3A_74, %select_n3A_79 : i32
    %eq3A_81 = arith.constant 14 : i32
    %eq3A_82 = arith.cmpi eq, %arg1, %eq3A_81 : i32
    %jit3A_83 = arith.constant 62 : i32
    %jit3A_84 = arith.constant 0 : i32
    %select_n3A_85 = arith.select %eq3A_82, %jit3A_83, %jit3A_84 : i32
    %add3A_86 = arith.addi %add3A_80, %select_n3A_85 : i32
    %eq3A_87 = arith.constant 15 : i32
    %eq3A_88 = arith.cmpi eq, %arg1, %eq3A_87 : i32
    %jit3A_89 = arith.constant 46 : i32
    %jit3A_90 = arith.constant 0 : i32
    %select_n3A_91 = arith.select %eq3A_88, %jit3A_89, %jit3A_90 : i32
    %add3A_92 = arith.addi %add3A_86, %select_n3A_91 : i32
    %mul3A = arith.constant 256 : i32
    %mul3A_93 = arith.muli %add3A_92, %mul3A : i32
    %dma_start3A = arith.constant 0 : i32
    %dma_start3A_94 = tpu.memref_slice %arg2[%mul3A_93, %dma_start3A] : memref<16384x256xf32, #tpu.memory_space<hbm>> -> memref<256x256xf32, #tpu.memory_space<hbm>>
    %dma_start3A_95 = arith.constant 0 : i32
    %dma_start3A_96 = tpu.memref_slice %arg2[%mul3A_93, %dma_start3A_95] : memref<16384x256xf32, #tpu.memory_space<hbm>> -> memref<256x256xf32, #tpu.memory_space<hbm>>
    tpu.enqueue_dma source(%dma_start3A_96 : memref<256x256xf32, #tpu.memory_space<hbm>>) target(%arg6 : memref<256x256xf32, #tpu.memory_space<vmem>>) target_semaphore(%arg12 : memref<!tpu.dma_semaphore, #tpu.memory_space<semaphore_mem>>)
    %mul3A_97 = arith.constant 2 : i32
    %mul3A_98 = arith.muli %arg1, %mul3A_97 : i32
    %mul3A_99 = arith.constant 256 : i32
    %mul3A_100 = arith.muli %mul3A_98, %mul3A_99 : i32
    %dma_start3A_101 = tpu.memref_slice %arg3[%mul3A_100] : memref<8192xi32, #tpu.memory_space<hbm>> -> memref<512xi32, #tpu.memory_space<hbm>>
    %dma_start3A_102 = tpu.memref_slice %arg3[%mul3A_100] : memref<8192xi32, #tpu.memory_space<hbm>> -> memref<512xi32, #tpu.memory_space<hbm>>
    tpu.enqueue_dma source(%dma_start3A_102 : memref<512xi32, #tpu.memory_space<hbm>>) target(%arg7 : memref<512xi32, #tpu.memory_space<vmem>>) target_semaphore(%arg12 : memref<!tpu.dma_semaphore, #tpu.memory_space<semaphore_mem>>)
    %mul3A_103 = arith.constant 2 : i32
    %mul3A_104 = arith.muli %arg1, %mul3A_103 : i32
    %mul3A_105 = arith.constant 256 : i32
    %mul3A_106 = arith.muli %mul3A_104, %mul3A_105 : i32
    %dma_start3A_107 = tpu.memref_slice %arg4[%mul3A_106] : memref<8192xi32, #tpu.memory_space<hbm>> -> memref<512xi32, #tpu.memory_space<hbm>>
    %dma_start3A_108 = tpu.memref_slice %arg4[%mul3A_106] : memref<8192xi32, #tpu.memory_space<hbm>> -> memref<512xi32, #tpu.memory_space<hbm>>
    tpu.enqueue_dma source(%dma_start3A_108 : memref<512xi32, #tpu.memory_space<hbm>>) target(%arg8 : memref<512xi32, #tpu.memory_space<vmem>>) target_semaphore(%arg12 : memref<!tpu.dma_semaphore, #tpu.memory_space<semaphore_mem>>)
    %dma_wait3A = arith.constant 0 : i32
    %dma_wait3A_109 = tpu.memref_slice %arg2[%mul3A_93, %dma_wait3A] : memref<16384x256xf32, #tpu.memory_space<hbm>> -> memref<256x256xf32, #tpu.memory_space<hbm>>
    %dma_wait3A_110 = arith.constant 0 : i32
    %dma_wait3A_111 = tpu.memref_slice %arg2[%mul3A_93, %dma_wait3A_110] : memref<16384x256xf32, #tpu.memory_space<hbm>> -> memref<256x256xf32, #tpu.memory_space<hbm>>
    tpu.wait_dma2 semaphore(%arg12 : memref<!tpu.dma_semaphore, #tpu.memory_space<semaphore_mem>>) src(%dma_wait3A_111 : memref<256x256xf32, #tpu.memory_space<hbm>>) dst(%arg6 : memref<256x256xf32, #tpu.memory_space<vmem>>)
    %dma_wait3A_112 = tpu.memref_slice %arg3[%mul3A_100] : memref<8192xi32, #tpu.memory_space<hbm>> -> memref<512xi32, #tpu.memory_space<hbm>>
    %dma_wait3A_113 = tpu.memref_slice %arg3[%mul3A_100] : memref<8192xi32, #tpu.memory_space<hbm>> -> memref<512xi32, #tpu.memory_space<hbm>>
    tpu.wait_dma2 semaphore(%arg12 : memref<!tpu.dma_semaphore, #tpu.memory_space<semaphore_mem>>) src(%dma_wait3A_113 : memref<512xi32, #tpu.memory_space<hbm>>) dst(%arg7 : memref<512xi32, #tpu.memory_space<vmem>>)
    %dma_wait3A_114 = tpu.memref_slice %arg4[%mul3A_106] : memref<8192xi32, #tpu.memory_space<hbm>> -> memref<512xi32, #tpu.memory_space<hbm>>
    %dma_wait3A_115 = tpu.memref_slice %arg4[%mul3A_106] : memref<8192xi32, #tpu.memory_space<hbm>> -> memref<512xi32, #tpu.memory_space<hbm>>
    tpu.wait_dma2 semaphore(%arg12 : memref<!tpu.dma_semaphore, #tpu.memory_space<semaphore_mem>>) src(%dma_wait3A_115 : memref<512xi32, #tpu.memory_space<hbm>>) dst(%arg8 : memref<512xi32, #tpu.memory_space<vmem>>)
    %get3A = arith.constant 0 : index
    %get3A_116 = tpu.vector_load %arg8[%get3A] {strides = array<i32>} : memref<512xi32, #tpu.memory_space<vmem>>, vector<16xi32>,
    %get3A_117 = arith.constant 16 : index
    %get3A_118 = tpu.vector_load %arg8[%get3A_117] {strides = array<i32>} : memref<512xi32, #tpu.memory_space<vmem>>, vector<16xi32>,
    %get3A_119 = arith.constant 32 : index
    %get3A_120 = tpu.vector_load %arg8[%get3A_119] {strides = array<i32>} : memref<512xi32, #tpu.memory_space<vmem>>, vector<16xi32>,
    %get3A_121 = arith.constant 48 : index
    %get3A_122 = tpu.vector_load %arg8[%get3A_121] {strides = array<i32>} : memref<512xi32, #tpu.memory_space<vmem>>, vector<16xi32>,
    %get3A_123 = arith.constant 64 : index
    %get3A_124 = tpu.vector_load %arg8[%get3A_123] {strides = array<i32>} : memref<512xi32, #tpu.memory_space<vmem>>, vector<16xi32>,
    %get3A_125 = arith.constant 80 : index
    %get3A_126 = tpu.vector_load %arg8[%get3A_125] {strides = array<i32>} : memref<512xi32, #tpu.memory_space<vmem>>, vector<16xi32>,
    %get3A_127 = arith.constant 96 : index
    %get3A_128 = tpu.vector_load %arg8[%get3A_127] {strides = array<i32>} : memref<512xi32, #tpu.memory_space<vmem>>, vector<16xi32>,
    %get3A_129 = arith.constant 112 : index
    %get3A_130 = tpu.vector_load %arg8[%get3A_129] {strides = array<i32>} : memref<512xi32, #tpu.memory_space<vmem>>, vector<16xi32>,
    %get3A_131 = arith.constant 128 : index
    %get3A_132 = tpu.vector_load %arg8[%get3A_131] {strides = array<i32>} : memref<512xi32, #tpu.memory_space<vmem>>, vector<16xi32>,
    %get3A_133 = arith.constant 144 : index
    %get3A_134 = tpu.vector_load %arg8[%get3A_133] {strides = array<i32>} : memref<512xi32, #tpu.memory_space<vmem>>, vector<16xi32>,
    %get3A_135 = arith.constant 160 : index
    %get3A_136 = tpu.vector_load %arg8[%get3A_135] {strides = array<i32>} : memref<512xi32, #tpu.memory_space<vmem>>, vector<16xi32>,
    %get3A_137 = arith.constant 176 : index
    %get3A_138 = tpu.vector_load %arg8[%get3A_137] {strides = array<i32>} : memref<512xi32, #tpu.memory_space<vmem>>, vector<16xi32>,
    %get3A_139 = arith.constant 192 : index
    %get3A_140 = tpu.vector_load %arg8[%get3A_139] {strides = array<i32>} : memref<512xi32, #tpu.memory_space<vmem>>, vector<16xi32>,
    %get3A_141 = arith.constant 208 : index
    %get3A_142 = tpu.vector_load %arg8[%get3A_141] {strides = array<i32>} : memref<512xi32, #tpu.memory_space<vmem>>, vector<16xi32>,
    %get3A_143 = arith.constant 224 : index
    %get3A_144 = tpu.vector_load %arg8[%get3A_143] {strides = array<i32>} : memref<512xi32, #tpu.memory_space<vmem>>, vector<16xi32>,
    %get3A_145 = arith.constant 240 : index
    %get3A_146 = tpu.vector_load %arg8[%get3A_145] {strides = array<i32>} : memref<512xi32, #tpu.memory_space<vmem>>, vector<16xi32>,
    %get3A_147 = arith.constant 256 : index
    %get3A_148 = tpu.vector_load %arg8[%get3A_147] {strides = array<i32>} : memref<512xi32, #tpu.memory_space<vmem>>, vector<16xi32>,
    %get3A_149 = arith.constant 272 : index
    %get3A_150 = tpu.vector_load %arg8[%get3A_149] {strides = array<i32>} : memref<512xi32, #tpu.memory_space<vmem>>, vector<16xi32>,
    %get3A_151 = arith.constant 288 : index
    %get3A_152 = tpu.vector_load %arg8[%get3A_151] {strides = array<i32>} : memref<512xi32, #tpu.memory_space<vmem>>, vector<16xi32>,
    %get3A_153 = arith.constant 304 : index
    %get3A_154 = tpu.vector_load %arg8[%get3A_153] {strides = array<i32>} : memref<512xi32, #tpu.memory_space<vmem>>, vector<16xi32>,
    %get3A_155 = arith.constant 320 : index
    %get3A_156 = tpu.vector_load %arg8[%get3A_155] {strides = array<i32>} : memref<512xi32, #tpu.memory_space<vmem>>, vector<16xi32>,
    %get3A_157 = arith.constant 336 : index
    %get3A_158 = tpu.vector_load %arg8[%get3A_157] {strides = array<i32>} : memref<512xi32, #tpu.memory_space<vmem>>, vector<16xi32>,
    %get3A_159 = arith.constant 352 : index
    %get3A_160 = tpu.vector_load %arg8[%get3A_159] {strides = array<i32>} : memref<512xi32, #tpu.memory_space<vmem>>, vector<16xi32>,
    %get3A_161 = arith.constant 368 : index
    %get3A_162 = tpu.vector_load %arg8[%get3A_161] {strides = array<i32>} : memref<512xi32, #tpu.memory_space<vmem>>, vector<16xi32>,
    %get3A_163 = arith.constant 384 : index
    %get3A_164 = tpu.vector_load %arg8[%get3A_163] {strides = array<i32>} : memref<512xi32, #tpu.memory_space<vmem>>, vector<16xi32>,
    %get3A_165 = arith.constant 400 : index
    %get3A_166 = tpu.vector_load %arg8[%get3A_165] {strides = array<i32>} : memref<512xi32, #tpu.memory_space<vmem>>, vector<16xi32>,
    %get3A_167 = arith.constant 416 : index
    %get3A_168 = tpu.vector_load %arg8[%get3A_167] {strides = array<i32>} : memref<512xi32, #tpu.memory_space<vmem>>, vector<16xi32>,
    %get3A_169 = arith.constant 432 : index
    %get3A_170 = tpu.vector_load %arg8[%get3A_169] {strides = array<i32>} : memref<512xi32, #tpu.memory_space<vmem>>, vector<16xi32>,
    %get3A_171 = arith.constant 448 : index
    %get3A_172 = tpu.vector_load %arg8[%get3A_171] {strides = array<i32>} : memref<512xi32, #tpu.memory_space<vmem>>, vector<16xi32>,
    %get3A_173 = arith.constant 464 : index
    %get3A_174 = tpu.vector_load %arg8[%get3A_173] {strides = array<i32>} : memref<512xi32, #tpu.memory_space<vmem>>, vector<16xi32>,
    %get3A_175 = arith.constant 480 : index
    %get3A_176 = tpu.vector_load %arg8[%get3A_175] {strides = array<i32>} : memref<512xi32, #tpu.memory_space<vmem>>, vector<16xi32>,
    %get3A_177 = arith.constant 496 : index
    %get3A_178 = tpu.vector_load %arg8[%get3A_177] {strides = array<i32>} : memref<512xi32, #tpu.memory_space<vmem>>, vector<16xi32>,
    %mul3A_179 = arith.constant 128 : i32
    %mul3A_180 = arith.muli %arg0, %mul3A_179 : i32
    %add3A_181 = arith.constant 0 : i32
    %add3A_182 = arith.addi %mul3A_180, %add3A_181 : i32
    %scan3A = arith.constant 0 : i32
    %scan3A_183 = arith.constant 0 : i32
    %scan3A_184 = arith.constant 16 : i32
    %scan3A_185 = arith.addi %scan3A_183, %scan3A_184 : i32
    %scan3A_186 = arith.constant 1 : i32
    %scan3A_187 = scf.for %scan3A_766 = %scan3A_183 to %scan3A_185 step %scan3A_186 iter_args(%scan3A_767 = %scan3A) -> (i32)  : i32 {
      %mul3A_768 = arith.constant 2 : i32
      %mul3A_769 = arith.muli %scan3A_766, %mul3A_768 : i32
      %add3A_770 = arith.constant 0 : i32
      %add3A_771 = arith.addi %mul3A_769, %add3A_770 : i32
      %add3A_772 = arith.addi %add3A_182, %add3A_771 : i32
      %broadcast_in_dim3A = vector.broadcast %add3A_772 : i32 to vector<16xi32>
      %gather3A = tpu.vector_load_idx %arg7[%broadcast_in_dim3A] : memref<512xi32, #tpu.memory_space<vmem>>[vector<16xi32>], vector<16xi32>,
      %add3A_773 = arith.constant 256 : i32
      %add3A_774 = vector.broadcast %add3A_773 : i32 to vector<16xi32>
      %add3A_775 = arith.addi %broadcast_in_dim3A, %add3A_774 : vector<16xi32>
      %gather3A_776 = tpu.vector_load_idx %arg7[%add3A_775] : memref<512xi32, #tpu.memory_space<vmem>>[vector<16xi32>], vector<16xi32>,
      %add3A_777 = arith.addi %gather3A, %get3A_116 : vector<16xi32>
      %add3A_778 = arith.addi %gather3A_776, %get3A_148 : vector<16xi32>
      %gather3A_779 = tpu.vector_load_idx %arg6[%add3A_777, %add3A_778] : memref<256x256xf32, #tpu.memory_space<vmem>>[vector<16xi32>, vector<16xi32>], vector<16xf32>,
      %swap3A = arith.index_cast %add3A_771 : i32 to index
      %swap3A_780 = arith.constant 0 : index
      %swap3A_781 = tpu.vector_load %arg9[%swap3A, %swap3A_780] {strides = array<i32>} : memref<32x512xf32, #tpu.memory_space<vmem>>, vector<16xf32>,
      tpu.vector_store %arg9[%swap3A, %swap3A_780], %gather3A_779 {strides = array<i32>} : memref<32x512xf32, #tpu.memory_space<vmem>>, vector<16xf32>,
      %swap3A_782 = arith.index_cast %add3A_771 : i32 to index
      %swap3A_783 = arith.constant 256 : index
      %swap3A_784 = tpu.vector_load %arg9[%swap3A_782, %swap3A_783] {strides = array<i32>} : memref<32x512xf32, #tpu.memory_space<vmem>>, vector<16xf32>,
      tpu.vector_store %arg9[%swap3A_782, %swap3A_783], %gather3A_779 {strides = array<i32>} : memref<32x512xf32, #tpu.memory_space<vmem>>, vector<16xf32>,
      %add3A_785 = arith.addi %gather3A, %get3A_118 : vector<16xi32>
      %add3A_786 = arith.addi %gather3A_776, %get3A_150 : vector<16xi32>
      %gather3A_787 = tpu.vector_load_idx %arg6[%add3A_785, %add3A_786] : memref<256x256xf32, #tpu.memory_space<vmem>>[vector<16xi32>, vector<16xi32>], vector<16xf32>,
      %swap3A_788 = arith.index_cast %add3A_771 : i32 to index
      %swap3A_789 = arith.constant 16 : index
      %swap3A_790 = tpu.vector_load %arg9[%swap3A_788, %swap3A_789] {strides = array<i32>} : memref<32x512xf32, #tpu.memory_space<vmem>>, vector<16xf32>,
      tpu.vector_store %arg9[%swap3A_788, %swap3A_789], %gather3A_787 {strides = array<i32>} : memref<32x512xf32, #tpu.memory_space<vmem>>, vector<16xf32>,
      %swap3A_791 = arith.index_cast %add3A_771 : i32 to index
      %swap3A_792 = arith.constant 272 : index
      %swap3A_793 = tpu.vector_load %arg9[%swap3A_791, %swap3A_792] {strides = array<i32>} : memref<32x512xf32, #tpu.memory_space<vmem>>, vector<16xf32>,
      tpu.vector_store %arg9[%swap3A_791, %swap3A_792], %gather3A_787 {strides = array<i32>} : memref<32x512xf32, #tpu.memory_space<vmem>>, vector<16xf32>,
      %add3A_794 = arith.addi %gather3A, %get3A_120 : vector<16xi32>
      %add3A_795 = arith.addi %gather3A_776, %get3A_152 : vector<16xi32>
      %gather3A_796 = tpu.vector_load_idx %arg6[%add3A_794, %add3A_795] : memref<256x256xf32, #tpu.memory_space<vmem>>[vector<16xi32>, vector<16xi32>], vector<16xf32>,
      %swap3A_797 = arith.index_cast %add3A_771 : i32 to index
      %swap3A_798 = arith.constant 32 : index
      %swap3A_799 = tpu.vector_load %arg9[%swap3A_797, %swap3A_798] {strides = array<i32>} : memref<32x512xf32, #tpu.memory_space<vmem>>, vector<16xf32>,
      tpu.vector_store %arg9[%swap3A_797, %swap3A_798], %gather3A_796 {strides = array<i32>} : memref<32x512xf32, #tpu.memory_space<vmem>>, vector<16xf32>,
      %swap3A_800 = arith.index_cast %add3A_771 : i32 to index
      %swap3A_801 = arith.constant 288 : index
      %swap3A_802 = tpu.vector_load %arg9[%swap3A_800, %swap3A_801] {strides = array<i32>} : memref<32x512xf32, #tpu.memory_space<vmem>>, vector<16xf32>,
      tpu.vector_store %arg9[%swap3A_800, %swap3A_801], %gather3A_796 {strides = array<i32>} : memref<32x512xf32, #tpu.memory_space<vmem>>, vector<16xf32>,
      %add3A_803 = arith.addi %gather3A, %get3A_122 : vector<16xi32>
      %add3A_804 = arith.addi %gather3A_776, %get3A_154 : vector<16xi32>
      %gather3A_805 = tpu.vector_load_idx %arg6[%add3A_803, %add3A_804] : memref<256x256xf32, #tpu.memory_space<vmem>>[vector<16xi32>, vector<16xi32>], vector<16xf32>,
      %swap3A_806 = arith.index_cast %add3A_771 : i32 to index
      %swap3A_807 = arith.constant 48 : index
      %swap3A_808 = tpu.vector_load %arg9[%swap3A_806, %swap3A_807] {strides = array<i32>} : memref<32x512xf32, #tpu.memory_space<vmem>>, vector<16xf32>,
      tpu.vector_store %arg9[%swap3A_806, %swap3A_807], %gather3A_805 {strides = array<i32>} : memref<32x512xf32, #tpu.memory_space<vmem>>, vector<16xf32>,
      %swap3A_809 = arith.index_cast %add3A_771 : i32 to index
      %swap3A_810 = arith.constant 304 : index
      %swap3A_811 = tpu.vector_load %arg9[%swap3A_809, %swap3A_810] {strides = array<i32>} : memref<32x512xf32, #tpu.memory_space<vmem>>, vector<16xf32>,
      tpu.vector_store %arg9[%swap3A_809, %swap3A_810], %gather3A_805 {strides = array<i32>} : memref<32x512xf32, #tpu.memory_space<vmem>>, vector<16xf32>,
      %add3A_812 = arith.addi %gather3A, %get3A_124 : vector<16xi32>
      %add3A_813 = arith.addi %gather3A_776, %get3A_156 : vector<16xi32>
      %gather3A_814 = tpu.vector_load_idx %arg6[%add3A_812, %add3A_813] : memref<256x256xf32, #tpu.memory_space<vmem>>[vector<16xi32>, vector<16xi32>], vector<16xf32>,
      %swap3A_815 = arith.index_cast %add3A_771 : i32 to index
      %swap3A_816 = arith.constant 64 : index
      %swap3A_817 = tpu.vector_load %arg9[%swap3A_815, %swap3A_816] {strides = array<i32>} : memref<32x512xf32, #tpu.memory_space<vmem>>, vector<16xf32>,
      tpu.vector_store %arg9[%swap3A_815, %swap3A_816], %gather3A_814 {strides = array<i32>} : memref<32x512xf32, #tpu.memory_space<vmem>>, vector<16xf32>,
      %swap3A_818 = arith.index_cast %add3A_771 : i32 to index
      %swap3A_819 = arith.constant 320 : index
      %swap3A_820 = tpu.vector_load %arg9[%swap3A_818, %swap3A_819] {strides = array<i32>} : memref<32x512xf32, #tpu.memory_space<vmem>>, vector<16xf32>,
      tpu.vector_store %arg9[%swap3A_818, %swap3A_819], %gather3A_814 {strides = array<i32>} : memref<32x512xf32, #tpu.memory_space<vmem>>, vector<16xf32>,
      %add3A_821 = arith.addi %gather3A, %get3A_126 : vector<16xi32>
      %add3A_822 = arith.addi %gather3A_776, %get3A_158 : vector<16xi32>
      %gather3A_823 = tpu.vector_load_idx %arg6[%add3A_821, %add3A_822] : memref<256x256xf32, #tpu.memory_space<vmem>>[vector<16xi32>, vector<16xi32>], vector<16xf32>,
      %swap3A_824 = arith.index_cast %add3A_771 : i32 to index
      %swap3A_825 = arith.constant 80 : index
      %swap3A_826 = tpu.vector_load %arg9[%swap3A_824, %swap3A_825] {strides = array<i32>} : memref<32x512xf32, #tpu.memory_space<vmem>>, vector<16xf32>,
      tpu.vector_store %arg9[%swap3A_824, %swap3A_825], %gather3A_823 {strides = array<i32>} : memref<32x512xf32, #tpu.memory_space<vmem>>, vector<16xf32>,
      %swap3A_827 = arith.index_cast %add3A_771 : i32 to index
      %swap3A_828 = arith.constant 336 : index
      %swap3A_829 = tpu.vector_load %arg9[%swap3A_827, %swap3A_828] {strides = array<i32>} : memref<32x512xf32, #tpu.memory_space<vmem>>, vector<16xf32>,
      tpu.vector_store %arg9[%swap3A_827, %swap3A_828], %gather3A_823 {strides = array<i32>} : memref<32x512xf32, #tpu.memory_space<vmem>>, vector<16xf32>,
      %add3A_830 = arith.addi %gather3A, %get3A_128 : vector<16xi32>
      %add3A_831 = arith.addi %gather3A_776, %get3A_160 : vector<16xi32>
      %gather3A_832 = tpu.vector_load_idx %arg6[%add3A_830, %add3A_831] : memref<256x256xf32, #tpu.memory_space<vmem>>[vector<16xi32>, vector<16xi32>], vector<16xf32>,
      %swap3A_833 = arith.index_cast %add3A_771 : i32 to index
      %swap3A_834 = arith.constant 96 : index
      %swap3A_835 = tpu.vector_load %arg9[%swap3A_833, %swap3A_834] {strides = array<i32>} : memref<32x512xf32, #tpu.memory_space<vmem>>, vector<16xf32>,
      tpu.vector_store %arg9[%swap3A_833, %swap3A_834], %gather3A_832 {strides = array<i32>} : memref<32x512xf32, #tpu.memory_space<vmem>>, vector<16xf32>,
      %swap3A_836 = arith.index_cast %add3A_771 : i32 to index
      %swap3A_837 = arith.constant 352 : index
      %swap3A_838 = tpu.vector_load %arg9[%swap3A_836, %swap3A_837] {strides = array<i32>} : memref<32x512xf32, #tpu.memory_space<vmem>>, vector<16xf32>,
      tpu.vector_store %arg9[%swap3A_836, %swap3A_837], %gather3A_832 {strides = array<i32>} : memref<32x512xf32, #tpu.memory_space<vmem>>, vector<16xf32>,
      %add3A_839 = arith.addi %gather3A, %get3A_130 : vector<16xi32>
      %add3A_840 = arith.addi %gather3A_776, %get3A_162 : vector<16xi32>
      %gather3A_841 = tpu.vector_load_idx %arg6[%add3A_839, %add3A_840] : memref<256x256xf32, #tpu.memory_space<vmem>>[vector<16xi32>, vector<16xi32>], vector<16xf32>,
      %swap3A_842 = arith.index_cast %add3A_771 : i32 to index
      %swap3A_843 = arith.constant 112 : index
      %swap3A_844 = tpu.vector_load %arg9[%swap3A_842, %swap3A_843] {strides = array<i32>} : memref<32x512xf32, #tpu.memory_space<vmem>>, vector<16xf32>,
      tpu.vector_store %arg9[%swap3A_842, %swap3A_843], %gather3A_841 {strides = array<i32>} : memref<32x512xf32, #tpu.memory_space<vmem>>, vector<16xf32>,
      %swap3A_845 = arith.index_cast %add3A_771 : i32 to index
      %swap3A_846 = arith.constant 368 : index
      %swap3A_847 = tpu.vector_load %arg9[%swap3A_845, %swap3A_846] {strides = array<i32>} : memref<32x512xf32, #tpu.memory_space<vmem>>, vector<16xf32>,
      tpu.vector_store %arg9[%swap3A_845, %swap3A_846], %gather3A_841 {strides = array<i32>} : memref<32x512xf32, #tpu.memory_space<vmem>>, vector<16xf32>,
      %add3A_848 = arith.addi %gather3A, %get3A_132 : vector<16xi32>
      %add3A_849 = arith.addi %gather3A_776, %get3A_164 : vector<16xi32>
      %gather3A_850 = tpu.vector_load_idx %arg6[%add3A_848, %add3A_849] : memref<256x256xf32, #tpu.memory_space<vmem>>[vector<16xi32>, vector<16xi32>], vector<16xf32>,
      %swap3A_851 = arith.index_cast %add3A_771 : i32 to index
      %swap3A_852 = arith.constant 128 : index
      %swap3A_853 = tpu.vector_load %arg9[%swap3A_851, %swap3A_852] {strides = array<i32>} : memref<32x512xf32, #tpu.memory_space<vmem>>, vector<16xf32>,
      tpu.vector_store %arg9[%swap3A_851, %swap3A_852], %gather3A_850 {strides = array<i32>} : memref<32x512xf32, #tpu.memory_space<vmem>>, vector<16xf32>,
      %swap3A_854 = arith.index_cast %add3A_771 : i32 to index
      %swap3A_855 = arith.constant 384 : index
      %swap3A_856 = tpu.vector_load %arg9[%swap3A_854, %swap3A_855] {strides = array<i32>} : memref<32x512xf32, #tpu.memory_space<vmem>>, vector<16xf32>,
      tpu.vector_store %arg9[%swap3A_854, %swap3A_855], %gather3A_850 {strides = array<i32>} : memref<32x512xf32, #tpu.memory_space<vmem>>, vector<16xf32>,
      %add3A_857 = arith.addi %gather3A, %get3A_134 : vector<16xi32>
      %add3A_858 = arith.addi %gather3A_776, %get3A_166 : vector<16xi32>
      %gather3A_859 = tpu.vector_load_idx %arg6[%add3A_857, %add3A_858] : memref<256x256xf32, #tpu.memory_space<vmem>>[vector<16xi32>, vector<16xi32>], vector<16xf32>,
      %swap3A_860 = arith.index_cast %add3A_771 : i32 to index
      %swap3A_861 = arith.constant 144 : index
      %swap3A_862 = tpu.vector_load %arg9[%swap3A_860, %swap3A_861] {strides = array<i32>} : memref<32x512xf32, #tpu.memory_space<vmem>>, vector<16xf32>,
      tpu.vector_store %arg9[%swap3A_860, %swap3A_861], %gather3A_859 {strides = array<i32>} : memref<32x512xf32, #tpu.memory_space<vmem>>, vector<16xf32>,
      %swap3A_863 = arith.index_cast %add3A_771 : i32 to index
      %swap3A_864 = arith.constant 400 : index
      %swap3A_865 = tpu.vector_load %arg9[%swap3A_863, %swap3A_864] {strides = array<i32>} : memref<32x512xf32, #tpu.memory_space<vmem>>, vector<16xf32>,
      tpu.vector_store %arg9[%swap3A_863, %swap3A_864], %gather3A_859 {strides = array<i32>} : memref<32x512xf32, #tpu.memory_space<vmem>>, vector<16xf32>,
      %add3A_866 = arith.addi %gather3A, %get3A_136 : vector<16xi32>
      %add3A_867 = arith.addi %gather3A_776, %get3A_168 : vector<16xi32>
      %gather3A_868 = tpu.vector_load_idx %arg6[%add3A_866, %add3A_867] : memref<256x256xf32, #tpu.memory_space<vmem>>[vector<16xi32>, vector<16xi32>], vector<16xf32>,
      %swap3A_869 = arith.index_cast %add3A_771 : i32 to index
      %swap3A_870 = arith.constant 160 : index
      %swap3A_871 = tpu.vector_load %arg9[%swap3A_869, %swap3A_870] {strides = array<i32>} : memref<32x512xf32, #tpu.memory_space<vmem>>, vector<16xf32>,
      tpu.vector_store %arg9[%swap3A_869, %swap3A_870], %gather3A_868 {strides = array<i32>} : memref<32x512xf32, #tpu.memory_space<vmem>>, vector<16xf32>,
      %swap3A_872 = arith.index_cast %add3A_771 : i32 to index
      %swap3A_873 = arith.constant 416 : index
      %swap3A_874 = tpu.vector_load %arg9[%swap3A_872, %swap3A_873] {strides = array<i32>} : memref<32x512xf32, #tpu.memory_space<vmem>>, vector<16xf32>,
      tpu.vector_store %arg9[%swap3A_872, %swap3A_873], %gather3A_868 {strides = array<i32>} : memref<32x512xf32, #tpu.memory_space<vmem>>, vector<16xf32>,
      %add3A_875 = arith.addi %gather3A, %get3A_138 : vector<16xi32>
      %add3A_876 = arith.addi %gather3A_776, %get3A_170 : vector<16xi32>
      %gather3A_877 = tpu.vector_load_idx %arg6[%add3A_875, %add3A_876] : memref<256x256xf32, #tpu.memory_space<vmem>>[vector<16xi32>, vector<16xi32>], vector<16xf32>,
      %swap3A_878 = arith.index_cast %add3A_771 : i32 to index
      %swap3A_879 = arith.constant 176 : index
      %swap3A_880 = tpu.vector_load %arg9[%swap3A_878, %swap3A_879] {strides = array<i32>} : memref<32x512xf32, #tpu.memory_space<vmem>>, vector<16xf32>,
      tpu.vector_store %arg9[%swap3A_878, %swap3A_879], %gather3A_877 {strides = array<i32>} : memref<32x512xf32, #tpu.memory_space<vmem>>, vector<16xf32>,
      %swap3A_881 = arith.index_cast %add3A_771 : i32 to index
      %swap3A_882 = arith.constant 432 : index
      %swap3A_883 = tpu.vector_load %arg9[%swap3A_881, %swap3A_882] {strides = array<i32>} : memref<32x512xf32, #tpu.memory_space<vmem>>, vector<16xf32>,
      tpu.vector_store %arg9[%swap3A_881, %swap3A_882], %gather3A_877 {strides = array<i32>} : memref<32x512xf32, #tpu.memory_space<vmem>>, vector<16xf32>,
      %add3A_884 = arith.addi %gather3A, %get3A_140 : vector<16xi32>
      %add3A_885 = arith.addi %gather3A_776, %get3A_172 : vector<16xi32>
      %gather3A_886 = tpu.vector_load_idx %arg6[%add3A_884, %add3A_885] : memref<256x256xf32, #tpu.memory_space<vmem>>[vector<16xi32>, vector<16xi32>], vector<16xf32>,
      %swap3A_887 = arith.index_cast %add3A_771 : i32 to index
      %swap3A_888 = arith.constant 192 : index
      %swap3A_889 = tpu.vector_load %arg9[%swap3A_887, %swap3A_888] {strides = array<i32>} : memref<32x512xf32, #tpu.memory_space<vmem>>, vector<16xf32>,
      tpu.vector_store %arg9[%swap3A_887, %swap3A_888], %gather3A_886 {strides = array<i32>} : memref<32x512xf32, #tpu.memory_space<vmem>>, vector<16xf32>,
      %swap3A_890 = arith.index_cast %add3A_771 : i32 to index
      %swap3A_891 = arith.constant 448 : index
      %swap3A_892 = tpu.vector_load %arg9[%swap3A_890, %swap3A_891] {strides = array<i32>} : memref<32x512xf32, #tpu.memory_space<vmem>>, vector<16xf32>,
      tpu.vector_store %arg9[%swap3A_890, %swap3A_891], %gather3A_886 {strides = array<i32>} : memref<32x512xf32, #tpu.memory_space<vmem>>, vector<16xf32>,
      %add3A_893 = arith.addi %gather3A, %get3A_142 : vector<16xi32>
      %add3A_894 = arith.addi %gather3A_776, %get3A_174 : vector<16xi32>
      %gather3A_895 = tpu.vector_load_idx %arg6[%add3A_893, %add3A_894] : memref<256x256xf32, #tpu.memory_space<vmem>>[vector<16xi32>, vector<16xi32>], vector<16xf32>,
      %swap3A_896 = arith.index_cast %add3A_771 : i32 to index
      %swap3A_897 = arith.constant 208 : index
      %swap3A_898 = tpu.vector_load %arg9[%swap3A_896, %swap3A_897] {strides = array<i32>} : memref<32x512xf32, #tpu.memory_space<vmem>>, vector<16xf32>,
      tpu.vector_store %arg9[%swap3A_896, %swap3A_897], %gather3A_895 {strides = array<i32>} : memref<32x512xf32, #tpu.memory_space<vmem>>, vector<16xf32>,
      %swap3A_899 = arith.index_cast %add3A_771 : i32 to index
      %swap3A_900 = arith.constant 464 : index
      %swap3A_901 = tpu.vector_load %arg9[%swap3A_899, %swap3A_900] {strides = array<i32>} : memref<32x512xf32, #tpu.memory_space<vmem>>, vector<16xf32>,
      tpu.vector_store %arg9[%swap3A_899, %swap3A_900], %gather3A_895 {strides = array<i32>} : memref<32x512xf32, #tpu.memory_space<vmem>>, vector<16xf32>,
      %add3A_902 = arith.addi %gather3A, %get3A_144 : vector<16xi32>
      %add3A_903 = arith.addi %gather3A_776, %get3A_176 : vector<16xi32>
      %gather3A_904 = tpu.vector_load_idx %arg6[%add3A_902, %add3A_903] : memref<256x256xf32, #tpu.memory_space<vmem>>[vector<16xi32>, vector<16xi32>], vector<16xf32>,
      %swap3A_905 = arith.index_cast %add3A_771 : i32 to index
      %swap3A_906 = arith.constant 224 : index
      %swap3A_907 = tpu.vector_load %arg9[%swap3A_905, %swap3A_906] {strides = array<i32>} : memref<32x512xf32, #tpu.memory_space<vmem>>, vector<16xf32>,
      tpu.vector_store %arg9[%swap3A_905, %swap3A_906], %gather3A_904 {strides = array<i32>} : memref<32x512xf32, #tpu.memory_space<vmem>>, vector<16xf32>,
      %swap3A_908 = arith.index_cast %add3A_771 : i32 to index
      %swap3A_909 = arith.constant 480 : index
      %swap3A_910 = tpu.vector_load %arg9[%swap3A_908, %swap3A_909] {strides = array<i32>} : memref<32x512xf32, #tpu.memory_space<vmem>>, vector<16xf32>,
      tpu.vector_store %arg9[%swap3A_908, %swap3A_909], %gather3A_904 {strides = array<i32>} : memref<32x512xf32, #tpu.memory_space<vmem>>, vector<16xf32>,
      %add3A_911 = arith.addi %gather3A, %get3A_146 : vector<16xi32>
      %add3A_912 = arith.addi %gather3A_776, %get3A_178 : vector<16xi32>
      %gather3A_913 = tpu.vector_load_idx %arg6[%add3A_911, %add3A_912] : memref<256x256xf32, #tpu.memory_space<vmem>>[vector<16xi32>, vector<16xi32>], vector<16xf32>,
      %swap3A_914 = arith.index_cast %add3A_771 : i32 to index
      %swap3A_915 = arith.constant 240 : index
      %swap3A_916 = tpu.vector_load %arg9[%swap3A_914, %swap3A_915] {strides = array<i32>} : memref<32x512xf32, #tpu.memory_space<vmem>>, vector<16xf32>,
      tpu.vector_store %arg9[%swap3A_914, %swap3A_915], %gather3A_913 {strides = array<i32>} : memref<32x512xf32, #tpu.memory_space<vmem>>, vector<16xf32>,
      %swap3A_917 = arith.index_cast %add3A_771 : i32 to index
      %swap3A_918 = arith.constant 496 : index
      %swap3A_919 = tpu.vector_load %arg9[%swap3A_917, %swap3A_918] {strides = array<i32>} : memref<32x512xf32, #tpu.memory_space<vmem>>, vector<16xf32>,
      tpu.vector_store %arg9[%swap3A_917, %swap3A_918], %gather3A_913 {strides = array<i32>} : memref<32x512xf32, #tpu.memory_space<vmem>>, vector<16xf32>,
      %mul3A_920 = arith.constant 2 : i32
      %mul3A_921 = arith.muli %scan3A_766, %mul3A_920 : i32
      %add3A_922 = arith.constant 1 : i32
      %add3A_923 = arith.addi %mul3A_921, %add3A_922 : i32
      %add3A_924 = arith.addi %add3A_182, %add3A_923 : i32
      %broadcast_in_dim3A_925 = vector.broadcast %add3A_924 : i32 to vector<16xi32>
      %gather3A_926 = tpu.vector_load_idx %arg7[%broadcast_in_dim3A_925] : memref<512xi32, #tpu.memory_space<vmem>>[vector<16xi32>], vector<16xi32>,
      %add3A_927 = arith.constant 256 : i32
      %add3A_928 = vector.broadcast %add3A_927 : i32 to vector<16xi32>
      %add3A_929 = arith.addi %broadcast_in_dim3A_925, %add3A_928 : vector<16xi32>
      %gather3A_930 = tpu.vector_load_idx %arg7[%add3A_929] : memref<512xi32, #tpu.memory_space<vmem>>[vector<16xi32>], vector<16xi32>,
      %add3A_931 = arith.addi %gather3A_926, %get3A_116 : vector<16xi32>
      %add3A_932 = arith.addi %gather3A_930, %get3A_148 : vector<16xi32>
      %gather3A_933 = tpu.vector_load_idx %arg6[%add3A_931, %add3A_932] : memref<256x256xf32, #tpu.memory_space<vmem>>[vector<16xi32>, vector<16xi32>], vector<16xf32>,
      %swap3A_934 = arith.index_cast %add3A_923 : i32 to index
      %swap3A_935 = arith.constant 0 : index
      %swap3A_936 = tpu.vector_load %arg9[%swap3A_934, %swap3A_935] {strides = array<i32>} : memref<32x512xf32, #tpu.memory_space<vmem>>, vector<16xf32>,
      tpu.vector_store %arg9[%swap3A_934, %swap3A_935], %gather3A_933 {strides = array<i32>} : memref<32x512xf32, #tpu.memory_space<vmem>>, vector<16xf32>,
      %swap3A_937 = arith.index_cast %add3A_923 : i32 to index
      %swap3A_938 = arith.constant 256 : index
      %swap3A_939 = tpu.vector_load %arg9[%swap3A_937, %swap3A_938] {strides = array<i32>} : memref<32x512xf32, #tpu.memory_space<vmem>>, vector<16xf32>,
      tpu.vector_store %arg9[%swap3A_937, %swap3A_938], %gather3A_933 {strides = array<i32>} : memref<32x512xf32, #tpu.memory_space<vmem>>, vector<16xf32>,
      %add3A_940 = arith.addi %gather3A_926, %get3A_118 : vector<16xi32>
      %add3A_941 = arith.addi %gather3A_930, %get3A_150 : vector<16xi32>
      %gather3A_942 = tpu.vector_load_idx %arg6[%add3A_940, %add3A_941] : memref<256x256xf32, #tpu.memory_space<vmem>>[vector<16xi32>, vector<16xi32>], vector<16xf32>,
      %swap3A_943 = arith.index_cast %add3A_923 : i32 to index
      %swap3A_944 = arith.constant 16 : index
      %swap3A_945 = tpu.vector_load %arg9[%swap3A_943, %swap3A_944] {strides = array<i32>} : memref<32x512xf32, #tpu.memory_space<vmem>>, vector<16xf32>,
      tpu.vector_store %arg9[%swap3A_943, %swap3A_944], %gather3A_942 {strides = array<i32>} : memref<32x512xf32, #tpu.memory_space<vmem>>, vector<16xf32>,
      %swap3A_946 = arith.index_cast %add3A_923 : i32 to index
      %swap3A_947 = arith.constant 272 : index
      %swap3A_948 = tpu.vector_load %arg9[%swap3A_946, %swap3A_947] {strides = array<i32>} : memref<32x512xf32, #tpu.memory_space<vmem>>, vector<16xf32>,
      tpu.vector_store %arg9[%swap3A_946, %swap3A_947], %gather3A_942 {strides = array<i32>} : memref<32x512xf32, #tpu.memory_space<vmem>>, vector<16xf32>,
      %add3A_949 = arith.addi %gather3A_926, %get3A_120 : vector<16xi32>
      %add3A_950 = arith.addi %gather3A_930, %get3A_152 : vector<16xi32>
      %gather3A_951 = tpu.vector_load_idx %arg6[%add3A_949, %add3A_950] : memref<256x256xf32, #tpu.memory_space<vmem>>[vector<16xi32>, vector<16xi32>], vector<16xf32>,
      %swap3A_952 = arith.index_cast %add3A_923 : i32 to index
      %swap3A_953 = arith.constant 32 : index
      %swap3A_954 = tpu.vector_load %arg9[%swap3A_952, %swap3A_953] {strides = array<i32>} : memref<32x512xf32, #tpu.memory_space<vmem>>, vector<16xf32>,
      tpu.vector_store %arg9[%swap3A_952, %swap3A_953], %gather3A_951 {strides = array<i32>} : memref<32x512xf32, #tpu.memory_space<vmem>>, vector<16xf32>,
      %swap3A_955 = arith.index_cast %add3A_923 : i32 to index
      %swap3A_956 = arith.constant 288 : index
      %swap3A_957 = tpu.vector_load %arg9[%swap3A_955, %swap3A_956] {strides = array<i32>} : memref<32x512xf32, #tpu.memory_space<vmem>>, vector<16xf32>,
      tpu.vector_store %arg9[%swap3A_955, %swap3A_956], %gather3A_951 {strides = array<i32>} : memref<32x512xf32, #tpu.memory_space<vmem>>, vector<16xf32>,
      %add3A_958 = arith.addi %gather3A_926, %get3A_122 : vector<16xi32>
      %add3A_959 = arith.addi %gather3A_930, %get3A_154 : vector<16xi32>
      %gather3A_960 = tpu.vector_load_idx %arg6[%add3A_958, %add3A_959] : memref<256x256xf32, #tpu.memory_space<vmem>>[vector<16xi32>, vector<16xi32>], vector<16xf32>,
      %swap3A_961 = arith.index_cast %add3A_923 : i32 to index
      %swap3A_962 = arith.constant 48 : index
      %swap3A_963 = tpu.vector_load %arg9[%swap3A_961, %swap3A_962] {strides = array<i32>} : memref<32x512xf32, #tpu.memory_space<vmem>>, vector<16xf32>,
      tpu.vector_store %arg9[%swap3A_961, %swap3A_962], %gather3A_960 {strides = array<i32>} : memref<32x512xf32, #tpu.memory_space<vmem>>, vector<16xf32>,
      %swap3A_964 = arith.index_cast %add3A_923 : i32 to index
      %swap3A_965 = arith.constant 304 : index
      %swap3A_966 = tpu.vector_load %arg9[%swap3A_964, %swap3A_965] {strides = array<i32>} : memref<32x512xf32, #tpu.memory_space<vmem>>, vector<16xf32>,
      tpu.vector_store %arg9[%swap3A_964, %swap3A_965], %gather3A_960 {strides = array<i32>} : memref<32x512xf32, #tpu.memory_space<vmem>>, vector<16xf32>,
      %add3A_967 = arith.addi %gather3A_926, %get3A_124 : vector<16xi32>
      %add3A_968 = arith.addi %gather3A_930, %get3A_156 : vector<16xi32>
      %gather3A_969 = tpu.vector_load_idx %arg6[%add3A_967, %add3A_968] : memref<256x256xf32, #tpu.memory_space<vmem>>[vector<16xi32>, vector<16xi32>], vector<16xf32>,
      %swap3A_970 = arith.index_cast %add3A_923 : i32 to index
      %swap3A_971 = arith.constant 64 : index
      %swap3A_972 = tpu.vector_load %arg9[%swap3A_970, %swap3A_971] {strides = array<i32>} : memref<32x512xf32, #tpu.memory_space<vmem>>, vector<16xf32>,
      tpu.vector_store %arg9[%swap3A_970, %swap3A_971], %gather3A_969 {strides = array<i32>} : memref<32x512xf32, #tpu.memory_space<vmem>>, vector<16xf32>,
      %swap3A_973 = arith.index_cast %add3A_923 : i32 to index
      %swap3A_974 = arith.constant 320 : index
      %swap3A_975 = tpu.vector_load %arg9[%swap3A_973, %swap3A_974] {strides = array<i32>} : memref<32x512xf32, #tpu.memory_space<vmem>>, vector<16xf32>,
      tpu.vector_store %arg9[%swap3A_973, %swap3A_974], %gather3A_969 {strides = array<i32>} : memref<32x512xf32, #tpu.memory_space<vmem>>, vector<16xf32>,
      %add3A_976 = arith.addi %gather3A_926, %get3A_126 : vector<16xi32>
      %add3A_977 = arith.addi %gather3A_930, %get3A_158 : vector<16xi32>
      %gather3A_978 = tpu.vector_load_idx %arg6[%add3A_976, %add3A_977] : memref<256x256xf32, #tpu.memory_space<vmem>>[vector<16xi32>, vector<16xi32>], vector<16xf32>,
      %swap3A_979 = arith.index_cast %add3A_923 : i32 to index
      %swap3A_980 = arith.constant 80 : index
      %swap3A_981 = tpu.vector_load %arg9[%swap3A_979, %swap3A_980] {strides = array<i32>} : memref<32x512xf32, #tpu.memory_space<vmem>>, vector<16xf32>,
      tpu.vector_store %arg9[%swap3A_979, %swap3A_980], %gather3A_978 {strides = array<i32>} : memref<32x512xf32, #tpu.memory_space<vmem>>, vector<16xf32>,
      %swap3A_982 = arith.index_cast %add3A_923 : i32 to index
      %swap3A_983 = arith.constant 336 : index
      %swap3A_984 = tpu.vector_load %arg9[%swap3A_982, %swap3A_983] {strides = array<i32>} : memref<32x512xf32, #tpu.memory_space<vmem>>, vector<16xf32>,
      tpu.vector_store %arg9[%swap3A_982, %swap3A_983], %gather3A_978 {strides = array<i32>} : memref<32x512xf32, #tpu.memory_space<vmem>>, vector<16xf32>,
      %add3A_985 = arith.addi %gather3A_926, %get3A_128 : vector<16xi32>
      %add3A_986 = arith.addi %gather3A_930, %get3A_160 : vector<16xi32>
      %gather3A_987 = tpu.vector_load_idx %arg6[%add3A_985, %add3A_986] : memref<256x256xf32, #tpu.memory_space<vmem>>[vector<16xi32>, vector<16xi32>], vector<16xf32>,
      %swap3A_988 = arith.index_cast %add3A_923 : i32 to index
      %swap3A_989 = arith.constant 96 : index
      %swap3A_990 = tpu.vector_load %arg9[%swap3A_988, %swap3A_989] {strides = array<i32>} : memref<32x512xf32, #tpu.memory_space<vmem>>, vector<16xf32>,
      tpu.vector_store %arg9[%swap3A_988, %swap3A_989], %gather3A_987 {strides = array<i32>} : memref<32x512xf32, #tpu.memory_space<vmem>>, vector<16xf32>,
      %swap3A_991 = arith.index_cast %add3A_923 : i32 to index
      %swap3A_992 = arith.constant 352 : index
      %swap3A_993 = tpu.vector_load %arg9[%swap3A_991, %swap3A_992] {strides = array<i32>} : memref<32x512xf32, #tpu.memory_space<vmem>>, vector<16xf32>,
      tpu.vector_store %arg9[%swap3A_991, %swap3A_992], %gather3A_987 {strides = array<i32>} : memref<32x512xf32, #tpu.memory_space<vmem>>, vector<16xf32>,
      %add3A_994 = arith.addi %gather3A_926, %get3A_130 : vector<16xi32>
      %add3A_995 = arith.addi %gather3A_930, %get3A_162 : vector<16xi32>
      %gather3A_996 = tpu.vector_load_idx %arg6[%add3A_994, %add3A_995] : memref<256x256xf32, #tpu.memory_space<vmem>>[vector<16xi32>, vector<16xi32>], vector<16xf32>,
      %swap3A_997 = arith.index_cast %add3A_923 : i32 to index
      %swap3A_998 = arith.constant 112 : index
      %swap3A_999 = tpu.vector_load %arg9[%swap3A_997, %swap3A_998] {strides = array<i32>} : memref<32x512xf32, #tpu.memory_space<vmem>>, vector<16xf32>,
      tpu.vector_store %arg9[%swap3A_997, %swap3A_998], %gather3A_996 {strides = array<i32>} : memref<32x512xf32, #tpu.memory_space<vmem>>, vector<16xf32>,
      %swap3A_1000 = arith.index_cast %add3A_923 : i32 to index
      %swap3A_1001 = arith.constant 368 : index
      %swap3A_1002 = tpu.vector_load %arg9[%swap3A_1000, %swap3A_1001] {strides = array<i32>} : memref<32x512xf32, #tpu.memory_space<vmem>>, vector<16xf32>,
      tpu.vector_store %arg9[%swap3A_1000, %swap3A_1001], %gather3A_996 {strides = array<i32>} : memref<32x512xf32, #tpu.memory_space<vmem>>, vector<16xf32>,
      %add3A_1003 = arith.addi %gather3A_926, %get3A_132 : vector<16xi32>
      %add3A_1004 = arith.addi %gather3A_930, %get3A_164 : vector<16xi32>
      %gather3A_1005 = tpu.vector_load_idx %arg6[%add3A_1003, %add3A_1004] : memref<256x256xf32, #tpu.memory_space<vmem>>[vector<16xi32>, vector<16xi32>], vector<16xf32>,
      %swap3A_1006 = arith.index_cast %add3A_923 : i32 to index
      %swap3A_1007 = arith.constant 128 : index
      %swap3A_1008 = tpu.vector_load %arg9[%swap3A_1006, %swap3A_1007] {strides = array<i32>} : memref<32x512xf32, #tpu.memory_space<vmem>>, vector<16xf32>,
      tpu.vector_store %arg9[%swap3A_1006, %swap3A_1007], %gather3A_1005 {strides = array<i32>} : memref<32x512xf32, #tpu.memory_space<vmem>>, vector<16xf32>,
      %swap3A_1009 = arith.index_cast %add3A_923 : i32 to index
      %swap3A_1010 = arith.constant 384 : index
      %swap3A_1011 = tpu.vector_load %arg9[%swap3A_1009, %swap3A_1010] {strides = array<i32>} : memref<32x512xf32, #tpu.memory_space<vmem>>, vector<16xf32>,
      tpu.vector_store %arg9[%swap3A_1009, %swap3A_1010], %gather3A_1005 {strides = array<i32>} : memref<32x512xf32, #tpu.memory_space<vmem>>, vector<16xf32>,
      %add3A_1012 = arith.addi %gather3A_926, %get3A_134 : vector<16xi32>
      %add3A_1013 = arith.addi %gather3A_930, %get3A_166 : vector<16xi32>
      %gather3A_1014 = tpu.vector_load_idx %arg6[%add3A_1012, %add3A_1013] : memref<256x256xf32, #tpu.memory_space<vmem>>[vector<16xi32>, vector<16xi32>], vector<16xf32>,
      %swap3A_1015 = arith.index_cast %add3A_923 : i32 to index
      %swap3A_1016 = arith.constant 144 : index
      %swap3A_1017 = tpu.vector_load %arg9[%swap3A_1015, %swap3A_1016] {strides = array<i32>} : memref<32x512xf32, #tpu.memory_space<vmem>>, vector<16xf32>,
      tpu.vector_store %arg9[%swap3A_1015, %swap3A_1016], %gather3A_1014 {strides = array<i32>} : memref<32x512xf32, #tpu.memory_space<vmem>>, vector<16xf32>,
      %swap3A_1018 = arith.index_cast %add3A_923 : i32 to index
      %swap3A_1019 = arith.constant 400 : index
      %swap3A_1020 = tpu.vector_load %arg9[%swap3A_1018, %swap3A_1019] {strides = array<i32>} : memref<32x512xf32, #tpu.memory_space<vmem>>, vector<16xf32>,
      tpu.vector_store %arg9[%swap3A_1018, %swap3A_1019], %gather3A_1014 {strides = array<i32>} : memref<32x512xf32, #tpu.memory_space<vmem>>, vector<16xf32>,
      %add3A_1021 = arith.addi %gather3A_926, %get3A_136 : vector<16xi32>
      %add3A_1022 = arith.addi %gather3A_930, %get3A_168 : vector<16xi32>
      %gather3A_1023 = tpu.vector_load_idx %arg6[%add3A_1021, %add3A_1022] : memref<256x256xf32, #tpu.memory_space<vmem>>[vector<16xi32>, vector<16xi32>], vector<16xf32>,
      %swap3A_1024 = arith.index_cast %add3A_923 : i32 to index
      %swap3A_1025 = arith.constant 160 : index
      %swap3A_1026 = tpu.vector_load %arg9[%swap3A_1024, %swap3A_1025] {strides = array<i32>} : memref<32x512xf32, #tpu.memory_space<vmem>>, vector<16xf32>,
      tpu.vector_store %arg9[%swap3A_1024, %swap3A_1025], %gather3A_1023 {strides = array<i32>} : memref<32x512xf32, #tpu.memory_space<vmem>>, vector<16xf32>,
      %swap3A_1027 = arith.index_cast %add3A_923 : i32 to index
      %swap3A_1028 = arith.constant 416 : index
      %swap3A_1029 = tpu.vector_load %arg9[%swap3A_1027, %swap3A_1028] {strides = array<i32>} : memref<32x512xf32, #tpu.memory_space<vmem>>, vector<16xf32>,
      tpu.vector_store %arg9[%swap3A_1027, %swap3A_1028], %gather3A_1023 {strides = array<i32>} : memref<32x512xf32, #tpu.memory_space<vmem>>, vector<16xf32>,
      %add3A_1030 = arith.addi %gather3A_926, %get3A_138 : vector<16xi32>
      %add3A_1031 = arith.addi %gather3A_930, %get3A_170 : vector<16xi32>
      %gather3A_1032 = tpu.vector_load_idx %arg6[%add3A_1030, %add3A_1031] : memref<256x256xf32, #tpu.memory_space<vmem>>[vector<16xi32>, vector<16xi32>], vector<16xf32>,
      %swap3A_1033 = arith.index_cast %add3A_923 : i32 to index
      %swap3A_1034 = arith.constant 176 : index
      %swap3A_1035 = tpu.vector_load %arg9[%swap3A_1033, %swap3A_1034] {strides = array<i32>} : memref<32x512xf32, #tpu.memory_space<vmem>>, vector<16xf32>,
      tpu.vector_store %arg9[%swap3A_1033, %swap3A_1034], %gather3A_1032 {strides = array<i32>} : memref<32x512xf32, #tpu.memory_space<vmem>>, vector<16xf32>,
      %swap3A_1036 = arith.index_cast %add3A_923 : i32 to index
      %swap3A_1037 = arith.constant 432 : index
      %swap3A_1038 = tpu.vector_load %arg9[%swap3A_1036, %swap3A_1037] {strides = array<i32>} : memref<32x512xf32, #tpu.memory_space<vmem>>, vector<16xf32>,
      tpu.vector_store %arg9[%swap3A_1036, %swap3A_1037], %gather3A_1032 {strides = array<i32>} : memref<32x512xf32, #tpu.memory_space<vmem>>, vector<16xf32>,
      %add3A_1039 = arith.addi %gather3A_926, %get3A_140 : vector<16xi32>
      %add3A_1040 = arith.addi %gather3A_930, %get3A_172 : vector<16xi32>
      %gather3A_1041 = tpu.vector_load_idx %arg6[%add3A_1039, %add3A_1040] : memref<256x256xf32, #tpu.memory_space<vmem>>[vector<16xi32>, vector<16xi32>], vector<16xf32>,
      %swap3A_1042 = arith.index_cast %add3A_923 : i32 to index
      %swap3A_1043 = arith.constant 192 : index
      %swap3A_1044 = tpu.vector_load %arg9[%swap3A_1042, %swap3A_1043] {strides = array<i32>} : memref<32x512xf32, #tpu.memory_space<vmem>>, vector<16xf32>,
      tpu.vector_store %arg9[%swap3A_1042, %swap3A_1043], %gather3A_1041 {strides = array<i32>} : memref<32x512xf32, #tpu.memory_space<vmem>>, vector<16xf32>,
      %swap3A_1045 = arith.index_cast %add3A_923 : i32 to index
      %swap3A_1046 = arith.constant 448 : index
      %swap3A_1047 = tpu.vector_load %arg9[%swap3A_1045, %swap3A_1046] {strides = array<i32>} : memref<32x512xf32, #tpu.memory_space<vmem>>, vector<16xf32>,
      tpu.vector_store %arg9[%swap3A_1045, %swap3A_1046], %gather3A_1041 {strides = array<i32>} : memref<32x512xf32, #tpu.memory_space<vmem>>, vector<16xf32>,
      %add3A_1048 = arith.addi %gather3A_926, %get3A_142 : vector<16xi32>
      %add3A_1049 = arith.addi %gather3A_930, %get3A_174 : vector<16xi32>
      %gather3A_1050 = tpu.vector_load_idx %arg6[%add3A_1048, %add3A_1049] : memref<256x256xf32, #tpu.memory_space<vmem>>[vector<16xi32>, vector<16xi32>], vector<16xf32>,
      %swap3A_1051 = arith.index_cast %add3A_923 : i32 to index
      %swap3A_1052 = arith.constant 208 : index
      %swap3A_1053 = tpu.vector_load %arg9[%swap3A_1051, %swap3A_1052] {strides = array<i32>} : memref<32x512xf32, #tpu.memory_space<vmem>>, vector<16xf32>,
      tpu.vector_store %arg9[%swap3A_1051, %swap3A_1052], %gather3A_1050 {strides = array<i32>} : memref<32x512xf32, #tpu.memory_space<vmem>>, vector<16xf32>,
      %swap3A_1054 = arith.index_cast %add3A_923 : i32 to index
      %swap3A_1055 = arith.constant 464 : index
      %swap3A_1056 = tpu.vector_load %arg9[%swap3A_1054, %swap3A_1055] {strides = array<i32>} : memref<32x512xf32, #tpu.memory_space<vmem>>, vector<16xf32>,
      tpu.vector_store %arg9[%swap3A_1054, %swap3A_1055], %gather3A_1050 {strides = array<i32>} : memref<32x512xf32, #tpu.memory_space<vmem>>, vector<16xf32>,
      %add3A_1057 = arith.addi %gather3A_926, %get3A_144 : vector<16xi32>
      %add3A_1058 = arith.addi %gather3A_930, %get3A_176 : vector<16xi32>
      %gather3A_1059 = tpu.vector_load_idx %arg6[%add3A_1057, %add3A_1058] : memref<256x256xf32, #tpu.memory_space<vmem>>[vector<16xi32>, vector<16xi32>], vector<16xf32>,
      %swap3A_1060 = arith.index_cast %add3A_923 : i32 to index
      %swap3A_1061 = arith.constant 224 : index
      %swap3A_1062 = tpu.vector_load %arg9[%swap3A_1060, %swap3A_1061] {strides = array<i32>} : memref<32x512xf32, #tpu.memory_space<vmem>>, vector<16xf32>,
      tpu.vector_store %arg9[%swap3A_1060, %swap3A_1061], %gather3A_1059 {strides = array<i32>} : memref<32x512xf32, #tpu.memory_space<vmem>>, vector<16xf32>,
      %swap3A_1063 = arith.index_cast %add3A_923 : i32 to index
      %swap3A_1064 = arith.constant 480 : index
      %swap3A_1065 = tpu.vector_load %arg9[%swap3A_1063, %swap3A_1064] {strides = array<i32>} : memref<32x512xf32, #tpu.memory_space<vmem>>, vector<16xf32>,
      tpu.vector_store %arg9[%swap3A_1063, %swap3A_1064], %gather3A_1059 {strides = array<i32>} : memref<32x512xf32, #tpu.memory_space<vmem>>, vector<16xf32>,
      %add3A_1066 = arith.addi %gather3A_926, %get3A_146 : vector<16xi32>
      %add3A_1067 = arith.addi %gather3A_930, %get3A_178 : vector<16xi32>
      %gather3A_1068 = tpu.vector_load_idx %arg6[%add3A_1066, %add3A_1067] : memref<256x256xf32, #tpu.memory_space<vmem>>[vector<16xi32>, vector<16xi32>], vector<16xf32>,
      %swap3A_1069 = arith.index_cast %add3A_923 : i32 to index
      %swap3A_1070 = arith.constant 240 : index
      %swap3A_1071 = tpu.vector_load %arg9[%swap3A_1069, %swap3A_1070] {strides = array<i32>} : memref<32x512xf32, #tpu.memory_space<vmem>>, vector<16xf32>,
      tpu.vector_store %arg9[%swap3A_1069, %swap3A_1070], %gather3A_1068 {strides = array<i32>} : memref<32x512xf32, #tpu.memory_space<vmem>>, vector<16xf32>,
      %swap3A_1072 = arith.index_cast %add3A_923 : i32 to index
      %swap3A_1073 = arith.constant 496 : index
      %swap3A_1074 = tpu.vector_load %arg9[%swap3A_1072, %swap3A_1073] {strides = array<i32>} : memref<32x512xf32, #tpu.memory_space<vmem>>, vector<16xf32>,
      tpu.vector_store %arg9[%swap3A_1072, %swap3A_1073], %gather3A_1068 {strides = array<i32>} : memref<32x512xf32, #tpu.memory_space<vmem>>, vector<16xf32>,
      %scan3A_1075 = arith.constant 0 : i32
      scf.yield %scan3A_1075 : i32
    }
    %scan3A_188 = arith.constant 16 : i32
    %mul3A_189 = arith.constant 4 : i32
    %mul3A_190 = arith.muli %arg1, %mul3A_189 : i32
    %add3A_191 = arith.constant 0 : i32
    %add3A_192 = arith.addi %mul3A_190, %add3A_191 : i32
    %mul3A_193 = arith.constant 512 : i32
    %mul3A_194 = arith.muli %add3A_192, %mul3A_193 : i32
    %add3A_195 = arith.constant 0 : i32
    %add3A_196 = arith.addi %mul3A_194, %add3A_195 : i32
    %add3A_197 = arith.addi %add3A_196, %add3A_182 : i32
    %dma_start3A_198 = arith.constant 0 : i32
    %dma_start3A_199 = tpu.memref_slice %arg5[%add3A_197, %dma_start3A_198] : memref<32768x512xf32, #tpu.memory_space<hbm>> -> memref<32x512xf32, #tpu.memory_space<hbm>>
    %dma_start3A_200 = arith.constant 0 : i32
    %dma_start3A_201 = tpu.memref_slice %arg5[%add3A_197, %dma_start3A_200] : memref<32768x512xf32, #tpu.memory_space<hbm>> -> memref<32x512xf32, #tpu.memory_space<hbm>>
    tpu.enqueue_dma source(%arg9 : memref<32x512xf32, #tpu.memory_space<vmem>>) target(%dma_start3A_201 : memref<32x512xf32, #tpu.memory_space<hbm>>) target_semaphore(%arg13 : memref<!tpu.dma_semaphore, #tpu.memory_space<semaphore_mem>>)
    %mul3A_202 = arith.constant 4 : i32
    %mul3A_203 = arith.muli %arg1, %mul3A_202 : i32
    %add3A_204 = arith.constant 0 : i32
    %add3A_205 = arith.addi %mul3A_203, %add3A_204 : i32
    %mul3A_206 = arith.constant 512 : i32
    %mul3A_207 = arith.muli %add3A_205, %mul3A_206 : i32
    %add3A_208 = arith.constant 256 : i32
    %add3A_209 = arith.addi %mul3A_207, %add3A_208 : i32
    %add3A_210 = arith.addi %add3A_209, %add3A_182 : i32
    %dma_start3A_211 = arith.constant 0 : i32
    %dma_start3A_212 = tpu.memref_slice %arg5[%add3A_210, %dma_start3A_211] : memref<32768x512xf32, #tpu.memory_space<hbm>> -> memref<32x512xf32, #tpu.memory_space<hbm>>
    %dma_start3A_213 = arith.constant 0 : i32
    %dma_start3A_214 = tpu.memref_slice %arg5[%add3A_210, %dma_start3A_213] : memref<32768x512xf32, #tpu.memory_space<hbm>> -> memref<32x512xf32, #tpu.memory_space<hbm>>
    tpu.enqueue_dma source(%arg9 : memref<32x512xf32, #tpu.memory_space<vmem>>) target(%dma_start3A_214 : memref<32x512xf32, #tpu.memory_space<hbm>>) target_semaphore(%arg13 : memref<!tpu.dma_semaphore, #tpu.memory_space<semaphore_mem>>)
    %mul3A_215 = arith.constant 4 : i32
    %mul3A_216 = arith.muli %arg1, %mul3A_215 : i32
    %add3A_217 = arith.constant 1 : i32
    %add3A_218 = arith.addi %mul3A_216, %add3A_217 : i32
    %mul3A_219 = arith.constant 512 : i32
    %mul3A_220 = arith.muli %add3A_218, %mul3A_219 : i32
    %add3A_221 = arith.constant 0 : i32
    %add3A_222 = arith.addi %mul3A_220, %add3A_221 : i32
    %add3A_223 = arith.addi %add3A_222, %add3A_182 : i32
    %dma_start3A_224 = arith.constant 0 : i32
    %dma_start3A_225 = tpu.memref_slice %arg5[%add3A_223, %dma_start3A_224] : memref<32768x512xf32, #tpu.memory_space<hbm>> -> memref<32x512xf32, #tpu.memory_space<hbm>>
    %dma_start3A_226 = arith.constant 0 : i32
    %dma_start3A_227 = tpu.memref_slice %arg5[%add3A_223, %dma_start3A_226] : memref<32768x512xf32, #tpu.memory_space<hbm>> -> memref<32x512xf32, #tpu.memory_space<hbm>>
    tpu.enqueue_dma source(%arg9 : memref<32x512xf32, #tpu.memory_space<vmem>>) target(%dma_start3A_227 : memref<32x512xf32, #tpu.memory_space<hbm>>) target_semaphore(%arg13 : memref<!tpu.dma_semaphore, #tpu.memory_space<semaphore_mem>>)
    %mul3A_228 = arith.constant 4 : i32
    %mul3A_229 = arith.muli %arg1, %mul3A_228 : i32
    %add3A_230 = arith.constant 1 : i32
    %add3A_231 = arith.addi %mul3A_229, %add3A_230 : i32
    %mul3A_232 = arith.constant 512 : i32
    %mul3A_233 = arith.muli %add3A_231, %mul3A_232 : i32
    %add3A_234 = arith.constant 256 : i32
    %add3A_235 = arith.addi %mul3A_233, %add3A_234 : i32
    %add3A_236 = arith.addi %add3A_235, %add3A_182 : i32
    %dma_start3A_237 = arith.constant 0 : i32
    %dma_start3A_238 = tpu.memref_slice %arg5[%add3A_236, %dma_start3A_237] : memref<32768x512xf32, #tpu.memory_space<hbm>> -> memref<32x512xf32, #tpu.memory_space<hbm>>
    %dma_start3A_239 = arith.constant 0 : i32
    %dma_start3A_240 = tpu.memref_slice %arg5[%add3A_236, %dma_start3A_239] : memref<32768x512xf32, #tpu.memory_space<hbm>> -> memref<32x512xf32, #tpu.memory_space<hbm>>
    tpu.enqueue_dma source(%arg9 : memref<32x512xf32, #tpu.memory_space<vmem>>) target(%dma_start3A_240 : memref<32x512xf32, #tpu.memory_space<hbm>>) target_semaphore(%arg13 : memref<!tpu.dma_semaphore, #tpu.memory_space<semaphore_mem>>)
    %mul3A_241 = arith.constant 4 : i32
    %mul3A_242 = arith.muli %arg1, %mul3A_241 : i32
    %add3A_243 = arith.constant 2 : i32
    %add3A_244 = arith.addi %mul3A_242, %add3A_243 : i32
    %mul3A_245 = arith.constant 512 : i32
    %mul3A_246 = arith.muli %add3A_244, %mul3A_245 : i32
    %add3A_247 = arith.constant 0 : i32
    %add3A_248 = arith.addi %mul3A_246, %add3A_247 : i32
    %add3A_249 = arith.addi %add3A_248, %add3A_182 : i32
    %dma_start3A_250 = arith.constant 0 : i32
    %dma_start3A_251 = tpu.memref_slice %arg5[%add3A_249, %dma_start3A_250] : memref<32768x512xf32, #tpu.memory_space<hbm>> -> memref<32x512xf32, #tpu.memory_space<hbm>>
    %dma_start3A_252 = arith.constant 0 : i32
    %dma_start3A_253 = tpu.memref_slice %arg5[%add3A_249, %dma_start3A_252] : memref<32768x512xf32, #tpu.memory_space<hbm>> -> memref<32x512xf32, #tpu.memory_space<hbm>>
    tpu.enqueue_dma source(%arg9 : memref<32x512xf32, #tpu.memory_space<vmem>>) target(%dma_start3A_253 : memref<32x512xf32, #tpu.memory_space<hbm>>) target_semaphore(%arg13 : memref<!tpu.dma_semaphore, #tpu.memory_space<semaphore_mem>>)
    %mul3A_254 = arith.constant 4 : i32
    %mul3A_255 = arith.muli %arg1, %mul3A_254 : i32
    %add3A_256 = arith.constant 2 : i32
    %add3A_257 = arith.addi %mul3A_255, %add3A_256 : i32
    %mul3A_258 = arith.constant 512 : i32
    %mul3A_259 = arith.muli %add3A_257, %mul3A_258 : i32
    %add3A_260 = arith.constant 256 : i32
    %add3A_261 = arith.addi %mul3A_259, %add3A_260 : i32
    %add3A_262 = arith.addi %add3A_261, %add3A_182 : i32
    %dma_start3A_263 = arith.constant 0 : i32
    %dma_start3A_264 = tpu.memref_slice %arg5[%add3A_262, %dma_start3A_263] : memref<32768x512xf32, #tpu.memory_space<hbm>> -> memref<32x512xf32, #tpu.memory_space<hbm>>
    %dma_start3A_265 = arith.constant 0 : i32
    %dma_start3A_266 = tpu.memref_slice %arg5[%add3A_262, %dma_start3A_265] : memref<32768x512xf32, #tpu.memory_space<hbm>> -> memref<32x512xf32, #tpu.memory_space<hbm>>
    tpu.enqueue_dma source(%arg9 : memref<32x512xf32, #tpu.memory_space<vmem>>) target(%dma_start3A_266 : memref<32x512xf32, #tpu.memory_space<hbm>>) target_semaphore(%arg13 : memref<!tpu.dma_semaphore, #tpu.memory_space<semaphore_mem>>)
    %mul3A_267 = arith.constant 4 : i32
    %mul3A_268 = arith.muli %arg1, %mul3A_267 : i32
    %add3A_269 = arith.constant 3 : i32
    %add3A_270 = arith.addi %mul3A_268, %add3A_269 : i32
    %mul3A_271 = arith.constant 512 : i32
    %mul3A_272 = arith.muli %add3A_270, %mul3A_271 : i32
    %add3A_273 = arith.constant 0 : i32
    %add3A_274 = arith.addi %mul3A_272, %add3A_273 : i32
    %add3A_275 = arith.addi %add3A_274, %add3A_182 : i32
    %dma_start3A_276 = arith.constant 0 : i32
    %dma_start3A_277 = tpu.memref_slice %arg5[%add3A_275, %dma_start3A_276] : memref<32768x512xf32, #tpu.memory_space<hbm>> -> memref<32x512xf32, #tpu.memory_space<hbm>>
    %dma_start3A_278 = arith.constant 0 : i32
    %dma_start3A_279 = tpu.memref_slice %arg5[%add3A_275, %dma_start3A_278] : memref<32768x512xf32, #tpu.memory_space<hbm>> -> memref<32x512xf32, #tpu.memory_space<hbm>>
    tpu.enqueue_dma source(%arg9 : memref<32x512xf32, #tpu.memory_space<vmem>>) target(%dma_start3A_279 : memref<32x512xf32, #tpu.memory_space<hbm>>) target_semaphore(%arg13 : memref<!tpu.dma_semaphore, #tpu.memory_space<semaphore_mem>>)
    %mul3A_280 = arith.constant 4 : i32
    %mul3A_281 = arith.muli %arg1, %mul3A_280 : i32
    %add3A_282 = arith.constant 3 : i32
    %add3A_283 = arith.addi %mul3A_281, %add3A_282 : i32
    %mul3A_284 = arith.constant 512 : i32
    %mul3A_285 = arith.muli %add3A_283, %mul3A_284 : i32
    %add3A_286 = arith.constant 256 : i32
    %add3A_287 = arith.addi %mul3A_285, %add3A_286 : i32
    %add3A_288 = arith.addi %add3A_287, %add3A_182 : i32
    %dma_start3A_289 = arith.constant 0 : i32
    %dma_start3A_290 = tpu.memref_slice %arg5[%add3A_288, %dma_start3A_289] : memref<32768x512xf32, #tpu.memory_space<hbm>> -> memref<32x512xf32, #tpu.memory_space<hbm>>
    %dma_start3A_291 = arith.constant 0 : i32
    %dma_start3A_292 = tpu.memref_slice %arg5[%add3A_288, %dma_start3A_291] : memref<32768x512xf32, #tpu.memory_space<hbm>> -> memref<32x512xf32, #tpu.memory_space<hbm>>
    tpu.enqueue_dma source(%arg9 : memref<32x512xf32, #tpu.memory_space<vmem>>) target(%dma_start3A_292 : memref<32x512xf32, #tpu.memory_space<hbm>>) target_semaphore(%arg13 : memref<!tpu.dma_semaphore, #tpu.memory_space<semaphore_mem>>)
    %mul3A_293 = arith.constant 128 : i32
    %mul3A_294 = arith.muli %arg0, %mul3A_293 : i32
    %add3A_295 = arith.constant 32 : i32
    %add3A_296 = arith.addi %mul3A_294, %add3A_295 : i32
    %scan3A_297 = arith.constant 0 : i32
    %scan3A_298 = arith.constant 0 : i32
    %scan3A_299 = arith.constant 16 : i32
    %scan3A_300 = arith.addi %scan3A_298, %scan3A_299 : i32
    %scan3A_301 = arith.constant 1 : i32
    %scan3A_302 = scf.for %scan3A_766 = %scan3A_298 to %scan3A_300 step %scan3A_301 iter_args(%scan3A_767 = %scan3A_297) -> (i32)  : i32 {
      %mul3A_768 = arith.constant 2 : i32
      %mul3A_769 = arith.muli %scan3A_766, %mul3A_768 : i32
      %add3A_770 = arith.constant 0 : i32
      %add3A_771 = arith.addi %mul3A_769, %add3A_770 : i32
      %add3A_772 = arith.addi %add3A_296, %add3A_771 : i32
      %broadcast_in_dim3A = vector.broadcast %add3A_772 : i32 to vector<16xi32>
      %gather3A = tpu.vector_load_idx %arg7[%broadcast_in_dim3A] : memref<512xi32, #tpu.memory_space<vmem>>[vector<16xi32>], vector<16xi32>,
      %add3A_773 = arith.constant 256 : i32
      %add3A_774 = vector.broadcast %add3A_773 : i32 to vector<16xi32>
      %add3A_775 = arith.addi %broadcast_in_dim3A, %add3A_774 : vector<16xi32>
      %gather3A_776 = tpu.vector_load_idx %arg7[%add3A_775] : memref<512xi32, #tpu.memory_space<vmem>>[vector<16xi32>], vector<16xi32>,
      %add3A_777 = arith.addi %gather3A, %get3A_116 : vector<16xi32>
      %add3A_778 = arith.addi %gather3A_776, %get3A_148 : vector<16xi32>
      %gather3A_779 = tpu.vector_load_idx %arg6[%add3A_777, %add3A_778] : memref<256x256xf32, #tpu.memory_space<vmem>>[vector<16xi32>, vector<16xi32>], vector<16xf32>,
      %swap3A = arith.index_cast %add3A_771 : i32 to index
      %swap3A_780 = arith.constant 0 : index
      %swap3A_781 = tpu.vector_load %arg10[%swap3A, %swap3A_780] {strides = array<i32>} : memref<32x512xf32, #tpu.memory_space<vmem>>, vector<16xf32>,
      tpu.vector_store %arg10[%swap3A, %swap3A_780], %gather3A_779 {strides = array<i32>} : memref<32x512xf32, #tpu.memory_space<vmem>>, vector<16xf32>,
      %swap3A_782 = arith.index_cast %add3A_771 : i32 to index
      %swap3A_783 = arith.constant 256 : index
      %swap3A_784 = tpu.vector_load %arg10[%swap3A_782, %swap3A_783] {strides = array<i32>} : memref<32x512xf32, #tpu.memory_space<vmem>>, vector<16xf32>,
      tpu.vector_store %arg10[%swap3A_782, %swap3A_783], %gather3A_779 {strides = array<i32>} : memref<32x512xf32, #tpu.memory_space<vmem>>, vector<16xf32>,
      %add3A_785 = arith.addi %gather3A, %get3A_118 : vector<16xi32>
      %add3A_786 = arith.addi %gather3A_776, %get3A_150 : vector<16xi32>
      %gather3A_787 = tpu.vector_load_idx %arg6[%add3A_785, %add3A_786] : memref<256x256xf32, #tpu.memory_space<vmem>>[vector<16xi32>, vector<16xi32>], vector<16xf32>,
      %swap3A_788 = arith.index_cast %add3A_771 : i32 to index
      %swap3A_789 = arith.constant 16 : index
      %swap3A_790 = tpu.vector_load %arg10[%swap3A_788, %swap3A_789] {strides = array<i32>} : memref<32x512xf32, #tpu.memory_space<vmem>>, vector<16xf32>,
      tpu.vector_store %arg10[%swap3A_788, %swap3A_789], %gather3A_787 {strides = array<i32>} : memref<32x512xf32, #tpu.memory_space<vmem>>, vector<16xf32>,
      %swap3A_791 = arith.index_cast %add3A_771 : i32 to index
      %swap3A_792 = arith.constant 272 : index
      %swap3A_793 = tpu.vector_load %arg10[%swap3A_791, %swap3A_792] {strides = array<i32>} : memref<32x512xf32, #tpu.memory_space<vmem>>, vector<16xf32>,
      tpu.vector_store %arg10[%swap3A_791, %swap3A_792], %gather3A_787 {strides = array<i32>} : memref<32x512xf32, #tpu.memory_space<vmem>>, vector<16xf32>,
      %add3A_794 = arith.addi %gather3A, %get3A_120 : vector<16xi32>
      %add3A_795 = arith.addi %gather3A_776, %get3A_152 : vector<16xi32>
      %gather3A_796 = tpu.vector_load_idx %arg6[%add3A_794, %add3A_795] : memref<256x256xf32, #tpu.memory_space<vmem>>[vector<16xi32>, vector<16xi32>], vector<16xf32>,
      %swap3A_797 = arith.index_cast %add3A_771 : i32 to index
      %swap3A_798 = arith.constant 32 : index
      %swap3A_799 = tpu.vector_load %arg10[%swap3A_797, %swap3A_798] {strides = array<i32>} : memref<32x512xf32, #tpu.memory_space<vmem>>, vector<16xf32>,
      tpu.vector_store %arg10[%swap3A_797, %swap3A_798], %gather3A_796 {strides = array<i32>} : memref<32x512xf32, #tpu.memory_space<vmem>>, vector<16xf32>,
      %swap3A_800 = arith.index_cast %add3A_771 : i32 to index
      %swap3A_801 = arith.constant 288 : index
      %swap3A_802 = tpu.vector_load %arg10[%swap3A_800, %swap3A_801] {strides = array<i32>} : memref<32x512xf32, #tpu.memory_space<vmem>>, vector<16xf32>,
      tpu.vector_store %arg10[%swap3A_800, %swap3A_801], %gather3A_796 {strides = array<i32>} : memref<32x512xf32, #tpu.memory_space<vmem>>, vector<16xf32>,
      %add3A_803 = arith.addi %gather3A, %get3A_122 : vector<16xi32>
      %add3A_804 = arith.addi %gather3A_776, %get3A_154 : vector<16xi32>
      %gather3A_805 = tpu.vector_load_idx %arg6[%add3A_803, %add3A_804] : memref<256x256xf32, #tpu.memory_space<vmem>>[vector<16xi32>, vector<16xi32>], vector<16xf32>,
      %swap3A_806 = arith.index_cast %add3A_771 : i32 to index
      %swap3A_807 = arith.constant 48 : index
      %swap3A_808 = tpu.vector_load %arg10[%swap3A_806, %swap3A_807] {strides = array<i32>} : memref<32x512xf32, #tpu.memory_space<vmem>>, vector<16xf32>,
      tpu.vector_store %arg10[%swap3A_806, %swap3A_807], %gather3A_805 {strides = array<i32>} : memref<32x512xf32, #tpu.memory_space<vmem>>, vector<16xf32>,
      %swap3A_809 = arith.index_cast %add3A_771 : i32 to index
      %swap3A_810 = arith.constant 304 : index
      %swap3A_811 = tpu.vector_load %arg10[%swap3A_809, %swap3A_810] {strides = array<i32>} : memref<32x512xf32, #tpu.memory_space<vmem>>, vector<16xf32>,
      tpu.vector_store %arg10[%swap3A_809, %swap3A_810], %gather3A_805 {strides = array<i32>} : memref<32x512xf32, #tpu.memory_space<vmem>>, vector<16xf32>,
      %add3A_812 = arith.addi %gather3A, %get3A_124 : vector<16xi32>
      %add3A_813 = arith.addi %gather3A_776, %get3A_156 : vector<16xi32>
      %gather3A_814 = tpu.vector_load_idx %arg6[%add3A_812, %add3A_813] : memref<256x256xf32, #tpu.memory_space<vmem>>[vector<16xi32>, vector<16xi32>], vector<16xf32>,
      %swap3A_815 = arith.index_cast %add3A_771 : i32 to index
      %swap3A_816 = arith.constant 64 : index
      %swap3A_817 = tpu.vector_load %arg10[%swap3A_815, %swap3A_816] {strides = array<i32>} : memref<32x512xf32, #tpu.memory_space<vmem>>, vector<16xf32>,
      tpu.vector_store %arg10[%swap3A_815, %swap3A_816], %gather3A_814 {strides = array<i32>} : memref<32x512xf32, #tpu.memory_space<vmem>>, vector<16xf32>,
      %swap3A_818 = arith.index_cast %add3A_771 : i32 to index
      %swap3A_819 = arith.constant 320 : index
      %swap3A_820 = tpu.vector_load %arg10[%swap3A_818, %swap3A_819] {strides = array<i32>} : memref<32x512xf32, #tpu.memory_space<vmem>>, vector<16xf32>,
      tpu.vector_store %arg10[%swap3A_818, %swap3A_819], %gather3A_814 {strides = array<i32>} : memref<32x512xf32, #tpu.memory_space<vmem>>, vector<16xf32>,
      %add3A_821 = arith.addi %gather3A, %get3A_126 : vector<16xi32>
      %add3A_822 = arith.addi %gather3A_776, %get3A_158 : vector<16xi32>
      %gather3A_823 = tpu.vector_load_idx %arg6[%add3A_821, %add3A_822] : memref<256x256xf32, #tpu.memory_space<vmem>>[vector<16xi32>, vector<16xi32>], vector<16xf32>,
      %swap3A_824 = arith.index_cast %add3A_771 : i32 to index
      %swap3A_825 = arith.constant 80 : index
      %swap3A_826 = tpu.vector_load %arg10[%swap3A_824, %swap3A_825] {strides = array<i32>} : memref<32x512xf32, #tpu.memory_space<vmem>>, vector<16xf32>,
      tpu.vector_store %arg10[%swap3A_824, %swap3A_825], %gather3A_823 {strides = array<i32>} : memref<32x512xf32, #tpu.memory_space<vmem>>, vector<16xf32>,
      %swap3A_827 = arith.index_cast %add3A_771 : i32 to index
      %swap3A_828 = arith.constant 336 : index
      %swap3A_829 = tpu.vector_load %arg10[%swap3A_827, %swap3A_828] {strides = array<i32>} : memref<32x512xf32, #tpu.memory_space<vmem>>, vector<16xf32>,
      tpu.vector_store %arg10[%swap3A_827, %swap3A_828], %gather3A_823 {strides = array<i32>} : memref<32x512xf32, #tpu.memory_space<vmem>>, vector<16xf32>,
      %add3A_830 = arith.addi %gather3A, %get3A_128 : vector<16xi32>
      %add3A_831 = arith.addi %gather3A_776, %get3A_160 : vector<16xi32>
      %gather3A_832 = tpu.vector_load_idx %arg6[%add3A_830, %add3A_831] : memref<256x256xf32, #tpu.memory_space<vmem>>[vector<16xi32>, vector<16xi32>], vector<16xf32>,
      %swap3A_833 = arith.index_cast %add3A_771 : i32 to index
      %swap3A_834 = arith.constant 96 : index
      %swap3A_835 = tpu.vector_load %arg10[%swap3A_833, %swap3A_834] {strides = array<i32>} : memref<32x512xf32, #tpu.memory_space<vmem>>, vector<16xf32>,
      tpu.vector_store %arg10[%swap3A_833, %swap3A_834], %gather3A_832 {strides = array<i32>} : memref<32x512xf32, #tpu.memory_space<vmem>>, vector<16xf32>,
      %swap3A_836 = arith.index_cast %add3A_771 : i32 to index
      %swap3A_837 = arith.constant 352 : index
      %swap3A_838 = tpu.vector_load %arg10[%swap3A_836, %swap3A_837] {strides = array<i32>} : memref<32x512xf32, #tpu.memory_space<vmem>>, vector<16xf32>,
      tpu.vector_store %arg10[%swap3A_836, %swap3A_837], %gather3A_832 {strides = array<i32>} : memref<32x512xf32, #tpu.memory_space<vmem>>, vector<16xf32>,
      %add3A_839 = arith.addi %gather3A, %get3A_130 : vector<16xi32>
      %add3A_840 = arith.addi %gather3A_776, %get3A_162 : vector<16xi32>
      %gather3A_841 = tpu.vector_load_idx %arg6[%add3A_839, %add3A_840] : memref<256x256xf32, #tpu.memory_space<vmem>>[vector<16xi32>, vector<16xi32>], vector<16xf32>,
      %swap3A_842 = arith.index_cast %add3A_771 : i32 to index
      %swap3A_843 = arith.constant 112 : index
      %swap3A_844 = tpu.vector_load %arg10[%swap3A_842, %swap3A_843] {strides = array<i32>} : memref<32x512xf32, #tpu.memory_space<vmem>>, vector<16xf32>,
      tpu.vector_store %arg10[%swap3A_842, %swap3A_843], %gather3A_841 {strides = array<i32>} : memref<32x512xf32, #tpu.memory_space<vmem>>, vector<16xf32>,
      %swap3A_845 = arith.index_cast %add3A_771 : i32 to index
      %swap3A_846 = arith.constant 368 : index
      %swap3A_847 = tpu.vector_load %arg10[%swap3A_845, %swap3A_846] {strides = array<i32>} : memref<32x512xf32, #tpu.memory_space<vmem>>, vector<16xf32>,
      tpu.vector_store %arg10[%swap3A_845, %swap3A_846], %gather3A_841 {strides = array<i32>} : memref<32x512xf32, #tpu.memory_space<vmem>>, vector<16xf32>,
      %add3A_848 = arith.addi %gather3A, %get3A_132 : vector<16xi32>
      %add3A_849 = arith.addi %gather3A_776, %get3A_164 : vector<16xi32>
      %gather3A_850 = tpu.vector_load_idx %arg6[%add3A_848, %add3A_849] : memref<256x256xf32, #tpu.memory_space<vmem>>[vector<16xi32>, vector<16xi32>], vector<16xf32>,
      %swap3A_851 = arith.index_cast %add3A_771 : i32 to index
      %swap3A_852 = arith.constant 128 : index
      %swap3A_853 = tpu.vector_load %arg10[%swap3A_851, %swap3A_852] {strides = array<i32>} : memref<32x512xf32, #tpu.memory_space<vmem>>, vector<16xf32>,
      tpu.vector_store %arg10[%swap3A_851, %swap3A_852], %gather3A_850 {strides = array<i32>} : memref<32x512xf32, #tpu.memory_space<vmem>>, vector<16xf32>,
      %swap3A_854 = arith.index_cast %add3A_771 : i32 to index
      %swap3A_855 = arith.constant 384 : index
      %swap3A_856 = tpu.vector_load %arg10[%swap3A_854, %swap3A_855] {strides = array<i32>} : memref<32x512xf32, #tpu.memory_space<vmem>>, vector<16xf32>,
      tpu.vector_store %arg10[%swap3A_854, %swap3A_855], %gather3A_850 {strides = array<i32>} : memref<32x512xf32, #tpu.memory_space<vmem>>, vector<16xf32>,
      %add3A_857 = arith.addi %gather3A, %get3A_134 : vector<16xi32>
      %add3A_858 = arith.addi %gather3A_776, %get3A_166 : vector<16xi32>
      %gather3A_859 = tpu.vector_load_idx %arg6[%add3A_857, %add3A_858] : memref<256x256xf32, #tpu.memory_space<vmem>>[vector<16xi32>, vector<16xi32>], vector<16xf32>,
      %swap3A_860 = arith.index_cast %add3A_771 : i32 to index
      %swap3A_861 = arith.constant 144 : index
      %swap3A_862 = tpu.vector_load %arg10[%swap3A_860, %swap3A_861] {strides = array<i32>} : memref<32x512xf32, #tpu.memory_space<vmem>>, vector<16xf32>,
      tpu.vector_store %arg10[%swap3A_860, %swap3A_861], %gather3A_859 {strides = array<i32>} : memref<32x512xf32, #tpu.memory_space<vmem>>, vector<16xf32>,
      %swap3A_863 = arith.index_cast %add3A_771 : i32 to index
      %swap3A_864 = arith.constant 400 : index
      %swap3A_865 = tpu.vector_load %arg10[%swap3A_863, %swap3A_864] {strides = array<i32>} : memref<32x512xf32, #tpu.memory_space<vmem>>, vector<16xf32>,
      tpu.vector_store %arg10[%swap3A_863, %swap3A_864], %gather3A_859 {strides = array<i32>} : memref<32x512xf32, #tpu.memory_space<vmem>>, vector<16xf32>,
      %add3A_866 = arith.addi %gather3A, %get3A_136 : vector<16xi32>
      %add3A_867 = arith.addi %gather3A_776, %get3A_168 : vector<16xi32>
      %gather3A_868 = tpu.vector_load_idx %arg6[%add3A_866, %add3A_867] : memref<256x256xf32, #tpu.memory_space<vmem>>[vector<16xi32>, vector<16xi32>], vector<16xf32>,
      %swap3A_869 = arith.index_cast %add3A_771 : i32 to index
      %swap3A_870 = arith.constant 160 : index
      %swap3A_871 = tpu.vector_load %arg10[%swap3A_869, %swap3A_870] {strides = array<i32>} : memref<32x512xf32, #tpu.memory_space<vmem>>, vector<16xf32>,
      tpu.vector_store %arg10[%swap3A_869, %swap3A_870], %gather3A_868 {strides = array<i32>} : memref<32x512xf32, #tpu.memory_space<vmem>>, vector<16xf32>,
      %swap3A_872 = arith.index_cast %add3A_771 : i32 to index
      %swap3A_873 = arith.constant 416 : index
      %swap3A_874 = tpu.vector_load %arg10[%swap3A_872, %swap3A_873] {strides = array<i32>} : memref<32x512xf32, #tpu.memory_space<vmem>>, vector<16xf32>,
      tpu.vector_store %arg10[%swap3A_872, %swap3A_873], %gather3A_868 {strides = array<i32>} : memref<32x512xf32, #tpu.memory_space<vmem>>, vector<16xf32>,
      %add3A_875 = arith.addi %gather3A, %get3A_138 : vector<16xi32>
      %add3A_876 = arith.addi %gather3A_776, %get3A_170 : vector<16xi32>
      %gather3A_877 = tpu.vector_load_idx %arg6[%add3A_875, %add3A_876] : memref<256x256xf32, #tpu.memory_space<vmem>>[vector<16xi32>, vector<16xi32>], vector<16xf32>,
      %swap3A_878 = arith.index_cast %add3A_771 : i32 to index
      %swap3A_879 = arith.constant 176 : index
      %swap3A_880 = tpu.vector_load %arg10[%swap3A_878, %swap3A_879] {strides = array<i32>} : memref<32x512xf32, #tpu.memory_space<vmem>>, vector<16xf32>,
      tpu.vector_store %arg10[%swap3A_878, %swap3A_879], %gather3A_877 {strides = array<i32>} : memref<32x512xf32, #tpu.memory_space<vmem>>, vector<16xf32>,
      %swap3A_881 = arith.index_cast %add3A_771 : i32 to index
      %swap3A_882 = arith.constant 432 : index
      %swap3A_883 = tpu.vector_load %arg10[%swap3A_881, %swap3A_882] {strides = array<i32>} : memref<32x512xf32, #tpu.memory_space<vmem>>, vector<16xf32>,
      tpu.vector_store %arg10[%swap3A_881, %swap3A_882], %gather3A_877 {strides = array<i32>} : memref<32x512xf32, #tpu.memory_space<vmem>>, vector<16xf32>,
      %add3A_884 = arith.addi %gather3A, %get3A_140 : vector<16xi32>
      %add3A_885 = arith.addi %gather3A_776, %get3A_172 : vector<16xi32>
      %gather3A_886 = tpu.vector_load_idx %arg6[%add3A_884, %add3A_885] : memref<256x256xf32, #tpu.memory_space<vmem>>[vector<16xi32>, vector<16xi32>], vector<16xf32>,
      %swap3A_887 = arith.index_cast %add3A_771 : i32 to index
      %swap3A_888 = arith.constant 192 : index
      %swap3A_889 = tpu.vector_load %arg10[%swap3A_887, %swap3A_888] {strides = array<i32>} : memref<32x512xf32, #tpu.memory_space<vmem>>, vector<16xf32>,
      tpu.vector_store %arg10[%swap3A_887, %swap3A_888], %gather3A_886 {strides = array<i32>} : memref<32x512xf32, #tpu.memory_space<vmem>>, vector<16xf32>,
      %swap3A_890 = arith.index_cast %add3A_771 : i32 to index
      %swap3A_891 = arith.constant 448 : index
      %swap3A_892 = tpu.vector_load %arg10[%swap3A_890, %swap3A_891] {strides = array<i32>} : memref<32x512xf32, #tpu.memory_space<vmem>>, vector<16xf32>,
      tpu.vector_store %arg10[%swap3A_890, %swap3A_891], %gather3A_886 {strides = array<i32>} : memref<32x512xf32, #tpu.memory_space<vmem>>, vector<16xf32>,
      %add3A_893 = arith.addi %gather3A, %get3A_142 : vector<16xi32>
      %add3A_894 = arith.addi %gather3A_776, %get3A_174 : vector<16xi32>
      %gather3A_895 = tpu.vector_load_idx %arg6[%add3A_893, %add3A_894] : memref<256x256xf32, #tpu.memory_space<vmem>>[vector<16xi32>, vector<16xi32>], vector<16xf32>,
      %swap3A_896 = arith.index_cast %add3A_771 : i32 to index
      %swap3A_897 = arith.constant 208 : index
      %swap3A_898 = tpu.vector_load %arg10[%swap3A_896, %swap3A_897] {strides = array<i32>} : memref<32x512xf32, #tpu.memory_space<vmem>>, vector<16xf32>,
      tpu.vector_store %arg10[%swap3A_896, %swap3A_897], %gather3A_895 {strides = array<i32>} : memref<32x512xf32, #tpu.memory_space<vmem>>, vector<16xf32>,
      %swap3A_899 = arith.index_cast %add3A_771 : i32 to index
      %swap3A_900 = arith.constant 464 : index
      %swap3A_901 = tpu.vector_load %arg10[%swap3A_899, %swap3A_900] {strides = array<i32>} : memref<32x512xf32, #tpu.memory_space<vmem>>, vector<16xf32>,
      tpu.vector_store %arg10[%swap3A_899, %swap3A_900], %gather3A_895 {strides = array<i32>} : memref<32x512xf32, #tpu.memory_space<vmem>>, vector<16xf32>,
      %add3A_902 = arith.addi %gather3A, %get3A_144 : vector<16xi32>
      %add3A_903 = arith.addi %gather3A_776, %get3A_176 : vector<16xi32>
      %gather3A_904 = tpu.vector_load_idx %arg6[%add3A_902, %add3A_903] : memref<256x256xf32, #tpu.memory_space<vmem>>[vector<16xi32>, vector<16xi32>], vector<16xf32>,
      %swap3A_905 = arith.index_cast %add3A_771 : i32 to index
      %swap3A_906 = arith.constant 224 : index
      %swap3A_907 = tpu.vector_load %arg10[%swap3A_905, %swap3A_906] {strides = array<i32>} : memref<32x512xf32, #tpu.memory_space<vmem>>, vector<16xf32>,
      tpu.vector_store %arg10[%swap3A_905, %swap3A_906], %gather3A_904 {strides = array<i32>} : memref<32x512xf32, #tpu.memory_space<vmem>>, vector<16xf32>,
      %swap3A_908 = arith.index_cast %add3A_771 : i32 to index
      %swap3A_909 = arith.constant 480 : index
      %swap3A_910 = tpu.vector_load %arg10[%swap3A_908, %swap3A_909] {strides = array<i32>} : memref<32x512xf32, #tpu.memory_space<vmem>>, vector<16xf32>,
      tpu.vector_store %arg10[%swap3A_908, %swap3A_909], %gather3A_904 {strides = array<i32>} : memref<32x512xf32, #tpu.memory_space<vmem>>, vector<16xf32>,
      %add3A_911 = arith.addi %gather3A, %get3A_146 : vector<16xi32>
      %add3A_912 = arith.addi %gather3A_776, %get3A_178 : vector<16xi32>
      %gather3A_913 = tpu.vector_load_idx %arg6[%add3A_911, %add3A_912] : memref<256x256xf32, #tpu.memory_space<vmem>>[vector<16xi32>, vector<16xi32>], vector<16xf32>,
      %swap3A_914 = arith.index_cast %add3A_771 : i32 to index
      %swap3A_915 = arith.constant 240 : index
      %swap3A_916 = tpu.vector_load %arg10[%swap3A_914, %swap3A_915] {strides = array<i32>} : memref<32x512xf32, #tpu.memory_space<vmem>>, vector<16xf32>,
      tpu.vector_store %arg10[%swap3A_914, %swap3A_915], %gather3A_913 {strides = array<i32>} : memref<32x512xf32, #tpu.memory_space<vmem>>, vector<16xf32>,
      %swap3A_917 = arith.index_cast %add3A_771 : i32 to index
      %swap3A_918 = arith.constant 496 : index
      %swap3A_919 = tpu.vector_load %arg10[%swap3A_917, %swap3A_918] {strides = array<i32>} : memref<32x512xf32, #tpu.memory_space<vmem>>, vector<16xf32>,
      tpu.vector_store %arg10[%swap3A_917, %swap3A_918], %gather3A_913 {strides = array<i32>} : memref<32x512xf32, #tpu.memory_space<vmem>>, vector<16xf32>,
      %mul3A_920 = arith.constant 2 : i32
      %mul3A_921 = arith.muli %scan3A_766, %mul3A_920 : i32
      %add3A_922 = arith.constant 1 : i32
      %add3A_923 = arith.addi %mul3A_921, %add3A_922 : i32
      %add3A_924 = arith.addi %add3A_296, %add3A_923 : i32
      %broadcast_in_dim3A_925 = vector.broadcast %add3A_924 : i32 to vector<16xi32>
      %gather3A_926 = tpu.vector_load_idx %arg7[%broadcast_in_dim3A_925] : memref<512xi32, #tpu.memory_space<vmem>>[vector<16xi32>], vector<16xi32>,
      %add3A_927 = arith.constant 256 : i32
      %add3A_928 = vector.broadcast %add3A_927 : i32 to vector<16xi32>
      %add3A_929 = arith.addi %broadcast_in_dim3A_925, %add3A_928 : vector<16xi32>
      %gather3A_930 = tpu.vector_load_idx %arg7[%add3A_929] : memref<512xi32, #tpu.memory_space<vmem>>[vector<16xi32>], vector<16xi32>,
      %add3A_931 = arith.addi %gather3A_926, %get3A_116 : vector<16xi32>
      %add3A_932 = arith.addi %gather3A_930, %get3A_148 : vector<16xi32>
      %gather3A_933 = tpu.vector_load_idx %arg6[%add3A_931, %add3A_932] : memref<256x256xf32, #tpu.memory_space<vmem>>[vector<16xi32>, vector<16xi32>], vector<16xf32>,
      %swap3A_934 = arith.index_cast %add3A_923 : i32 to index
      %swap3A_935 = arith.constant 0 : index
      %swap3A_936 = tpu.vector_load %arg10[%swap3A_934, %swap3A_935] {strides = array<i32>} : memref<32x512xf32, #tpu.memory_space<vmem>>, vector<16xf32>,
      tpu.vector_store %arg10[%swap3A_934, %swap3A_935], %gather3A_933 {strides = array<i32>} : memref<32x512xf32, #tpu.memory_space<vmem>>, vector<16xf32>,
      %swap3A_937 = arith.index_cast %add3A_923 : i32 to index
      %swap3A_938 = arith.constant 256 : index
      %swap3A_939 = tpu.vector_load %arg10[%swap3A_937, %swap3A_938] {strides = array<i32>} : memref<32x512xf32, #tpu.memory_space<vmem>>, vector<16xf32>,
      tpu.vector_store %arg10[%swap3A_937, %swap3A_938], %gather3A_933 {strides = array<i32>} : memref<32x512xf32, #tpu.memory_space<vmem>>, vector<16xf32>,
      %add3A_940 = arith.addi %gather3A_926, %get3A_118 : vector<16xi32>
      %add3A_941 = arith.addi %gather3A_930, %get3A_150 : vector<16xi32>
      %gather3A_942 = tpu.vector_load_idx %arg6[%add3A_940, %add3A_941] : memref<256x256xf32, #tpu.memory_space<vmem>>[vector<16xi32>, vector<16xi32>], vector<16xf32>,
      %swap3A_943 = arith.index_cast %add3A_923 : i32 to index
      %swap3A_944 = arith.constant 16 : index
      %swap3A_945 = tpu.vector_load %arg10[%swap3A_943, %swap3A_944] {strides = array<i32>} : memref<32x512xf32, #tpu.memory_space<vmem>>, vector<16xf32>,
      tpu.vector_store %arg10[%swap3A_943, %swap3A_944], %gather3A_942 {strides = array<i32>} : memref<32x512xf32, #tpu.memory_space<vmem>>, vector<16xf32>,
      %swap3A_946 = arith.index_cast %add3A_923 : i32 to index
      %swap3A_947 = arith.constant 272 : index
      %swap3A_948 = tpu.vector_load %arg10[%swap3A_946, %swap3A_947] {strides = array<i32>} : memref<32x512xf32, #tpu.memory_space<vmem>>, vector<16xf32>,
      tpu.vector_store %arg10[%swap3A_946, %swap3A_947], %gather3A_942 {strides = array<i32>} : memref<32x512xf32, #tpu.memory_space<vmem>>, vector<16xf32>,
      %add3A_949 = arith.addi %gather3A_926, %get3A_120 : vector<16xi32>
      %add3A_950 = arith.addi %gather3A_930, %get3A_152 : vector<16xi32>
      %gather3A_951 = tpu.vector_load_idx %arg6[%add3A_949, %add3A_950] : memref<256x256xf32, #tpu.memory_space<vmem>>[vector<16xi32>, vector<16xi32>], vector<16xf32>,
      %swap3A_952 = arith.index_cast %add3A_923 : i32 to index
      %swap3A_953 = arith.constant 32 : index
      %swap3A_954 = tpu.vector_load %arg10[%swap3A_952, %swap3A_953] {strides = array<i32>} : memref<32x512xf32, #tpu.memory_space<vmem>>, vector<16xf32>,
      tpu.vector_store %arg10[%swap3A_952, %swap3A_953], %gather3A_951 {strides = array<i32>} : memref<32x512xf32, #tpu.memory_space<vmem>>, vector<16xf32>,
      %swap3A_955 = arith.index_cast %add3A_923 : i32 to index
      %swap3A_956 = arith.constant 288 : index
      %swap3A_957 = tpu.vector_load %arg10[%swap3A_955, %swap3A_956] {strides = array<i32>} : memref<32x512xf32, #tpu.memory_space<vmem>>, vector<16xf32>,
      tpu.vector_store %arg10[%swap3A_955, %swap3A_956], %gather3A_951 {strides = array<i32>} : memref<32x512xf32, #tpu.memory_space<vmem>>, vector<16xf32>,
      %add3A_958 = arith.addi %gather3A_926, %get3A_122 : vector<16xi32>
      %add3A_959 = arith.addi %gather3A_930, %get3A_154 : vector<16xi32>
      %gather3A_960 = tpu.vector_load_idx %arg6[%add3A_958, %add3A_959] : memref<256x256xf32, #tpu.memory_space<vmem>>[vector<16xi32>, vector<16xi32>], vector<16xf32>,
      %swap3A_961 = arith.index_cast %add3A_923 : i32 to index
      %swap3A_962 = arith.constant 48 : index
      %swap3A_963 = tpu.vector_load %arg10[%swap3A_961, %swap3A_962] {strides = array<i32>} : memref<32x512xf32, #tpu.memory_space<vmem>>, vector<16xf32>,
      tpu.vector_store %arg10[%swap3A_961, %swap3A_962], %gather3A_960 {strides = array<i32>} : memref<32x512xf32, #tpu.memory_space<vmem>>, vector<16xf32>,
      %swap3A_964 = arith.index_cast %add3A_923 : i32 to index
      %swap3A_965 = arith.constant 304 : index
      %swap3A_966 = tpu.vector_load %arg10[%swap3A_964, %swap3A_965] {strides = array<i32>} : memref<32x512xf32, #tpu.memory_space<vmem>>, vector<16xf32>,
      tpu.vector_store %arg10[%swap3A_964, %swap3A_965], %gather3A_960 {strides = array<i32>} : memref<32x512xf32, #tpu.memory_space<vmem>>, vector<16xf32>,
      %add3A_967 = arith.addi %gather3A_926, %get3A_124 : vector<16xi32>
      %add3A_968 = arith.addi %gather3A_930, %get3A_156 : vector<16xi32>
      %gather3A_969 = tpu.vector_load_idx %arg6[%add3A_967, %add3A_968] : memref<256x256xf32, #tpu.memory_space<vmem>>[vector<16xi32>, vector<16xi32>], vector<16xf32>,
      %swap3A_970 = arith.index_cast %add3A_923 : i32 to index
      %swap3A_971 = arith.constant 64 : index
      %swap3A_972 = tpu.vector_load %arg10[%swap3A_970, %swap3A_971] {strides = array<i32>} : memref<32x512xf32, #tpu.memory_space<vmem>>, vector<16xf32>,
      tpu.vector_store %arg10[%swap3A_970, %swap3A_971], %gather3A_969 {strides = array<i32>} : memref<32x512xf32, #tpu.memory_space<vmem>>, vector<16xf32>,
      %swap3A_973 = arith.index_cast %add3A_923 : i32 to index
      %swap3A_974 = arith.constant 320 : index
      %swap3A_975 = tpu.vector_load %arg10[%swap3A_973, %swap3A_974] {strides = array<i32>} : memref<32x512xf32, #tpu.memory_space<vmem>>, vector<16xf32>,
      tpu.vector_store %arg10[%swap3A_973, %swap3A_974], %gather3A_969 {strides = array<i32>} : memref<32x512xf32, #tpu.memory_space<vmem>>, vector<16xf32>,
      %add3A_976 = arith.addi %gather3A_926, %get3A_126 : vector<16xi32>
      %add3A_977 = arith.addi %gather3A_930, %get3A_158 : vector<16xi32>
      %gather3A_978 = tpu.vector_load_idx %arg6[%add3A_976, %add3A_977] : memref<256x256xf32, #tpu.memory_space<vmem>>[vector<16xi32>, vector<16xi32>], vector<16xf32>,
      %swap3A_979 = arith.index_cast %add3A_923 : i32 to index
      %swap3A_980 = arith.constant 80 : index
      %swap3A_981 = tpu.vector_load %arg10[%swap3A_979, %swap3A_980] {strides = array<i32>} : memref<32x512xf32, #tpu.memory_space<vmem>>, vector<16xf32>,
      tpu.vector_store %arg10[%swap3A_979, %swap3A_980], %gather3A_978 {strides = array<i32>} : memref<32x512xf32, #tpu.memory_space<vmem>>, vector<16xf32>,
      %swap3A_982 = arith.index_cast %add3A_923 : i32 to index
      %swap3A_983 = arith.constant 336 : index
      %swap3A_984 = tpu.vector_load %arg10[%swap3A_982, %swap3A_983] {strides = array<i32>} : memref<32x512xf32, #tpu.memory_space<vmem>>, vector<16xf32>,
      tpu.vector_store %arg10[%swap3A_982, %swap3A_983], %gather3A_978 {strides = array<i32>} : memref<32x512xf32, #tpu.memory_space<vmem>>, vector<16xf32>,
      %add3A_985 = arith.addi %gather3A_926, %get3A_128 : vector<16xi32>
      %add3A_986 = arith.addi %gather3A_930, %get3A_160 : vector<16xi32>
      %gather3A_987 = tpu.vector_load_idx %arg6[%add3A_985, %add3A_986] : memref<256x256xf32, #tpu.memory_space<vmem>>[vector<16xi32>, vector<16xi32>], vector<16xf32>,
      %swap3A_988 = arith.index_cast %add3A_923 : i32 to index
      %swap3A_989 = arith.constant 96 : index
      %swap3A_990 = tpu.vector_load %arg10[%swap3A_988, %swap3A_989] {strides = array<i32>} : memref<32x512xf32, #tpu.memory_space<vmem>>, vector<16xf32>,
      tpu.vector_store %arg10[%swap3A_988, %swap3A_989], %gather3A_987 {strides = array<i32>} : memref<32x512xf32, #tpu.memory_space<vmem>>, vector<16xf32>,
      %swap3A_991 = arith.index_cast %add3A_923 : i32 to index
      %swap3A_992 = arith.constant 352 : index
      %swap3A_993 = tpu.vector_load %arg10[%swap3A_991, %swap3A_992] {strides = array<i32>} : memref<32x512xf32, #tpu.memory_space<vmem>>, vector<16xf32>,
      tpu.vector_store %arg10[%swap3A_991, %swap3A_992], %gather3A_987 {strides = array<i32>} : memref<32x512xf32, #tpu.memory_space<vmem>>, vector<16xf32>,
      %add3A_994 = arith.addi %gather3A_926, %get3A_130 : vector<16xi32>
      %add3A_995 = arith.addi %gather3A_930, %get3A_162 : vector<16xi32>
      %gather3A_996 = tpu.vector_load_idx %arg6[%add3A_994, %add3A_995] : memref<256x256xf32, #tpu.memory_space<vmem>>[vector<16xi32>, vector<16xi32>], vector<16xf32>,
      %swap3A_997 = arith.index_cast %add3A_923 : i32 to index
      %swap3A_998 = arith.constant 112 : index
      %swap3A_999 = tpu.vector_load %arg10[%swap3A_997, %swap3A_998] {strides = array<i32>} : memref<32x512xf32, #tpu.memory_space<vmem>>, vector<16xf32>,
      tpu.vector_store %arg10[%swap3A_997, %swap3A_998], %gather3A_996 {strides = array<i32>} : memref<32x512xf32, #tpu.memory_space<vmem>>, vector<16xf32>,
      %swap3A_1000 = arith.index_cast %add3A_923 : i32 to index
      %swap3A_1001 = arith.constant 368 : index
      %swap3A_1002 = tpu.vector_load %arg10[%swap3A_1000, %swap3A_1001] {strides = array<i32>} : memref<32x512xf32, #tpu.memory_space<vmem>>, vector<16xf32>,
      tpu.vector_store %arg10[%swap3A_1000, %swap3A_1001], %gather3A_996 {strides = array<i32>} : memref<32x512xf32, #tpu.memory_space<vmem>>, vector<16xf32>,
      %add3A_1003 = arith.addi %gather3A_926, %get3A_132 : vector<16xi32>
      %add3A_1004 = arith.addi %gather3A_930, %get3A_164 : vector<16xi32>
      %gather3A_1005 = tpu.vector_load_idx %arg6[%add3A_1003, %add3A_1004] : memref<256x256xf32, #tpu.memory_space<vmem>>[vector<16xi32>, vector<16xi32>], vector<16xf32>,
      %swap3A_1006 = arith.index_cast %add3A_923 : i32 to index
      %swap3A_1007 = arith.constant 128 : index
      %swap3A_1008 = tpu.vector_load %arg10[%swap3A_1006, %swap3A_1007] {strides = array<i32>} : memref<32x512xf32, #tpu.memory_space<vmem>>, vector<16xf32>,
      tpu.vector_store %arg10[%swap3A_1006, %swap3A_1007], %gather3A_1005 {strides = array<i32>} : memref<32x512xf32, #tpu.memory_space<vmem>>, vector<16xf32>,
      %swap3A_1009 = arith.index_cast %add3A_923 : i32 to index
      %swap3A_1010 = arith.constant 384 : index
      %swap3A_1011 = tpu.vector_load %arg10[%swap3A_1009, %swap3A_1010] {strides = array<i32>} : memref<32x512xf32, #tpu.memory_space<vmem>>, vector<16xf32>,
      tpu.vector_store %arg10[%swap3A_1009, %swap3A_1010], %gather3A_1005 {strides = array<i32>} : memref<32x512xf32, #tpu.memory_space<vmem>>, vector<16xf32>,
      %add3A_1012 = arith.addi %gather3A_926, %get3A_134 : vector<16xi32>
      %add3A_1013 = arith.addi %gather3A_930, %get3A_166 : vector<16xi32>
      %gather3A_1014 = tpu.vector_load_idx %arg6[%add3A_1012, %add3A_1013] : memref<256x256xf32, #tpu.memory_space<vmem>>[vector<16xi32>, vector<16xi32>], vector<16xf32>,
      %swap3A_1015 = arith.index_cast %add3A_923 : i32 to index
      %swap3A_1016 = arith.constant 144 : index
      %swap3A_1017 = tpu.vector_load %arg10[%swap3A_1015, %swap3A_1016] {strides = array<i32>} : memref<32x512xf32, #tpu.memory_space<vmem>>, vector<16xf32>,
      tpu.vector_store %arg10[%swap3A_1015, %swap3A_1016], %gather3A_1014 {strides = array<i32>} : memref<32x512xf32, #tpu.memory_space<vmem>>, vector<16xf32>,
      %swap3A_1018 = arith.index_cast %add3A_923 : i32 to index
      %swap3A_1019 = arith.constant 400 : index
      %swap3A_1020 = tpu.vector_load %arg10[%swap3A_1018, %swap3A_1019] {strides = array<i32>} : memref<32x512xf32, #tpu.memory_space<vmem>>, vector<16xf32>,
      tpu.vector_store %arg10[%swap3A_1018, %swap3A_1019], %gather3A_1014 {strides = array<i32>} : memref<32x512xf32, #tpu.memory_space<vmem>>, vector<16xf32>,
      %add3A_1021 = arith.addi %gather3A_926, %get3A_136 : vector<16xi32>
      %add3A_1022 = arith.addi %gather3A_930, %get3A_168 : vector<16xi32>
      %gather3A_1023 = tpu.vector_load_idx %arg6[%add3A_1021, %add3A_1022] : memref<256x256xf32, #tpu.memory_space<vmem>>[vector<16xi32>, vector<16xi32>], vector<16xf32>,
      %swap3A_1024 = arith.index_cast %add3A_923 : i32 to index
      %swap3A_1025 = arith.constant 160 : index
      %swap3A_1026 = tpu.vector_load %arg10[%swap3A_1024, %swap3A_1025] {strides = array<i32>} : memref<32x512xf32, #tpu.memory_space<vmem>>, vector<16xf32>,
      tpu.vector_store %arg10[%swap3A_1024, %swap3A_1025], %gather3A_1023 {strides = array<i32>} : memref<32x512xf32, #tpu.memory_space<vmem>>, vector<16xf32>,
      %swap3A_1027 = arith.index_cast %add3A_923 : i32 to index
      %swap3A_1028 = arith.constant 416 : index
      %swap3A_1029 = tpu.vector_load %arg10[%swap3A_1027, %swap3A_1028] {strides = array<i32>} : memref<32x512xf32, #tpu.memory_space<vmem>>, vector<16xf32>,
      tpu.vector_store %arg10[%swap3A_1027, %swap3A_1028], %gather3A_1023 {strides = array<i32>} : memref<32x512xf32, #tpu.memory_space<vmem>>, vector<16xf32>,
      %add3A_1030 = arith.addi %gather3A_926, %get3A_138 : vector<16xi32>
      %add3A_1031 = arith.addi %gather3A_930, %get3A_170 : vector<16xi32>
      %gather3A_1032 = tpu.vector_load_idx %arg6[%add3A_1030, %add3A_1031] : memref<256x256xf32, #tpu.memory_space<vmem>>[vector<16xi32>, vector<16xi32>], vector<16xf32>,
      %swap3A_1033 = arith.index_cast %add3A_923 : i32 to index
      %swap3A_1034 = arith.constant 176 : index
      %swap3A_1035 = tpu.vector_load %arg10[%swap3A_1033, %swap3A_1034] {strides = array<i32>} : memref<32x512xf32, #tpu.memory_space<vmem>>, vector<16xf32>,
      tpu.vector_store %arg10[%swap3A_1033, %swap3A_1034], %gather3A_1032 {strides = array<i32>} : memref<32x512xf32, #tpu.memory_space<vmem>>, vector<16xf32>,
      %swap3A_1036 = arith.index_cast %add3A_923 : i32 to index
      %swap3A_1037 = arith.constant 432 : index
      %swap3A_1038 = tpu.vector_load %arg10[%swap3A_1036, %swap3A_1037] {strides = array<i32>} : memref<32x512xf32, #tpu.memory_space<vmem>>, vector<16xf32>,
      tpu.vector_store %arg10[%swap3A_1036, %swap3A_1037], %gather3A_1032 {strides = array<i32>} : memref<32x512xf32, #tpu.memory_space<vmem>>, vector<16xf32>,
      %add3A_1039 = arith.addi %gather3A_926, %get3A_140 : vector<16xi32>
      %add3A_1040 = arith.addi %gather3A_930, %get3A_172 : vector<16xi32>
      %gather3A_1041 = tpu.vector_load_idx %arg6[%add3A_1039, %add3A_1040] : memref<256x256xf32, #tpu.memory_space<vmem>>[vector<16xi32>, vector<16xi32>], vector<16xf32>,
      %swap3A_1042 = arith.index_cast %add3A_923 : i32 to index
      %swap3A_1043 = arith.constant 192 : index
      %swap3A_1044 = tpu.vector_load %arg10[%swap3A_1042, %swap3A_1043] {strides = array<i32>} : memref<32x512xf32, #tpu.memory_space<vmem>>, vector<16xf32>,
      tpu.vector_store %arg10[%swap3A_1042, %swap3A_1043], %gather3A_1041 {strides = array<i32>} : memref<32x512xf32, #tpu.memory_space<vmem>>, vector<16xf32>,
      %swap3A_1045 = arith.index_cast %add3A_923 : i32 to index
      %swap3A_1046 = arith.constant 448 : index
      %swap3A_1047 = tpu.vector_load %arg10[%swap3A_1045, %swap3A_1046] {strides = array<i32>} : memref<32x512xf32, #tpu.memory_space<vmem>>, vector<16xf32>,
      tpu.vector_store %arg10[%swap3A_1045, %swap3A_1046], %gather3A_1041 {strides = array<i32>} : memref<32x512xf32, #tpu.memory_space<vmem>>, vector<16xf32>,
      %add3A_1048 = arith.addi %gather3A_926, %get3A_142 : vector<16xi32>
      %add3A_1049 = arith.addi %gather3A_930, %get3A_174 : vector<16xi32>
      %gather3A_1050 = tpu.vector_load_idx %arg6[%add3A_1048, %add3A_1049] : memref<256x256xf32, #tpu.memory_space<vmem>>[vector<16xi32>, vector<16xi32>], vector<16xf32>,
      %swap3A_1051 = arith.index_cast %add3A_923 : i32 to index
      %swap3A_1052 = arith.constant 208 : index
      %swap3A_1053 = tpu.vector_load %arg10[%swap3A_1051, %swap3A_1052] {strides = array<i32>} : memref<32x512xf32, #tpu.memory_space<vmem>>, vector<16xf32>,
      tpu.vector_store %arg10[%swap3A_1051, %swap3A_1052], %gather3A_1050 {strides = array<i32>} : memref<32x512xf32, #tpu.memory_space<vmem>>, vector<16xf32>,
      %swap3A_1054 = arith.index_cast %add3A_923 : i32 to index
      %swap3A_1055 = arith.constant 464 : index
      %swap3A_1056 = tpu.vector_load %arg10[%swap3A_1054, %swap3A_1055] {strides = array<i32>} : memref<32x512xf32, #tpu.memory_space<vmem>>, vector<16xf32>,
      tpu.vector_store %arg10[%swap3A_1054, %swap3A_1055], %gather3A_1050 {strides = array<i32>} : memref<32x512xf32, #tpu.memory_space<vmem>>, vector<16xf32>,
      %add3A_1057 = arith.addi %gather3A_926, %get3A_144 : vector<16xi32>
      %add3A_1058 = arith.addi %gather3A_930, %get3A_176 : vector<16xi32>
      %gather3A_1059 = tpu.vector_load_idx %arg6[%add3A_1057, %add3A_1058] : memref<256x256xf32, #tpu.memory_space<vmem>>[vector<16xi32>, vector<16xi32>], vector<16xf32>,
      %swap3A_1060 = arith.index_cast %add3A_923 : i32 to index
      %swap3A_1061 = arith.constant 224 : index
      %swap3A_1062 = tpu.vector_load %arg10[%swap3A_1060, %swap3A_1061] {strides = array<i32>} : memref<32x512xf32, #tpu.memory_space<vmem>>, vector<16xf32>,
      tpu.vector_store %arg10[%swap3A_1060, %swap3A_1061], %gather3A_1059 {strides = array<i32>} : memref<32x512xf32, #tpu.memory_space<vmem>>, vector<16xf32>,
      %swap3A_1063 = arith.index_cast %add3A_923 : i32 to index
      %swap3A_1064 = arith.constant 480 : index
      %swap3A_1065 = tpu.vector_load %arg10[%swap3A_1063, %swap3A_1064] {strides = array<i32>} : memref<32x512xf32, #tpu.memory_space<vmem>>, vector<16xf32>,
      tpu.vector_store %arg10[%swap3A_1063, %swap3A_1064], %gather3A_1059 {strides = array<i32>} : memref<32x512xf32, #tpu.memory_space<vmem>>, vector<16xf32>,
      %add3A_1066 = arith.addi %gather3A_926, %get3A_146 : vector<16xi32>
      %add3A_1067 = arith.addi %gather3A_930, %get3A_178 : vector<16xi32>
      %gather3A_1068 = tpu.vector_load_idx %arg6[%add3A_1066, %add3A_1067] : memref<256x256xf32, #tpu.memory_space<vmem>>[vector<16xi32>, vector<16xi32>], vector<16xf32>,
      %swap3A_1069 = arith.index_cast %add3A_923 : i32 to index
      %swap3A_1070 = arith.constant 240 : index
      %swap3A_1071 = tpu.vector_load %arg10[%swap3A_1069, %swap3A_1070] {strides = array<i32>} : memref<32x512xf32, #tpu.memory_space<vmem>>, vector<16xf32>,
      tpu.vector_store %arg10[%swap3A_1069, %swap3A_1070], %gather3A_1068 {strides = array<i32>} : memref<32x512xf32, #tpu.memory_space<vmem>>, vector<16xf32>,
      %swap3A_1072 = arith.index_cast %add3A_923 : i32 to index
      %swap3A_1073 = arith.constant 496 : index
      %swap3A_1074 = tpu.vector_load %arg10[%swap3A_1072, %swap3A_1073] {strides = array<i32>} : memref<32x512xf32, #tpu.memory_space<vmem>>, vector<16xf32>,
      tpu.vector_store %arg10[%swap3A_1072, %swap3A_1073], %gather3A_1068 {strides = array<i32>} : memref<32x512xf32, #tpu.memory_space<vmem>>, vector<16xf32>,
      %scan3A_1075 = arith.constant 0 : i32
      scf.yield %scan3A_1075 : i32
    }
    %scan3A_303 = arith.constant 16 : i32
    %mul3A_304 = arith.constant 4 : i32
    %mul3A_305 = arith.muli %arg1, %mul3A_304 : i32
    %add3A_306 = arith.constant 0 : i32
    %add3A_307 = arith.addi %mul3A_305, %add3A_306 : i32
    %mul3A_308 = arith.constant 512 : i32
    %mul3A_309 = arith.muli %add3A_307, %mul3A_308 : i32
    %add3A_310 = arith.constant 0 : i32
    %add3A_311 = arith.addi %mul3A_309, %add3A_310 : i32
    %add3A_312 = arith.addi %add3A_311, %add3A_296 : i32
    %dma_start3A_313 = arith.constant 0 : i32
    %dma_start3A_314 = tpu.memref_slice %arg5[%add3A_312, %dma_start3A_313] : memref<32768x512xf32, #tpu.memory_space<hbm>> -> memref<32x512xf32, #tpu.memory_space<hbm>>
    %dma_start3A_315 = arith.constant 0 : i32
    %dma_start3A_316 = tpu.memref_slice %arg5[%add3A_312, %dma_start3A_315] : memref<32768x512xf32, #tpu.memory_space<hbm>> -> memref<32x512xf32, #tpu.memory_space<hbm>>
    tpu.enqueue_dma source(%arg10 : memref<32x512xf32, #tpu.memory_space<vmem>>) target(%dma_start3A_316 : memref<32x512xf32, #tpu.memory_space<hbm>>) target_semaphore(%arg14 : memref<!tpu.dma_semaphore, #tpu.memory_space<semaphore_mem>>)
    %mul3A_317 = arith.constant 4 : i32
    %mul3A_318 = arith.muli %arg1, %mul3A_317 : i32
    %add3A_319 = arith.constant 0 : i32
    %add3A_320 = arith.addi %mul3A_318, %add3A_319 : i32
    %mul3A_321 = arith.constant 512 : i32
    %mul3A_322 = arith.muli %add3A_320, %mul3A_321 : i32
    %add3A_323 = arith.constant 256 : i32
    %add3A_324 = arith.addi %mul3A_322, %add3A_323 : i32
    %add3A_325 = arith.addi %add3A_324, %add3A_296 : i32
    %dma_start3A_326 = arith.constant 0 : i32
    %dma_start3A_327 = tpu.memref_slice %arg5[%add3A_325, %dma_start3A_326] : memref<32768x512xf32, #tpu.memory_space<hbm>> -> memref<32x512xf32, #tpu.memory_space<hbm>>
    %dma_start3A_328 = arith.constant 0 : i32
    %dma_start3A_329 = tpu.memref_slice %arg5[%add3A_325, %dma_start3A_328] : memref<32768x512xf32, #tpu.memory_space<hbm>> -> memref<32x512xf32, #tpu.memory_space<hbm>>
    tpu.enqueue_dma source(%arg10 : memref<32x512xf32, #tpu.memory_space<vmem>>) target(%dma_start3A_329 : memref<32x512xf32, #tpu.memory_space<hbm>>) target_semaphore(%arg14 : memref<!tpu.dma_semaphore, #tpu.memory_space<semaphore_mem>>)
    %mul3A_330 = arith.constant 4 : i32
    %mul3A_331 = arith.muli %arg1, %mul3A_330 : i32
    %add3A_332 = arith.constant 1 : i32
    %add3A_333 = arith.addi %mul3A_331, %add3A_332 : i32
    %mul3A_334 = arith.constant 512 : i32
    %mul3A_335 = arith.muli %add3A_333, %mul3A_334 : i32
    %add3A_336 = arith.constant 0 : i32
    %add3A_337 = arith.addi %mul3A_335, %add3A_336 : i32
    %add3A_338 = arith.addi %add3A_337, %add3A_296 : i32
    %dma_start3A_339 = arith.constant 0 : i32
    %dma_start3A_340 = tpu.memref_slice %arg5[%add3A_338, %dma_start3A_339] : memref<32768x512xf32, #tpu.memory_space<hbm>> -> memref<32x512xf32, #tpu.memory_space<hbm>>
    %dma_start3A_341 = arith.constant 0 : i32
    %dma_start3A_342 = tpu.memref_slice %arg5[%add3A_338, %dma_start3A_341] : memref<32768x512xf32, #tpu.memory_space<hbm>> -> memref<32x512xf32, #tpu.memory_space<hbm>>
    tpu.enqueue_dma source(%arg10 : memref<32x512xf32, #tpu.memory_space<vmem>>) target(%dma_start3A_342 : memref<32x512xf32, #tpu.memory_space<hbm>>) target_semaphore(%arg14 : memref<!tpu.dma_semaphore, #tpu.memory_space<semaphore_mem>>)
    %mul3A_343 = arith.constant 4 : i32
    %mul3A_344 = arith.muli %arg1, %mul3A_343 : i32
    %add3A_345 = arith.constant 1 : i32
    %add3A_346 = arith.addi %mul3A_344, %add3A_345 : i32
    %mul3A_347 = arith.constant 512 : i32
    %mul3A_348 = arith.muli %add3A_346, %mul3A_347 : i32
    %add3A_349 = arith.constant 256 : i32
    %add3A_350 = arith.addi %mul3A_348, %add3A_349 : i32
    %add3A_351 = arith.addi %add3A_350, %add3A_296 : i32
    %dma_start3A_352 = arith.constant 0 : i32
    %dma_start3A_353 = tpu.memref_slice %arg5[%add3A_351, %dma_start3A_352] : memref<32768x512xf32, #tpu.memory_space<hbm>> -> memref<32x512xf32, #tpu.memory_space<hbm>>
    %dma_start3A_354 = arith.constant 0 : i32
    %dma_start3A_355 = tpu.memref_slice %arg5[%add3A_351, %dma_start3A_354] : memref<32768x512xf32, #tpu.memory_space<hbm>> -> memref<32x512xf32, #tpu.memory_space<hbm>>
    tpu.enqueue_dma source(%arg10 : memref<32x512xf32, #tpu.memory_space<vmem>>) target(%dma_start3A_355 : memref<32x512xf32, #tpu.memory_space<hbm>>) target_semaphore(%arg14 : memref<!tpu.dma_semaphore, #tpu.memory_space<semaphore_mem>>)
    %mul3A_356 = arith.constant 4 : i32
    %mul3A_357 = arith.muli %arg1, %mul3A_356 : i32
    %add3A_358 = arith.constant 2 : i32
    %add3A_359 = arith.addi %mul3A_357, %add3A_358 : i32
    %mul3A_360 = arith.constant 512 : i32
    %mul3A_361 = arith.muli %add3A_359, %mul3A_360 : i32
    %add3A_362 = arith.constant 0 : i32
    %add3A_363 = arith.addi %mul3A_361, %add3A_362 : i32
    %add3A_364 = arith.addi %add3A_363, %add3A_296 : i32
    %dma_start3A_365 = arith.constant 0 : i32
    %dma_start3A_366 = tpu.memref_slice %arg5[%add3A_364, %dma_start3A_365] : memref<32768x512xf32, #tpu.memory_space<hbm>> -> memref<32x512xf32, #tpu.memory_space<hbm>>
    %dma_start3A_367 = arith.constant 0 : i32
    %dma_start3A_368 = tpu.memref_slice %arg5[%add3A_364, %dma_start3A_367] : memref<32768x512xf32, #tpu.memory_space<hbm>> -> memref<32x512xf32, #tpu.memory_space<hbm>>
    tpu.enqueue_dma source(%arg10 : memref<32x512xf32, #tpu.memory_space<vmem>>) target(%dma_start3A_368 : memref<32x512xf32, #tpu.memory_space<hbm>>) target_semaphore(%arg14 : memref<!tpu.dma_semaphore, #tpu.memory_space<semaphore_mem>>)
    %mul3A_369 = arith.constant 4 : i32
    %mul3A_370 = arith.muli %arg1, %mul3A_369 : i32
    %add3A_371 = arith.constant 2 : i32
    %add3A_372 = arith.addi %mul3A_370, %add3A_371 : i32
    %mul3A_373 = arith.constant 512 : i32
    %mul3A_374 = arith.muli %add3A_372, %mul3A_373 : i32
    %add3A_375 = arith.constant 256 : i32
    %add3A_376 = arith.addi %mul3A_374, %add3A_375 : i32
    %add3A_377 = arith.addi %add3A_376, %add3A_296 : i32
    %dma_start3A_378 = arith.constant 0 : i32
    %dma_start3A_379 = tpu.memref_slice %arg5[%add3A_377, %dma_start3A_378] : memref<32768x512xf32, #tpu.memory_space<hbm>> -> memref<32x512xf32, #tpu.memory_space<hbm>>
    %dma_start3A_380 = arith.constant 0 : i32
    %dma_start3A_381 = tpu.memref_slice %arg5[%add3A_377, %dma_start3A_380] : memref<32768x512xf32, #tpu.memory_space<hbm>> -> memref<32x512xf32, #tpu.memory_space<hbm>>
    tpu.enqueue_dma source(%arg10 : memref<32x512xf32, #tpu.memory_space<vmem>>) target(%dma_start3A_381 : memref<32x512xf32, #tpu.memory_space<hbm>>) target_semaphore(%arg14 : memref<!tpu.dma_semaphore, #tpu.memory_space<semaphore_mem>>)
    %mul3A_382 = arith.constant 4 : i32
    %mul3A_383 = arith.muli %arg1, %mul3A_382 : i32
    %add3A_384 = arith.constant 3 : i32
    %add3A_385 = arith.addi %mul3A_383, %add3A_384 : i32
    %mul3A_386 = arith.constant 512 : i32
    %mul3A_387 = arith.muli %add3A_385, %mul3A_386 : i32
    %add3A_388 = arith.constant 0 : i32
    %add3A_389 = arith.addi %mul3A_387, %add3A_388 : i32
    %add3A_390 = arith.addi %add3A_389, %add3A_296 : i32
    %dma_start3A_391 = arith.constant 0 : i32
    %dma_start3A_392 = tpu.memref_slice %arg5[%add3A_390, %dma_start3A_391] : memref<32768x512xf32, #tpu.memory_space<hbm>> -> memref<32x512xf32, #tpu.memory_space<hbm>>
    %dma_start3A_393 = arith.constant 0 : i32
    %dma_start3A_394 = tpu.memref_slice %arg5[%add3A_390, %dma_start3A_393] : memref<32768x512xf32, #tpu.memory_space<hbm>> -> memref<32x512xf32, #tpu.memory_space<hbm>>
    tpu.enqueue_dma source(%arg10 : memref<32x512xf32, #tpu.memory_space<vmem>>) target(%dma_start3A_394 : memref<32x512xf32, #tpu.memory_space<hbm>>) target_semaphore(%arg14 : memref<!tpu.dma_semaphore, #tpu.memory_space<semaphore_mem>>)
    %mul3A_395 = arith.constant 4 : i32
    %mul3A_396 = arith.muli %arg1, %mul3A_395 : i32
    %add3A_397 = arith.constant 3 : i32
    %add3A_398 = arith.addi %mul3A_396, %add3A_397 : i32
    %mul3A_399 = arith.constant 512 : i32
    %mul3A_400 = arith.muli %add3A_398, %mul3A_399 : i32
    %add3A_401 = arith.constant 256 : i32
    %add3A_402 = arith.addi %mul3A_400, %add3A_401 : i32
    %add3A_403 = arith.addi %add3A_402, %add3A_296 : i32
    %dma_start3A_404 = arith.constant 0 : i32
    %dma_start3A_405 = tpu.memref_slice %arg5[%add3A_403, %dma_start3A_404] : memref<32768x512xf32, #tpu.memory_space<hbm>> -> memref<32x512xf32, #tpu.memory_space<hbm>>
    %dma_start3A_406 = arith.constant 0 : i32
    %dma_start3A_407 = tpu.memref_slice %arg5[%add3A_403, %dma_start3A_406] : memref<32768x512xf32, #tpu.memory_space<hbm>> -> memref<32x512xf32, #tpu.memory_space<hbm>>
    tpu.enqueue_dma source(%arg10 : memref<32x512xf32, #tpu.memory_space<vmem>>) target(%dma_start3A_407 : memref<32x512xf32, #tpu.memory_space<hbm>>) target_semaphore(%arg14 : memref<!tpu.dma_semaphore, #tpu.memory_space<semaphore_mem>>)
    %mul3A_408 = arith.constant 128 : i32
    %mul3A_409 = arith.muli %arg0, %mul3A_408 : i32
    %add3A_410 = arith.constant 64 : i32
    %add3A_411 = arith.addi %mul3A_409, %add3A_410 : i32
    %scan3A_412 = arith.constant 0 : i32
    %scan3A_413 = arith.constant 0 : i32
    %scan3A_414 = arith.constant 16 : i32
    %scan3A_415 = arith.addi %scan3A_413, %scan3A_414 : i32
    %scan3A_416 = arith.constant 1 : i32
    %scan3A_417 = scf.for %scan3A_766 = %scan3A_413 to %scan3A_415 step %scan3A_416 iter_args(%scan3A_767 = %scan3A_412) -> (i32)  : i32 {
      %mul3A_768 = arith.constant 2 : i32
      %mul3A_769 = arith.muli %scan3A_766, %mul3A_768 : i32
      %add3A_770 = arith.constant 0 : i32
      %add3A_771 = arith.addi %mul3A_769, %add3A_770 : i32
      %add3A_772 = arith.addi %add3A_411, %add3A_771 : i32
      %broadcast_in_dim3A = vector.broadcast %add3A_772 : i32 to vector<16xi32>
      %gather3A = tpu.vector_load_idx %arg7[%broadcast_in_dim3A] : memref<512xi32, #tpu.memory_space<vmem>>[vector<16xi32>], vector<16xi32>,
      %add3A_773 = arith.constant 256 : i32
      %add3A_774 = vector.broadcast %add3A_773 : i32 to vector<16xi32>
      %add3A_775 = arith.addi %broadcast_in_dim3A, %add3A_774 : vector<16xi32>
      %gather3A_776 = tpu.vector_load_idx %arg7[%add3A_775] : memref<512xi32, #tpu.memory_space<vmem>>[vector<16xi32>], vector<16xi32>,
      %add3A_777 = arith.addi %gather3A, %get3A_116 : vector<16xi32>
      %add3A_778 = arith.addi %gather3A_776, %get3A_148 : vector<16xi32>
      %gather3A_779 = tpu.vector_load_idx %arg6[%add3A_777, %add3A_778] : memref<256x256xf32, #tpu.memory_space<vmem>>[vector<16xi32>, vector<16xi32>], vector<16xf32>,
      %swap3A = arith.index_cast %add3A_771 : i32 to index
      %swap3A_780 = arith.constant 0 : index
      %swap3A_781 = tpu.vector_load %arg11[%swap3A, %swap3A_780] {strides = array<i32>} : memref<32x512xf32, #tpu.memory_space<vmem>>, vector<16xf32>,
      tpu.vector_store %arg11[%swap3A, %swap3A_780], %gather3A_779 {strides = array<i32>} : memref<32x512xf32, #tpu.memory_space<vmem>>, vector<16xf32>,
      %swap3A_782 = arith.index_cast %add3A_771 : i32 to index
      %swap3A_783 = arith.constant 256 : index
      %swap3A_784 = tpu.vector_load %arg11[%swap3A_782, %swap3A_783] {strides = array<i32>} : memref<32x512xf32, #tpu.memory_space<vmem>>, vector<16xf32>,
      tpu.vector_store %arg11[%swap3A_782, %swap3A_783], %gather3A_779 {strides = array<i32>} : memref<32x512xf32, #tpu.memory_space<vmem>>, vector<16xf32>,
      %add3A_785 = arith.addi %gather3A, %get3A_118 : vector<16xi32>
      %add3A_786 = arith.addi %gather3A_776, %get3A_150 : vector<16xi32>
      %gather3A_787 = tpu.vector_load_idx %arg6[%add3A_785, %add3A_786] : memref<256x256xf32, #tpu.memory_space<vmem>>[vector<16xi32>, vector<16xi32>], vector<16xf32>,
      %swap3A_788 = arith.index_cast %add3A_771 : i32 to index
      %swap3A_789 = arith.constant 16 : index
      %swap3A_790 = tpu.vector_load %arg11[%swap3A_788, %swap3A_789] {strides = array<i32>} : memref<32x512xf32, #tpu.memory_space<vmem>>, vector<16xf32>,
      tpu.vector_store %arg11[%swap3A_788, %swap3A_789], %gather3A_787 {strides = array<i32>} : memref<32x512xf32, #tpu.memory_space<vmem>>, vector<16xf32>,
      %swap3A_791 = arith.index_cast %add3A_771 : i32 to index
      %swap3A_792 = arith.constant 272 : index
      %swap3A_793 = tpu.vector_load %arg11[%swap3A_791, %swap3A_792] {strides = array<i32>} : memref<32x512xf32, #tpu.memory_space<vmem>>, vector<16xf32>,
      tpu.vector_store %arg11[%swap3A_791, %swap3A_792], %gather3A_787 {strides = array<i32>} : memref<32x512xf32, #tpu.memory_space<vmem>>, vector<16xf32>,
      %add3A_794 = arith.addi %gather3A, %get3A_120 : vector<16xi32>
      %add3A_795 = arith.addi %gather3A_776, %get3A_152 : vector<16xi32>
      %gather3A_796 = tpu.vector_load_idx %arg6[%add3A_794, %add3A_795] : memref<256x256xf32, #tpu.memory_space<vmem>>[vector<16xi32>, vector<16xi32>], vector<16xf32>,
      %swap3A_797 = arith.index_cast %add3A_771 : i32 to index
      %swap3A_798 = arith.constant 32 : index
      %swap3A_799 = tpu.vector_load %arg11[%swap3A_797, %swap3A_798] {strides = array<i32>} : memref<32x512xf32, #tpu.memory_space<vmem>>, vector<16xf32>,
      tpu.vector_store %arg11[%swap3A_797, %swap3A_798], %gather3A_796 {strides = array<i32>} : memref<32x512xf32, #tpu.memory_space<vmem>>, vector<16xf32>,
      %swap3A_800 = arith.index_cast %add3A_771 : i32 to index
      %swap3A_801 = arith.constant 288 : index
      %swap3A_802 = tpu.vector_load %arg11[%swap3A_800, %swap3A_801] {strides = array<i32>} : memref<32x512xf32, #tpu.memory_space<vmem>>, vector<16xf32>,
      tpu.vector_store %arg11[%swap3A_800, %swap3A_801], %gather3A_796 {strides = array<i32>} : memref<32x512xf32, #tpu.memory_space<vmem>>, vector<16xf32>,
      %add3A_803 = arith.addi %gather3A, %get3A_122 : vector<16xi32>
      %add3A_804 = arith.addi %gather3A_776, %get3A_154 : vector<16xi32>
      %gather3A_805 = tpu.vector_load_idx %arg6[%add3A_803, %add3A_804] : memref<256x256xf32, #tpu.memory_space<vmem>>[vector<16xi32>, vector<16xi32>], vector<16xf32>,
      %swap3A_806 = arith.index_cast %add3A_771 : i32 to index
      %swap3A_807 = arith.constant 48 : index
      %swap3A_808 = tpu.vector_load %arg11[%swap3A_806, %swap3A_807] {strides = array<i32>} : memref<32x512xf32, #tpu.memory_space<vmem>>, vector<16xf32>,
      tpu.vector_store %arg11[%swap3A_806, %swap3A_807], %gather3A_805 {strides = array<i32>} : memref<32x512xf32, #tpu.memory_space<vmem>>, vector<16xf32>,
      %swap3A_809 = arith.index_cast %add3A_771 : i32 to index
      %swap3A_810 = arith.constant 304 : index
      %swap3A_811 = tpu.vector_load %arg11[%swap3A_809, %swap3A_810] {strides = array<i32>} : memref<32x512xf32, #tpu.memory_space<vmem>>, vector<16xf32>,
      tpu.vector_store %arg11[%swap3A_809, %swap3A_810], %gather3A_805 {strides = array<i32>} : memref<32x512xf32, #tpu.memory_space<vmem>>, vector<16xf32>,
      %add3A_812 = arith.addi %gather3A, %get3A_124 : vector<16xi32>
      %add3A_813 = arith.addi %gather3A_776, %get3A_156 : vector<16xi32>
      %gather3A_814 = tpu.vector_load_idx %arg6[%add3A_812, %add3A_813] : memref<256x256xf32, #tpu.memory_space<vmem>>[vector<16xi32>, vector<16xi32>], vector<16xf32>,
      %swap3A_815 = arith.index_cast %add3A_771 : i32 to index
      %swap3A_816 = arith.constant 64 : index
      %swap3A_817 = tpu.vector_load %arg11[%swap3A_815, %swap3A_816] {strides = array<i32>} : memref<32x512xf32, #tpu.memory_space<vmem>>, vector<16xf32>,
      tpu.vector_store %arg11[%swap3A_815, %swap3A_816], %gather3A_814 {strides = array<i32>} : memref<32x512xf32, #tpu.memory_space<vmem>>, vector<16xf32>,
      %swap3A_818 = arith.index_cast %add3A_771 : i32 to index
      %swap3A_819 = arith.constant 320 : index
      %swap3A_820 = tpu.vector_load %arg11[%swap3A_818, %swap3A_819] {strides = array<i32>} : memref<32x512xf32, #tpu.memory_space<vmem>>, vector<16xf32>,
      tpu.vector_store %arg11[%swap3A_818, %swap3A_819], %gather3A_814 {strides = array<i32>} : memref<32x512xf32, #tpu.memory_space<vmem>>, vector<16xf32>,
      %add3A_821 = arith.addi %gather3A, %get3A_126 : vector<16xi32>
      %add3A_822 = arith.addi %gather3A_776, %get3A_158 : vector<16xi32>
      %gather3A_823 = tpu.vector_load_idx %arg6[%add3A_821, %add3A_822] : memref<256x256xf32, #tpu.memory_space<vmem>>[vector<16xi32>, vector<16xi32>], vector<16xf32>,
      %swap3A_824 = arith.index_cast %add3A_771 : i32 to index
      %swap3A_825 = arith.constant 80 : index
      %swap3A_826 = tpu.vector_load %arg11[%swap3A_824, %swap3A_825] {strides = array<i32>} : memref<32x512xf32, #tpu.memory_space<vmem>>, vector<16xf32>,
      tpu.vector_store %arg11[%swap3A_824, %swap3A_825], %gather3A_823 {strides = array<i32>} : memref<32x512xf32, #tpu.memory_space<vmem>>, vector<16xf32>,
      %swap3A_827 = arith.index_cast %add3A_771 : i32 to index
      %swap3A_828 = arith.constant 336 : index
      %swap3A_829 = tpu.vector_load %arg11[%swap3A_827, %swap3A_828] {strides = array<i32>} : memref<32x512xf32, #tpu.memory_space<vmem>>, vector<16xf32>,
      tpu.vector_store %arg11[%swap3A_827, %swap3A_828], %gather3A_823 {strides = array<i32>} : memref<32x512xf32, #tpu.memory_space<vmem>>, vector<16xf32>,
      %add3A_830 = arith.addi %gather3A, %get3A_128 : vector<16xi32>
      %add3A_831 = arith.addi %gather3A_776, %get3A_160 : vector<16xi32>
      %gather3A_832 = tpu.vector_load_idx %arg6[%add3A_830, %add3A_831] : memref<256x256xf32, #tpu.memory_space<vmem>>[vector<16xi32>, vector<16xi32>], vector<16xf32>,
      %swap3A_833 = arith.index_cast %add3A_771 : i32 to index
      %swap3A_834 = arith.constant 96 : index
      %swap3A_835 = tpu.vector_load %arg11[%swap3A_833, %swap3A_834] {strides = array<i32>} : memref<32x512xf32, #tpu.memory_space<vmem>>, vector<16xf32>,
      tpu.vector_store %arg11[%swap3A_833, %swap3A_834], %gather3A_832 {strides = array<i32>} : memref<32x512xf32, #tpu.memory_space<vmem>>, vector<16xf32>,
      %swap3A_836 = arith.index_cast %add3A_771 : i32 to index
      %swap3A_837 = arith.constant 352 : index
      %swap3A_838 = tpu.vector_load %arg11[%swap3A_836, %swap3A_837] {strides = array<i32>} : memref<32x512xf32, #tpu.memory_space<vmem>>, vector<16xf32>,
      tpu.vector_store %arg11[%swap3A_836, %swap3A_837], %gather3A_832 {strides = array<i32>} : memref<32x512xf32, #tpu.memory_space<vmem>>, vector<16xf32>,
      %add3A_839 = arith.addi %gather3A, %get3A_130 : vector<16xi32>
      %add3A_840 = arith.addi %gather3A_776, %get3A_162 : vector<16xi32>
      %gather3A_841 = tpu.vector_load_idx %arg6[%add3A_839, %add3A_840] : memref<256x256xf32, #tpu.memory_space<vmem>>[vector<16xi32>, vector<16xi32>], vector<16xf32>,
      %swap3A_842 = arith.index_cast %add3A_771 : i32 to index
      %swap3A_843 = arith.constant 112 : index
      %swap3A_844 = tpu.vector_load %arg11[%swap3A_842, %swap3A_843] {strides = array<i32>} : memref<32x512xf32, #tpu.memory_space<vmem>>, vector<16xf32>,
      tpu.vector_store %arg11[%swap3A_842, %swap3A_843], %gather3A_841 {strides = array<i32>} : memref<32x512xf32, #tpu.memory_space<vmem>>, vector<16xf32>,
      %swap3A_845 = arith.index_cast %add3A_771 : i32 to index
      %swap3A_846 = arith.constant 368 : index
      %swap3A_847 = tpu.vector_load %arg11[%swap3A_845, %swap3A_846] {strides = array<i32>} : memref<32x512xf32, #tpu.memory_space<vmem>>, vector<16xf32>,
      tpu.vector_store %arg11[%swap3A_845, %swap3A_846], %gather3A_841 {strides = array<i32>} : memref<32x512xf32, #tpu.memory_space<vmem>>, vector<16xf32>,
      %add3A_848 = arith.addi %gather3A, %get3A_132 : vector<16xi32>
      %add3A_849 = arith.addi %gather3A_776, %get3A_164 : vector<16xi32>
      %gather3A_850 = tpu.vector_load_idx %arg6[%add3A_848, %add3A_849] : memref<256x256xf32, #tpu.memory_space<vmem>>[vector<16xi32>, vector<16xi32>], vector<16xf32>,
      %swap3A_851 = arith.index_cast %add3A_771 : i32 to index
      %swap3A_852 = arith.constant 128 : index
      %swap3A_853 = tpu.vector_load %arg11[%swap3A_851, %swap3A_852] {strides = array<i32>} : memref<32x512xf32, #tpu.memory_space<vmem>>, vector<16xf32>,
      tpu.vector_store %arg11[%swap3A_851, %swap3A_852], %gather3A_850 {strides = array<i32>} : memref<32x512xf32, #tpu.memory_space<vmem>>, vector<16xf32>,
      %swap3A_854 = arith.index_cast %add3A_771 : i32 to index
      %swap3A_855 = arith.constant 384 : index
      %swap3A_856 = tpu.vector_load %arg11[%swap3A_854, %swap3A_855] {strides = array<i32>} : memref<32x512xf32, #tpu.memory_space<vmem>>, vector<16xf32>,
      tpu.vector_store %arg11[%swap3A_854, %swap3A_855], %gather3A_850 {strides = array<i32>} : memref<32x512xf32, #tpu.memory_space<vmem>>, vector<16xf32>,
      %add3A_857 = arith.addi %gather3A, %get3A_134 : vector<16xi32>
      %add3A_858 = arith.addi %gather3A_776, %get3A_166 : vector<16xi32>
      %gather3A_859 = tpu.vector_load_idx %arg6[%add3A_857, %add3A_858] : memref<256x256xf32, #tpu.memory_space<vmem>>[vector<16xi32>, vector<16xi32>], vector<16xf32>,
      %swap3A_860 = arith.index_cast %add3A_771 : i32 to index
      %swap3A_861 = arith.constant 144 : index
      %swap3A_862 = tpu.vector_load %arg11[%swap3A_860, %swap3A_861] {strides = array<i32>} : memref<32x512xf32, #tpu.memory_space<vmem>>, vector<16xf32>,
      tpu.vector_store %arg11[%swap3A_860, %swap3A_861], %gather3A_859 {strides = array<i32>} : memref<32x512xf32, #tpu.memory_space<vmem>>, vector<16xf32>,
      %swap3A_863 = arith.index_cast %add3A_771 : i32 to index
      %swap3A_864 = arith.constant 400 : index
      %swap3A_865 = tpu.vector_load %arg11[%swap3A_863, %swap3A_864] {strides = array<i32>} : memref<32x512xf32, #tpu.memory_space<vmem>>, vector<16xf32>,
      tpu.vector_store %arg11[%swap3A_863, %swap3A_864], %gather3A_859 {strides = array<i32>} : memref<32x512xf32, #tpu.memory_space<vmem>>, vector<16xf32>,
      %add3A_866 = arith.addi %gather3A, %get3A_136 : vector<16xi32>
      %add3A_867 = arith.addi %gather3A_776, %get3A_168 : vector<16xi32>
      %gather3A_868 = tpu.vector_load_idx %arg6[%add3A_866, %add3A_867] : memref<256x256xf32, #tpu.memory_space<vmem>>[vector<16xi32>, vector<16xi32>], vector<16xf32>,
      %swap3A_869 = arith.index_cast %add3A_771 : i32 to index
      %swap3A_870 = arith.constant 160 : index
      %swap3A_871 = tpu.vector_load %arg11[%swap3A_869, %swap3A_870] {strides = array<i32>} : memref<32x512xf32, #tpu.memory_space<vmem>>, vector<16xf32>,
      tpu.vector_store %arg11[%swap3A_869, %swap3A_870], %gather3A_868 {strides = array<i32>} : memref<32x512xf32, #tpu.memory_space<vmem>>, vector<16xf32>,
      %swap3A_872 = arith.index_cast %add3A_771 : i32 to index
      %swap3A_873 = arith.constant 416 : index
      %swap3A_874 = tpu.vector_load %arg11[%swap3A_872, %swap3A_873] {strides = array<i32>} : memref<32x512xf32, #tpu.memory_space<vmem>>, vector<16xf32>,
      tpu.vector_store %arg11[%swap3A_872, %swap3A_873], %gather3A_868 {strides = array<i32>} : memref<32x512xf32, #tpu.memory_space<vmem>>, vector<16xf32>,
      %add3A_875 = arith.addi %gather3A, %get3A_138 : vector<16xi32>
      %add3A_876 = arith.addi %gather3A_776, %get3A_170 : vector<16xi32>
      %gather3A_877 = tpu.vector_load_idx %arg6[%add3A_875, %add3A_876] : memref<256x256xf32, #tpu.memory_space<vmem>>[vector<16xi32>, vector<16xi32>], vector<16xf32>,
      %swap3A_878 = arith.index_cast %add3A_771 : i32 to index
      %swap3A_879 = arith.constant 176 : index
      %swap3A_880 = tpu.vector_load %arg11[%swap3A_878, %swap3A_879] {strides = array<i32>} : memref<32x512xf32, #tpu.memory_space<vmem>>, vector<16xf32>,
      tpu.vector_store %arg11[%swap3A_878, %swap3A_879], %gather3A_877 {strides = array<i32>} : memref<32x512xf32, #tpu.memory_space<vmem>>, vector<16xf32>,
      %swap3A_881 = arith.index_cast %add3A_771 : i32 to index
      %swap3A_882 = arith.constant 432 : index
      %swap3A_883 = tpu.vector_load %arg11[%swap3A_881, %swap3A_882] {strides = array<i32>} : memref<32x512xf32, #tpu.memory_space<vmem>>, vector<16xf32>,
      tpu.vector_store %arg11[%swap3A_881, %swap3A_882], %gather3A_877 {strides = array<i32>} : memref<32x512xf32, #tpu.memory_space<vmem>>, vector<16xf32>,
      %add3A_884 = arith.addi %gather3A, %get3A_140 : vector<16xi32>
      %add3A_885 = arith.addi %gather3A_776, %get3A_172 : vector<16xi32>
      %gather3A_886 = tpu.vector_load_idx %arg6[%add3A_884, %add3A_885] : memref<256x256xf32, #tpu.memory_space<vmem>>[vector<16xi32>, vector<16xi32>], vector<16xf32>,
      %swap3A_887 = arith.index_cast %add3A_771 : i32 to index
      %swap3A_888 = arith.constant 192 : index
      %swap3A_889 = tpu.vector_load %arg11[%swap3A_887, %swap3A_888] {strides = array<i32>} : memref<32x512xf32, #tpu.memory_space<vmem>>, vector<16xf32>,
      tpu.vector_store %arg11[%swap3A_887, %swap3A_888], %gather3A_886 {strides = array<i32>} : memref<32x512xf32, #tpu.memory_space<vmem>>, vector<16xf32>,
      %swap3A_890 = arith.index_cast %add3A_771 : i32 to index
      %swap3A_891 = arith.constant 448 : index
      %swap3A_892 = tpu.vector_load %arg11[%swap3A_890, %swap3A_891] {strides = array<i32>} : memref<32x512xf32, #tpu.memory_space<vmem>>, vector<16xf32>,
      tpu.vector_store %arg11[%swap3A_890, %swap3A_891], %gather3A_886 {strides = array<i32>} : memref<32x512xf32, #tpu.memory_space<vmem>>, vector<16xf32>,
      %add3A_893 = arith.addi %gather3A, %get3A_142 : vector<16xi32>
      %add3A_894 = arith.addi %gather3A_776, %get3A_174 : vector<16xi32>
      %gather3A_895 = tpu.vector_load_idx %arg6[%add3A_893, %add3A_894] : memref<256x256xf32, #tpu.memory_space<vmem>>[vector<16xi32>, vector<16xi32>], vector<16xf32>,
      %swap3A_896 = arith.index_cast %add3A_771 : i32 to index
      %swap3A_897 = arith.constant 208 : index
      %swap3A_898 = tpu.vector_load %arg11[%swap3A_896, %swap3A_897] {strides = array<i32>} : memref<32x512xf32, #tpu.memory_space<vmem>>, vector<16xf32>,
      tpu.vector_store %arg11[%swap3A_896, %swap3A_897], %gather3A_895 {strides = array<i32>} : memref<32x512xf32, #tpu.memory_space<vmem>>, vector<16xf32>,
      %swap3A_899 = arith.index_cast %add3A_771 : i32 to index
      %swap3A_900 = arith.constant 464 : index
      %swap3A_901 = tpu.vector_load %arg11[%swap3A_899, %swap3A_900] {strides = array<i32>} : memref<32x512xf32, #tpu.memory_space<vmem>>, vector<16xf32>,
      tpu.vector_store %arg11[%swap3A_899, %swap3A_900], %gather3A_895 {strides = array<i32>} : memref<32x512xf32, #tpu.memory_space<vmem>>, vector<16xf32>,
      %add3A_902 = arith.addi %gather3A, %get3A_144 : vector<16xi32>
      %add3A_903 = arith.addi %gather3A_776, %get3A_176 : vector<16xi32>
      %gather3A_904 = tpu.vector_load_idx %arg6[%add3A_902, %add3A_903] : memref<256x256xf32, #tpu.memory_space<vmem>>[vector<16xi32>, vector<16xi32>], vector<16xf32>,
      %swap3A_905 = arith.index_cast %add3A_771 : i32 to index
      %swap3A_906 = arith.constant 224 : index
      %swap3A_907 = tpu.vector_load %arg11[%swap3A_905, %swap3A_906] {strides = array<i32>} : memref<32x512xf32, #tpu.memory_space<vmem>>, vector<16xf32>,
      tpu.vector_store %arg11[%swap3A_905, %swap3A_906], %gather3A_904 {strides = array<i32>} : memref<32x512xf32, #tpu.memory_space<vmem>>, vector<16xf32>,
      %swap3A_908 = arith.index_cast %add3A_771 : i32 to index
      %swap3A_909 = arith.constant 480 : index
      %swap3A_910 = tpu.vector_load %arg11[%swap3A_908, %swap3A_909] {strides = array<i32>} : memref<32x512xf32, #tpu.memory_space<vmem>>, vector<16xf32>,
      tpu.vector_store %arg11[%swap3A_908, %swap3A_909], %gather3A_904 {strides = array<i32>} : memref<32x512xf32, #tpu.memory_space<vmem>>, vector<16xf32>,
      %add3A_911 = arith.addi %gather3A, %get3A_146 : vector<16xi32>
      %add3A_912 = arith.addi %gather3A_776, %get3A_178 : vector<16xi32>
      %gather3A_913 = tpu.vector_load_idx %arg6[%add3A_911, %add3A_912] : memref<256x256xf32, #tpu.memory_space<vmem>>[vector<16xi32>, vector<16xi32>], vector<16xf32>,
      %swap3A_914 = arith.index_cast %add3A_771 : i32 to index
      %swap3A_915 = arith.constant 240 : index
      %swap3A_916 = tpu.vector_load %arg11[%swap3A_914, %swap3A_915] {strides = array<i32>} : memref<32x512xf32, #tpu.memory_space<vmem>>, vector<16xf32>,
      tpu.vector_store %arg11[%swap3A_914, %swap3A_915], %gather3A_913 {strides = array<i32>} : memref<32x512xf32, #tpu.memory_space<vmem>>, vector<16xf32>,
      %swap3A_917 = arith.index_cast %add3A_771 : i32 to index
      %swap3A_918 = arith.constant 496 : index
      %swap3A_919 = tpu.vector_load %arg11[%swap3A_917, %swap3A_918] {strides = array<i32>} : memref<32x512xf32, #tpu.memory_space<vmem>>, vector<16xf32>,
      tpu.vector_store %arg11[%swap3A_917, %swap3A_918], %gather3A_913 {strides = array<i32>} : memref<32x512xf32, #tpu.memory_space<vmem>>, vector<16xf32>,
      %mul3A_920 = arith.constant 2 : i32
      %mul3A_921 = arith.muli %scan3A_766, %mul3A_920 : i32
      %add3A_922 = arith.constant 1 : i32
      %add3A_923 = arith.addi %mul3A_921, %add3A_922 : i32
      %add3A_924 = arith.addi %add3A_411, %add3A_923 : i32
      %broadcast_in_dim3A_925 = vector.broadcast %add3A_924 : i32 to vector<16xi32>
      %gather3A_926 = tpu.vector_load_idx %arg7[%broadcast_in_dim3A_925] : memref<512xi32, #tpu.memory_space<vmem>>[vector<16xi32>], vector<16xi32>,
      %add3A_927 = arith.constant 256 : i32
      %add3A_928 = vector.broadcast %add3A_927 : i32 to vector<16xi32>
      %add3A_929 = arith.addi %broadcast_in_dim3A_925, %add3A_928 : vector<16xi32>
      %gather3A_930 = tpu.vector_load_idx %arg7[%add3A_929] : memref<512xi32, #tpu.memory_space<vmem>>[vector<16xi32>], vector<16xi32>,
      %add3A_931 = arith.addi %gather3A_926, %get3A_116 : vector<16xi32>
      %add3A_932 = arith.addi %gather3A_930, %get3A_148 : vector<16xi32>
      %gather3A_933 = tpu.vector_load_idx %arg6[%add3A_931, %add3A_932] : memref<256x256xf32, #tpu.memory_space<vmem>>[vector<16xi32>, vector<16xi32>], vector<16xf32>,
      %swap3A_934 = arith.index_cast %add3A_923 : i32 to index
      %swap3A_935 = arith.constant 0 : index
      %swap3A_936 = tpu.vector_load %arg11[%swap3A_934, %swap3A_935] {strides = array<i32>} : memref<32x512xf32, #tpu.memory_space<vmem>>, vector<16xf32>,
      tpu.vector_store %arg11[%swap3A_934, %swap3A_935], %gather3A_933 {strides = array<i32>} : memref<32x512xf32, #tpu.memory_space<vmem>>, vector<16xf32>,
      %swap3A_937 = arith.index_cast %add3A_923 : i32 to index
      %swap3A_938 = arith.constant 256 : index
      %swap3A_939 = tpu.vector_load %arg11[%swap3A_937, %swap3A_938] {strides = array<i32>} : memref<32x512xf32, #tpu.memory_space<vmem>>, vector<16xf32>,
      tpu.vector_store %arg11[%swap3A_937, %swap3A_938], %gather3A_933 {strides = array<i32>} : memref<32x512xf32, #tpu.memory_space<vmem>>, vector<16xf32>,
      %add3A_940 = arith.addi %gather3A_926, %get3A_118 : vector<16xi32>
      %add3A_941 = arith.addi %gather3A_930, %get3A_150 : vector<16xi32>
      %gather3A_942 = tpu.vector_load_idx %arg6[%add3A_940, %add3A_941] : memref<256x256xf32, #tpu.memory_space<vmem>>[vector<16xi32>, vector<16xi32>], vector<16xf32>,
      %swap3A_943 = arith.index_cast %add3A_923 : i32 to index
      %swap3A_944 = arith.constant 16 : index
      %swap3A_945 = tpu.vector_load %arg11[%swap3A_943, %swap3A_944] {strides = array<i32>} : memref<32x512xf32, #tpu.memory_space<vmem>>, vector<16xf32>,
      tpu.vector_store %arg11[%swap3A_943, %swap3A_944], %gather3A_942 {strides = array<i32>} : memref<32x512xf32, #tpu.memory_space<vmem>>, vector<16xf32>,
      %swap3A_946 = arith.index_cast %add3A_923 : i32 to index
      %swap3A_947 = arith.constant 272 : index
      %swap3A_948 = tpu.vector_load %arg11[%swap3A_946, %swap3A_947] {strides = array<i32>} : memref<32x512xf32, #tpu.memory_space<vmem>>, vector<16xf32>,
      tpu.vector_store %arg11[%swap3A_946, %swap3A_947], %gather3A_942 {strides = array<i32>} : memref<32x512xf32, #tpu.memory_space<vmem>>, vector<16xf32>,
      %add3A_949 = arith.addi %gather3A_926, %get3A_120 : vector<16xi32>
      %add3A_950 = arith.addi %gather3A_930, %get3A_152 : vector<16xi32>
      %gather3A_951 = tpu.vector_load_idx %arg6[%add3A_949, %add3A_950] : memref<256x256xf32, #tpu.memory_space<vmem>>[vector<16xi32>, vector<16xi32>], vector<16xf32>,
      %swap3A_952 = arith.index_cast %add3A_923 : i32 to index
      %swap3A_953 = arith.constant 32 : index
      %swap3A_954 = tpu.vector_load %arg11[%swap3A_952, %swap3A_953] {strides = array<i32>} : memref<32x512xf32, #tpu.memory_space<vmem>>, vector<16xf32>,
      tpu.vector_store %arg11[%swap3A_952, %swap3A_953], %gather3A_951 {strides = array<i32>} : memref<32x512xf32, #tpu.memory_space<vmem>>, vector<16xf32>,
      %swap3A_955 = arith.index_cast %add3A_923 : i32 to index
      %swap3A_956 = arith.constant 288 : index
      %swap3A_957 = tpu.vector_load %arg11[%swap3A_955, %swap3A_956] {strides = array<i32>} : memref<32x512xf32, #tpu.memory_space<vmem>>, vector<16xf32>,
      tpu.vector_store %arg11[%swap3A_955, %swap3A_956], %gather3A_951 {strides = array<i32>} : memref<32x512xf32, #tpu.memory_space<vmem>>, vector<16xf32>,
      %add3A_958 = arith.addi %gather3A_926, %get3A_122 : vector<16xi32>
      %add3A_959 = arith.addi %gather3A_930, %get3A_154 : vector<16xi32>
      %gather3A_960 = tpu.vector_load_idx %arg6[%add3A_958, %add3A_959] : memref<256x256xf32, #tpu.memory_space<vmem>>[vector<16xi32>, vector<16xi32>], vector<16xf32>,
      %swap3A_961 = arith.index_cast %add3A_923 : i32 to index
      %swap3A_962 = arith.constant 48 : index
      %swap3A_963 = tpu.vector_load %arg11[%swap3A_961, %swap3A_962] {strides = array<i32>} : memref<32x512xf32, #tpu.memory_space<vmem>>, vector<16xf32>,
      tpu.vector_store %arg11[%swap3A_961, %swap3A_962], %gather3A_960 {strides = array<i32>} : memref<32x512xf32, #tpu.memory_space<vmem>>, vector<16xf32>,
      %swap3A_964 = arith.index_cast %add3A_923 : i32 to index
      %swap3A_965 = arith.constant 304 : index
      %swap3A_966 = tpu.vector_load %arg11[%swap3A_964, %swap3A_965] {strides = array<i32>} : memref<32x512xf32, #tpu.memory_space<vmem>>, vector<16xf32>,
      tpu.vector_store %arg11[%swap3A_964, %swap3A_965], %gather3A_960 {strides = array<i32>} : memref<32x512xf32, #tpu.memory_space<vmem>>, vector<16xf32>,
      %add3A_967 = arith.addi %gather3A_926, %get3A_124 : vector<16xi32>
      %add3A_968 = arith.addi %gather3A_930, %get3A_156 : vector<16xi32>
      %gather3A_969 = tpu.vector_load_idx %arg6[%add3A_967, %add3A_968] : memref<256x256xf32, #tpu.memory_space<vmem>>[vector<16xi32>, vector<16xi32>], vector<16xf32>,
      %swap3A_970 = arith.index_cast %add3A_923 : i32 to index
      %swap3A_971 = arith.constant 64 : index
      %swap3A_972 = tpu.vector_load %arg11[%swap3A_970, %swap3A_971] {strides = array<i32>} : memref<32x512xf32, #tpu.memory_space<vmem>>, vector<16xf32>,
      tpu.vector_store %arg11[%swap3A_970, %swap3A_971], %gather3A_969 {strides = array<i32>} : memref<32x512xf32, #tpu.memory_space<vmem>>, vector<16xf32>,
      %swap3A_973 = arith.index_cast %add3A_923 : i32 to index
      %swap3A_974 = arith.constant 320 : index
      %swap3A_975 = tpu.vector_load %arg11[%swap3A_973, %swap3A_974] {strides = array<i32>} : memref<32x512xf32, #tpu.memory_space<vmem>>, vector<16xf32>,
      tpu.vector_store %arg11[%swap3A_973, %swap3A_974], %gather3A_969 {strides = array<i32>} : memref<32x512xf32, #tpu.memory_space<vmem>>, vector<16xf32>,
      %add3A_976 = arith.addi %gather3A_926, %get3A_126 : vector<16xi32>
      %add3A_977 = arith.addi %gather3A_930, %get3A_158 : vector<16xi32>
      %gather3A_978 = tpu.vector_load_idx %arg6[%add3A_976, %add3A_977] : memref<256x256xf32, #tpu.memory_space<vmem>>[vector<16xi32>, vector<16xi32>], vector<16xf32>,
      %swap3A_979 = arith.index_cast %add3A_923 : i32 to index
      %swap3A_980 = arith.constant 80 : index
      %swap3A_981 = tpu.vector_load %arg11[%swap3A_979, %swap3A_980] {strides = array<i32>} : memref<32x512xf32, #tpu.memory_space<vmem>>, vector<16xf32>,
      tpu.vector_store %arg11[%swap3A_979, %swap3A_980], %gather3A_978 {strides = array<i32>} : memref<32x512xf32, #tpu.memory_space<vmem>>, vector<16xf32>,
      %swap3A_982 = arith.index_cast %add3A_923 : i32 to index
      %swap3A_983 = arith.constant 336 : index
      %swap3A_984 = tpu.vector_load %arg11[%swap3A_982, %swap3A_983] {strides = array<i32>} : memref<32x512xf32, #tpu.memory_space<vmem>>, vector<16xf32>,
      tpu.vector_store %arg11[%swap3A_982, %swap3A_983], %gather3A_978 {strides = array<i32>} : memref<32x512xf32, #tpu.memory_space<vmem>>, vector<16xf32>,
      %add3A_985 = arith.addi %gather3A_926, %get3A_128 : vector<16xi32>
      %add3A_986 = arith.addi %gather3A_930, %get3A_160 : vector<16xi32>
      %gather3A_987 = tpu.vector_load_idx %arg6[%add3A_985, %add3A_986] : memref<256x256xf32, #tpu.memory_space<vmem>>[vector<16xi32>, vector<16xi32>], vector<16xf32>,
      %swap3A_988 = arith.index_cast %add3A_923 : i32 to index
      %swap3A_989 = arith.constant 96 : index
      %swap3A_990 = tpu.vector_load %arg11[%swap3A_988, %swap3A_989] {strides = array<i32>} : memref<32x512xf32, #tpu.memory_space<vmem>>, vector<16xf32>,
      tpu.vector_store %arg11[%swap3A_988, %swap3A_989], %gather3A_987 {strides = array<i32>} : memref<32x512xf32, #tpu.memory_space<vmem>>, vector<16xf32>,
      %swap3A_991 = arith.index_cast %add3A_923 : i32 to index
      %swap3A_992 = arith.constant 352 : index
      %swap3A_993 = tpu.vector_load %arg11[%swap3A_991, %swap3A_992] {strides = array<i32>} : memref<32x512xf32, #tpu.memory_space<vmem>>, vector<16xf32>,
      tpu.vector_store %arg11[%swap3A_991, %swap3A_992], %gather3A_987 {strides = array<i32>} : memref<32x512xf32, #tpu.memory_space<vmem>>, vector<16xf32>,
      %add3A_994 = arith.addi %gather3A_926, %get3A_130 : vector<16xi32>
      %add3A_995 = arith.addi %gather3A_930, %get3A_162 : vector<16xi32>
      %gather3A_996 = tpu.vector_load_idx %arg6[%add3A_994, %add3A_995] : memref<256x256xf32, #tpu.memory_space<vmem>>[vector<16xi32>, vector<16xi32>], vector<16xf32>,
      %swap3A_997 = arith.index_cast %add3A_923 : i32 to index
      %swap3A_998 = arith.constant 112 : index
      %swap3A_999 = tpu.vector_load %arg11[%swap3A_997, %swap3A_998] {strides = array<i32>} : memref<32x512xf32, #tpu.memory_space<vmem>>, vector<16xf32>,
      tpu.vector_store %arg11[%swap3A_997, %swap3A_998], %gather3A_996 {strides = array<i32>} : memref<32x512xf32, #tpu.memory_space<vmem>>, vector<16xf32>,
      %swap3A_1000 = arith.index_cast %add3A_923 : i32 to index
      %swap3A_1001 = arith.constant 368 : index
      %swap3A_1002 = tpu.vector_load %arg11[%swap3A_1000, %swap3A_1001] {strides = array<i32>} : memref<32x512xf32, #tpu.memory_space<vmem>>, vector<16xf32>,
      tpu.vector_store %arg11[%swap3A_1000, %swap3A_1001], %gather3A_996 {strides = array<i32>} : memref<32x512xf32, #tpu.memory_space<vmem>>, vector<16xf32>,
      %add3A_1003 = arith.addi %gather3A_926, %get3A_132 : vector<16xi32>
      %add3A_1004 = arith.addi %gather3A_930, %get3A_164 : vector<16xi32>
      %gather3A_1005 = tpu.vector_load_idx %arg6[%add3A_1003, %add3A_1004] : memref<256x256xf32, #tpu.memory_space<vmem>>[vector<16xi32>, vector<16xi32>], vector<16xf32>,
      %swap3A_1006 = arith.index_cast %add3A_923 : i32 to index
      %swap3A_1007 = arith.constant 128 : index
      %swap3A_1008 = tpu.vector_load %arg11[%swap3A_1006, %swap3A_1007] {strides = array<i32>} : memref<32x512xf32, #tpu.memory_space<vmem>>, vector<16xf32>,
      tpu.vector_store %arg11[%swap3A_1006, %swap3A_1007], %gather3A_1005 {strides = array<i32>} : memref<32x512xf32, #tpu.memory_space<vmem>>, vector<16xf32>,
      %swap3A_1009 = arith.index_cast %add3A_923 : i32 to index
      %swap3A_1010 = arith.constant 384 : index
      %swap3A_1011 = tpu.vector_load %arg11[%swap3A_1009, %swap3A_1010] {strides = array<i32>} : memref<32x512xf32, #tpu.memory_space<vmem>>, vector<16xf32>,
      tpu.vector_store %arg11[%swap3A_1009, %swap3A_1010], %gather3A_1005 {strides = array<i32>} : memref<32x512xf32, #tpu.memory_space<vmem>>, vector<16xf32>,
      %add3A_1012 = arith.addi %gather3A_926, %get3A_134 : vector<16xi32>
      %add3A_1013 = arith.addi %gather3A_930, %get3A_166 : vector<16xi32>
      %gather3A_1014 = tpu.vector_load_idx %arg6[%add3A_1012, %add3A_1013] : memref<256x256xf32, #tpu.memory_space<vmem>>[vector<16xi32>, vector<16xi32>], vector<16xf32>,
      %swap3A_1015 = arith.index_cast %add3A_923 : i32 to index
      %swap3A_1016 = arith.constant 144 : index
      %swap3A_1017 = tpu.vector_load %arg11[%swap3A_1015, %swap3A_1016] {strides = array<i32>} : memref<32x512xf32, #tpu.memory_space<vmem>>, vector<16xf32>,
      tpu.vector_store %arg11[%swap3A_1015, %swap3A_1016], %gather3A_1014 {strides = array<i32>} : memref<32x512xf32, #tpu.memory_space<vmem>>, vector<16xf32>,
      %swap3A_1018 = arith.index_cast %add3A_923 : i32 to index
      %swap3A_1019 = arith.constant 400 : index
      %swap3A_1020 = tpu.vector_load %arg11[%swap3A_1018, %swap3A_1019] {strides = array<i32>} : memref<32x512xf32, #tpu.memory_space<vmem>>, vector<16xf32>,
      tpu.vector_store %arg11[%swap3A_1018, %swap3A_1019], %gather3A_1014 {strides = array<i32>} : memref<32x512xf32, #tpu.memory_space<vmem>>, vector<16xf32>,
      %add3A_1021 = arith.addi %gather3A_926, %get3A_136 : vector<16xi32>
      %add3A_1022 = arith.addi %gather3A_930, %get3A_168 : vector<16xi32>
      %gather3A_1023 = tpu.vector_load_idx %arg6[%add3A_1021, %add3A_1022] : memref<256x256xf32, #tpu.memory_space<vmem>>[vector<16xi32>, vector<16xi32>], vector<16xf32>,
      %swap3A_1024 = arith.index_cast %add3A_923 : i32 to index
      %swap3A_1025 = arith.constant 160 : index
      %swap3A_1026 = tpu.vector_load %arg11[%swap3A_1024, %swap3A_1025] {strides = array<i32>} : memref<32x512xf32, #tpu.memory_space<vmem>>, vector<16xf32>,
      tpu.vector_store %arg11[%swap3A_1024, %swap3A_1025], %gather3A_1023 {strides = array<i32>} : memref<32x512xf32, #tpu.memory_space<vmem>>, vector<16xf32>,
      %swap3A_1027 = arith.index_cast %add3A_923 : i32 to index
      %swap3A_1028 = arith.constant 416 : index
      %swap3A_1029 = tpu.vector_load %arg11[%swap3A_1027, %swap3A_1028] {strides = array<i32>} : memref<32x512xf32, #tpu.memory_space<vmem>>, vector<16xf32>,
      tpu.vector_store %arg11[%swap3A_1027, %swap3A_1028], %gather3A_1023 {strides = array<i32>} : memref<32x512xf32, #tpu.memory_space<vmem>>, vector<16xf32>,
      %add3A_1030 = arith.addi %gather3A_926, %get3A_138 : vector<16xi32>
      %add3A_1031 = arith.addi %gather3A_930, %get3A_170 : vector<16xi32>
      %gather3A_1032 = tpu.vector_load_idx %arg6[%add3A_1030, %add3A_1031] : memref<256x256xf32, #tpu.memory_space<vmem>>[vector<16xi32>, vector<16xi32>], vector<16xf32>,
      %swap3A_1033 = arith.index_cast %add3A_923 : i32 to index
      %swap3A_1034 = arith.constant 176 : index
      %swap3A_1035 = tpu.vector_load %arg11[%swap3A_1033, %swap3A_1034] {strides = array<i32>} : memref<32x512xf32, #tpu.memory_space<vmem>>, vector<16xf32>,
      tpu.vector_store %arg11[%swap3A_1033, %swap3A_1034], %gather3A_1032 {strides = array<i32>} : memref<32x512xf32, #tpu.memory_space<vmem>>, vector<16xf32>,
      %swap3A_1036 = arith.index_cast %add3A_923 : i32 to index
      %swap3A_1037 = arith.constant 432 : index
      %swap3A_1038 = tpu.vector_load %arg11[%swap3A_1036, %swap3A_1037] {strides = array<i32>} : memref<32x512xf32, #tpu.memory_space<vmem>>, vector<16xf32>,
      tpu.vector_store %arg11[%swap3A_1036, %swap3A_1037], %gather3A_1032 {strides = array<i32>} : memref<32x512xf32, #tpu.memory_space<vmem>>, vector<16xf32>,
      %add3A_1039 = arith.addi %gather3A_926, %get3A_140 : vector<16xi32>
      %add3A_1040 = arith.addi %gather3A_930, %get3A_172 : vector<16xi32>
      %gather3A_1041 = tpu.vector_load_idx %arg6[%add3A_1039, %add3A_1040] : memref<256x256xf32, #tpu.memory_space<vmem>>[vector<16xi32>, vector<16xi32>], vector<16xf32>,
      %swap3A_1042 = arith.index_cast %add3A_923 : i32 to index
      %swap3A_1043 = arith.constant 192 : index
      %swap3A_1044 = tpu.vector_load %arg11[%swap3A_1042, %swap3A_1043] {strides = array<i32>} : memref<32x512xf32, #tpu.memory_space<vmem>>, vector<16xf32>,
      tpu.vector_store %arg11[%swap3A_1042, %swap3A_1043], %gather3A_1041 {strides = array<i32>} : memref<32x512xf32, #tpu.memory_space<vmem>>, vector<16xf32>,
      %swap3A_1045 = arith.index_cast %add3A_923 : i32 to index
      %swap3A_1046 = arith.constant 448 : index
      %swap3A_1047 = tpu.vector_load %arg11[%swap3A_1045, %swap3A_1046] {strides = array<i32>} : memref<32x512xf32, #tpu.memory_space<vmem>>, vector<16xf32>,
      tpu.vector_store %arg11[%swap3A_1045, %swap3A_1046], %gather3A_1041 {strides = array<i32>} : memref<32x512xf32, #tpu.memory_space<vmem>>, vector<16xf32>,
      %add3A_1048 = arith.addi %gather3A_926, %get3A_142 : vector<16xi32>
      %add3A_1049 = arith.addi %gather3A_930, %get3A_174 : vector<16xi32>
      %gather3A_1050 = tpu.vector_load_idx %arg6[%add3A_1048, %add3A_1049] : memref<256x256xf32, #tpu.memory_space<vmem>>[vector<16xi32>, vector<16xi32>], vector<16xf32>,
      %swap3A_1051 = arith.index_cast %add3A_923 : i32 to index
      %swap3A_1052 = arith.constant 208 : index
      %swap3A_1053 = tpu.vector_load %arg11[%swap3A_1051, %swap3A_1052] {strides = array<i32>} : memref<32x512xf32, #tpu.memory_space<vmem>>, vector<16xf32>,
      tpu.vector_store %arg11[%swap3A_1051, %swap3A_1052], %gather3A_1050 {strides = array<i32>} : memref<32x512xf32, #tpu.memory_space<vmem>>, vector<16xf32>,
      %swap3A_1054 = arith.index_cast %add3A_923 : i32 to index
      %swap3A_1055 = arith.constant 464 : index
      %swap3A_1056 = tpu.vector_load %arg11[%swap3A_1054, %swap3A_1055] {strides = array<i32>} : memref<32x512xf32, #tpu.memory_space<vmem>>, vector<16xf32>,
      tpu.vector_store %arg11[%swap3A_1054, %swap3A_1055], %gather3A_1050 {strides = array<i32>} : memref<32x512xf32, #tpu.memory_space<vmem>>, vector<16xf32>,
      %add3A_1057 = arith.addi %gather3A_926, %get3A_144 : vector<16xi32>
      %add3A_1058 = arith.addi %gather3A_930, %get3A_176 : vector<16xi32>
      %gather3A_1059 = tpu.vector_load_idx %arg6[%add3A_1057, %add3A_1058] : memref<256x256xf32, #tpu.memory_space<vmem>>[vector<16xi32>, vector<16xi32>], vector<16xf32>,
      %swap3A_1060 = arith.index_cast %add3A_923 : i32 to index
      %swap3A_1061 = arith.constant 224 : index
      %swap3A_1062 = tpu.vector_load %arg11[%swap3A_1060, %swap3A_1061] {strides = array<i32>} : memref<32x512xf32, #tpu.memory_space<vmem>>, vector<16xf32>,
      tpu.vector_store %arg11[%swap3A_1060, %swap3A_1061], %gather3A_1059 {strides = array<i32>} : memref<32x512xf32, #tpu.memory_space<vmem>>, vector<16xf32>,
      %swap3A_1063 = arith.index_cast %add3A_923 : i32 to index
      %swap3A_1064 = arith.constant 480 : index
      %swap3A_1065 = tpu.vector_load %arg11[%swap3A_1063, %swap3A_1064] {strides = array<i32>} : memref<32x512xf32, #tpu.memory_space<vmem>>, vector<16xf32>,
      tpu.vector_store %arg11[%swap3A_1063, %swap3A_1064], %gather3A_1059 {strides = array<i32>} : memref<32x512xf32, #tpu.memory_space<vmem>>, vector<16xf32>,
      %add3A_1066 = arith.addi %gather3A_926, %get3A_146 : vector<16xi32>
      %add3A_1067 = arith.addi %gather3A_930, %get3A_178 : vector<16xi32>
      %gather3A_1068 = tpu.vector_load_idx %arg6[%add3A_1066, %add3A_1067] : memref<256x256xf32, #tpu.memory_space<vmem>>[vector<16xi32>, vector<16xi32>], vector<16xf32>,
      %swap3A_1069 = arith.index_cast %add3A_923 : i32 to index
      %swap3A_1070 = arith.constant 240 : index
      %swap3A_1071 = tpu.vector_load %arg11[%swap3A_1069, %swap3A_1070] {strides = array<i32>} : memref<32x512xf32, #tpu.memory_space<vmem>>, vector<16xf32>,
      tpu.vector_store %arg11[%swap3A_1069, %swap3A_1070], %gather3A_1068 {strides = array<i32>} : memref<32x512xf32, #tpu.memory_space<vmem>>, vector<16xf32>,
      %swap3A_1072 = arith.index_cast %add3A_923 : i32 to index
      %swap3A_1073 = arith.constant 496 : index
      %swap3A_1074 = tpu.vector_load %arg11[%swap3A_1072, %swap3A_1073] {strides = array<i32>} : memref<32x512xf32, #tpu.memory_space<vmem>>, vector<16xf32>,
      tpu.vector_store %arg11[%swap3A_1072, %swap3A_1073], %gather3A_1068 {strides = array<i32>} : memref<32x512xf32, #tpu.memory_space<vmem>>, vector<16xf32>,
      %scan3A_1075 = arith.constant 0 : i32
      scf.yield %scan3A_1075 : i32
    }
    %scan3A_418 = arith.constant 16 : i32
    %mul3A_419 = arith.constant 4 : i32
    %mul3A_420 = arith.muli %arg1, %mul3A_419 : i32
    %add3A_421 = arith.constant 0 : i32
    %add3A_422 = arith.addi %mul3A_420, %add3A_421 : i32
    %mul3A_423 = arith.constant 512 : i32
    %mul3A_424 = arith.muli %add3A_422, %mul3A_423 : i32
    %add3A_425 = arith.constant 0 : i32
    %add3A_426 = arith.addi %mul3A_424, %add3A_425 : i32
    %add3A_427 = arith.addi %add3A_426, %add3A_411 : i32
    %dma_start3A_428 = arith.constant 0 : i32
    %dma_start3A_429 = tpu.memref_slice %arg5[%add3A_427, %dma_start3A_428] : memref<32768x512xf32, #tpu.memory_space<hbm>> -> memref<32x512xf32, #tpu.memory_space<hbm>>
    %dma_start3A_430 = arith.constant 0 : i32
    %dma_start3A_431 = tpu.memref_slice %arg5[%add3A_427, %dma_start3A_430] : memref<32768x512xf32, #tpu.memory_space<hbm>> -> memref<32x512xf32, #tpu.memory_space<hbm>>
    tpu.enqueue_dma source(%arg11 : memref<32x512xf32, #tpu.memory_space<vmem>>) target(%dma_start3A_431 : memref<32x512xf32, #tpu.memory_space<hbm>>) target_semaphore(%arg15 : memref<!tpu.dma_semaphore, #tpu.memory_space<semaphore_mem>>)
    %mul3A_432 = arith.constant 4 : i32
    %mul3A_433 = arith.muli %arg1, %mul3A_432 : i32
    %add3A_434 = arith.constant 0 : i32
    %add3A_435 = arith.addi %mul3A_433, %add3A_434 : i32
    %mul3A_436 = arith.constant 512 : i32
    %mul3A_437 = arith.muli %add3A_435, %mul3A_436 : i32
    %add3A_438 = arith.constant 256 : i32
    %add3A_439 = arith.addi %mul3A_437, %add3A_438 : i32
    %add3A_440 = arith.addi %add3A_439, %add3A_411 : i32
    %dma_start3A_441 = arith.constant 0 : i32
    %dma_start3A_442 = tpu.memref_slice %arg5[%add3A_440, %dma_start3A_441] : memref<32768x512xf32, #tpu.memory_space<hbm>> -> memref<32x512xf32, #tpu.memory_space<hbm>>
    %dma_start3A_443 = arith.constant 0 : i32
    %dma_start3A_444 = tpu.memref_slice %arg5[%add3A_440, %dma_start3A_443] : memref<32768x512xf32, #tpu.memory_space<hbm>> -> memref<32x512xf32, #tpu.memory_space<hbm>>
    tpu.enqueue_dma source(%arg11 : memref<32x512xf32, #tpu.memory_space<vmem>>) target(%dma_start3A_444 : memref<32x512xf32, #tpu.memory_space<hbm>>) target_semaphore(%arg15 : memref<!tpu.dma_semaphore, #tpu.memory_space<semaphore_mem>>)
    %mul3A_445 = arith.constant 4 : i32
    %mul3A_446 = arith.muli %arg1, %mul3A_445 : i32
    %add3A_447 = arith.constant 1 : i32
    %add3A_448 = arith.addi %mul3A_446, %add3A_447 : i32
    %mul3A_449 = arith.constant 512 : i32
    %mul3A_450 = arith.muli %add3A_448, %mul3A_449 : i32
    %add3A_451 = arith.constant 0 : i32
    %add3A_452 = arith.addi %mul3A_450, %add3A_451 : i32
    %add3A_453 = arith.addi %add3A_452, %add3A_411 : i32
    %dma_start3A_454 = arith.constant 0 : i32
    %dma_start3A_455 = tpu.memref_slice %arg5[%add3A_453, %dma_start3A_454] : memref<32768x512xf32, #tpu.memory_space<hbm>> -> memref<32x512xf32, #tpu.memory_space<hbm>>
    %dma_start3A_456 = arith.constant 0 : i32
    %dma_start3A_457 = tpu.memref_slice %arg5[%add3A_453, %dma_start3A_456] : memref<32768x512xf32, #tpu.memory_space<hbm>> -> memref<32x512xf32, #tpu.memory_space<hbm>>
    tpu.enqueue_dma source(%arg11 : memref<32x512xf32, #tpu.memory_space<vmem>>) target(%dma_start3A_457 : memref<32x512xf32, #tpu.memory_space<hbm>>) target_semaphore(%arg15 : memref<!tpu.dma_semaphore, #tpu.memory_space<semaphore_mem>>)
    %mul3A_458 = arith.constant 4 : i32
    %mul3A_459 = arith.muli %arg1, %mul3A_458 : i32
    %add3A_460 = arith.constant 1 : i32
    %add3A_461 = arith.addi %mul3A_459, %add3A_460 : i32
    %mul3A_462 = arith.constant 512 : i32
    %mul3A_463 = arith.muli %add3A_461, %mul3A_462 : i32
    %add3A_464 = arith.constant 256 : i32
    %add3A_465 = arith.addi %mul3A_463, %add3A_464 : i32
    %add3A_466 = arith.addi %add3A_465, %add3A_411 : i32
    %dma_start3A_467 = arith.constant 0 : i32
    %dma_start3A_468 = tpu.memref_slice %arg5[%add3A_466, %dma_start3A_467] : memref<32768x512xf32, #tpu.memory_space<hbm>> -> memref<32x512xf32, #tpu.memory_space<hbm>>
    %dma_start3A_469 = arith.constant 0 : i32
    %dma_start3A_470 = tpu.memref_slice %arg5[%add3A_466, %dma_start3A_469] : memref<32768x512xf32, #tpu.memory_space<hbm>> -> memref<32x512xf32, #tpu.memory_space<hbm>>
    tpu.enqueue_dma source(%arg11 : memref<32x512xf32, #tpu.memory_space<vmem>>) target(%dma_start3A_470 : memref<32x512xf32, #tpu.memory_space<hbm>>) target_semaphore(%arg15 : memref<!tpu.dma_semaphore, #tpu.memory_space<semaphore_mem>>)
    %mul3A_471 = arith.constant 4 : i32
    %mul3A_472 = arith.muli %arg1, %mul3A_471 : i32
    %add3A_473 = arith.constant 2 : i32
    %add3A_474 = arith.addi %mul3A_472, %add3A_473 : i32
    %mul3A_475 = arith.constant 512 : i32
    %mul3A_476 = arith.muli %add3A_474, %mul3A_475 : i32
    %add3A_477 = arith.constant 0 : i32
    %add3A_478 = arith.addi %mul3A_476, %add3A_477 : i32
    %add3A_479 = arith.addi %add3A_478, %add3A_411 : i32
    %dma_start3A_480 = arith.constant 0 : i32
    %dma_start3A_481 = tpu.memref_slice %arg5[%add3A_479, %dma_start3A_480] : memref<32768x512xf32, #tpu.memory_space<hbm>> -> memref<32x512xf32, #tpu.memory_space<hbm>>
    %dma_start3A_482 = arith.constant 0 : i32
    %dma_start3A_483 = tpu.memref_slice %arg5[%add3A_479, %dma_start3A_482] : memref<32768x512xf32, #tpu.memory_space<hbm>> -> memref<32x512xf32, #tpu.memory_space<hbm>>
    tpu.enqueue_dma source(%arg11 : memref<32x512xf32, #tpu.memory_space<vmem>>) target(%dma_start3A_483 : memref<32x512xf32, #tpu.memory_space<hbm>>) target_semaphore(%arg15 : memref<!tpu.dma_semaphore, #tpu.memory_space<semaphore_mem>>)
    %mul3A_484 = arith.constant 4 : i32
    %mul3A_485 = arith.muli %arg1, %mul3A_484 : i32
    %add3A_486 = arith.constant 2 : i32
    %add3A_487 = arith.addi %mul3A_485, %add3A_486 : i32
    %mul3A_488 = arith.constant 512 : i32
    %mul3A_489 = arith.muli %add3A_487, %mul3A_488 : i32
    %add3A_490 = arith.constant 256 : i32
    %add3A_491 = arith.addi %mul3A_489, %add3A_490 : i32
    %add3A_492 = arith.addi %add3A_491, %add3A_411 : i32
    %dma_start3A_493 = arith.constant 0 : i32
    %dma_start3A_494 = tpu.memref_slice %arg5[%add3A_492, %dma_start3A_493] : memref<32768x512xf32, #tpu.memory_space<hbm>> -> memref<32x512xf32, #tpu.memory_space<hbm>>
    %dma_start3A_495 = arith.constant 0 : i32
    %dma_start3A_496 = tpu.memref_slice %arg5[%add3A_492, %dma_start3A_495] : memref<32768x512xf32, #tpu.memory_space<hbm>> -> memref<32x512xf32, #tpu.memory_space<hbm>>
    tpu.enqueue_dma source(%arg11 : memref<32x512xf32, #tpu.memory_space<vmem>>) target(%dma_start3A_496 : memref<32x512xf32, #tpu.memory_space<hbm>>) target_semaphore(%arg15 : memref<!tpu.dma_semaphore, #tpu.memory_space<semaphore_mem>>)
    %mul3A_497 = arith.constant 4 : i32
    %mul3A_498 = arith.muli %arg1, %mul3A_497 : i32
    %add3A_499 = arith.constant 3 : i32
    %add3A_500 = arith.addi %mul3A_498, %add3A_499 : i32
    %mul3A_501 = arith.constant 512 : i32
    %mul3A_502 = arith.muli %add3A_500, %mul3A_501 : i32
    %add3A_503 = arith.constant 0 : i32
    %add3A_504 = arith.addi %mul3A_502, %add3A_503 : i32
    %add3A_505 = arith.addi %add3A_504, %add3A_411 : i32
    %dma_start3A_506 = arith.constant 0 : i32
    %dma_start3A_507 = tpu.memref_slice %arg5[%add3A_505, %dma_start3A_506] : memref<32768x512xf32, #tpu.memory_space<hbm>> -> memref<32x512xf32, #tpu.memory_space<hbm>>
    %dma_start3A_508 = arith.constant 0 : i32
    %dma_start3A_509 = tpu.memref_slice %arg5[%add3A_505, %dma_start3A_508] : memref<32768x512xf32, #tpu.memory_space<hbm>> -> memref<32x512xf32, #tpu.memory_space<hbm>>
    tpu.enqueue_dma source(%arg11 : memref<32x512xf32, #tpu.memory_space<vmem>>) target(%dma_start3A_509 : memref<32x512xf32, #tpu.memory_space<hbm>>) target_semaphore(%arg15 : memref<!tpu.dma_semaphore, #tpu.memory_space<semaphore_mem>>)
    %mul3A_510 = arith.constant 4 : i32
    %mul3A_511 = arith.muli %arg1, %mul3A_510 : i32
    %add3A_512 = arith.constant 3 : i32
    %add3A_513 = arith.addi %mul3A_511, %add3A_512 : i32
    %mul3A_514 = arith.constant 512 : i32
    %mul3A_515 = arith.muli %add3A_513, %mul3A_514 : i32
    %add3A_516 = arith.constant 256 : i32
    %add3A_517 = arith.addi %mul3A_515, %add3A_516 : i32
    %add3A_518 = arith.addi %add3A_517, %add3A_411 : i32
    %dma_start3A_519 = arith.constant 0 : i32
    %dma_start3A_520 = tpu.memref_slice %arg5[%add3A_518, %dma_start3A_519] : memref<32768x512xf32, #tpu.memory_space<hbm>> -> memref<32x512xf32, #tpu.memory_space<hbm>>
    %dma_start3A_521 = arith.constant 0 : i32
    %dma_start3A_522 = tpu.memref_slice %arg5[%add3A_518, %dma_start3A_521] : memref<32768x512xf32, #tpu.memory_space<hbm>> -> memref<32x512xf32, #tpu.memory_space<hbm>>
    tpu.enqueue_dma source(%arg11 : memref<32x512xf32, #tpu.memory_space<vmem>>) target(%dma_start3A_522 : memref<32x512xf32, #tpu.memory_space<hbm>>) target_semaphore(%arg15 : memref<!tpu.dma_semaphore, #tpu.memory_space<semaphore_mem>>)
    %dma_wait3A_523 = arith.constant 0 : i32
    %dma_wait3A_524 = tpu.memref_slice %arg5[%add3A_197, %dma_wait3A_523] : memref<32768x512xf32, #tpu.memory_space<hbm>> -> memref<32x512xf32, #tpu.memory_space<hbm>>
    %dma_wait3A_525 = arith.constant 0 : i32
    %dma_wait3A_526 = tpu.memref_slice %arg5[%add3A_197, %dma_wait3A_525] : memref<32768x512xf32, #tpu.memory_space<hbm>> -> memref<32x512xf32, #tpu.memory_space<hbm>>
    tpu.wait_dma2 semaphore(%arg13 : memref<!tpu.dma_semaphore, #tpu.memory_space<semaphore_mem>>) src(%arg9 : memref<32x512xf32, #tpu.memory_space<vmem>>) dst(%dma_wait3A_526 : memref<32x512xf32, #tpu.memory_space<hbm>>)
    %dma_wait3A_527 = arith.constant 0 : i32
    %dma_wait3A_528 = tpu.memref_slice %arg5[%add3A_210, %dma_wait3A_527] : memref<32768x512xf32, #tpu.memory_space<hbm>> -> memref<32x512xf32, #tpu.memory_space<hbm>>
    %dma_wait3A_529 = arith.constant 0 : i32
    %dma_wait3A_530 = tpu.memref_slice %arg5[%add3A_210, %dma_wait3A_529] : memref<32768x512xf32, #tpu.memory_space<hbm>> -> memref<32x512xf32, #tpu.memory_space<hbm>>
    tpu.wait_dma2 semaphore(%arg13 : memref<!tpu.dma_semaphore, #tpu.memory_space<semaphore_mem>>) src(%arg9 : memref<32x512xf32, #tpu.memory_space<vmem>>) dst(%dma_wait3A_530 : memref<32x512xf32, #tpu.memory_space<hbm>>)
    %dma_wait3A_531 = arith.constant 0 : i32
    %dma_wait3A_532 = tpu.memref_slice %arg5[%add3A_223, %dma_wait3A_531] : memref<32768x512xf32, #tpu.memory_space<hbm>> -> memref<32x512xf32, #tpu.memory_space<hbm>>
    %dma_wait3A_533 = arith.constant 0 : i32
    %dma_wait3A_534 = tpu.memref_slice %arg5[%add3A_223, %dma_wait3A_533] : memref<32768x512xf32, #tpu.memory_space<hbm>> -> memref<32x512xf32, #tpu.memory_space<hbm>>
    tpu.wait_dma2 semaphore(%arg13 : memref<!tpu.dma_semaphore, #tpu.memory_space<semaphore_mem>>) src(%arg9 : memref<32x512xf32, #tpu.memory_space<vmem>>) dst(%dma_wait3A_534 : memref<32x512xf32, #tpu.memory_space<hbm>>)
    %dma_wait3A_535 = arith.constant 0 : i32
    %dma_wait3A_536 = tpu.memref_slice %arg5[%add3A_236, %dma_wait3A_535] : memref<32768x512xf32, #tpu.memory_space<hbm>> -> memref<32x512xf32, #tpu.memory_space<hbm>>
    %dma_wait3A_537 = arith.constant 0 : i32
    %dma_wait3A_538 = tpu.memref_slice %arg5[%add3A_236, %dma_wait3A_537] : memref<32768x512xf32, #tpu.memory_space<hbm>> -> memref<32x512xf32, #tpu.memory_space<hbm>>
    tpu.wait_dma2 semaphore(%arg13 : memref<!tpu.dma_semaphore, #tpu.memory_space<semaphore_mem>>) src(%arg9 : memref<32x512xf32, #tpu.memory_space<vmem>>) dst(%dma_wait3A_538 : memref<32x512xf32, #tpu.memory_space<hbm>>)
    %dma_wait3A_539 = arith.constant 0 : i32
    %dma_wait3A_540 = tpu.memref_slice %arg5[%add3A_249, %dma_wait3A_539] : memref<32768x512xf32, #tpu.memory_space<hbm>> -> memref<32x512xf32, #tpu.memory_space<hbm>>
    %dma_wait3A_541 = arith.constant 0 : i32
    %dma_wait3A_542 = tpu.memref_slice %arg5[%add3A_249, %dma_wait3A_541] : memref<32768x512xf32, #tpu.memory_space<hbm>> -> memref<32x512xf32, #tpu.memory_space<hbm>>
    tpu.wait_dma2 semaphore(%arg13 : memref<!tpu.dma_semaphore, #tpu.memory_space<semaphore_mem>>) src(%arg9 : memref<32x512xf32, #tpu.memory_space<vmem>>) dst(%dma_wait3A_542 : memref<32x512xf32, #tpu.memory_space<hbm>>)
    %dma_wait3A_543 = arith.constant 0 : i32
    %dma_wait3A_544 = tpu.memref_slice %arg5[%add3A_262, %dma_wait3A_543] : memref<32768x512xf32, #tpu.memory_space<hbm>> -> memref<32x512xf32, #tpu.memory_space<hbm>>
    %dma_wait3A_545 = arith.constant 0 : i32
    %dma_wait3A_546 = tpu.memref_slice %arg5[%add3A_262, %dma_wait3A_545] : memref<32768x512xf32, #tpu.memory_space<hbm>> -> memref<32x512xf32, #tpu.memory_space<hbm>>
    tpu.wait_dma2 semaphore(%arg13 : memref<!tpu.dma_semaphore, #tpu.memory_space<semaphore_mem>>) src(%arg9 : memref<32x512xf32, #tpu.memory_space<vmem>>) dst(%dma_wait3A_546 : memref<32x512xf32, #tpu.memory_space<hbm>>)
    %dma_wait3A_547 = arith.constant 0 : i32
    %dma_wait3A_548 = tpu.memref_slice %arg5[%add3A_275, %dma_wait3A_547] : memref<32768x512xf32, #tpu.memory_space<hbm>> -> memref<32x512xf32, #tpu.memory_space<hbm>>
    %dma_wait3A_549 = arith.constant 0 : i32
    %dma_wait3A_550 = tpu.memref_slice %arg5[%add3A_275, %dma_wait3A_549] : memref<32768x512xf32, #tpu.memory_space<hbm>> -> memref<32x512xf32, #tpu.memory_space<hbm>>
    tpu.wait_dma2 semaphore(%arg13 : memref<!tpu.dma_semaphore, #tpu.memory_space<semaphore_mem>>) src(%arg9 : memref<32x512xf32, #tpu.memory_space<vmem>>) dst(%dma_wait3A_550 : memref<32x512xf32, #tpu.memory_space<hbm>>)
    %dma_wait3A_551 = arith.constant 0 : i32
    %dma_wait3A_552 = tpu.memref_slice %arg5[%add3A_288, %dma_wait3A_551] : memref<32768x512xf32, #tpu.memory_space<hbm>> -> memref<32x512xf32, #tpu.memory_space<hbm>>
    %dma_wait3A_553 = arith.constant 0 : i32
    %dma_wait3A_554 = tpu.memref_slice %arg5[%add3A_288, %dma_wait3A_553] : memref<32768x512xf32, #tpu.memory_space<hbm>> -> memref<32x512xf32, #tpu.memory_space<hbm>>
    tpu.wait_dma2 semaphore(%arg13 : memref<!tpu.dma_semaphore, #tpu.memory_space<semaphore_mem>>) src(%arg9 : memref<32x512xf32, #tpu.memory_space<vmem>>) dst(%dma_wait3A_554 : memref<32x512xf32, #tpu.memory_space<hbm>>)
    %mul3A_555 = arith.constant 128 : i32
    %mul3A_556 = arith.muli %arg0, %mul3A_555 : i32
    %add3A_557 = arith.constant 96 : i32
    %add3A_558 = arith.addi %mul3A_556, %add3A_557 : i32
    %scan3A_559 = arith.constant 0 : i32
    %scan3A_560 = arith.constant 0 : i32
    %scan3A_561 = arith.constant 16 : i32
    %scan3A_562 = arith.addi %scan3A_560, %scan3A_561 : i32
    %scan3A_563 = arith.constant 1 : i32
    %scan3A_564 = scf.for %scan3A_766 = %scan3A_560 to %scan3A_562 step %scan3A_563 iter_args(%scan3A_767 = %scan3A_559) -> (i32)  : i32 {
      %mul3A_768 = arith.constant 2 : i32
      %mul3A_769 = arith.muli %scan3A_766, %mul3A_768 : i32
      %add3A_770 = arith.constant 0 : i32
      %add3A_771 = arith.addi %mul3A_769, %add3A_770 : i32
      %add3A_772 = arith.addi %add3A_558, %add3A_771 : i32
      %broadcast_in_dim3A = vector.broadcast %add3A_772 : i32 to vector<16xi32>
      %gather3A = tpu.vector_load_idx %arg7[%broadcast_in_dim3A] : memref<512xi32, #tpu.memory_space<vmem>>[vector<16xi32>], vector<16xi32>,
      %add3A_773 = arith.constant 256 : i32
      %add3A_774 = vector.broadcast %add3A_773 : i32 to vector<16xi32>
      %add3A_775 = arith.addi %broadcast_in_dim3A, %add3A_774 : vector<16xi32>
      %gather3A_776 = tpu.vector_load_idx %arg7[%add3A_775] : memref<512xi32, #tpu.memory_space<vmem>>[vector<16xi32>], vector<16xi32>,
      %add3A_777 = arith.addi %gather3A, %get3A_116 : vector<16xi32>
      %add3A_778 = arith.addi %gather3A_776, %get3A_148 : vector<16xi32>
      %gather3A_779 = tpu.vector_load_idx %arg6[%add3A_777, %add3A_778] : memref<256x256xf32, #tpu.memory_space<vmem>>[vector<16xi32>, vector<16xi32>], vector<16xf32>,
      %swap3A = arith.index_cast %add3A_771 : i32 to index
      %swap3A_780 = arith.constant 0 : index
      %swap3A_781 = tpu.vector_load %arg9[%swap3A, %swap3A_780] {strides = array<i32>} : memref<32x512xf32, #tpu.memory_space<vmem>>, vector<16xf32>,
      tpu.vector_store %arg9[%swap3A, %swap3A_780], %gather3A_779 {strides = array<i32>} : memref<32x512xf32, #tpu.memory_space<vmem>>, vector<16xf32>,
      %swap3A_782 = arith.index_cast %add3A_771 : i32 to index
      %swap3A_783 = arith.constant 256 : index
      %swap3A_784 = tpu.vector_load %arg9[%swap3A_782, %swap3A_783] {strides = array<i32>} : memref<32x512xf32, #tpu.memory_space<vmem>>, vector<16xf32>,
      tpu.vector_store %arg9[%swap3A_782, %swap3A_783], %gather3A_779 {strides = array<i32>} : memref<32x512xf32, #tpu.memory_space<vmem>>, vector<16xf32>,
      %add3A_785 = arith.addi %gather3A, %get3A_118 : vector<16xi32>
      %add3A_786 = arith.addi %gather3A_776, %get3A_150 : vector<16xi32>
      %gather3A_787 = tpu.vector_load_idx %arg6[%add3A_785, %add3A_786] : memref<256x256xf32, #tpu.memory_space<vmem>>[vector<16xi32>, vector<16xi32>], vector<16xf32>,
      %swap3A_788 = arith.index_cast %add3A_771 : i32 to index
      %swap3A_789 = arith.constant 16 : index
      %swap3A_790 = tpu.vector_load %arg9[%swap3A_788, %swap3A_789] {strides = array<i32>} : memref<32x512xf32, #tpu.memory_space<vmem>>, vector<16xf32>,
      tpu.vector_store %arg9[%swap3A_788, %swap3A_789], %gather3A_787 {strides = array<i32>} : memref<32x512xf32, #tpu.memory_space<vmem>>, vector<16xf32>,
      %swap3A_791 = arith.index_cast %add3A_771 : i32 to index
      %swap3A_792 = arith.constant 272 : index
      %swap3A_793 = tpu.vector_load %arg9[%swap3A_791, %swap3A_792] {strides = array<i32>} : memref<32x512xf32, #tpu.memory_space<vmem>>, vector<16xf32>,
      tpu.vector_store %arg9[%swap3A_791, %swap3A_792], %gather3A_787 {strides = array<i32>} : memref<32x512xf32, #tpu.memory_space<vmem>>, vector<16xf32>,
      %add3A_794 = arith.addi %gather3A, %get3A_120 : vector<16xi32>
      %add3A_795 = arith.addi %gather3A_776, %get3A_152 : vector<16xi32>
      %gather3A_796 = tpu.vector_load_idx %arg6[%add3A_794, %add3A_795] : memref<256x256xf32, #tpu.memory_space<vmem>>[vector<16xi32>, vector<16xi32>], vector<16xf32>,
      %swap3A_797 = arith.index_cast %add3A_771 : i32 to index
      %swap3A_798 = arith.constant 32 : index
      %swap3A_799 = tpu.vector_load %arg9[%swap3A_797, %swap3A_798] {strides = array<i32>} : memref<32x512xf32, #tpu.memory_space<vmem>>, vector<16xf32>,
      tpu.vector_store %arg9[%swap3A_797, %swap3A_798], %gather3A_796 {strides = array<i32>} : memref<32x512xf32, #tpu.memory_space<vmem>>, vector<16xf32>,
      %swap3A_800 = arith.index_cast %add3A_771 : i32 to index
      %swap3A_801 = arith.constant 288 : index
      %swap3A_802 = tpu.vector_load %arg9[%swap3A_800, %swap3A_801] {strides = array<i32>} : memref<32x512xf32, #tpu.memory_space<vmem>>, vector<16xf32>,
      tpu.vector_store %arg9[%swap3A_800, %swap3A_801], %gather3A_796 {strides = array<i32>} : memref<32x512xf32, #tpu.memory_space<vmem>>, vector<16xf32>,
      %add3A_803 = arith.addi %gather3A, %get3A_122 : vector<16xi32>
      %add3A_804 = arith.addi %gather3A_776, %get3A_154 : vector<16xi32>
      %gather3A_805 = tpu.vector_load_idx %arg6[%add3A_803, %add3A_804] : memref<256x256xf32, #tpu.memory_space<vmem>>[vector<16xi32>, vector<16xi32>], vector<16xf32>,
      %swap3A_806 = arith.index_cast %add3A_771 : i32 to index
      %swap3A_807 = arith.constant 48 : index
      %swap3A_808 = tpu.vector_load %arg9[%swap3A_806, %swap3A_807] {strides = array<i32>} : memref<32x512xf32, #tpu.memory_space<vmem>>, vector<16xf32>,
      tpu.vector_store %arg9[%swap3A_806, %swap3A_807], %gather3A_805 {strides = array<i32>} : memref<32x512xf32, #tpu.memory_space<vmem>>, vector<16xf32>,
      %swap3A_809 = arith.index_cast %add3A_771 : i32 to index
      %swap3A_810 = arith.constant 304 : index
      %swap3A_811 = tpu.vector_load %arg9[%swap3A_809, %swap3A_810] {strides = array<i32>} : memref<32x512xf32, #tpu.memory_space<vmem>>, vector<16xf32>,
      tpu.vector_store %arg9[%swap3A_809, %swap3A_810], %gather3A_805 {strides = array<i32>} : memref<32x512xf32, #tpu.memory_space<vmem>>, vector<16xf32>,
      %add3A_812 = arith.addi %gather3A, %get3A_124 : vector<16xi32>
      %add3A_813 = arith.addi %gather3A_776, %get3A_156 : vector<16xi32>
      %gather3A_814 = tpu.vector_load_idx %arg6[%add3A_812, %add3A_813] : memref<256x256xf32, #tpu.memory_space<vmem>>[vector<16xi32>, vector<16xi32>], vector<16xf32>,
      %swap3A_815 = arith.index_cast %add3A_771 : i32 to index
      %swap3A_816 = arith.constant 64 : index
      %swap3A_817 = tpu.vector_load %arg9[%swap3A_815, %swap3A_816] {strides = array<i32>} : memref<32x512xf32, #tpu.memory_space<vmem>>, vector<16xf32>,
      tpu.vector_store %arg9[%swap3A_815, %swap3A_816], %gather3A_814 {strides = array<i32>} : memref<32x512xf32, #tpu.memory_space<vmem>>, vector<16xf32>,
      %swap3A_818 = arith.index_cast %add3A_771 : i32 to index
      %swap3A_819 = arith.constant 320 : index
      %swap3A_820 = tpu.vector_load %arg9[%swap3A_818, %swap3A_819] {strides = array<i32>} : memref<32x512xf32, #tpu.memory_space<vmem>>, vector<16xf32>,
      tpu.vector_store %arg9[%swap3A_818, %swap3A_819], %gather3A_814 {strides = array<i32>} : memref<32x512xf32, #tpu.memory_space<vmem>>, vector<16xf32>,
      %add3A_821 = arith.addi %gather3A, %get3A_126 : vector<16xi32>
      %add3A_822 = arith.addi %gather3A_776, %get3A_158 : vector<16xi32>
      %gather3A_823 = tpu.vector_load_idx %arg6[%add3A_821, %add3A_822] : memref<256x256xf32, #tpu.memory_space<vmem>>[vector<16xi32>, vector<16xi32>], vector<16xf32>,
      %swap3A_824 = arith.index_cast %add3A_771 : i32 to index
      %swap3A_825 = arith.constant 80 : index
      %swap3A_826 = tpu.vector_load %arg9[%swap3A_824, %swap3A_825] {strides = array<i32>} : memref<32x512xf32, #tpu.memory_space<vmem>>, vector<16xf32>,
      tpu.vector_store %arg9[%swap3A_824, %swap3A_825], %gather3A_823 {strides = array<i32>} : memref<32x512xf32, #tpu.memory_space<vmem>>, vector<16xf32>,
      %swap3A_827 = arith.index_cast %add3A_771 : i32 to index
      %swap3A_828 = arith.constant 336 : index
      %swap3A_829 = tpu.vector_load %arg9[%swap3A_827, %swap3A_828] {strides = array<i32>} : memref<32x512xf32, #tpu.memory_space<vmem>>, vector<16xf32>,
      tpu.vector_store %arg9[%swap3A_827, %swap3A_828], %gather3A_823 {strides = array<i32>} : memref<32x512xf32, #tpu.memory_space<vmem>>, vector<16xf32>,
      %add3A_830 = arith.addi %gather3A, %get3A_128 : vector<16xi32>
      %add3A_831 = arith.addi %gather3A_776, %get3A_160 : vector<16xi32>
      %gather3A_832 = tpu.vector_load_idx %arg6[%add3A_830, %add3A_831] : memref<256x256xf32, #tpu.memory_space<vmem>>[vector<16xi32>, vector<16xi32>], vector<16xf32>,
      %swap3A_833 = arith.index_cast %add3A_771 : i32 to index
      %swap3A_834 = arith.constant 96 : index
      %swap3A_835 = tpu.vector_load %arg9[%swap3A_833, %swap3A_834] {strides = array<i32>} : memref<32x512xf32, #tpu.memory_space<vmem>>, vector<16xf32>,
      tpu.vector_store %arg9[%swap3A_833, %swap3A_834], %gather3A_832 {strides = array<i32>} : memref<32x512xf32, #tpu.memory_space<vmem>>, vector<16xf32>,
      %swap3A_836 = arith.index_cast %add3A_771 : i32 to index
      %swap3A_837 = arith.constant 352 : index
      %swap3A_838 = tpu.vector_load %arg9[%swap3A_836, %swap3A_837] {strides = array<i32>} : memref<32x512xf32, #tpu.memory_space<vmem>>, vector<16xf32>,
      tpu.vector_store %arg9[%swap3A_836, %swap3A_837], %gather3A_832 {strides = array<i32>} : memref<32x512xf32, #tpu.memory_space<vmem>>, vector<16xf32>,
      %add3A_839 = arith.addi %gather3A, %get3A_130 : vector<16xi32>
      %add3A_840 = arith.addi %gather3A_776, %get3A_162 : vector<16xi32>
      %gather3A_841 = tpu.vector_load_idx %arg6[%add3A_839, %add3A_840] : memref<256x256xf32, #tpu.memory_space<vmem>>[vector<16xi32>, vector<16xi32>], vector<16xf32>,
      %swap3A_842 = arith.index_cast %add3A_771 : i32 to index
      %swap3A_843 = arith.constant 112 : index
      %swap3A_844 = tpu.vector_load %arg9[%swap3A_842, %swap3A_843] {strides = array<i32>} : memref<32x512xf32, #tpu.memory_space<vmem>>, vector<16xf32>,
      tpu.vector_store %arg9[%swap3A_842, %swap3A_843], %gather3A_841 {strides = array<i32>} : memref<32x512xf32, #tpu.memory_space<vmem>>, vector<16xf32>,
      %swap3A_845 = arith.index_cast %add3A_771 : i32 to index
      %swap3A_846 = arith.constant 368 : index
      %swap3A_847 = tpu.vector_load %arg9[%swap3A_845, %swap3A_846] {strides = array<i32>} : memref<32x512xf32, #tpu.memory_space<vmem>>, vector<16xf32>,
      tpu.vector_store %arg9[%swap3A_845, %swap3A_846], %gather3A_841 {strides = array<i32>} : memref<32x512xf32, #tpu.memory_space<vmem>>, vector<16xf32>,
      %add3A_848 = arith.addi %gather3A, %get3A_132 : vector<16xi32>
      %add3A_849 = arith.addi %gather3A_776, %get3A_164 : vector<16xi32>
      %gather3A_850 = tpu.vector_load_idx %arg6[%add3A_848, %add3A_849] : memref<256x256xf32, #tpu.memory_space<vmem>>[vector<16xi32>, vector<16xi32>], vector<16xf32>,
      %swap3A_851 = arith.index_cast %add3A_771 : i32 to index
      %swap3A_852 = arith.constant 128 : index
      %swap3A_853 = tpu.vector_load %arg9[%swap3A_851, %swap3A_852] {strides = array<i32>} : memref<32x512xf32, #tpu.memory_space<vmem>>, vector<16xf32>,
      tpu.vector_store %arg9[%swap3A_851, %swap3A_852], %gather3A_850 {strides = array<i32>} : memref<32x512xf32, #tpu.memory_space<vmem>>, vector<16xf32>,
      %swap3A_854 = arith.index_cast %add3A_771 : i32 to index
      %swap3A_855 = arith.constant 384 : index
      %swap3A_856 = tpu.vector_load %arg9[%swap3A_854, %swap3A_855] {strides = array<i32>} : memref<32x512xf32, #tpu.memory_space<vmem>>, vector<16xf32>,
      tpu.vector_store %arg9[%swap3A_854, %swap3A_855], %gather3A_850 {strides = array<i32>} : memref<32x512xf32, #tpu.memory_space<vmem>>, vector<16xf32>,
      %add3A_857 = arith.addi %gather3A, %get3A_134 : vector<16xi32>
      %add3A_858 = arith.addi %gather3A_776, %get3A_166 : vector<16xi32>
      %gather3A_859 = tpu.vector_load_idx %arg6[%add3A_857, %add3A_858] : memref<256x256xf32, #tpu.memory_space<vmem>>[vector<16xi32>, vector<16xi32>], vector<16xf32>,
      %swap3A_860 = arith.index_cast %add3A_771 : i32 to index
      %swap3A_861 = arith.constant 144 : index
      %swap3A_862 = tpu.vector_load %arg9[%swap3A_860, %swap3A_861] {strides = array<i32>} : memref<32x512xf32, #tpu.memory_space<vmem>>, vector<16xf32>,
      tpu.vector_store %arg9[%swap3A_860, %swap3A_861], %gather3A_859 {strides = array<i32>} : memref<32x512xf32, #tpu.memory_space<vmem>>, vector<16xf32>,
      %swap3A_863 = arith.index_cast %add3A_771 : i32 to index
      %swap3A_864 = arith.constant 400 : index
      %swap3A_865 = tpu.vector_load %arg9[%swap3A_863, %swap3A_864] {strides = array<i32>} : memref<32x512xf32, #tpu.memory_space<vmem>>, vector<16xf32>,
      tpu.vector_store %arg9[%swap3A_863, %swap3A_864], %gather3A_859 {strides = array<i32>} : memref<32x512xf32, #tpu.memory_space<vmem>>, vector<16xf32>,
      %add3A_866 = arith.addi %gather3A, %get3A_136 : vector<16xi32>
      %add3A_867 = arith.addi %gather3A_776, %get3A_168 : vector<16xi32>
      %gather3A_868 = tpu.vector_load_idx %arg6[%add3A_866, %add3A_867] : memref<256x256xf32, #tpu.memory_space<vmem>>[vector<16xi32>, vector<16xi32>], vector<16xf32>,
      %swap3A_869 = arith.index_cast %add3A_771 : i32 to index
      %swap3A_870 = arith.constant 160 : index
      %swap3A_871 = tpu.vector_load %arg9[%swap3A_869, %swap3A_870] {strides = array<i32>} : memref<32x512xf32, #tpu.memory_space<vmem>>, vector<16xf32>,
      tpu.vector_store %arg9[%swap3A_869, %swap3A_870], %gather3A_868 {strides = array<i32>} : memref<32x512xf32, #tpu.memory_space<vmem>>, vector<16xf32>,
      %swap3A_872 = arith.index_cast %add3A_771 : i32 to index
      %swap3A_873 = arith.constant 416 : index
      %swap3A_874 = tpu.vector_load %arg9[%swap3A_872, %swap3A_873] {strides = array<i32>} : memref<32x512xf32, #tpu.memory_space<vmem>>, vector<16xf32>,
      tpu.vector_store %arg9[%swap3A_872, %swap3A_873], %gather3A_868 {strides = array<i32>} : memref<32x512xf32, #tpu.memory_space<vmem>>, vector<16xf32>,
      %add3A_875 = arith.addi %gather3A, %get3A_138 : vector<16xi32>
      %add3A_876 = arith.addi %gather3A_776, %get3A_170 : vector<16xi32>
      %gather3A_877 = tpu.vector_load_idx %arg6[%add3A_875, %add3A_876] : memref<256x256xf32, #tpu.memory_space<vmem>>[vector<16xi32>, vector<16xi32>], vector<16xf32>,
      %swap3A_878 = arith.index_cast %add3A_771 : i32 to index
      %swap3A_879 = arith.constant 176 : index
      %swap3A_880 = tpu.vector_load %arg9[%swap3A_878, %swap3A_879] {strides = array<i32>} : memref<32x512xf32, #tpu.memory_space<vmem>>, vector<16xf32>,
      tpu.vector_store %arg9[%swap3A_878, %swap3A_879], %gather3A_877 {strides = array<i32>} : memref<32x512xf32, #tpu.memory_space<vmem>>, vector<16xf32>,
      %swap3A_881 = arith.index_cast %add3A_771 : i32 to index
      %swap3A_882 = arith.constant 432 : index
      %swap3A_883 = tpu.vector_load %arg9[%swap3A_881, %swap3A_882] {strides = array<i32>} : memref<32x512xf32, #tpu.memory_space<vmem>>, vector<16xf32>,
      tpu.vector_store %arg9[%swap3A_881, %swap3A_882], %gather3A_877 {strides = array<i32>} : memref<32x512xf32, #tpu.memory_space<vmem>>, vector<16xf32>,
      %add3A_884 = arith.addi %gather3A, %get3A_140 : vector<16xi32>
      %add3A_885 = arith.addi %gather3A_776, %get3A_172 : vector<16xi32>
      %gather3A_886 = tpu.vector_load_idx %arg6[%add3A_884, %add3A_885] : memref<256x256xf32, #tpu.memory_space<vmem>>[vector<16xi32>, vector<16xi32>], vector<16xf32>,
      %swap3A_887 = arith.index_cast %add3A_771 : i32 to index
      %swap3A_888 = arith.constant 192 : index
      %swap3A_889 = tpu.vector_load %arg9[%swap3A_887, %swap3A_888] {strides = array<i32>} : memref<32x512xf32, #tpu.memory_space<vmem>>, vector<16xf32>,
      tpu.vector_store %arg9[%swap3A_887, %swap3A_888], %gather3A_886 {strides = array<i32>} : memref<32x512xf32, #tpu.memory_space<vmem>>, vector<16xf32>,
      %swap3A_890 = arith.index_cast %add3A_771 : i32 to index
      %swap3A_891 = arith.constant 448 : index
      %swap3A_892 = tpu.vector_load %arg9[%swap3A_890, %swap3A_891] {strides = array<i32>} : memref<32x512xf32, #tpu.memory_space<vmem>>, vector<16xf32>,
      tpu.vector_store %arg9[%swap3A_890, %swap3A_891], %gather3A_886 {strides = array<i32>} : memref<32x512xf32, #tpu.memory_space<vmem>>, vector<16xf32>,
      %add3A_893 = arith.addi %gather3A, %get3A_142 : vector<16xi32>
      %add3A_894 = arith.addi %gather3A_776, %get3A_174 : vector<16xi32>
      %gather3A_895 = tpu.vector_load_idx %arg6[%add3A_893, %add3A_894] : memref<256x256xf32, #tpu.memory_space<vmem>>[vector<16xi32>, vector<16xi32>], vector<16xf32>,
      %swap3A_896 = arith.index_cast %add3A_771 : i32 to index
      %swap3A_897 = arith.constant 208 : index
      %swap3A_898 = tpu.vector_load %arg9[%swap3A_896, %swap3A_897] {strides = array<i32>} : memref<32x512xf32, #tpu.memory_space<vmem>>, vector<16xf32>,
      tpu.vector_store %arg9[%swap3A_896, %swap3A_897], %gather3A_895 {strides = array<i32>} : memref<32x512xf32, #tpu.memory_space<vmem>>, vector<16xf32>,
      %swap3A_899 = arith.index_cast %add3A_771 : i32 to index
      %swap3A_900 = arith.constant 464 : index
      %swap3A_901 = tpu.vector_load %arg9[%swap3A_899, %swap3A_900] {strides = array<i32>} : memref<32x512xf32, #tpu.memory_space<vmem>>, vector<16xf32>,
      tpu.vector_store %arg9[%swap3A_899, %swap3A_900], %gather3A_895 {strides = array<i32>} : memref<32x512xf32, #tpu.memory_space<vmem>>, vector<16xf32>,
      %add3A_902 = arith.addi %gather3A, %get3A_144 : vector<16xi32>
      %add3A_903 = arith.addi %gather3A_776, %get3A_176 : vector<16xi32>
      %gather3A_904 = tpu.vector_load_idx %arg6[%add3A_902, %add3A_903] : memref<256x256xf32, #tpu.memory_space<vmem>>[vector<16xi32>, vector<16xi32>], vector<16xf32>,
      %swap3A_905 = arith.index_cast %add3A_771 : i32 to index
      %swap3A_906 = arith.constant 224 : index
      %swap3A_907 = tpu.vector_load %arg9[%swap3A_905, %swap3A_906] {strides = array<i32>} : memref<32x512xf32, #tpu.memory_space<vmem>>, vector<16xf32>,
      tpu.vector_store %arg9[%swap3A_905, %swap3A_906], %gather3A_904 {strides = array<i32>} : memref<32x512xf32, #tpu.memory_space<vmem>>, vector<16xf32>,
      %swap3A_908 = arith.index_cast %add3A_771 : i32 to index
      %swap3A_909 = arith.constant 480 : index
      %swap3A_910 = tpu.vector_load %arg9[%swap3A_908, %swap3A_909] {strides = array<i32>} : memref<32x512xf32, #tpu.memory_space<vmem>>, vector<16xf32>,
      tpu.vector_store %arg9[%swap3A_908, %swap3A_909], %gather3A_904 {strides = array<i32>} : memref<32x512xf32, #tpu.memory_space<vmem>>, vector<16xf32>,
      %add3A_911 = arith.addi %gather3A, %get3A_146 : vector<16xi32>
      %add3A_912 = arith.addi %gather3A_776, %get3A_178 : vector<16xi32>
      %gather3A_913 = tpu.vector_load_idx %arg6[%add3A_911, %add3A_912] : memref<256x256xf32, #tpu.memory_space<vmem>>[vector<16xi32>, vector<16xi32>], vector<16xf32>,
      %swap3A_914 = arith.index_cast %add3A_771 : i32 to index
      %swap3A_915 = arith.constant 240 : index
      %swap3A_916 = tpu.vector_load %arg9[%swap3A_914, %swap3A_915] {strides = array<i32>} : memref<32x512xf32, #tpu.memory_space<vmem>>, vector<16xf32>,
      tpu.vector_store %arg9[%swap3A_914, %swap3A_915], %gather3A_913 {strides = array<i32>} : memref<32x512xf32, #tpu.memory_space<vmem>>, vector<16xf32>,
      %swap3A_917 = arith.index_cast %add3A_771 : i32 to index
      %swap3A_918 = arith.constant 496 : index
      %swap3A_919 = tpu.vector_load %arg9[%swap3A_917, %swap3A_918] {strides = array<i32>} : memref<32x512xf32, #tpu.memory_space<vmem>>, vector<16xf32>,
      tpu.vector_store %arg9[%swap3A_917, %swap3A_918], %gather3A_913 {strides = array<i32>} : memref<32x512xf32, #tpu.memory_space<vmem>>, vector<16xf32>,
      %mul3A_920 = arith.constant 2 : i32
      %mul3A_921 = arith.muli %scan3A_766, %mul3A_920 : i32
      %add3A_922 = arith.constant 1 : i32
      %add3A_923 = arith.addi %mul3A_921, %add3A_922 : i32
      %add3A_924 = arith.addi %add3A_558, %add3A_923 : i32
      %broadcast_in_dim3A_925 = vector.broadcast %add3A_924 : i32 to vector<16xi32>
      %gather3A_926 = tpu.vector_load_idx %arg7[%broadcast_in_dim3A_925] : memref<512xi32, #tpu.memory_space<vmem>>[vector<16xi32>], vector<16xi32>,
      %add3A_927 = arith.constant 256 : i32
      %add3A_928 = vector.broadcast %add3A_927 : i32 to vector<16xi32>
      %add3A_929 = arith.addi %broadcast_in_dim3A_925, %add3A_928 : vector<16xi32>
      %gather3A_930 = tpu.vector_load_idx %arg7[%add3A_929] : memref<512xi32, #tpu.memory_space<vmem>>[vector<16xi32>], vector<16xi32>,
      %add3A_931 = arith.addi %gather3A_926, %get3A_116 : vector<16xi32>
      %add3A_932 = arith.addi %gather3A_930, %get3A_148 : vector<16xi32>
      %gather3A_933 = tpu.vector_load_idx %arg6[%add3A_931, %add3A_932] : memref<256x256xf32, #tpu.memory_space<vmem>>[vector<16xi32>, vector<16xi32>], vector<16xf32>,
      %swap3A_934 = arith.index_cast %add3A_923 : i32 to index
      %swap3A_935 = arith.constant 0 : index
      %swap3A_936 = tpu.vector_load %arg9[%swap3A_934, %swap3A_935] {strides = array<i32>} : memref<32x512xf32, #tpu.memory_space<vmem>>, vector<16xf32>,
      tpu.vector_store %arg9[%swap3A_934, %swap3A_935], %gather3A_933 {strides = array<i32>} : memref<32x512xf32, #tpu.memory_space<vmem>>, vector<16xf32>,
      %swap3A_937 = arith.index_cast %add3A_923 : i32 to index
      %swap3A_938 = arith.constant 256 : index
      %swap3A_939 = tpu.vector_load %arg9[%swap3A_937, %swap3A_938] {strides = array<i32>} : memref<32x512xf32, #tpu.memory_space<vmem>>, vector<16xf32>,
      tpu.vector_store %arg9[%swap3A_937, %swap3A_938], %gather3A_933 {strides = array<i32>} : memref<32x512xf32, #tpu.memory_space<vmem>>, vector<16xf32>,
      %add3A_940 = arith.addi %gather3A_926, %get3A_118 : vector<16xi32>
      %add3A_941 = arith.addi %gather3A_930, %get3A_150 : vector<16xi32>
      %gather3A_942 = tpu.vector_load_idx %arg6[%add3A_940, %add3A_941] : memref<256x256xf32, #tpu.memory_space<vmem>>[vector<16xi32>, vector<16xi32>], vector<16xf32>,
      %swap3A_943 = arith.index_cast %add3A_923 : i32 to index
      %swap3A_944 = arith.constant 16 : index
      %swap3A_945 = tpu.vector_load %arg9[%swap3A_943, %swap3A_944] {strides = array<i32>} : memref<32x512xf32, #tpu.memory_space<vmem>>, vector<16xf32>,
      tpu.vector_store %arg9[%swap3A_943, %swap3A_944], %gather3A_942 {strides = array<i32>} : memref<32x512xf32, #tpu.memory_space<vmem>>, vector<16xf32>,
      %swap3A_946 = arith.index_cast %add3A_923 : i32 to index
      %swap3A_947 = arith.constant 272 : index
      %swap3A_948 = tpu.vector_load %arg9[%swap3A_946, %swap3A_947] {strides = array<i32>} : memref<32x512xf32, #tpu.memory_space<vmem>>, vector<16xf32>,
      tpu.vector_store %arg9[%swap3A_946, %swap3A_947], %gather3A_942 {strides = array<i32>} : memref<32x512xf32, #tpu.memory_space<vmem>>, vector<16xf32>,
      %add3A_949 = arith.addi %gather3A_926, %get3A_120 : vector<16xi32>
      %add3A_950 = arith.addi %gather3A_930, %get3A_152 : vector<16xi32>
      %gather3A_951 = tpu.vector_load_idx %arg6[%add3A_949, %add3A_950] : memref<256x256xf32, #tpu.memory_space<vmem>>[vector<16xi32>, vector<16xi32>], vector<16xf32>,
      %swap3A_952 = arith.index_cast %add3A_923 : i32 to index
      %swap3A_953 = arith.constant 32 : index
      %swap3A_954 = tpu.vector_load %arg9[%swap3A_952, %swap3A_953] {strides = array<i32>} : memref<32x512xf32, #tpu.memory_space<vmem>>, vector<16xf32>,
      tpu.vector_store %arg9[%swap3A_952, %swap3A_953], %gather3A_951 {strides = array<i32>} : memref<32x512xf32, #tpu.memory_space<vmem>>, vector<16xf32>,
      %swap3A_955 = arith.index_cast %add3A_923 : i32 to index
      %swap3A_956 = arith.constant 288 : index
      %swap3A_957 = tpu.vector_load %arg9[%swap3A_955, %swap3A_956] {strides = array<i32>} : memref<32x512xf32, #tpu.memory_space<vmem>>, vector<16xf32>,
      tpu.vector_store %arg9[%swap3A_955, %swap3A_956], %gather3A_951 {strides = array<i32>} : memref<32x512xf32, #tpu.memory_space<vmem>>, vector<16xf32>,
      %add3A_958 = arith.addi %gather3A_926, %get3A_122 : vector<16xi32>
      %add3A_959 = arith.addi %gather3A_930, %get3A_154 : vector<16xi32>
      %gather3A_960 = tpu.vector_load_idx %arg6[%add3A_958, %add3A_959] : memref<256x256xf32, #tpu.memory_space<vmem>>[vector<16xi32>, vector<16xi32>], vector<16xf32>,
      %swap3A_961 = arith.index_cast %add3A_923 : i32 to index
      %swap3A_962 = arith.constant 48 : index
      %swap3A_963 = tpu.vector_load %arg9[%swap3A_961, %swap3A_962] {strides = array<i32>} : memref<32x512xf32, #tpu.memory_space<vmem>>, vector<16xf32>,
      tpu.vector_store %arg9[%swap3A_961, %swap3A_962], %gather3A_960 {strides = array<i32>} : memref<32x512xf32, #tpu.memory_space<vmem>>, vector<16xf32>,
      %swap3A_964 = arith.index_cast %add3A_923 : i32 to index
      %swap3A_965 = arith.constant 304 : index
      %swap3A_966 = tpu.vector_load %arg9[%swap3A_964, %swap3A_965] {strides = array<i32>} : memref<32x512xf32, #tpu.memory_space<vmem>>, vector<16xf32>,
      tpu.vector_store %arg9[%swap3A_964, %swap3A_965], %gather3A_960 {strides = array<i32>} : memref<32x512xf32, #tpu.memory_space<vmem>>, vector<16xf32>,
      %add3A_967 = arith.addi %gather3A_926, %get3A_124 : vector<16xi32>
      %add3A_968 = arith.addi %gather3A_930, %get3A_156 : vector<16xi32>
      %gather3A_969 = tpu.vector_load_idx %arg6[%add3A_967, %add3A_968] : memref<256x256xf32, #tpu.memory_space<vmem>>[vector<16xi32>, vector<16xi32>], vector<16xf32>,
      %swap3A_970 = arith.index_cast %add3A_923 : i32 to index
      %swap3A_971 = arith.constant 64 : index
      %swap3A_972 = tpu.vector_load %arg9[%swap3A_970, %swap3A_971] {strides = array<i32>} : memref<32x512xf32, #tpu.memory_space<vmem>>, vector<16xf32>,
      tpu.vector_store %arg9[%swap3A_970, %swap3A_971], %gather3A_969 {strides = array<i32>} : memref<32x512xf32, #tpu.memory_space<vmem>>, vector<16xf32>,
      %swap3A_973 = arith.index_cast %add3A_923 : i32 to index
      %swap3A_974 = arith.constant 320 : index
      %swap3A_975 = tpu.vector_load %arg9[%swap3A_973, %swap3A_974] {strides = array<i32>} : memref<32x512xf32, #tpu.memory_space<vmem>>, vector<16xf32>,
      tpu.vector_store %arg9[%swap3A_973, %swap3A_974], %gather3A_969 {strides = array<i32>} : memref<32x512xf32, #tpu.memory_space<vmem>>, vector<16xf32>,
      %add3A_976 = arith.addi %gather3A_926, %get3A_126 : vector<16xi32>
      %add3A_977 = arith.addi %gather3A_930, %get3A_158 : vector<16xi32>
      %gather3A_978 = tpu.vector_load_idx %arg6[%add3A_976, %add3A_977] : memref<256x256xf32, #tpu.memory_space<vmem>>[vector<16xi32>, vector<16xi32>], vector<16xf32>,
      %swap3A_979 = arith.index_cast %add3A_923 : i32 to index
      %swap3A_980 = arith.constant 80 : index
      %swap3A_981 = tpu.vector_load %arg9[%swap3A_979, %swap3A_980] {strides = array<i32>} : memref<32x512xf32, #tpu.memory_space<vmem>>, vector<16xf32>,
      tpu.vector_store %arg9[%swap3A_979, %swap3A_980], %gather3A_978 {strides = array<i32>} : memref<32x512xf32, #tpu.memory_space<vmem>>, vector<16xf32>,
      %swap3A_982 = arith.index_cast %add3A_923 : i32 to index
      %swap3A_983 = arith.constant 336 : index
      %swap3A_984 = tpu.vector_load %arg9[%swap3A_982, %swap3A_983] {strides = array<i32>} : memref<32x512xf32, #tpu.memory_space<vmem>>, vector<16xf32>,
      tpu.vector_store %arg9[%swap3A_982, %swap3A_983], %gather3A_978 {strides = array<i32>} : memref<32x512xf32, #tpu.memory_space<vmem>>, vector<16xf32>,
      %add3A_985 = arith.addi %gather3A_926, %get3A_128 : vector<16xi32>
      %add3A_986 = arith.addi %gather3A_930, %get3A_160 : vector<16xi32>
      %gather3A_987 = tpu.vector_load_idx %arg6[%add3A_985, %add3A_986] : memref<256x256xf32, #tpu.memory_space<vmem>>[vector<16xi32>, vector<16xi32>], vector<16xf32>,
      %swap3A_988 = arith.index_cast %add3A_923 : i32 to index
      %swap3A_989 = arith.constant 96 : index
      %swap3A_990 = tpu.vector_load %arg9[%swap3A_988, %swap3A_989] {strides = array<i32>} : memref<32x512xf32, #tpu.memory_space<vmem>>, vector<16xf32>,
      tpu.vector_store %arg9[%swap3A_988, %swap3A_989], %gather3A_987 {strides = array<i32>} : memref<32x512xf32, #tpu.memory_space<vmem>>, vector<16xf32>,
      %swap3A_991 = arith.index_cast %add3A_923 : i32 to index
      %swap3A_992 = arith.constant 352 : index
      %swap3A_993 = tpu.vector_load %arg9[%swap3A_991, %swap3A_992] {strides = array<i32>} : memref<32x512xf32, #tpu.memory_space<vmem>>, vector<16xf32>,
      tpu.vector_store %arg9[%swap3A_991, %swap3A_992], %gather3A_987 {strides = array<i32>} : memref<32x512xf32, #tpu.memory_space<vmem>>, vector<16xf32>,
      %add3A_994 = arith.addi %gather3A_926, %get3A_130 : vector<16xi32>
      %add3A_995 = arith.addi %gather3A_930, %get3A_162 : vector<16xi32>
      %gather3A_996 = tpu.vector_load_idx %arg6[%add3A_994, %add3A_995] : memref<256x256xf32, #tpu.memory_space<vmem>>[vector<16xi32>, vector<16xi32>], vector<16xf32>,
      %swap3A_997 = arith.index_cast %add3A_923 : i32 to index
      %swap3A_998 = arith.constant 112 : index
      %swap3A_999 = tpu.vector_load %arg9[%swap3A_997, %swap3A_998] {strides = array<i32>} : memref<32x512xf32, #tpu.memory_space<vmem>>, vector<16xf32>,
      tpu.vector_store %arg9[%swap3A_997, %swap3A_998], %gather3A_996 {strides = array<i32>} : memref<32x512xf32, #tpu.memory_space<vmem>>, vector<16xf32>,
      %swap3A_1000 = arith.index_cast %add3A_923 : i32 to index
      %swap3A_1001 = arith.constant 368 : index
      %swap3A_1002 = tpu.vector_load %arg9[%swap3A_1000, %swap3A_1001] {strides = array<i32>} : memref<32x512xf32, #tpu.memory_space<vmem>>, vector<16xf32>,
      tpu.vector_store %arg9[%swap3A_1000, %swap3A_1001], %gather3A_996 {strides = array<i32>} : memref<32x512xf32, #tpu.memory_space<vmem>>, vector<16xf32>,
      %add3A_1003 = arith.addi %gather3A_926, %get3A_132 : vector<16xi32>
      %add3A_1004 = arith.addi %gather3A_930, %get3A_164 : vector<16xi32>
      %gather3A_1005 = tpu.vector_load_idx %arg6[%add3A_1003, %add3A_1004] : memref<256x256xf32, #tpu.memory_space<vmem>>[vector<16xi32>, vector<16xi32>], vector<16xf32>,
      %swap3A_1006 = arith.index_cast %add3A_923 : i32 to index
      %swap3A_1007 = arith.constant 128 : index
      %swap3A_1008 = tpu.vector_load %arg9[%swap3A_1006, %swap3A_1007] {strides = array<i32>} : memref<32x512xf32, #tpu.memory_space<vmem>>, vector<16xf32>,
      tpu.vector_store %arg9[%swap3A_1006, %swap3A_1007], %gather3A_1005 {strides = array<i32>} : memref<32x512xf32, #tpu.memory_space<vmem>>, vector<16xf32>,
      %swap3A_1009 = arith.index_cast %add3A_923 : i32 to index
      %swap3A_1010 = arith.constant 384 : index
      %swap3A_1011 = tpu.vector_load %arg9[%swap3A_1009, %swap3A_1010] {strides = array<i32>} : memref<32x512xf32, #tpu.memory_space<vmem>>, vector<16xf32>,
      tpu.vector_store %arg9[%swap3A_1009, %swap3A_1010], %gather3A_1005 {strides = array<i32>} : memref<32x512xf32, #tpu.memory_space<vmem>>, vector<16xf32>,
      %add3A_1012 = arith.addi %gather3A_926, %get3A_134 : vector<16xi32>
      %add3A_1013 = arith.addi %gather3A_930, %get3A_166 : vector<16xi32>
      %gather3A_1014 = tpu.vector_load_idx %arg6[%add3A_1012, %add3A_1013] : memref<256x256xf32, #tpu.memory_space<vmem>>[vector<16xi32>, vector<16xi32>], vector<16xf32>,
      %swap3A_1015 = arith.index_cast %add3A_923 : i32 to index
      %swap3A_1016 = arith.constant 144 : index
      %swap3A_1017 = tpu.vector_load %arg9[%swap3A_1015, %swap3A_1016] {strides = array<i32>} : memref<32x512xf32, #tpu.memory_space<vmem>>, vector<16xf32>,
      tpu.vector_store %arg9[%swap3A_1015, %swap3A_1016], %gather3A_1014 {strides = array<i32>} : memref<32x512xf32, #tpu.memory_space<vmem>>, vector<16xf32>,
      %swap3A_1018 = arith.index_cast %add3A_923 : i32 to index
      %swap3A_1019 = arith.constant 400 : index
      %swap3A_1020 = tpu.vector_load %arg9[%swap3A_1018, %swap3A_1019] {strides = array<i32>} : memref<32x512xf32, #tpu.memory_space<vmem>>, vector<16xf32>,
      tpu.vector_store %arg9[%swap3A_1018, %swap3A_1019], %gather3A_1014 {strides = array<i32>} : memref<32x512xf32, #tpu.memory_space<vmem>>, vector<16xf32>,
      %add3A_1021 = arith.addi %gather3A_926, %get3A_136 : vector<16xi32>
      %add3A_1022 = arith.addi %gather3A_930, %get3A_168 : vector<16xi32>
      %gather3A_1023 = tpu.vector_load_idx %arg6[%add3A_1021, %add3A_1022] : memref<256x256xf32, #tpu.memory_space<vmem>>[vector<16xi32>, vector<16xi32>], vector<16xf32>,
      %swap3A_1024 = arith.index_cast %add3A_923 : i32 to index
      %swap3A_1025 = arith.constant 160 : index
      %swap3A_1026 = tpu.vector_load %arg9[%swap3A_1024, %swap3A_1025] {strides = array<i32>} : memref<32x512xf32, #tpu.memory_space<vmem>>, vector<16xf32>,
      tpu.vector_store %arg9[%swap3A_1024, %swap3A_1025], %gather3A_1023 {strides = array<i32>} : memref<32x512xf32, #tpu.memory_space<vmem>>, vector<16xf32>,
      %swap3A_1027 = arith.index_cast %add3A_923 : i32 to index
      %swap3A_1028 = arith.constant 416 : index
      %swap3A_1029 = tpu.vector_load %arg9[%swap3A_1027, %swap3A_1028] {strides = array<i32>} : memref<32x512xf32, #tpu.memory_space<vmem>>, vector<16xf32>,
      tpu.vector_store %arg9[%swap3A_1027, %swap3A_1028], %gather3A_1023 {strides = array<i32>} : memref<32x512xf32, #tpu.memory_space<vmem>>, vector<16xf32>,
      %add3A_1030 = arith.addi %gather3A_926, %get3A_138 : vector<16xi32>
      %add3A_1031 = arith.addi %gather3A_930, %get3A_170 : vector<16xi32>
      %gather3A_1032 = tpu.vector_load_idx %arg6[%add3A_1030, %add3A_1031] : memref<256x256xf32, #tpu.memory_space<vmem>>[vector<16xi32>, vector<16xi32>], vector<16xf32>,
      %swap3A_1033 = arith.index_cast %add3A_923 : i32 to index
      %swap3A_1034 = arith.constant 176 : index
      %swap3A_1035 = tpu.vector_load %arg9[%swap3A_1033, %swap3A_1034] {strides = array<i32>} : memref<32x512xf32, #tpu.memory_space<vmem>>, vector<16xf32>,
      tpu.vector_store %arg9[%swap3A_1033, %swap3A_1034], %gather3A_1032 {strides = array<i32>} : memref<32x512xf32, #tpu.memory_space<vmem>>, vector<16xf32>,
      %swap3A_1036 = arith.index_cast %add3A_923 : i32 to index
      %swap3A_1037 = arith.constant 432 : index
      %swap3A_1038 = tpu.vector_load %arg9[%swap3A_1036, %swap3A_1037] {strides = array<i32>} : memref<32x512xf32, #tpu.memory_space<vmem>>, vector<16xf32>,
      tpu.vector_store %arg9[%swap3A_1036, %swap3A_1037], %gather3A_1032 {strides = array<i32>} : memref<32x512xf32, #tpu.memory_space<vmem>>, vector<16xf32>,
      %add3A_1039 = arith.addi %gather3A_926, %get3A_140 : vector<16xi32>
      %add3A_1040 = arith.addi %gather3A_930, %get3A_172 : vector<16xi32>
      %gather3A_1041 = tpu.vector_load_idx %arg6[%add3A_1039, %add3A_1040] : memref<256x256xf32, #tpu.memory_space<vmem>>[vector<16xi32>, vector<16xi32>], vector<16xf32>,
      %swap3A_1042 = arith.index_cast %add3A_923 : i32 to index
      %swap3A_1043 = arith.constant 192 : index
      %swap3A_1044 = tpu.vector_load %arg9[%swap3A_1042, %swap3A_1043] {strides = array<i32>} : memref<32x512xf32, #tpu.memory_space<vmem>>, vector<16xf32>,
      tpu.vector_store %arg9[%swap3A_1042, %swap3A_1043], %gather3A_1041 {strides = array<i32>} : memref<32x512xf32, #tpu.memory_space<vmem>>, vector<16xf32>,
      %swap3A_1045 = arith.index_cast %add3A_923 : i32 to index
      %swap3A_1046 = arith.constant 448 : index
      %swap3A_1047 = tpu.vector_load %arg9[%swap3A_1045, %swap3A_1046] {strides = array<i32>} : memref<32x512xf32, #tpu.memory_space<vmem>>, vector<16xf32>,
      tpu.vector_store %arg9[%swap3A_1045, %swap3A_1046], %gather3A_1041 {strides = array<i32>} : memref<32x512xf32, #tpu.memory_space<vmem>>, vector<16xf32>,
      %add3A_1048 = arith.addi %gather3A_926, %get3A_142 : vector<16xi32>
      %add3A_1049 = arith.addi %gather3A_930, %get3A_174 : vector<16xi32>
      %gather3A_1050 = tpu.vector_load_idx %arg6[%add3A_1048, %add3A_1049] : memref<256x256xf32, #tpu.memory_space<vmem>>[vector<16xi32>, vector<16xi32>], vector<16xf32>,
      %swap3A_1051 = arith.index_cast %add3A_923 : i32 to index
      %swap3A_1052 = arith.constant 208 : index
      %swap3A_1053 = tpu.vector_load %arg9[%swap3A_1051, %swap3A_1052] {strides = array<i32>} : memref<32x512xf32, #tpu.memory_space<vmem>>, vector<16xf32>,
      tpu.vector_store %arg9[%swap3A_1051, %swap3A_1052], %gather3A_1050 {strides = array<i32>} : memref<32x512xf32, #tpu.memory_space<vmem>>, vector<16xf32>,
      %swap3A_1054 = arith.index_cast %add3A_923 : i32 to index
      %swap3A_1055 = arith.constant 464 : index
      %swap3A_1056 = tpu.vector_load %arg9[%swap3A_1054, %swap3A_1055] {strides = array<i32>} : memref<32x512xf32, #tpu.memory_space<vmem>>, vector<16xf32>,
      tpu.vector_store %arg9[%swap3A_1054, %swap3A_1055], %gather3A_1050 {strides = array<i32>} : memref<32x512xf32, #tpu.memory_space<vmem>>, vector<16xf32>,
      %add3A_1057 = arith.addi %gather3A_926, %get3A_144 : vector<16xi32>
      %add3A_1058 = arith.addi %gather3A_930, %get3A_176 : vector<16xi32>
      %gather3A_1059 = tpu.vector_load_idx %arg6[%add3A_1057, %add3A_1058] : memref<256x256xf32, #tpu.memory_space<vmem>>[vector<16xi32>, vector<16xi32>], vector<16xf32>,
      %swap3A_1060 = arith.index_cast %add3A_923 : i32 to index
      %swap3A_1061 = arith.constant 224 : index
      %swap3A_1062 = tpu.vector_load %arg9[%swap3A_1060, %swap3A_1061] {strides = array<i32>} : memref<32x512xf32, #tpu.memory_space<vmem>>, vector<16xf32>,
      tpu.vector_store %arg9[%swap3A_1060, %swap3A_1061], %gather3A_1059 {strides = array<i32>} : memref<32x512xf32, #tpu.memory_space<vmem>>, vector<16xf32>,
      %swap3A_1063 = arith.index_cast %add3A_923 : i32 to index
      %swap3A_1064 = arith.constant 480 : index
      %swap3A_1065 = tpu.vector_load %arg9[%swap3A_1063, %swap3A_1064] {strides = array<i32>} : memref<32x512xf32, #tpu.memory_space<vmem>>, vector<16xf32>,
      tpu.vector_store %arg9[%swap3A_1063, %swap3A_1064], %gather3A_1059 {strides = array<i32>} : memref<32x512xf32, #tpu.memory_space<vmem>>, vector<16xf32>,
      %add3A_1066 = arith.addi %gather3A_926, %get3A_146 : vector<16xi32>
      %add3A_1067 = arith.addi %gather3A_930, %get3A_178 : vector<16xi32>
      %gather3A_1068 = tpu.vector_load_idx %arg6[%add3A_1066, %add3A_1067] : memref<256x256xf32, #tpu.memory_space<vmem>>[vector<16xi32>, vector<16xi32>], vector<16xf32>,
      %swap3A_1069 = arith.index_cast %add3A_923 : i32 to index
      %swap3A_1070 = arith.constant 240 : index
      %swap3A_1071 = tpu.vector_load %arg9[%swap3A_1069, %swap3A_1070] {strides = array<i32>} : memref<32x512xf32, #tpu.memory_space<vmem>>, vector<16xf32>,
      tpu.vector_store %arg9[%swap3A_1069, %swap3A_1070], %gather3A_1068 {strides = array<i32>} : memref<32x512xf32, #tpu.memory_space<vmem>>, vector<16xf32>,
      %swap3A_1072 = arith.index_cast %add3A_923 : i32 to index
      %swap3A_1073 = arith.constant 496 : index
      %swap3A_1074 = tpu.vector_load %arg9[%swap3A_1072, %swap3A_1073] {strides = array<i32>} : memref<32x512xf32, #tpu.memory_space<vmem>>, vector<16xf32>,
      tpu.vector_store %arg9[%swap3A_1072, %swap3A_1073], %gather3A_1068 {strides = array<i32>} : memref<32x512xf32, #tpu.memory_space<vmem>>, vector<16xf32>,
      %scan3A_1075 = arith.constant 0 : i32
      scf.yield %scan3A_1075 : i32
    }
    %scan3A_565 = arith.constant 16 : i32
    %mul3A_566 = arith.constant 4 : i32
    %mul3A_567 = arith.muli %arg1, %mul3A_566 : i32
    %add3A_568 = arith.constant 0 : i32
    %add3A_569 = arith.addi %mul3A_567, %add3A_568 : i32
    %mul3A_570 = arith.constant 512 : i32
    %mul3A_571 = arith.muli %add3A_569, %mul3A_570 : i32
    %add3A_572 = arith.constant 0 : i32
    %add3A_573 = arith.addi %mul3A_571, %add3A_572 : i32
    %add3A_574 = arith.addi %add3A_573, %add3A_558 : i32
    %dma_start3A_575 = arith.constant 0 : i32
    %dma_start3A_576 = tpu.memref_slice %arg5[%add3A_574, %dma_start3A_575] : memref<32768x512xf32, #tpu.memory_space<hbm>> -> memref<32x512xf32, #tpu.memory_space<hbm>>
    %dma_start3A_577 = arith.constant 0 : i32
    %dma_start3A_578 = tpu.memref_slice %arg5[%add3A_574, %dma_start3A_577] : memref<32768x512xf32, #tpu.memory_space<hbm>> -> memref<32x512xf32, #tpu.memory_space<hbm>>
    tpu.enqueue_dma source(%arg9 : memref<32x512xf32, #tpu.memory_space<vmem>>) target(%dma_start3A_578 : memref<32x512xf32, #tpu.memory_space<hbm>>) target_semaphore(%arg13 : memref<!tpu.dma_semaphore, #tpu.memory_space<semaphore_mem>>)
    %mul3A_579 = arith.constant 4 : i32
    %mul3A_580 = arith.muli %arg1, %mul3A_579 : i32
    %add3A_581 = arith.constant 0 : i32
    %add3A_582 = arith.addi %mul3A_580, %add3A_581 : i32
    %mul3A_583 = arith.constant 512 : i32
    %mul3A_584 = arith.muli %add3A_582, %mul3A_583 : i32
    %add3A_585 = arith.constant 256 : i32
    %add3A_586 = arith.addi %mul3A_584, %add3A_585 : i32
    %add3A_587 = arith.addi %add3A_586, %add3A_558 : i32
    %dma_start3A_588 = arith.constant 0 : i32
    %dma_start3A_589 = tpu.memref_slice %arg5[%add3A_587, %dma_start3A_588] : memref<32768x512xf32, #tpu.memory_space<hbm>> -> memref<32x512xf32, #tpu.memory_space<hbm>>
    %dma_start3A_590 = arith.constant 0 : i32
    %dma_start3A_591 = tpu.memref_slice %arg5[%add3A_587, %dma_start3A_590] : memref<32768x512xf32, #tpu.memory_space<hbm>> -> memref<32x512xf32, #tpu.memory_space<hbm>>
    tpu.enqueue_dma source(%arg9 : memref<32x512xf32, #tpu.memory_space<vmem>>) target(%dma_start3A_591 : memref<32x512xf32, #tpu.memory_space<hbm>>) target_semaphore(%arg13 : memref<!tpu.dma_semaphore, #tpu.memory_space<semaphore_mem>>)
    %mul3A_592 = arith.constant 4 : i32
    %mul3A_593 = arith.muli %arg1, %mul3A_592 : i32
    %add3A_594 = arith.constant 1 : i32
    %add3A_595 = arith.addi %mul3A_593, %add3A_594 : i32
    %mul3A_596 = arith.constant 512 : i32
    %mul3A_597 = arith.muli %add3A_595, %mul3A_596 : i32
    %add3A_598 = arith.constant 0 : i32
    %add3A_599 = arith.addi %mul3A_597, %add3A_598 : i32
    %add3A_600 = arith.addi %add3A_599, %add3A_558 : i32
    %dma_start3A_601 = arith.constant 0 : i32
    %dma_start3A_602 = tpu.memref_slice %arg5[%add3A_600, %dma_start3A_601] : memref<32768x512xf32, #tpu.memory_space<hbm>> -> memref<32x512xf32, #tpu.memory_space<hbm>>
    %dma_start3A_603 = arith.constant 0 : i32
    %dma_start3A_604 = tpu.memref_slice %arg5[%add3A_600, %dma_start3A_603] : memref<32768x512xf32, #tpu.memory_space<hbm>> -> memref<32x512xf32, #tpu.memory_space<hbm>>
    tpu.enqueue_dma source(%arg9 : memref<32x512xf32, #tpu.memory_space<vmem>>) target(%dma_start3A_604 : memref<32x512xf32, #tpu.memory_space<hbm>>) target_semaphore(%arg13 : memref<!tpu.dma_semaphore, #tpu.memory_space<semaphore_mem>>)
    %mul3A_605 = arith.constant 4 : i32
    %mul3A_606 = arith.muli %arg1, %mul3A_605 : i32
    %add3A_607 = arith.constant 1 : i32
    %add3A_608 = arith.addi %mul3A_606, %add3A_607 : i32
    %mul3A_609 = arith.constant 512 : i32
    %mul3A_610 = arith.muli %add3A_608, %mul3A_609 : i32
    %add3A_611 = arith.constant 256 : i32
    %add3A_612 = arith.addi %mul3A_610, %add3A_611 : i32
    %add3A_613 = arith.addi %add3A_612, %add3A_558 : i32
    %dma_start3A_614 = arith.constant 0 : i32
    %dma_start3A_615 = tpu.memref_slice %arg5[%add3A_613, %dma_start3A_614] : memref<32768x512xf32, #tpu.memory_space<hbm>> -> memref<32x512xf32, #tpu.memory_space<hbm>>
    %dma_start3A_616 = arith.constant 0 : i32
    %dma_start3A_617 = tpu.memref_slice %arg5[%add3A_613, %dma_start3A_616] : memref<32768x512xf32, #tpu.memory_space<hbm>> -> memref<32x512xf32, #tpu.memory_space<hbm>>
    tpu.enqueue_dma source(%arg9 : memref<32x512xf32, #tpu.memory_space<vmem>>) target(%dma_start3A_617 : memref<32x512xf32, #tpu.memory_space<hbm>>) target_semaphore(%arg13 : memref<!tpu.dma_semaphore, #tpu.memory_space<semaphore_mem>>)
    %mul3A_618 = arith.constant 4 : i32
    %mul3A_619 = arith.muli %arg1, %mul3A_618 : i32
    %add3A_620 = arith.constant 2 : i32
    %add3A_621 = arith.addi %mul3A_619, %add3A_620 : i32
    %mul3A_622 = arith.constant 512 : i32
    %mul3A_623 = arith.muli %add3A_621, %mul3A_622 : i32
    %add3A_624 = arith.constant 0 : i32
    %add3A_625 = arith.addi %mul3A_623, %add3A_624 : i32
    %add3A_626 = arith.addi %add3A_625, %add3A_558 : i32
    %dma_start3A_627 = arith.constant 0 : i32
    %dma_start3A_628 = tpu.memref_slice %arg5[%add3A_626, %dma_start3A_627] : memref<32768x512xf32, #tpu.memory_space<hbm>> -> memref<32x512xf32, #tpu.memory_space<hbm>>
    %dma_start3A_629 = arith.constant 0 : i32
    %dma_start3A_630 = tpu.memref_slice %arg5[%add3A_626, %dma_start3A_629] : memref<32768x512xf32, #tpu.memory_space<hbm>> -> memref<32x512xf32, #tpu.memory_space<hbm>>
    tpu.enqueue_dma source(%arg9 : memref<32x512xf32, #tpu.memory_space<vmem>>) target(%dma_start3A_630 : memref<32x512xf32, #tpu.memory_space<hbm>>) target_semaphore(%arg13 : memref<!tpu.dma_semaphore, #tpu.memory_space<semaphore_mem>>)
    %mul3A_631 = arith.constant 4 : i32
    %mul3A_632 = arith.muli %arg1, %mul3A_631 : i32
    %add3A_633 = arith.constant 2 : i32
    %add3A_634 = arith.addi %mul3A_632, %add3A_633 : i32
    %mul3A_635 = arith.constant 512 : i32
    %mul3A_636 = arith.muli %add3A_634, %mul3A_635 : i32
    %add3A_637 = arith.constant 256 : i32
    %add3A_638 = arith.addi %mul3A_636, %add3A_637 : i32
    %add3A_639 = arith.addi %add3A_638, %add3A_558 : i32
    %dma_start3A_640 = arith.constant 0 : i32
    %dma_start3A_641 = tpu.memref_slice %arg5[%add3A_639, %dma_start3A_640] : memref<32768x512xf32, #tpu.memory_space<hbm>> -> memref<32x512xf32, #tpu.memory_space<hbm>>
    %dma_start3A_642 = arith.constant 0 : i32
    %dma_start3A_643 = tpu.memref_slice %arg5[%add3A_639, %dma_start3A_642] : memref<32768x512xf32, #tpu.memory_space<hbm>> -> memref<32x512xf32, #tpu.memory_space<hbm>>
    tpu.enqueue_dma source(%arg9 : memref<32x512xf32, #tpu.memory_space<vmem>>) target(%dma_start3A_643 : memref<32x512xf32, #tpu.memory_space<hbm>>) target_semaphore(%arg13 : memref<!tpu.dma_semaphore, #tpu.memory_space<semaphore_mem>>)
    %mul3A_644 = arith.constant 4 : i32
    %mul3A_645 = arith.muli %arg1, %mul3A_644 : i32
    %add3A_646 = arith.constant 3 : i32
    %add3A_647 = arith.addi %mul3A_645, %add3A_646 : i32
    %mul3A_648 = arith.constant 512 : i32
    %mul3A_649 = arith.muli %add3A_647, %mul3A_648 : i32
    %add3A_650 = arith.constant 0 : i32
    %add3A_651 = arith.addi %mul3A_649, %add3A_650 : i32
    %add3A_652 = arith.addi %add3A_651, %add3A_558 : i32
    %dma_start3A_653 = arith.constant 0 : i32
    %dma_start3A_654 = tpu.memref_slice %arg5[%add3A_652, %dma_start3A_653] : memref<32768x512xf32, #tpu.memory_space<hbm>> -> memref<32x512xf32, #tpu.memory_space<hbm>>
    %dma_start3A_655 = arith.constant 0 : i32
    %dma_start3A_656 = tpu.memref_slice %arg5[%add3A_652, %dma_start3A_655] : memref<32768x512xf32, #tpu.memory_space<hbm>> -> memref<32x512xf32, #tpu.memory_space<hbm>>
    tpu.enqueue_dma source(%arg9 : memref<32x512xf32, #tpu.memory_space<vmem>>) target(%dma_start3A_656 : memref<32x512xf32, #tpu.memory_space<hbm>>) target_semaphore(%arg13 : memref<!tpu.dma_semaphore, #tpu.memory_space<semaphore_mem>>)
    %mul3A_657 = arith.constant 4 : i32
    %mul3A_658 = arith.muli %arg1, %mul3A_657 : i32
    %add3A_659 = arith.constant 3 : i32
    %add3A_660 = arith.addi %mul3A_658, %add3A_659 : i32
    %mul3A_661 = arith.constant 512 : i32
    %mul3A_662 = arith.muli %add3A_660, %mul3A_661 : i32
    %add3A_663 = arith.constant 256 : i32
    %add3A_664 = arith.addi %mul3A_662, %add3A_663 : i32
    %add3A_665 = arith.addi %add3A_664, %add3A_558 : i32
    %dma_start3A_666 = arith.constant 0 : i32
    %dma_start3A_667 = tpu.memref_slice %arg5[%add3A_665, %dma_start3A_666] : memref<32768x512xf32, #tpu.memory_space<hbm>> -> memref<32x512xf32, #tpu.memory_space<hbm>>
    %dma_start3A_668 = arith.constant 0 : i32
    %dma_start3A_669 = tpu.memref_slice %arg5[%add3A_665, %dma_start3A_668] : memref<32768x512xf32, #tpu.memory_space<hbm>> -> memref<32x512xf32, #tpu.memory_space<hbm>>
    tpu.enqueue_dma source(%arg9 : memref<32x512xf32, #tpu.memory_space<vmem>>) target(%dma_start3A_669 : memref<32x512xf32, #tpu.memory_space<hbm>>) target_semaphore(%arg13 : memref<!tpu.dma_semaphore, #tpu.memory_space<semaphore_mem>>)
    %dma_wait3A_670 = arith.constant 0 : i32
    %dma_wait3A_671 = tpu.memref_slice %arg5[%add3A_574, %dma_wait3A_670] : memref<32768x512xf32, #tpu.memory_space<hbm>> -> memref<32x512xf32, #tpu.memory_space<hbm>>
    %dma_wait3A_672 = arith.constant 0 : i32
    %dma_wait3A_673 = tpu.memref_slice %arg5[%add3A_574, %dma_wait3A_672] : memref<32768x512xf32, #tpu.memory_space<hbm>> -> memref<32x512xf32, #tpu.memory_space<hbm>>
    tpu.wait_dma2 semaphore(%arg13 : memref<!tpu.dma_semaphore, #tpu.memory_space<semaphore_mem>>) src(%arg9 : memref<32x512xf32, #tpu.memory_space<vmem>>) dst(%dma_wait3A_673 : memref<32x512xf32, #tpu.memory_space<hbm>>)
    %dma_wait3A_674 = arith.constant 0 : i32
    %dma_wait3A_675 = tpu.memref_slice %arg5[%add3A_587, %dma_wait3A_674] : memref<32768x512xf32, #tpu.memory_space<hbm>> -> memref<32x512xf32, #tpu.memory_space<hbm>>
    %dma_wait3A_676 = arith.constant 0 : i32
    %dma_wait3A_677 = tpu.memref_slice %arg5[%add3A_587, %dma_wait3A_676] : memref<32768x512xf32, #tpu.memory_space<hbm>> -> memref<32x512xf32, #tpu.memory_space<hbm>>
    tpu.wait_dma2 semaphore(%arg13 : memref<!tpu.dma_semaphore, #tpu.memory_space<semaphore_mem>>) src(%arg9 : memref<32x512xf32, #tpu.memory_space<vmem>>) dst(%dma_wait3A_677 : memref<32x512xf32, #tpu.memory_space<hbm>>)
    %dma_wait3A_678 = arith.constant 0 : i32
    %dma_wait3A_679 = tpu.memref_slice %arg5[%add3A_600, %dma_wait3A_678] : memref<32768x512xf32, #tpu.memory_space<hbm>> -> memref<32x512xf32, #tpu.memory_space<hbm>>
    %dma_wait3A_680 = arith.constant 0 : i32
    %dma_wait3A_681 = tpu.memref_slice %arg5[%add3A_600, %dma_wait3A_680] : memref<32768x512xf32, #tpu.memory_space<hbm>> -> memref<32x512xf32, #tpu.memory_space<hbm>>
    tpu.wait_dma2 semaphore(%arg13 : memref<!tpu.dma_semaphore, #tpu.memory_space<semaphore_mem>>) src(%arg9 : memref<32x512xf32, #tpu.memory_space<vmem>>) dst(%dma_wait3A_681 : memref<32x512xf32, #tpu.memory_space<hbm>>)
    %dma_wait3A_682 = arith.constant 0 : i32
    %dma_wait3A_683 = tpu.memref_slice %arg5[%add3A_613, %dma_wait3A_682] : memref<32768x512xf32, #tpu.memory_space<hbm>> -> memref<32x512xf32, #tpu.memory_space<hbm>>
    %dma_wait3A_684 = arith.constant 0 : i32
    %dma_wait3A_685 = tpu.memref_slice %arg5[%add3A_613, %dma_wait3A_684] : memref<32768x512xf32, #tpu.memory_space<hbm>> -> memref<32x512xf32, #tpu.memory_space<hbm>>
    tpu.wait_dma2 semaphore(%arg13 : memref<!tpu.dma_semaphore, #tpu.memory_space<semaphore_mem>>) src(%arg9 : memref<32x512xf32, #tpu.memory_space<vmem>>) dst(%dma_wait3A_685 : memref<32x512xf32, #tpu.memory_space<hbm>>)
    %dma_wait3A_686 = arith.constant 0 : i32
    %dma_wait3A_687 = tpu.memref_slice %arg5[%add3A_626, %dma_wait3A_686] : memref<32768x512xf32, #tpu.memory_space<hbm>> -> memref<32x512xf32, #tpu.memory_space<hbm>>
    %dma_wait3A_688 = arith.constant 0 : i32
    %dma_wait3A_689 = tpu.memref_slice %arg5[%add3A_626, %dma_wait3A_688] : memref<32768x512xf32, #tpu.memory_space<hbm>> -> memref<32x512xf32, #tpu.memory_space<hbm>>
    tpu.wait_dma2 semaphore(%arg13 : memref<!tpu.dma_semaphore, #tpu.memory_space<semaphore_mem>>) src(%arg9 : memref<32x512xf32, #tpu.memory_space<vmem>>) dst(%dma_wait3A_689 : memref<32x512xf32, #tpu.memory_space<hbm>>)
    %dma_wait3A_690 = arith.constant 0 : i32
    %dma_wait3A_691 = tpu.memref_slice %arg5[%add3A_639, %dma_wait3A_690] : memref<32768x512xf32, #tpu.memory_space<hbm>> -> memref<32x512xf32, #tpu.memory_space<hbm>>
    %dma_wait3A_692 = arith.constant 0 : i32
    %dma_wait3A_693 = tpu.memref_slice %arg5[%add3A_639, %dma_wait3A_692] : memref<32768x512xf32, #tpu.memory_space<hbm>> -> memref<32x512xf32, #tpu.memory_space<hbm>>
    tpu.wait_dma2 semaphore(%arg13 : memref<!tpu.dma_semaphore, #tpu.memory_space<semaphore_mem>>) src(%arg9 : memref<32x512xf32, #tpu.memory_space<vmem>>) dst(%dma_wait3A_693 : memref<32x512xf32, #tpu.memory_space<hbm>>)
    %dma_wait3A_694 = arith.constant 0 : i32
    %dma_wait3A_695 = tpu.memref_slice %arg5[%add3A_652, %dma_wait3A_694] : memref<32768x512xf32, #tpu.memory_space<hbm>> -> memref<32x512xf32, #tpu.memory_space<hbm>>
    %dma_wait3A_696 = arith.constant 0 : i32
    %dma_wait3A_697 = tpu.memref_slice %arg5[%add3A_652, %dma_wait3A_696] : memref<32768x512xf32, #tpu.memory_space<hbm>> -> memref<32x512xf32, #tpu.memory_space<hbm>>
    tpu.wait_dma2 semaphore(%arg13 : memref<!tpu.dma_semaphore, #tpu.memory_space<semaphore_mem>>) src(%arg9 : memref<32x512xf32, #tpu.memory_space<vmem>>) dst(%dma_wait3A_697 : memref<32x512xf32, #tpu.memory_space<hbm>>)
    %dma_wait3A_698 = arith.constant 0 : i32
    %dma_wait3A_699 = tpu.memref_slice %arg5[%add3A_665, %dma_wait3A_698] : memref<32768x512xf32, #tpu.memory_space<hbm>> -> memref<32x512xf32, #tpu.memory_space<hbm>>
    %dma_wait3A_700 = arith.constant 0 : i32
    %dma_wait3A_701 = tpu.memref_slice %arg5[%add3A_665, %dma_wait3A_700] : memref<32768x512xf32, #tpu.memory_space<hbm>> -> memref<32x512xf32, #tpu.memory_space<hbm>>
    tpu.wait_dma2 semaphore(%arg13 : memref<!tpu.dma_semaphore, #tpu.memory_space<semaphore_mem>>) src(%arg9 : memref<32x512xf32, #tpu.memory_space<vmem>>) dst(%dma_wait3A_701 : memref<32x512xf32, #tpu.memory_space<hbm>>)
    %dma_wait3A_702 = arith.constant 0 : i32
    %dma_wait3A_703 = tpu.memref_slice %arg5[%add3A_312, %dma_wait3A_702] : memref<32768x512xf32, #tpu.memory_space<hbm>> -> memref<32x512xf32, #tpu.memory_space<hbm>>
    %dma_wait3A_704 = arith.constant 0 : i32
    %dma_wait3A_705 = tpu.memref_slice %arg5[%add3A_312, %dma_wait3A_704] : memref<32768x512xf32, #tpu.memory_space<hbm>> -> memref<32x512xf32, #tpu.memory_space<hbm>>
    tpu.wait_dma2 semaphore(%arg14 : memref<!tpu.dma_semaphore, #tpu.memory_space<semaphore_mem>>) src(%arg10 : memref<32x512xf32, #tpu.memory_space<vmem>>) dst(%dma_wait3A_705 : memref<32x512xf32, #tpu.memory_space<hbm>>)
    %dma_wait3A_706 = arith.constant 0 : i32
    %dma_wait3A_707 = tpu.memref_slice %arg5[%add3A_325, %dma_wait3A_706] : memref<32768x512xf32, #tpu.memory_space<hbm>> -> memref<32x512xf32, #tpu.memory_space<hbm>>
    %dma_wait3A_708 = arith.constant 0 : i32
    %dma_wait3A_709 = tpu.memref_slice %arg5[%add3A_325, %dma_wait3A_708] : memref<32768x512xf32, #tpu.memory_space<hbm>> -> memref<32x512xf32, #tpu.memory_space<hbm>>
    tpu.wait_dma2 semaphore(%arg14 : memref<!tpu.dma_semaphore, #tpu.memory_space<semaphore_mem>>) src(%arg10 : memref<32x512xf32, #tpu.memory_space<vmem>>) dst(%dma_wait3A_709 : memref<32x512xf32, #tpu.memory_space<hbm>>)
    %dma_wait3A_710 = arith.constant 0 : i32
    %dma_wait3A_711 = tpu.memref_slice %arg5[%add3A_338, %dma_wait3A_710] : memref<32768x512xf32, #tpu.memory_space<hbm>> -> memref<32x512xf32, #tpu.memory_space<hbm>>
    %dma_wait3A_712 = arith.constant 0 : i32
    %dma_wait3A_713 = tpu.memref_slice %arg5[%add3A_338, %dma_wait3A_712] : memref<32768x512xf32, #tpu.memory_space<hbm>> -> memref<32x512xf32, #tpu.memory_space<hbm>>
    tpu.wait_dma2 semaphore(%arg14 : memref<!tpu.dma_semaphore, #tpu.memory_space<semaphore_mem>>) src(%arg10 : memref<32x512xf32, #tpu.memory_space<vmem>>) dst(%dma_wait3A_713 : memref<32x512xf32, #tpu.memory_space<hbm>>)
    %dma_wait3A_714 = arith.constant 0 : i32
    %dma_wait3A_715 = tpu.memref_slice %arg5[%add3A_351, %dma_wait3A_714] : memref<32768x512xf32, #tpu.memory_space<hbm>> -> memref<32x512xf32, #tpu.memory_space<hbm>>
    %dma_wait3A_716 = arith.constant 0 : i32
    %dma_wait3A_717 = tpu.memref_slice %arg5[%add3A_351, %dma_wait3A_716] : memref<32768x512xf32, #tpu.memory_space<hbm>> -> memref<32x512xf32, #tpu.memory_space<hbm>>
    tpu.wait_dma2 semaphore(%arg14 : memref<!tpu.dma_semaphore, #tpu.memory_space<semaphore_mem>>) src(%arg10 : memref<32x512xf32, #tpu.memory_space<vmem>>) dst(%dma_wait3A_717 : memref<32x512xf32, #tpu.memory_space<hbm>>)
    %dma_wait3A_718 = arith.constant 0 : i32
    %dma_wait3A_719 = tpu.memref_slice %arg5[%add3A_364, %dma_wait3A_718] : memref<32768x512xf32, #tpu.memory_space<hbm>> -> memref<32x512xf32, #tpu.memory_space<hbm>>
    %dma_wait3A_720 = arith.constant 0 : i32
    %dma_wait3A_721 = tpu.memref_slice %arg5[%add3A_364, %dma_wait3A_720] : memref<32768x512xf32, #tpu.memory_space<hbm>> -> memref<32x512xf32, #tpu.memory_space<hbm>>
    tpu.wait_dma2 semaphore(%arg14 : memref<!tpu.dma_semaphore, #tpu.memory_space<semaphore_mem>>) src(%arg10 : memref<32x512xf32, #tpu.memory_space<vmem>>) dst(%dma_wait3A_721 : memref<32x512xf32, #tpu.memory_space<hbm>>)
    %dma_wait3A_722 = arith.constant 0 : i32
    %dma_wait3A_723 = tpu.memref_slice %arg5[%add3A_377, %dma_wait3A_722] : memref<32768x512xf32, #tpu.memory_space<hbm>> -> memref<32x512xf32, #tpu.memory_space<hbm>>
    %dma_wait3A_724 = arith.constant 0 : i32
    %dma_wait3A_725 = tpu.memref_slice %arg5[%add3A_377, %dma_wait3A_724] : memref<32768x512xf32, #tpu.memory_space<hbm>> -> memref<32x512xf32, #tpu.memory_space<hbm>>
    tpu.wait_dma2 semaphore(%arg14 : memref<!tpu.dma_semaphore, #tpu.memory_space<semaphore_mem>>) src(%arg10 : memref<32x512xf32, #tpu.memory_space<vmem>>) dst(%dma_wait3A_725 : memref<32x512xf32, #tpu.memory_space<hbm>>)
    %dma_wait3A_726 = arith.constant 0 : i32
    %dma_wait3A_727 = tpu.memref_slice %arg5[%add3A_390, %dma_wait3A_726] : memref<32768x512xf32, #tpu.memory_space<hbm>> -> memref<32x512xf32, #tpu.memory_space<hbm>>
    %dma_wait3A_728 = arith.constant 0 : i32
    %dma_wait3A_729 = tpu.memref_slice %arg5[%add3A_390, %dma_wait3A_728] : memref<32768x512xf32, #tpu.memory_space<hbm>> -> memref<32x512xf32, #tpu.memory_space<hbm>>
    tpu.wait_dma2 semaphore(%arg14 : memref<!tpu.dma_semaphore, #tpu.memory_space<semaphore_mem>>) src(%arg10 : memref<32x512xf32, #tpu.memory_space<vmem>>) dst(%dma_wait3A_729 : memref<32x512xf32, #tpu.memory_space<hbm>>)
    %dma_wait3A_730 = arith.constant 0 : i32
    %dma_wait3A_731 = tpu.memref_slice %arg5[%add3A_403, %dma_wait3A_730] : memref<32768x512xf32, #tpu.memory_space<hbm>> -> memref<32x512xf32, #tpu.memory_space<hbm>>
    %dma_wait3A_732 = arith.constant 0 : i32
    %dma_wait3A_733 = tpu.memref_slice %arg5[%add3A_403, %dma_wait3A_732] : memref<32768x512xf32, #tpu.memory_space<hbm>> -> memref<32x512xf32, #tpu.memory_space<hbm>>
    tpu.wait_dma2 semaphore(%arg14 : memref<!tpu.dma_semaphore, #tpu.memory_space<semaphore_mem>>) src(%arg10 : memref<32x512xf32, #tpu.memory_space<vmem>>) dst(%dma_wait3A_733 : memref<32x512xf32, #tpu.memory_space<hbm>>)
    %dma_wait3A_734 = arith.constant 0 : i32
    %dma_wait3A_735 = tpu.memref_slice %arg5[%add3A_427, %dma_wait3A_734] : memref<32768x512xf32, #tpu.memory_space<hbm>> -> memref<32x512xf32, #tpu.memory_space<hbm>>
    %dma_wait3A_736 = arith.constant 0 : i32
    %dma_wait3A_737 = tpu.memref_slice %arg5[%add3A_427, %dma_wait3A_736] : memref<32768x512xf32, #tpu.memory_space<hbm>> -> memref<32x512xf32, #tpu.memory_space<hbm>>
    tpu.wait_dma2 semaphore(%arg15 : memref<!tpu.dma_semaphore, #tpu.memory_space<semaphore_mem>>) src(%arg11 : memref<32x512xf32, #tpu.memory_space<vmem>>) dst(%dma_wait3A_737 : memref<32x512xf32, #tpu.memory_space<hbm>>)
    %dma_wait3A_738 = arith.constant 0 : i32
    %dma_wait3A_739 = tpu.memref_slice %arg5[%add3A_440, %dma_wait3A_738] : memref<32768x512xf32, #tpu.memory_space<hbm>> -> memref<32x512xf32, #tpu.memory_space<hbm>>
    %dma_wait3A_740 = arith.constant 0 : i32
    %dma_wait3A_741 = tpu.memref_slice %arg5[%add3A_440, %dma_wait3A_740] : memref<32768x512xf32, #tpu.memory_space<hbm>> -> memref<32x512xf32, #tpu.memory_space<hbm>>
    tpu.wait_dma2 semaphore(%arg15 : memref<!tpu.dma_semaphore, #tpu.memory_space<semaphore_mem>>) src(%arg11 : memref<32x512xf32, #tpu.memory_space<vmem>>) dst(%dma_wait3A_741 : memref<32x512xf32, #tpu.memory_space<hbm>>)
    %dma_wait3A_742 = arith.constant 0 : i32
    %dma_wait3A_743 = tpu.memref_slice %arg5[%add3A_453, %dma_wait3A_742] : memref<32768x512xf32, #tpu.memory_space<hbm>> -> memref<32x512xf32, #tpu.memory_space<hbm>>
    %dma_wait3A_744 = arith.constant 0 : i32
    %dma_wait3A_745 = tpu.memref_slice %arg5[%add3A_453, %dma_wait3A_744] : memref<32768x512xf32, #tpu.memory_space<hbm>> -> memref<32x512xf32, #tpu.memory_space<hbm>>
    tpu.wait_dma2 semaphore(%arg15 : memref<!tpu.dma_semaphore, #tpu.memory_space<semaphore_mem>>) src(%arg11 : memref<32x512xf32, #tpu.memory_space<vmem>>) dst(%dma_wait3A_745 : memref<32x512xf32, #tpu.memory_space<hbm>>)
    %dma_wait3A_746 = arith.constant 0 : i32
    %dma_wait3A_747 = tpu.memref_slice %arg5[%add3A_466, %dma_wait3A_746] : memref<32768x512xf32, #tpu.memory_space<hbm>> -> memref<32x512xf32, #tpu.memory_space<hbm>>
    %dma_wait3A_748 = arith.constant 0 : i32
    %dma_wait3A_749 = tpu.memref_slice %arg5[%add3A_466, %dma_wait3A_748] : memref<32768x512xf32, #tpu.memory_space<hbm>> -> memref<32x512xf32, #tpu.memory_space<hbm>>
    tpu.wait_dma2 semaphore(%arg15 : memref<!tpu.dma_semaphore, #tpu.memory_space<semaphore_mem>>) src(%arg11 : memref<32x512xf32, #tpu.memory_space<vmem>>) dst(%dma_wait3A_749 : memref<32x512xf32, #tpu.memory_space<hbm>>)
    %dma_wait3A_750 = arith.constant 0 : i32
    %dma_wait3A_751 = tpu.memref_slice %arg5[%add3A_479, %dma_wait3A_750] : memref<32768x512xf32, #tpu.memory_space<hbm>> -> memref<32x512xf32, #tpu.memory_space<hbm>>
    %dma_wait3A_752 = arith.constant 0 : i32
    %dma_wait3A_753 = tpu.memref_slice %arg5[%add3A_479, %dma_wait3A_752] : memref<32768x512xf32, #tpu.memory_space<hbm>> -> memref<32x512xf32, #tpu.memory_space<hbm>>
    tpu.wait_dma2 semaphore(%arg15 : memref<!tpu.dma_semaphore, #tpu.memory_space<semaphore_mem>>) src(%arg11 : memref<32x512xf32, #tpu.memory_space<vmem>>) dst(%dma_wait3A_753 : memref<32x512xf32, #tpu.memory_space<hbm>>)
    %dma_wait3A_754 = arith.constant 0 : i32
    %dma_wait3A_755 = tpu.memref_slice %arg5[%add3A_492, %dma_wait3A_754] : memref<32768x512xf32, #tpu.memory_space<hbm>> -> memref<32x512xf32, #tpu.memory_space<hbm>>
    %dma_wait3A_756 = arith.constant 0 : i32
    %dma_wait3A_757 = tpu.memref_slice %arg5[%add3A_492, %dma_wait3A_756] : memref<32768x512xf32, #tpu.memory_space<hbm>> -> memref<32x512xf32, #tpu.memory_space<hbm>>
    tpu.wait_dma2 semaphore(%arg15 : memref<!tpu.dma_semaphore, #tpu.memory_space<semaphore_mem>>) src(%arg11 : memref<32x512xf32, #tpu.memory_space<vmem>>) dst(%dma_wait3A_757 : memref<32x512xf32, #tpu.memory_space<hbm>>)
    %dma_wait3A_758 = arith.constant 0 : i32
    %dma_wait3A_759 = tpu.memref_slice %arg5[%add3A_505, %dma_wait3A_758] : memref<32768x512xf32, #tpu.memory_space<hbm>> -> memref<32x512xf32, #tpu.memory_space<hbm>>
    %dma_wait3A_760 = arith.constant 0 : i32
    %dma_wait3A_761 = tpu.memref_slice %arg5[%add3A_505, %dma_wait3A_760] : memref<32768x512xf32, #tpu.memory_space<hbm>> -> memref<32x512xf32, #tpu.memory_space<hbm>>
    tpu.wait_dma2 semaphore(%arg15 : memref<!tpu.dma_semaphore, #tpu.memory_space<semaphore_mem>>) src(%arg11 : memref<32x512xf32, #tpu.memory_space<vmem>>) dst(%dma_wait3A_761 : memref<32x512xf32, #tpu.memory_space<hbm>>)
    %dma_wait3A_762 = arith.constant 0 : i32
    %dma_wait3A_763 = tpu.memref_slice %arg5[%add3A_518, %dma_wait3A_762] : memref<32768x512xf32, #tpu.memory_space<hbm>> -> memref<32x512xf32, #tpu.memory_space<hbm>>
    %dma_wait3A_764 = arith.constant 0 : i32
    %dma_wait3A_765 = tpu.memref_slice %arg5[%add3A_518, %dma_wait3A_764] : memref<32768x512xf32, #tpu.memory_space<hbm>> -> memref<32x512xf32, #tpu.memory_space<hbm>>
    tpu.wait_dma2 semaphore(%arg15 : memref<!tpu.dma_semaphore, #tpu.memory_space<semaphore_mem>>) src(%arg11 : memref<32x512xf32, #tpu.memory_space<vmem>>) dst(%dma_wait3A_765 : memref<32x512xf32, #tpu.memory_space<hbm>>)
    return
  }
}

</mosaic_0001>

<sc_bundles>
// kernel: kernel.3.cloned.1.call-start
scs
__scs_entry_jumppad:
0x0: {  	(pc) =	sbr.rel $0x88, $3  }
0x1: {  	(tag) =	ssettag $0x0;
	lr =	simm.s32 $0x1  }
0x2: {  	[smem:$0x3FA0] =	sst lr;
	_ =	strace $0xD0000000  }
0x3: {  	_ = 	snop  }
0x4: {  	_ = 	snop  }
0x5: {  	_ = 	snop  }
0x6: {  	_ = 	snop  }
0x7: {  	_ = 	snop  }
__scs_overlays_trampoline_lowered:
0x8: {  	[smem:$0x3FAF] =	sst s0  }
0x9: {  	[smem:$0x3FB0] =	sst s1  }
0xa: {  	[smem:$0x3FB1] =	sst s2  }
0xb: {  	[smem:$0x3FB2] =	sst s3  }
0xc: {  	[smem:$0x3FB3] =	sst s4  }
0xd: {  	[smem:$0x3FB4] =	sst s5  }
0xe: {  	[smem:$0x3FB5] =	sst s6  }
0xf: {  	[smem:$0x3FB6] =	sst s7  }
0x10: {  	[smem:$0x3FB7] =	sst s8  }
0x11: {  	[smem:$0x3FB8] =	sst s9;
	s0 =	simm.s32 @!p0 $0x0  }
0x12: {  	s1 =	sld [smem:$0x3F9E];
	s0 =	simm.s32 @p0 $0x1  }
0x13: {  	[smem:$0x3FB9] =	sst s0;
	s0 =	simm.s32 @!p1 $0x0  }
0x14: {  	s2 =	sld [smem:$0x3F9D];
	s0 =	simm.s32 @p1 $0x1  }
0x15: {  	[smem:$0x3FBA] =	sst s0;
	s0 =	simm.s32 @!p2 $0x0  }
0x16: {  	s3 =	sld [smem:$0x3FDB];
	s0 =	simm.s32 @p2 $0x1  }
0x17: {  	s4 =	simm.s32 $0x1BF5;
	[smem:$0x3FBC] =	sst s0  }
0x18: {  	s0 =	sld [smem:$0x3F9F];
	_ =	swait.ge [sflag:s4], $0x0  }
0x19: {  	s7 =	sld [smem:$0x3FA0]  }
0x1a: {  	s8 =	sadd.s32 $0xFFFFE003, lr  }
0x1b: {  	s9 =	sadd.s32 $0xFFFFFEF7, lr;
	s5 =	simm.s32 $0xFFFFFFFF;
	p2 =	slt.u32 s8, $0xFFFFF086  }
0x1c: {  	p1 =	slt.u32 s9, $0xF7A;
	s5 =	simm.s32 @!p2 $0x0  }
0x1d: {  	s5 =	simm.s32 @p1 $0x1;
	p0 =	seq.s32 s7, s2  }
0x1e: {  	s7 =	smul.u32 @!p0 $0xF7A, s2;
	p2 =	seq.s32 @!p0 s5, $0x0  }
0x1f: {  	s9 =	smul.u32 $0xF7A, s1;
	s8 =	simm.s32 @!p0 $0x1BF5;
	p2 =	por !p2, p0  }
0x20: {  	[sflag:s8] =	ssyncset.s32 @!p0 $0xFFFFF086;
	s6 =	sadd.s32 @!p0 s3, s7;
	s7 =	simm.s32 @!p0 $0x108  }
0x21: {  	s3 =	sadd.s32 s3, s9;
	s6 =	sadd.s32 @!p0 $0x88, s6;
	s7 =	simm.s32 @p2 $0x1082  }
0x22: {  	[simem:s7], [sflag:s8] =	dma.local @!p0 [hbm:s6], $0xF7A  }
0x23: {  	s9 =	sor.u32 $0xD0000000, s2;
	s6 =	simm.s32 $0x108;
	_ =	swait.ge @!p0 [sflag:s8], $0x0  }
0x24: {  	s3 =	sadd.s32 $0x88, s3;
	s6 =	simm.s32 @!p1 $0x1082;
	[sflag:s4] =	ssyncset.s32 $0xFFFFF086  }
0x25: {  	[simem:s6], [sflag:s4] =	dma.local [hbm:s3], $0xF7A  }
0x26: {  	[smem:$0x3FA0] =	sst s1;
	(tag) =	ssettag s2;
	_ =	strace s9  }
0x27: {  	s1 =	sld [smem:$0x3FB0]  }
0x28: {  	s2 =	sld [smem:$0x3FB1]  }
0x29: {  	s4 =	sld [smem:$0x3FB3]  }
0x2a: {  	p0 =	seq.s32 s5, $0x0;
	s5 =	sld [smem:$0x3FB4]  }
0x2b: {  	s6 =	sld [smem:$0x3FB5]  }
0x2c: {  	s7 =	sld [smem:$0x3FB6]  }
0x2d: {  	s3 =	simm.s32 $0x108;
	s8 =	sld [smem:$0x3FB7]  }
0x2e: {  	s3 =	simm.s32 @!p0 $0x1082;
	s9 =	sld [smem:$0x3FB8]  }
0x2f: {  	lr =	sadd.s32 s0, s3;
	s0 =	sld [smem:$0x3FAF]  }
0x30: {  	s3 =	sld [smem:$0x3FB2]  }
0x31: {  	[smem:$0x3FBB] =	sst s10  }
0x32: {  	s10 =	sld [smem:$0x3FB9];
	_ =	sdelay $0x3  }
0x33: {  	p0 =	seq.s32 s10, $0x1;
	s10 =	sld [smem:$0x3FBB];
	_ =	sdelay $0x3  }
0x34: {  	[smem:$0x3FBB] =	sst s10  }
0x35: {  	s10 =	sld [smem:$0x3FBA];
	_ =	sdelay $0x3  }
0x36: {  	p1 =	seq.s32 s10, $0x1;
	s10 =	sld [smem:$0x3FBB];
	_ =	sdelay $0x3  }
0x37: {  	[smem:$0x3FBB] =	sst s10  }
0x38: {  	s10 =	sld [smem:$0x3FBC]  }
0x39: {  	_ = 	snop;
	(pc) =	sbr.ind lr, $3  }
0x3a: {  	_ = 	snop  }
0x3b: {  	_ = 	snop  }
0x3c: {  	p2 =	seq.s32 s10, $0x1;
	s10 =	sld [smem:$0x3FBB]  }
0x3d: {  	_ =	shalt  }
0x3e: {  	_ =	shalt  }
0x3f: {  	_ =	shalt  }
0x40: {  	_ =	shalt  }
0x41: {  	_ =	shalt  }
0x42: {  	_ =	shalt  }
0x43: {  	_ =	shalt  }
0x44: {  	_ =	shalt  }
0x45: {  	_ =	shalt  }
0x46: {  	_ =	shalt  }
0x47: {  	_ =	shalt  }
0x48: {  	_ =	shalt  }
0x49: {  	_ =	shalt  }
0x4a: {  	_ =	shalt  }
0x4b: {  	_ =	shalt  }
0x4c: {  	_ =	shalt  }
0x4d: {  	_ =	shalt  }
0x4e: {  	_ =	shalt  }
0x4f: {  	_ =	shalt  }
0x50: {  	_ =	shalt  }
0x51: {  	_ =	shalt  }
0x52: {  	_ =	shalt  }
0x53: {  	_ =	shalt  }
0x54: {  	_ =	shalt  }
0x55: {  	_ =	shalt  }
0x56: {  	_ =	shalt  }
0x57: {  	_ =	shalt  }
0x58: {  	_ =	shalt  }
0x59: {  	_ =	shalt  }
0x5a: {  	_ =	shalt  }
0x5b: {  	_ =	shalt  }
0x5c: {  	_ =	shalt  }
0x5d: {  	_ =	shalt  }
0x5e: {  	_ =	shalt  }
0x5f: {  	_ =	shalt  }
0x60: {  	_ =	shalt  }
0x61: {  	_ =	shalt  }
0x62: {  	_ =	shalt  }
0x63: {  	_ =	shalt  }
0x64: {  	_ =	shalt  }
0x65: {  	_ =	shalt  }
0x66: {  	_ =	shalt  }
0x67: {  	_ =	shalt  }
0x68: {  	_ =	shalt  }
0x69: {  	_ =	shalt  }
0x6a: {  	_ =	shalt  }
0x6b: {  	_ =	shalt  }
0x6c: {  	_ =	shalt  }
0x6d: {  	_ =	shalt  }
0x6e: {  	_ =	shalt  }
0x6f: {  	_ =	shalt  }
0x70: {  	_ =	shalt  }
0x71: {  	_ =	shalt  }
0x72: {  	_ =	shalt  }
0x73: {  	_ =	shalt  }
0x74: {  	_ =	shalt  }
0x75: {  	_ =	shalt  }
0x76: {  	_ =	shalt  }
0x77: {  	_ =	shalt  }
0x78: {  	_ =	shalt  }
0x79: {  	_ =	shalt  }
0x7a: {  	_ =	shalt  }
0x7b: {  	_ =	shalt  }
0x7c: {  	_ =	shalt  }
0x7d: {  	_ =	shalt  }
0x7e: {  	_ =	shalt  }
0x7f: {  	_ =	shalt  }
0x80: {  	_ =	shalt  }
0x81: {  	_ =	shalt  }
0x82: {  	_ =	shalt  }
0x83: {  	_ =	shalt  }
0x84: {  	_ =	shalt  }
0x85: {  	_ =	shalt  }
0x86: {  	_ =	shalt  }
0x87: {  	_ =	shalt  }
.Lfunc_end0:
.L_simem_size_0:
called_computation_lowered:
.L_overlay_start_0:
0x88: {  	s2 =	sld [smem:$0x3FD9]  }
0x89: {  	s3 =	sld [smem:$0x3FFE];
	_ =	sdelay $0x1  }
0x8a: {  	s1 =	srdreg.scid  }
0x8b: {  	s0 =	sand.u32 $0x1, s1  }
0x8c: {  	s17 =	sshll.u32 s0, $0xA;
	s2 =	sadd.s32 s3, s2  }
0x8d: {  	s2 =	sadd.s32 s2, s17  }
0x8e: {  	[smem:$0x3FC7] =	sst s2  }
0x8f: {  	_ = 	snop  }
0x90: {  	s2 =	sld [smem:$0x3FC9]  }
0x91: {  	s18 =	sld [smem:$0x3FD0];
	(tm) =	ssettm $0x1  }
0x92: {  	s4 =	sld [smem:$0x3FFB];
	_ =	sdelay $0x3  }
0x93: {  	_ =	strace s4  }
0x94: {  	s4 =	sld [smem:$0x3FFC];
	_ =	sdelay $0x3  }
0x95: {  	_ =	strace s4  }
0x96: {  	s4 =	sld [smem:$0x3FFD];
	_ =	sdelay $0x3  }
0x97: {  	_ =	strace s4  }
0x98: {  	_ =	strace $0x8FFFFFFF  }
0x99: {  	s19 =	sld [smem:$0x3FDB];
	_ =	sdelay $0x1  }
0x9a: {  	s5 =	simm.s32 $_scs_section_size  }
0x9b: {  	s6 =	simm.s32 $_size__tile_overlayer_lowered;
	s7 =	simm.s32 $_tile_overlayer_lowered  }
0x9c: {  	s22 =	simm.s32 $0x1BFF;
	s21 =	sshll.u32 s7, $0x1;
	s4 =	sadd.s32 s5, s19  }
0x9d: {  	s8 =	simm.s32 $0x0;
	s20 =	sshll.u32 s6, $0x1;
	s6 =	sadd.s32 s21, s4  }
0x9e: {  	[timem:s8], [sflag:s22] =	dma.local [hbm:s6], s20  }
0x9f: {  	_ =	swait.ge [sflag:s22], s20  }
0xa0: {  	s5 =	ssub.s32 $0x0, s20;
	[sflag:s22] =	ssyncset.done $0x0  }
0xa1: {  	[sflag:s22] =	ssyncadd.s32 s5;
	_ =	sdelay $0x1  }
0xa2: {  	s23 =	simm.s32 $0x1B8B  }
0xa3: {  	_ =	swait.ge [sflag:s23], $0x1  }
0xa4: {  	[sflag:s23] =	ssyncset.done $0x0  }
0xa5: {  	s25 =	simm.s32 $0x1B8E;
	s24 =	sld [smem:$0x3FFE];
	[sflag:s23] =	ssyncadd.s32 $0xFFFFFFFF  }
0xa6: {  	s26 =	simm.s32 $execute0_lowered;
	[smem:$0x3FD2] =	sst s25  }
0xa7: {  	s6 =	sshll.u32 s26, $0x1;
	_ =	strace $0x80000046;
	[dreg:$0x1] =	wrdreg $0xFFFFFFFF  }
0xa8: {  	s28 =	simm.s32 $_size_execute0_lowered;
	s4 =	sadd.s32 s4, s6;
	[dreg:$0x0] =	wrdreg $0x0  }
0xa9: {  	s6 =	sshll.u32 s28, $0x1;
	[dreg:$0x2] =	wrdreg s4  }
0xaa: {  	[dreg:$0x3] =	wrdreg s6  }
0xab: {  	[dreg:$0x4] =	wrdreg $0xC0  }
0xac: {  	_ =	task [dreg:s8], $0x5FFFF  }
0xad: {  	[dreg:$0x1] =	wrdreg $0xFFFFFFFF  }
0xae: {  	[dreg:$0x0] =	wrdreg $0x60  }
0xaf: {  	[dreg:$0x2] =	wrdreg s2  }
0xb0: {  	[dreg:$0x3] =	wrdreg s24  }
0xb1: {  	[dreg:$0x4] =	wrdreg s18  }
0xb2: {  	[dreg:$0x5] =	wrdreg $0x9  }
0xb3: {  	_ =	task.clear_ibuf [dreg:s8], $0x6FFFF;
	_ =	strace $0x90000046  }
0xb4: {  	s29 =	simm.s32 $0x9;
	_ =	strace $0x80000048  }
0xb5: {  	_ =	swait.ge [sflag:s29], $0x1  }
0xb6: {  	[sflag:s29] =	ssyncadd.s32 $0xFFFFFFFF  }
0xb7: {  	_ =	strace $0x90000048  }
0xb8: {  	_ =	sfence  }
0xb9: {  	s30 =	sld [smem:$0x0];
	_ =	sdelay $0x2  }
0xba: {  	s31 =	sshll.u32 s1, $0xD;
	s1 =	sshrl.u32 s1, $0x2  }
0xbb: {  	s3 =	sand.u32 $0x4000, s31;
	s1 =	sadd.s32 s1, s30  }
0xbc: {  	s0 =	sor.u32 s3, s0;
	s1 =	sshll.u32 s1, $0x11  }
0xbd: {  	s0 =	sor.u32 s1, s0  }
0xbe: {  	s0 =	sadd.s32 $0x8F2B, s0  }
0xbf: {  	[sflag:s0] =	ssyncadd.remote.s32 $0x1  }
0xc0: {  	_ =	sfence.sel $0xFFFF  }
0xc1: {  	[dreg:$0x0] =	wrdreg $0xFFFFFFFF;
	(pc) =	sbr.abs _section_cstart, $3  }
0xc2: {  	[dreg:$0x1] =	wrdreg $0xFFFFFFFF  }
0xc3: {  	_ =	task.clear_ibuf [dreg:s8], $0x2FFFF;
	_ =	strace $0x9FFFFFFF  }
0xc4: {  	(tm) =	ssettm $0x7FFFFFFF  }
0xc5: {  	_ =	shalt  }
tec
execute0_lowered:
.L_overlay_start_1:
0x0: {  	(tag) =	ssettag $0x1  }
0x1: {  	s6 =	rddreg [dreg:$0x0]  }
0x2: {  	s11 =	stileid.u32;
	s2 =	rddreg [dreg:$0x1];
	s1 =	simm.s32 $0x36  }
0x3: {  	s3 =	simm.s32 $0x28;
	s0 =	rddreg [dreg:$0x2];
	p0 =	seq.s32 s11, $0x0  }
0x4: {  	s4 =	simm.s32 $0x20;
	s1 =	simm.s32 @!p0 $0x0;
	p0 =	seq.s32 s11, $0x1  }
0x5: {  	s5 =	simm.s32 $0x11;
	s3 =	simm.s32 @!p0 $0x0;
	p0 =	seq.s32 s11, $0x2  }
0x6: {  	s3 =	sadd.s32 s3, s1;
	s4 =	simm.s32 @!p0 $0x0;
	p0 =	seq.s32 s11, $0x3  }
0x7: {  	s8 =	srdreg.scid;
	s3 =	sadd.s32 s4, s3;
	s5 =	simm.s32 @!p0 $0x0  }
0x8: {  	p0 =	seq.s32 s11, $0x4;
	s4 =	simm.s32 $0x13;
	s3 =	sadd.s32 s5, s3  }
0x9: {  	s4 =	simm.s32 @!p0 $0x0;
	p0 =	seq.s32 s11, $0x5;
	s5 =	simm.s32 $0x2  }
0xa: {  	s7 =	sshll.u32 s11, $0x6;
	s3 =	sadd.s32 s4, s3;
	s5 =	simm.s32 @!p0 $0x0  }
0xb: {  	p0 =	seq.s32 s11, $0x6;
	s4 =	simm.s32 $0x4;
	s3 =	sadd.s32 s5, s3  }
0xc: {  	s4 =	simm.s32 @!p0 $0x0;
	p0 =	seq.s32 s11, $0x7;
	s5 =	simm.s32 $0x1  }
0xd: {  	s8 =	sand.u32 $0x1, s8;
	s3 =	sadd.s32 s4, s3;
	s5 =	simm.s32 @!p0 $0x0  }
0xe: {  	p0 =	seq.s32 s11, $0x8;
	s4 =	simm.s32 $0xB;
	s3 =	sadd.s32 s5, s3  }
0xf: {  	s4 =	simm.s32 @!p0 $0x0;
	p0 =	seq.s32 s11, $0x9;
	s5 =	simm.s32 $0x34  }
0x10: {  	s9 =	ssub.s32 $0x2, s8;
	s3 =	sadd.s32 s4, s3;
	s5 =	simm.s32 @!p0 $0x0  }
0x11: {  	p0 =	seq.s32 s11, $0xA;
	s4 =	simm.s32 $0x29;
	s3 =	sadd.s32 s5, s3  }
0x12: {  	s4 =	simm.s32 @!p0 $0x0;
	p0 =	seq.s32 s11, $0xB;
	s5 =	simm.s32 $0x3A  }
0x13: {  	s2 =	sadd.s32 s7, s2;
	s3 =	sadd.s32 s4, s3;
	s5 =	simm.s32 @!p0 $0x0  }
0x14: {  	s4 =	simm.s32 $0x20;
	p0 =	seq.s32 s11, $0xC;
	s3 =	sadd.s32 s5, s3  }
0x15: {  	s4 =	simm.s32 @!p0 $0x0;
	p0 =	seq.s32 s11, $0xD;
	s5 =	simm.s32 $0x26  }
0x16: {  	s26 =	sshll.u32 s8, $0x7;
	s3 =	sadd.s32 s4, s3;
	s5 =	simm.s32 @!p0 $0x0  }
0x17: {  	p0 =	seq.s32 s11, $0xE;
	s4 =	simm.s32 $0x3E;
	s3 =	sadd.s32 s5, s3  }
0x18: {  	s4 =	simm.s32 @!p0 $0x0;
	p0 =	seq.s32 s11, $0xF;
	s5 =	simm.s32 $0x2E  }
0x19: {  	s1 =	simm.s32 $0x0;
	s4 =	sadd.s32 s4, s3;
	s5 =	simm.s32 @!p0 $0x0  }
0x1a: {  	s10 =	sshrl.u32 s9, $0x1;
	[smem:$0x7FF] =	sst s1;
	s4 =	sadd.s32 s5, s4  }
0x1b: {  	s3 =	ssub.s32 s9, s10;
	s5 =	sshll.u32 s4, $0xD;
	s4 =	sshll.u32 s11, $0xB  }
0x1c: {  	s31 =	sand.u32 $0x1FFFE000, s5;
	s8 =	sor.u32 s26, s4;
	s5 =	sor.u32 $0x100, s4  }
0x1d: {  	s6 =	sadd.s32 s6, s31;
	s8 =	sshll.u32 s8, $0x6;
	s9 =	sor.u32 s26, s5  }
0x1e: {  	[dreg:$0x4] =	wrdreg s6;
	s6 =	sadd.s32 s0, s8;
	s7 =	sshll.u32 s9, $0x6  }
0x1f: {  	[dreg:$0x5] =	wrdreg s6;
	s6 =	sor.u32 $0x200, s4;
	s7 =	sadd.s32 s0, s7  }
0x20: {  	[dreg:$0x6] =	wrdreg s7;
	s10 =	sor.u32 s26, s6;
	s7 =	sor.u32 $0x300, s4  }
0x21: {  	s8 =	sor.u32 $0x400, s4;
	s11 =	sshll.u32 s10, $0x6;
	s12 =	sor.u32 s26, s7  }
0x22: {  	s14 =	sor.u32 s26, s8;
	s9 =	sadd.s32 s0, s11;
	s13 =	sshll.u32 s12, $0x6  }
0x23: {  	s10 =	sshll.u32 s14, $0x6;
	[dreg:$0x7] =	wrdreg s9;
	s9 =	sadd.s32 s0, s13  }
0x24: {  	s10 =	sadd.s32 s0, s10;
	[dreg:$0x8] =	wrdreg s9;
	s9 =	sor.u32 $0x500, s4  }
0x25: {  	[dreg:$0x9] =	wrdreg s10;
	s10 =	sor.u32 $0x600, s4;
	s15 =	sor.u32 s26, s9  }
0x26: {  	s12 =	sor.u32 $0x700, s4;
	s13 =	sor.u32 s26, s10;
	s11 =	sshll.u32 s15, $0x6  }
0x27: {  	s17 =	sor.u32 s26, s12;
	s16 =	sshll.u32 s13, $0x6;
	s11 =	sadd.s32 s0, s11  }
0x28: {  	s13 =	sshll.u32 s17, $0x6;
	[dreg:$0xa] =	wrdreg s11;
	s11 =	sadd.s32 s0, s16  }
0x29: {  	s13 =	sadd.s32 s0, s13;
	[dreg:$0xb] =	wrdreg s11;
	s11 =	sor.u32 $0x20, s26  }
0x2a: {  	s29 =	sor.u32 $0x60, s26;
	[dreg:$0xc] =	wrdreg s13;
	s18 =	sor.u32 s4, s11  }
0x2b: {  	s14 =	sor.u32 s11, s5;
	s15 =	sor.u32 s11, s6;
	s21 =	sor.u32 s11, s7  }
0x2c: {  	s22 =	sor.u32 s11, s8;
	s23 =	sor.u32 s11, s9;
	s28 =	sor.u32 s11, s10  }
0x2d: {  	s30 =	sor.u32 s11, s12;
	s13 =	sshll.u32 s18, $0x6;
	s14 =	sshll.u32 s14, $0x6  }
0x2e: {  	s20 =	sshll.u32 s15, $0x6;
	s25 =	sshll.u32 s23, $0x6;
	s13 =	sadd.s32 s0, s13  }
0x2f: {  	s19 =	sadd.s32 s0, s14;
	s14 =	sshll.u32 s22, $0x6;
	[dreg:$0xd] =	wrdreg s13  }
0x30: {  	[dreg:$0xe] =	wrdreg s19;
	s13 =	sadd.s32 s0, s20;
	s24 =	sadd.s32 s0, s14  }
0x31: {  	s14 =	sshll.u32 s30, $0x6;
	s19 =	sor.u32 $0x40, s26;
	[dreg:$0xf] =	wrdreg s13  }
0x32: {  	s13 =	sshll.u32 s21, $0x6;
	[dreg:$0x11] =	wrdreg s24;
	s31 =	sadd.s32 s0, s14  }
0x33: {  	s14 =	sor.u32 s4, s19;
	s15 =	sor.u32 s19, s5;
	s16 =	sor.u32 s19, s6  }
0x34: {  	s21 =	sor.u32 s19, s7;
	s22 =	sor.u32 s19, s8;
	s23 =	sor.u32 s19, s9  }
0x35: {  	s30 =	sor.u32 s19, s10;
	s4 =	sor.u32 s4, s29;
	s5 =	sor.u32 s29, s5  }
0x36: {  	s13 =	sadd.s32 s0, s13;
	[dreg:$0x14] =	wrdreg s31;
	s17 =	sshll.u32 s15, $0x6  }
0x37: {  	s18 =	sshll.u32 s16, $0x6;
	s24 =	sshll.u32 s22, $0x6;
	s31 =	sor.u32 s19, s12  }
0x38: {  	s4 =	sshll.u32 s4, $0x6;
	s15 =	sshll.u32 s5, $0x6;
	s16 =	sor.u32 s29, s6  }
0x39: {  	[dreg:$0x10] =	wrdreg s13;
	s13 =	sadd.s32 s0, s25;
	s20 =	sadd.s32 s0, s18  }
0x3a: {  	s25 =	sshll.u32 s23, $0x6;
	s4 =	sadd.s32 s0, s4;
	[dreg:$0x12] =	wrdreg s13  }
0x3b: {  	s18 =	sor.u32 s29, s7;
	s23 =	sor.u32 s29, s9;
	[dreg:$0x17] =	wrdreg s20  }
0x3c: {  	s13 =	sshll.u32 s28, $0x6;
	s28 =	sadd.s32 s0, s25;
	[dreg:$0x1d] =	wrdreg s4  }
0x3d: {  	s4 =	sadd.s32 s0, s15;
	s20 =	sshll.u32 s18, $0x6;
	s25 =	sor.u32 s29, s10  }
0x3e: {  	s10 =	sadd.s32 $0x400, s2;
	s13 =	sadd.s32 s0, s13;
	[dreg:$0x1a] =	wrdreg s28  }
0x3f: {  	s15 =	simm.s32 $0x4;
	[dreg:$0x13] =	wrdreg s13;
	s13 =	sshll.u32 s14, $0x6  }
0x40: {  	s18 =	simm.s32 $0x10400;
	[dreg:$0x1e] =	wrdreg s4;
	s13 =	sadd.s32 s0, s13  }
0x41: {  	s28 =	sshll.u32 s25, $0x6;
	s14 =	sshll.u32 s31, $0x6;
	[dreg:$0x15] =	wrdreg s13  }
0x42: {  	s13 =	sadd.s32 s0, s17;
	s17 =	sshll.u32 s16, $0x6;
	s16 =	simm.s32 $0x1  }
0x43: {  	[dreg:$0x16] =	wrdreg s13;
	s13 =	sshll.u32 s21, $0x6;
	s4 =	sadd.s32 s0, s17  }
0x44: {  	s21 =	sor.u32 s29, s8;
	s8 =	sadd.s32 s0, s28;
	s17 =	simm.s32 $0x10000  }
0x45: {  	s13 =	sadd.s32 s0, s13;
	[dreg:$0x1f] =	wrdreg s4;
	s4 =	sadd.s32 s0, s20  }
0x46: {  	s22 =	sshll.u32 s21, $0x6;
	s20 =	simm.s32 $0x14400;
	[dreg:$0x18] =	wrdreg s13  }
0x47: {  	s21 =	simm.s32 $0x18400;
	s13 =	sadd.s32 s0, s24;
	[smem:$0x7FD] =	sst s4  }
0x48: {  	s6 =	sadd.s32 s0, s22;
	s24 =	sshll.u32 s23, $0x6;
	s22 =	simm.s32 $0x3  }
0x49: {  	s23 =	simm.s32 $0x0;
	[dreg:$0x19] =	wrdreg s13;
	s13 =	sshll.u32 s30, $0x6  }
0x4a: {  	s7 =	sadd.s32 s0, s24;
	s30 =	sor.u32 s29, s12;
	s13 =	sadd.s32 s0, s13  }
0x4b: {  	s31 =	sshll.u32 s30, $0x6;
	[dreg:$0x1b] =	wrdreg s13;
	s13 =	sadd.s32 s0, s14  }
0x4c: {  	s12 =	sadd.s32 $0x800, s2;
	s9 =	sadd.s32 s0, s31;
	[dreg:$0x1c] =	wrdreg s13  }
0x4d: {  	s14 =	simm.s32 $0x2;
	s13 =	smax.u32 s3, $0x1;
	_ =	strace $0x80000047  }
.LBB2_1:
0x4e: {  	s0 =	rddreg [dreg:$0x4]  }
0x4f: {  	[tilespmem:s1], [sflag:$0x1] =	stream.linear.gather [hbm4b:s0+s1], $0x10000, $0x38;
	[tilespmem:$0x1C400] =	vst v63  }
0x50: {  	_ = 	snop  }
0x51: {  	[tilespmem:s17], [sflag:$0x1] =	stream.linear.gather [hbm4b:s10+s1], $0x200, $0x38;
	[tilespmem:$0x1C400] =	vst v63  }
0x52: {  	s25 =	simm.s32 $0x10200  }
0x53: {  	[tilespmem:s25], [sflag:$0x1] =	stream.linear.gather [hbm4b:s12+s1], $0x200, $0x38;
	[tilespmem:$0x1C400] =	vst v63  }
0x54: {  	_ =	swait.ge [sflag:s16], $0x10000  }
0x55: {  	[sflag:s16] =	ssyncset.done $0x0  }
0x56: {  	[sflag:s16] =	ssyncadd.s32 $0xFFFF0000  }
0x57: {  	_ =	swait.ge [sflag:s16], $0x200  }
0x58: {  	[sflag:s16] =	ssyncset.done $0x0  }
0x59: {  	[sflag:s16] =	ssyncadd.s32 $0xFFFFFE00  }
0x5a: {  	_ =	swait.ge [sflag:s16], $0x200  }
0x5b: {  	[sflag:s16] =	ssyncset.done $0x0  }
0x5c: {  	[sflag:s16] =	ssyncadd.s32 $0xFFFFFE00  }
0x5d: {  	v0 =	vld [tilespmem:$0x10200]  }
0x5e: {  	v1 =	vld [tilespmem:$0x10210]  }
0x5f: {  	v2 =	vld [tilespmem:$0x10220]  }
0x60: {  	v3 =	vld [tilespmem:$0x10230]  }
0x61: {  	v4 =	vld [tilespmem:$0x10240]  }
0x62: {  	v5 =	vld [tilespmem:$0x10250]  }
0x63: {  	v6 =	vld [tilespmem:$0x10260]  }
0x64: {  	v7 =	vld [tilespmem:$0x10270]  }
0x65: {  	v8 =	vld [tilespmem:$0x10280]  }
0x66: {  	v9 =	vld [tilespmem:$0x10290]  }
0x67: {  	v10 =	vld [tilespmem:$0x102A0]  }
0x68: {  	v11 =	vld [tilespmem:$0x102B0]  }
0x69: {  	v12 =	vld [tilespmem:$0x102C0]  }
0x6a: {  	v13 =	vld [tilespmem:$0x102D0]  }
0x6b: {  	v14 =	vld [tilespmem:$0x102E0]  }
0x6c: {  	v15 =	vld [tilespmem:$0x102F0]  }
0x6d: {  	v16 =	vld [tilespmem:$0x10300]  }
0x6e: {  	v17 =	vld [tilespmem:$0x10310]  }
0x6f: {  	v18 =	vld [tilespmem:$0x10320]  }
0x70: {  	v19 =	vld [tilespmem:$0x10330]  }
0x71: {  	v20 =	vld [tilespmem:$0x10340]  }
0x72: {  	v21 =	vld [tilespmem:$0x10350]  }
0x73: {  	v22 =	vld [tilespmem:$0x10360]  }
0x74: {  	v23 =	vld [tilespmem:$0x10370]  }
0x75: {  	v24 =	vld [tilespmem:$0x10380]  }
0x76: {  	v25 =	vld [tilespmem:$0x10390]  }
0x77: {  	v26 =	vld [tilespmem:$0x103A0]  }
0x78: {  	v27 =	vld [tilespmem:$0x103B0]  }
0x79: {  	v28 =	vld [tilespmem:$0x103C0]  }
0x7a: {  	v29 =	vld [tilespmem:$0x103D0]  }
0x7b: {  	s24 =	simm.s32 $0x80;
	s2 =	smov.u32 s26;
	s28 =	simm.s32 $0x0;
	v30 =	vld [tilespmem:$0x103E0]  }
0x7c: {  	s30 =	simm.s32 $0x0;
	s31 =	simm.s32 $0x80;
	s25 =	simm.s32 $0x0;
	v31 =	vld [tilespmem:$0x103F0]  }
.LBB2_2:
0x7d: {  	v32 =	vmov s2  }
0x7e: {  	v33 =	vor.u32 $0x100, v32;
	_ =	sdelay $0x3  }
0x7f: {  	v32 =	vld.idx.msk [tilespmem:v32+s17+$0x0], $0xffff  }
0x80: {  	v33 =	vld.idx.msk [tilespmem:v33+s17+$0x0], $0xffff;
	_ =	sdelay $0x4  }
0x81: {  	v34 =	vadd.s32 v0, v32;
	v35 =	vadd.s32 v16, v33  }
0x82: {  	v36 =	vshll.u32 v34, $0x8;
	v37 =	vshll.u32 v35, $0x3  }
0x83: {  	v34 =	vshll.u32 v34, $0x7;
	v36 =	vand.u32 $0xFFFFF800, v36;
	v37 =	vand.u32 $0xFFFFFC00, v37  }
0x84: {  	v34 =	vand.u32 $0x380, v34;
	v36 =	vadd.s32 v36, v37  }
0x85: {  	v35 =	vand.u32 $0x7F, v35;
	v34 =	vor.u32 v34, v36  }
0x86: {  	v34 =	vor.u32 v35, v34;
	_ =	sdelay $0x1  }
0x87: {  	v52 =	vadd.s32 v1, v32;
	v53 =	vadd.s32 v17, v33  }
0x88: {  	v54 =	vshll.u32 v52, $0x8;
	v38 =	vshll.u32 v53, $0x3  }
0x89: {  	v38 =	vand.u32 $0xFFFFFC00, v38;
	v37 =	vand.u32 $0xFFFFF800, v54;
	v35 =	vshll.u32 v52, $0x7  }
0x8a: {  	v37 =	vadd.s32 v37, v38;
	v35 =	vand.u32 $0x380, v35;
	v34 =	vld.idx.msk [tilespmem:v34+s1+$0x0], $0xffff  }
0x8b: {  	v36 =	vand.u32 $0x7F, v53;
	v35 =	vor.u32 v35, v37  }
0x8c: {  	s0 =	sand.u32 $0x3000, s28;
	s3 =	sadd.s32 $0xFFFFFF80, s31;
	v35 =	vor.u32 v36, v35  }
0x8d: {  	s3 =	sand.u32 $0x300, s3;
	s0 =	sor.u32 $0x10400, s0  }
0x8e: {  	s3 =	sor.u32 s3, s0;
	v55 =	vadd.s32 v2, v32;
	v56 =	vadd.s32 v18, v33  }
0x8f: {  	v57 =	vshll.u32 v55, $0x8;
	v39 =	vshll.u32 v56, $0x3;
	[tilespmem:s3+$0x0] =	vst v34  }
0x90: {  	v58 =	vand.u32 $0xFFFFF800, v57;
	v59 =	vand.u32 $0xFFFFFC00, v39;
	v36 =	vshll.u32 v55, $0x7;
	[tilespmem:s3+$0x800] =	vst v34  }
0x91: {  	v36 =	vand.u32 $0x380, v36;
	v34 =	vadd.s32 v58, v59;
	v35 =	vld.idx.msk [tilespmem:v35+s1+$0x0], $0xffff  }
0x92: {  	v37 =	vand.u32 $0x7F, v56;
	v34 =	vor.u32 v36, v34  }
0x93: {  	v34 =	vor.u32 v37, v34;
	_ =	sdelay $0x1  }
0x94: {  	v60 =	vadd.s32 v3, v32;
	v61 =	vadd.s32 v19, v33  }
0x95: {  	v62 =	vshll.u32 v60, $0x8;
	v63 =	vshll.u32 v61, $0x3;
	[tilespmem:s3+$0x10] =	vst v35  }
0x96: {  	v40 =	vand.u32 $0xFFFFF800, v62;
	v41 =	vand.u32 $0xFFFFFC00, v63;
	v36 =	vshll.u32 v60, $0x7;
	[tilespmem:s3+$0x810] =	vst v35  }
0x97: {  	v36 =	vand.u32 $0x380, v36;
	v35 =	vadd.s32 v40, v41;
	v34 =	vld.idx.msk [tilespmem:v34+s1+$0x0], $0xffff  }
0x98: {  	v37 =	vand.u32 $0x7F, v61;
	v35 =	vor.u32 v36, v35  }
0x99: {  	v35 =	vor.u32 v37, v35;
	_ =	sdelay $0x1  }
0x9a: {  	v42 =	vadd.s32 v4, v32;
	v43 =	vadd.s32 v20, v33  }
0x9b: {  	v44 =	vshll.u32 v42, $0x8;
	v45 =	vshll.u32 v43, $0x3;
	[tilespmem:s3+$0x20] =	vst v34  }
0x9c: {  	v46 =	vand.u32 $0xFFFFF800, v44;
	v47 =	vand.u32 $0xFFFFFC00, v45;
	v36 =	vshll.u32 v42, $0x7;
	[tilespmem:s3+$0x820] =	vst v34  }
0x9d: {  	v36 =	vand.u32 $0x380, v36;
	v34 =	vadd.s32 v46, v47;
	v35 =	vld.idx.msk [tilespmem:v35+s1+$0x0], $0xffff  }
0x9e: {  	v37 =	vand.u32 $0x7F, v43;
	v34 =	vor.u32 v36, v34  }
0x9f: {  	v34 =	vor.u32 v37, v34;
	_ =	sdelay $0x1  }
0xa0: {  	v48 =	vadd.s32 v5, v32;
	v49 =	vadd.s32 v21, v33  }
0xa1: {  	v50 =	vshll.u32 v48, $0x8;
	v51 =	vshll.u32 v49, $0x3;
	[tilespmem:s3+$0x30] =	vst v35  }
0xa2: {  	v53 =	vand.u32 $0xFFFFFC00, v51;
	v52 =	vand.u32 $0xFFFFF800, v50;
	v36 =	vshll.u32 v48, $0x7;
	[tilespmem:s3+$0x830] =	vst v35  }
0xa3: {  	v36 =	vand.u32 $0x380, v36;
	v35 =	vadd.s32 v52, v53;
	v34 =	vld.idx.msk [tilespmem:v34+s1+$0x0], $0xffff  }
0xa4: {  	v37 =	vand.u32 $0x7F, v49;
	v35 =	vor.u32 v36, v35  }
0xa5: {  	v35 =	vor.u32 v37, v35;
	_ =	sdelay $0x1  }
0xa6: {  	v54 =	vadd.s32 v6, v32;
	v55 =	vadd.s32 v22, v33  }
0xa7: {  	v56 =	vshll.u32 v54, $0x8;
	v57 =	vshll.u32 v55, $0x3;
	[tilespmem:s3+$0x40] =	vst v34  }
0xa8: {  	v58 =	vand.u32 $0xFFFFF800, v56;
	v59 =	vand.u32 $0xFFFFFC00, v57;
	v36 =	vshll.u32 v54, $0x7;
	[tilespmem:s3+$0x840] =	vst v34  }
0xa9: {  	v36 =	vand.u32 $0x380, v36;
	v34 =	vadd.s32 v58, v59;
	v35 =	vld.idx.msk [tilespmem:v35+s1+$0x0], $0xffff  }
0xaa: {  	v37 =	vand.u32 $0x7F, v55;
	v34 =	vor.u32 v36, v34  }
0xab: {  	v34 =	vor.u32 v37, v34;
	_ =	sdelay $0x1  }
0xac: {  	v60 =	vadd.s32 v7, v32;
	v61 =	vadd.s32 v23, v33  }
0xad: {  	v62 =	vshll.u32 v60, $0x8;
	v63 =	vshll.u32 v61, $0x3;
	[tilespmem:s3+$0x50] =	vst v35  }
0xae: {  	v42 =	vand.u32 $0xFFFFF800, v62;
	v43 =	vand.u32 $0xFFFFFC00, v63;
	v36 =	vshll.u32 v60, $0x7;
	[tilespmem:s3+$0x850] =	vst v35  }
0xaf: {  	v36 =	vand.u32 $0x380, v36;
	v35 =	vadd.s32 v42, v43;
	v34 =	vld.idx.msk [tilespmem:v34+s1+$0x0], $0xffff  }
0xb0: {  	v37 =	vand.u32 $0x7F, v61;
	v35 =	vor.u32 v36, v35  }
0xb1: {  	v35 =	vor.u32 v37, v35;
	_ =	sdelay $0x1  }
0xb2: {  	v44 =	vadd.s32 v8, v32;
	v45 =	vadd.s32 v24, v33  }
0xb3: {  	v46 =	vshll.u32 v44, $0x8;
	v47 =	vshll.u32 v45, $0x3;
	[tilespmem:s3+$0x60] =	vst v34  }
0xb4: {  	v48 =	vand.u32 $0xFFFFF800, v46;
	v49 =	vand.u32 $0xFFFFFC00, v47;
	v36 =	vshll.u32 v44, $0x7;
	[tilespmem:s3+$0x860] =	vst v34  }
0xb5: {  	v36 =	vand.u32 $0x380, v36;
	v34 =	vadd.s32 v48, v49;
	v35 =	vld.idx.msk [tilespmem:v35+s1+$0x0], $0xffff  }
0xb6: {  	v37 =	vand.u32 $0x7F, v45;
	v34 =	vor.u32 v36, v34  }
0xb7: {  	v34 =	vor.u32 v37, v34;
	_ =	sdelay $0x1  }
0xb8: {  	v51 =	vadd.s32 v25, v33;
	v50 =	vadd.s32 v9, v32  }
0xb9: {  	v52 =	vshll.u32 v50, $0x8;
	v53 =	vshll.u32 v51, $0x3;
	[tilespmem:s3+$0x70] =	vst v35  }
0xba: {  	v54 =	vand.u32 $0xFFFFF800, v52;
	v55 =	vand.u32 $0xFFFFFC00, v53;
	v36 =	vshll.u32 v50, $0x7;
	[tilespmem:s3+$0x870] =	vst v35  }
0xbb: {  	v36 =	vand.u32 $0x380, v36;
	v35 =	vadd.s32 v54, v55;
	v34 =	vld.idx.msk [tilespmem:v34+s1+$0x0], $0xffff  }
0xbc: {  	v37 =	vand.u32 $0x7F, v51;
	v35 =	vor.u32 v36, v35  }
0xbd: {  	s4 =	sand.u32 $0x3, s25;
	v35 =	vor.u32 v37, v35  }
0xbe: {  	s4 =	sshll.u32 s4, $0x8  }
0xbf: {  	s4 =	sadd.s32 s4, s28;
	v56 =	vadd.s32 v10, v32;
	v57 =	vadd.s32 v26, v33  }
0xc0: {  	s5 =	sor.u32 $0xC00, s4;
	v58 =	vshll.u32 v56, $0x8;
	v59 =	vshll.u32 v57, $0x3;
	[tilespmem:s3+$0x400] =	vst v34  }
0xc1: {  	v60 =	vand.u32 $0xFFFFF800, v58;
	v61 =	vand.u32 $0xFFFFFC00, v59;
	v36 =	vshll.u32 v56, $0x7;
	[tilespmem:s5+$0x10400] =	vst v34  }
0xc2: {  	v36 =	vand.u32 $0x380, v36;
	v34 =	vadd.s32 v60, v61;
	v35 =	vld.idx.msk [tilespmem:v35+s1+$0x0], $0xffff  }
0xc3: {  	v37 =	vand.u32 $0x7F, v57;
	v34 =	vor.u32 v36, v34  }
0xc4: {  	v34 =	vor.u32 v37, v34;
	_ =	sdelay $0x1  }
0xc5: {  	v62 =	vadd.s32 v11, v32;
	v63 =	vadd.s32 v27, v33  }
0xc6: {  	v42 =	vshll.u32 v62, $0x8;
	v43 =	vshll.u32 v63, $0x3;
	s5 =	sor.u32 $0xC10, s4;
	[tilespmem:s3+$0x410] =	vst v35  }
0xc7: {  	v44 =	vand.u32 $0xFFFFF800, v42;
	v45 =	vand.u32 $0xFFFFFC00, v43;
	v36 =	vshll.u32 v62, $0x7;
	[tilespmem:s5+$0x10400] =	vst v35  }
0xc8: {  	v36 =	vand.u32 $0x380, v36;
	v35 =	vadd.s32 v44, v45;
	v34 =	vld.idx.msk [tilespmem:v34+s1+$0x0], $0xffff  }
0xc9: {  	v37 =	vand.u32 $0x7F, v63;
	v35 =	vor.u32 v36, v35  }
0xca: {  	v35 =	vor.u32 v37, v35;
	_ =	sdelay $0x1  }
0xcb: {  	v46 =	vadd.s32 v12, v32;
	v47 =	vadd.s32 v28, v33  }
0xcc: {  	v48 =	vshll.u32 v46, $0x8;
	v49 =	vshll.u32 v47, $0x3;
	s5 =	sor.u32 $0xC20, s4;
	[tilespmem:s3+$0x420] =	vst v34  }
0xcd: {  	v50 =	vand.u32 $0xFFFFF800, v48;
	v51 =	vand.u32 $0xFFFFFC00, v49;
	v36 =	vshll.u32 v46, $0x7;
	[tilespmem:s5+$0x10400] =	vst v34  }
0xce: {  	v36 =	vand.u32 $0x380, v36;
	v34 =	vadd.s32 v50, v51;
	v35 =	vld.idx.msk [tilespmem:v35+s1+$0x0], $0xffff  }
0xcf: {  	v37 =	vand.u32 $0x7F, v47;
	v34 =	vor.u32 v36, v34  }
0xd0: {  	v34 =	vor.u32 v37, v34;
	_ =	sdelay $0x1  }
0xd1: {  	v52 =	vadd.s32 v13, v32;
	v53 =	vadd.s32 v29, v33  }
0xd2: {  	v54 =	vshll.u32 v52, $0x8;
	v55 =	vshll.u32 v53, $0x3;
	s5 =	sor.u32 $0xC30, s4;
	[tilespmem:s3+$0x430] =	vst v35  }
0xd3: {  	v56 =	vand.u32 $0xFFFFF800, v54;
	v57 =	vand.u32 $0xFFFFFC00, v55;
	v36 =	vshll.u32 v52, $0x7;
	[tilespmem:s5+$0x10400] =	vst v35  }
0xd4: {  	v36 =	vand.u32 $0x380, v36;
	v35 =	vadd.s32 v56, v57;
	v34 =	vld.idx.msk [tilespmem:v34+s1+$0x0], $0xffff  }
0xd5: {  	v37 =	vand.u32 $0x7F, v53;
	v35 =	vor.u32 v36, v35  }
0xd6: {  	v35 =	vor.u32 v37, v35;
	_ =	sdelay $0x1  }
0xd7: {  	v58 =	vadd.s32 v14, v32;
	v59 =	vadd.s32 v30, v33  }
0xd8: {  	v60 =	vshll.u32 v58, $0x8;
	v61 =	vshll.u32 v59, $0x3;
	s5 =	sor.u32 $0xC40, s4;
	[tilespmem:s3+$0x440] =	vst v34  }
0xd9: {  	v62 =	vand.u32 $0xFFFFF800, v60;
	v63 =	vand.u32 $0xFFFFFC00, v61;
	v36 =	vshll.u32 v58, $0x7;
	[tilespmem:s5+$0x10400] =	vst v34  }
0xda: {  	v36 =	vand.u32 $0x380, v36;
	v34 =	vadd.s32 v62, v63;
	v35 =	vld.idx.msk [tilespmem:v35+s1+$0x0], $0xffff  }
0xdb: {  	v37 =	vand.u32 $0x7F, v59;
	v34 =	vor.u32 v36, v34  }
0xdc: {  	v34 =	vor.u32 v37, v34;
	_ =	sdelay $0x1  }
0xdd: {  	v32 =	vadd.s32 v15, v32;
	v33 =	vadd.s32 v31, v33  }
0xde: {  	v40 =	vshll.u32 v32, $0x8;
	v41 =	vshll.u32 v33, $0x3;
	s5 =	sor.u32 $0xC50, s4;
	[tilespmem:s3+$0x450] =	vst v35  }
0xdf: {  	v32 =	vshll.u32 v32, $0x7;
	v42 =	vand.u32 $0xFFFFF800, v40;
	v43 =	vand.u32 $0xFFFFFC00, v41;
	[tilespmem:s5+$0x10400] =	vst v35  }
0xe0: {  	v32 =	vand.u32 $0x380, v32;
	v35 =	vadd.s32 v42, v43;
	v34 =	vld.idx.msk [tilespmem:v34+s1+$0x0], $0xffff  }
0xe1: {  	v33 =	vand.u32 $0x7F, v33;
	v32 =	vor.u32 v32, v35  }
0xe2: {  	v32 =	vor.u32 v33, v32;
	_ =	sdelay $0x2  }
0xe3: {  	s5 =	sor.u32 $0xC60, s4;
	[tilespmem:s3+$0x460] =	vst v34  }
0xe4: {  	[tilespmem:s5+$0x10400] =	vst v34  }
0xe5: {  	v32 =	vld.idx.msk [tilespmem:v32+s1+$0x0], $0xffff  }
0xe6: {  	s5 =	sadd.s32 $0x1, s2  }
0xe7: {  	v44 =	vmov s5  }
0xe8: {  	v45 =	vor.u32 $0x100, v44;
	_ =	sdelay $0x1  }
0xe9: {  	s4 =	sor.u32 $0xC70, s4;
	[tilespmem:s3+$0x470] =	vst v32  }
0xea: {  	[tilespmem:s4+$0x10400] =	vst v32  }
0xeb: {  	v32 =	vld.idx.msk [tilespmem:v44+s17+$0x0], $0xffff  }
0xec: {  	v33 =	vld.idx.msk [tilespmem:v45+s17+$0x0], $0xffff;
	_ =	sdelay $0x4  }
0xed: {  	v46 =	vadd.s32 v0, v32;
	v47 =	vadd.s32 v16, v33  }
0xee: {  	v48 =	vshll.u32 v46, $0x8;
	v49 =	vshll.u32 v47, $0x3  }
0xef: {  	v34 =	vshll.u32 v46, $0x7;
	v36 =	vand.u32 $0xFFFFF800, v48;
	v37 =	vand.u32 $0xFFFFFC00, v49  }
0xf0: {  	v34 =	vand.u32 $0x380, v34;
	v36 =	vadd.s32 v36, v37  }
0xf1: {  	v35 =	vand.u32 $0x7F, v47;
	v34 =	vor.u32 v34, v36  }
0xf2: {  	v34 =	vor.u32 v35, v34;
	_ =	sdelay $0x1  }
0xf3: {  	v50 =	vadd.s32 v1, v32;
	v51 =	vadd.s32 v17, v33  }
0xf4: {  	v52 =	vshll.u32 v50, $0x8;
	v53 =	vshll.u32 v51, $0x3  }
0xf5: {  	v38 =	vand.u32 $0xFFFFFC00, v53;
	v37 =	vand.u32 $0xFFFFF800, v52;
	v35 =	vshll.u32 v50, $0x7  }
0xf6: {  	v37 =	vadd.s32 v37, v38;
	v35 =	vand.u32 $0x380, v35;
	v34 =	vld.idx.msk [tilespmem:v34+s1+$0x0], $0xffff  }
0xf7: {  	v36 =	vand.u32 $0x7F, v51;
	v35 =	vor.u32 v35, v37  }
0xf8: {  	v35 =	vor.u32 v36, v35  }
0xf9: {  	s5 =	sand.u32 $0x380, s31  }
0xfa: {  	s0 =	sor.u32 s5, s0;
	v54 =	vadd.s32 v2, v32;
	v55 =	vadd.s32 v18, v33  }
0xfb: {  	v56 =	vshll.u32 v54, $0x8;
	v57 =	vshll.u32 v55, $0x3;
	[tilespmem:s0+$0x0] =	vst v34  }
0xfc: {  	v58 =	vand.u32 $0xFFFFF800, v56;
	v59 =	vand.u32 $0xFFFFFC00, v57;
	v36 =	vshll.u32 v54, $0x7;
	[tilespmem:s0+$0x800] =	vst v34  }
0xfd: {  	v36 =	vand.u32 $0x380, v36;
	v34 =	vadd.s32 v58, v59;
	v35 =	vld.idx.msk [tilespmem:v35+s1+$0x0], $0xffff  }
0xfe: {  	v37 =	vand.u32 $0x7F, v55;
	v34 =	vor.u32 v36, v34  }
0xff: {  	v34 =	vor.u32 v37, v34;
	_ =	sdelay $0x1  }
0x100: {  	v60 =	vadd.s32 v3, v32;
	v61 =	vadd.s32 v19, v33  }
0x101: {  	v62 =	vshll.u32 v60, $0x8;
	v63 =	vshll.u32 v61, $0x3;
	[tilespmem:s0+$0x10] =	vst v35  }
0x102: {  	v40 =	vand.u32 $0xFFFFF800, v62;
	v41 =	vand.u32 $0xFFFFFC00, v63;
	v36 =	vshll.u32 v60, $0x7;
	[tilespmem:s0+$0x810] =	vst v35  }
0x103: {  	v36 =	vand.u32 $0x380, v36;
	v35 =	vadd.s32 v40, v41;
	v34 =	vld.idx.msk [tilespmem:v34+s1+$0x0], $0xffff  }
0x104: {  	v37 =	vand.u32 $0x7F, v61;
	v35 =	vor.u32 v36, v35  }
0x105: {  	v35 =	vor.u32 v37, v35;
	_ =	sdelay $0x1  }
0x106: {  	v42 =	vadd.s32 v4, v32;
	v43 =	vadd.s32 v20, v33  }
0x107: {  	v44 =	vshll.u32 v42, $0x8;
	v45 =	vshll.u32 v43, $0x3;
	[tilespmem:s0+$0x20] =	vst v34  }
0x108: {  	v46 =	vand.u32 $0xFFFFF800, v44;
	v47 =	vand.u32 $0xFFFFFC00, v45;
	v36 =	vshll.u32 v42, $0x7;
	[tilespmem:s0+$0x820] =	vst v34  }
0x109: {  	v36 =	vand.u32 $0x380, v36;
	v34 =	vadd.s32 v46, v47;
	v35 =	vld.idx.msk [tilespmem:v35+s1+$0x0], $0xffff  }
0x10a: {  	v37 =	vand.u32 $0x7F, v43;
	v34 =	vor.u32 v36, v34  }
0x10b: {  	v34 =	vor.u32 v37, v34;
	_ =	sdelay $0x1  }
0x10c: {  	v48 =	vadd.s32 v5, v32;
	v49 =	vadd.s32 v21, v33  }
0x10d: {  	v51 =	vshll.u32 v49, $0x3;
	v50 =	vshll.u32 v48, $0x8;
	[tilespmem:s0+$0x30] =	vst v35  }
0x10e: {  	v53 =	vand.u32 $0xFFFFFC00, v51;
	v52 =	vand.u32 $0xFFFFF800, v50;
	v36 =	vshll.u32 v48, $0x7;
	[tilespmem:s0+$0x830] =	vst v35  }
0x10f: {  	v36 =	vand.u32 $0x380, v36;
	v35 =	vadd.s32 v52, v53;
	v34 =	vld.idx.msk [tilespmem:v34+s1+$0x0], $0xffff  }
0x110: {  	v37 =	vand.u32 $0x7F, v49;
	v35 =	vor.u32 v36, v35  }
0x111: {  	v35 =	vor.u32 v37, v35;
	_ =	sdelay $0x1  }
0x112: {  	v55 =	vadd.s32 v22, v33;
	v54 =	vadd.s32 v6, v32  }
0x113: {  	v57 =	vshll.u32 v55, $0x3;
	v56 =	vshll.u32 v54, $0x8;
	[tilespmem:s0+$0x40] =	vst v34  }
0x114: {  	v58 =	vand.u32 $0xFFFFF800, v56;
	v59 =	vand.u32 $0xFFFFFC00, v57;
	v36 =	vshll.u32 v54, $0x7;
	[tilespmem:s0+$0x840] =	vst v34  }
0x115: {  	v36 =	vand.u32 $0x380, v36;
	v34 =	vadd.s32 v58, v59;
	v35 =	vld.idx.msk [tilespmem:v35+s1+$0x0], $0xffff  }
0x116: {  	v37 =	vand.u32 $0x7F, v55;
	v34 =	vor.u32 v36, v34  }
0x117: {  	v34 =	vor.u32 v37, v34;
	_ =	sdelay $0x1  }
0x118: {  	v60 =	vadd.s32 v7, v32;
	v61 =	vadd.s32 v23, v33  }
0x119: {  	v62 =	vshll.u32 v60, $0x8;
	v63 =	vshll.u32 v61, $0x3;
	[tilespmem:s0+$0x50] =	vst v35  }
0x11a: {  	v40 =	vand.u32 $0xFFFFF800, v62;
	v41 =	vand.u32 $0xFFFFFC00, v63;
	v36 =	vshll.u32 v60, $0x7;
	[tilespmem:s0+$0x850] =	vst v35  }
0x11b: {  	v36 =	vand.u32 $0x380, v36;
	v35 =	vadd.s32 v40, v41;
	v34 =	vld.idx.msk [tilespmem:v34+s1+$0x0], $0xffff  }
0x11c: {  	v37 =	vand.u32 $0x7F, v61;
	v35 =	vor.u32 v36, v35  }
0x11d: {  	v35 =	vor.u32 v37, v35;
	_ =	sdelay $0x1  }
0x11e: {  	v42 =	vadd.s32 v8, v32;
	v43 =	vadd.s32 v24, v33  }
0x11f: {  	v44 =	vshll.u32 v42, $0x8;
	v45 =	vshll.u32 v43, $0x3;
	[tilespmem:s0+$0x60] =	vst v34  }
0x120: {  	v46 =	vand.u32 $0xFFFFF800, v44;
	v47 =	vand.u32 $0xFFFFFC00, v45;
	v36 =	vshll.u32 v42, $0x7;
	[tilespmem:s0+$0x860] =	vst v34  }
0x121: {  	v36 =	vand.u32 $0x380, v36;
	v34 =	vadd.s32 v46, v47;
	v35 =	vld.idx.msk [tilespmem:v35+s1+$0x0], $0xffff  }
0x122: {  	v37 =	vand.u32 $0x7F, v43;
	v34 =	vor.u32 v36, v34  }
0x123: {  	v34 =	vor.u32 v37, v34;
	_ =	sdelay $0x1  }
0x124: {  	v48 =	vadd.s32 v9, v32;
	v49 =	vadd.s32 v25, v33  }
0x125: {  	v50 =	vshll.u32 v48, $0x8;
	v51 =	vshll.u32 v49, $0x3;
	[tilespmem:s0+$0x70] =	vst v35  }
0x126: {  	v52 =	vand.u32 $0xFFFFF800, v50;
	v53 =	vand.u32 $0xFFFFFC00, v51;
	v36 =	vshll.u32 v48, $0x7;
	[tilespmem:s0+$0x870] =	vst v35  }
0x127: {  	v36 =	vand.u32 $0x380, v36;
	v35 =	vadd.s32 v52, v53;
	v34 =	vld.idx.msk [tilespmem:v34+s1+$0x0], $0xffff  }
0x128: {  	v37 =	vand.u32 $0x7F, v49;
	v35 =	vor.u32 v36, v35  }
0x129: {  	s4 =	sand.u32 $0x7, s30;
	v35 =	vor.u32 v37, v35  }
0x12a: {  	s3 =	sshll.u32 s4, $0x7  }
0x12b: {  	s3 =	sadd.s32 s3, s24;
	v54 =	vadd.s32 v10, v32;
	v55 =	vadd.s32 v26, v33  }
0x12c: {  	s5 =	sor.u32 $0xC00, s3;
	v56 =	vshll.u32 v54, $0x8;
	v57 =	vshll.u32 v55, $0x3;
	[tilespmem:s0+$0x400] =	vst v34  }
0x12d: {  	v58 =	vand.u32 $0xFFFFF800, v56;
	v59 =	vand.u32 $0xFFFFFC00, v57;
	v36 =	vshll.u32 v54, $0x7;
	[tilespmem:s5+$0x10400] =	vst v34  }
0x12e: {  	v36 =	vand.u32 $0x380, v36;
	v34 =	vadd.s32 v58, v59;
	v35 =	vld.idx.msk [tilespmem:v35+s1+$0x0], $0xffff  }
0x12f: {  	v37 =	vand.u32 $0x7F, v55;
	v34 =	vor.u32 v36, v34  }
0x130: {  	v34 =	vor.u32 v37, v34;
	_ =	sdelay $0x1  }
0x131: {  	v60 =	vadd.s32 v11, v32;
	v61 =	vadd.s32 v27, v33  }
0x132: {  	v62 =	vshll.u32 v60, $0x8;
	v63 =	vshll.u32 v61, $0x3;
	s5 =	sor.u32 $0xC10, s3;
	[tilespmem:s0+$0x410] =	vst v35  }
0x133: {  	v40 =	vand.u32 $0xFFFFF800, v62;
	v41 =	vand.u32 $0xFFFFFC00, v63;
	v36 =	vshll.u32 v60, $0x7;
	[tilespmem:s5+$0x10400] =	vst v35  }
0x134: {  	v36 =	vand.u32 $0x380, v36;
	v35 =	vadd.s32 v40, v41;
	v34 =	vld.idx.msk [tilespmem:v34+s1+$0x0], $0xffff  }
0x135: {  	v37 =	vand.u32 $0x7F, v61;
	v35 =	vor.u32 v36, v35  }
0x136: {  	v35 =	vor.u32 v37, v35;
	_ =	sdelay $0x1  }
0x137: {  	v42 =	vadd.s32 v12, v32;
	v43 =	vadd.s32 v28, v33  }
0x138: {  	v44 =	vshll.u32 v42, $0x8;
	v45 =	vshll.u32 v43, $0x3;
	s5 =	sor.u32 $0xC20, s3;
	[tilespmem:s0+$0x420] =	vst v34  }
0x139: {  	v46 =	vand.u32 $0xFFFFF800, v44;
	v47 =	vand.u32 $0xFFFFFC00, v45;
	v36 =	vshll.u32 v42, $0x7;
	[tilespmem:s5+$0x10400] =	vst v34  }
0x13a: {  	v36 =	vand.u32 $0x380, v36;
	v34 =	vadd.s32 v46, v47;
	v35 =	vld.idx.msk [tilespmem:v35+s1+$0x0], $0xffff  }
0x13b: {  	v37 =	vand.u32 $0x7F, v43;
	v34 =	vor.u32 v36, v34  }
0x13c: {  	v34 =	vor.u32 v37, v34;
	_ =	sdelay $0x1  }
0x13d: {  	v48 =	vadd.s32 v13, v32;
	v49 =	vadd.s32 v29, v33  }
0x13e: {  	v50 =	vshll.u32 v48, $0x8;
	v51 =	vshll.u32 v49, $0x3;
	s5 =	sor.u32 $0xC30, s3;
	[tilespmem:s0+$0x430] =	vst v35  }
0x13f: {  	v52 =	vand.u32 $0xFFFFF800, v50;
	v53 =	vand.u32 $0xFFFFFC00, v51;
	v36 =	vshll.u32 v48, $0x7;
	[tilespmem:s5+$0x10400] =	vst v35  }
0x140: {  	v36 =	vand.u32 $0x380, v36;
	v35 =	vadd.s32 v52, v53;
	v34 =	vld.idx.msk [tilespmem:v34+s1+$0x0], $0xffff  }
0x141: {  	v37 =	vand.u32 $0x7F, v49;
	v35 =	vor.u32 v36, v35  }
0x142: {  	v35 =	vor.u32 v37, v35;
	_ =	sdelay $0x1  }
0x143: {  	v54 =	vadd.s32 v14, v32;
	v55 =	vadd.s32 v30, v33  }
0x144: {  	v56 =	vshll.u32 v54, $0x8;
	v57 =	vshll.u32 v55, $0x3;
	s5 =	sor.u32 $0xC40, s3;
	[tilespmem:s0+$0x440] =	vst v34  }
0x145: {  	v58 =	vand.u32 $0xFFFFF800, v56;
	v59 =	vand.u32 $0xFFFFFC00, v57;
	v36 =	vshll.u32 v54, $0x7;
	[tilespmem:s5+$0x10400] =	vst v34  }
0x146: {  	v36 =	vand.u32 $0x380, v36;
	v34 =	vadd.s32 v58, v59;
	v35 =	vld.idx.msk [tilespmem:v35+s1+$0x0], $0xffff  }
0x147: {  	v37 =	vand.u32 $0x7F, v55;
	v34 =	vor.u32 v36, v34  }
0x148: {  	v34 =	vor.u32 v37, v34;
	_ =	sdelay $0x1  }
0x149: {  	v32 =	vadd.s32 v15, v32;
	v33 =	vadd.s32 v31, v33  }
0x14a: {  	v60 =	vshll.u32 v32, $0x8;
	v61 =	vshll.u32 v33, $0x3;
	s5 =	sor.u32 $0xC50, s3;
	[tilespmem:s0+$0x450] =	vst v35  }
0x14b: {  	v32 =	vshll.u32 v32, $0x7;
	v62 =	vand.u32 $0xFFFFF800, v60;
	v63 =	vand.u32 $0xFFFFFC00, v61;
	[tilespmem:s5+$0x10400] =	vst v35  }
0x14c: {  	v32 =	vand.u32 $0x380, v32;
	v35 =	vadd.s32 v62, v63;
	v34 =	vld.idx.msk [tilespmem:v34+s1+$0x0], $0xffff  }
0x14d: {  	v33 =	vand.u32 $0x7F, v33;
	v32 =	vor.u32 v32, v35  }
0x14e: {  	v32 =	vor.u32 v33, v32;
	_ =	sdelay $0x2  }
0x14f: {  	s5 =	sor.u32 $0xC60, s3;
	[tilespmem:s0+$0x460] =	vst v34  }
0x150: {  	[tilespmem:s5+$0x10400] =	vst v34  }
0x151: {  	v32 =	vld.idx.msk [tilespmem:v32+s1+$0x0], $0xffff  }
0x152: {  	p0 =	sne.s32 s31, $0xF80  }
.Ltmp0:
0x153: {  	_ = 	snop;
	(pc) =	sbr.rel @p0 .LBB2_2-.Ltmp0, $4  }
0x154: {  	_ = 	snop  }
0x155: {  	s25 =	sadd.s32 $0x1, s25  }
0x156: {  	s28 =	sadd.s32 $0x400, s28;
	s2 =	sadd.s32 $0x2, s2;
	s3 =	sor.u32 $0xC70, s3;
	[tilespmem:s0+$0x470] =	vst v32  }
0x157: {  	s31 =	sadd.s32 $0x100, s31;
	s30 =	sadd.s32 $0x2, s30;
	s24 =	sadd.s32 $0x400, s24;
	[tilespmem:s3+$0x10400] =	vst v32  }
0x158: {  	s24 =	simm.s32 $0x0;
	s0 =	rddreg [dreg:$0x5]  }
0x159: {  	[hbm4b:s0+s24] =	stream.linear.scatter [tilespmem:s18], [sflag:$0x2], $0x4000, $0x38;
	[tilespmem:$0x1C400] =	vst v63  }
0x15a: {  	s31 =	rddreg [dreg:$0x6]  }
0x15b: {  	[hbm4b:s31+s24] =	stream.linear.scatter [tilespmem:s18], [sflag:$0x2], $0x4000, $0x38;
	[tilespmem:$0x1C400] =	vst v63  }
0x15c: {  	s2 =	rddreg [dreg:$0x7]  }
0x15d: {  	[hbm4b:s2+s24] =	stream.linear.scatter [tilespmem:s18], [sflag:$0x2], $0x4000, $0x38;
	[tilespmem:$0x1C400] =	vst v63  }
0x15e: {  	s3 =	rddreg [dreg:$0x8]  }
0x15f: {  	[hbm4b:s3+s24] =	stream.linear.scatter [tilespmem:s18], [sflag:$0x2], $0x4000, $0x38;
	[tilespmem:$0x1C400] =	vst v63  }
0x160: {  	s4 =	rddreg [dreg:$0x9]  }
0x161: {  	[hbm4b:s4+s24] =	stream.linear.scatter [tilespmem:s18], [sflag:$0x2], $0x4000, $0x38;
	[tilespmem:$0x1C400] =	vst v63  }
0x162: {  	s5 =	rddreg [dreg:$0xa]  }
0x163: {  	[hbm4b:s5+s24] =	stream.linear.scatter [tilespmem:s18], [sflag:$0x2], $0x4000, $0x38;
	[tilespmem:$0x1C400] =	vst v63  }
0x164: {  	s25 =	rddreg [dreg:$0xb];
	s28 =	simm.s32 $0x0;
	s30 =	simm.s32 $0x0  }
0x165: {  	[hbm4b:s25+s24] =	stream.linear.scatter [tilespmem:s18], [sflag:$0x2], $0x4000, $0x38;
	[tilespmem:$0x1C400] =	vst v63  }
0x166: {  	s31 =	rddreg [dreg:$0xc];
	s2 =	smov.u32 s11;
	s25 =	simm.s32 $0x0  }
0x167: {  	[hbm4b:s31+s24] =	stream.linear.scatter [tilespmem:s18], [sflag:$0x2], $0x4000, $0x38;
	[tilespmem:$0x1C400] =	vst v63  }
.LBB2_4:
0x168: {  	v32 =	vmov s2  }
0x169: {  	v33 =	vor.u32 $0x100, v32;
	_ =	sdelay $0x3  }
0x16a: {  	v32 =	vld.idx.msk [tilespmem:v32+s17+$0x0], $0xffff  }
0x16b: {  	v33 =	vld.idx.msk [tilespmem:v33+s17+$0x0], $0xffff;
	_ =	sdelay $0x4  }
0x16c: {  	v34 =	vadd.s32 v0, v32;
	v35 =	vadd.s32 v16, v33  }
0x16d: {  	v36 =	vshll.u32 v34, $0x8;
	v37 =	vshll.u32 v35, $0x3  }
0x16e: {  	v34 =	vshll.u32 v34, $0x7;
	v36 =	vand.u32 $0xFFFFF800, v36;
	v37 =	vand.u32 $0xFFFFFC00, v37  }
0x16f: {  	v34 =	vand.u32 $0x380, v34;
	v36 =	vadd.s32 v36, v37  }
0x170: {  	v35 =	vand.u32 $0x7F, v35;
	v34 =	vor.u32 v34, v36  }
0x171: {  	v34 =	vor.u32 v35, v34;
	_ =	sdelay $0x1  }
0x172: {  	v52 =	vadd.s32 v1, v32;
	v53 =	vadd.s32 v17, v33  }
0x173: {  	v54 =	vshll.u32 v52, $0x8;
	v38 =	vshll.u32 v53, $0x3  }
0x174: {  	v38 =	vand.u32 $0xFFFFFC00, v38;
	v37 =	vand.u32 $0xFFFFF800, v54;
	v35 =	vshll.u32 v52, $0x7  }
0x175: {  	v37 =	vadd.s32 v37, v38;
	v35 =	vand.u32 $0x380, v35;
	v34 =	vld.idx.msk [tilespmem:v34+s1+$0x0], $0xffff  }
0x176: {  	v36 =	vand.u32 $0x7F, v53;
	v35 =	vor.u32 v35, v37  }
0x177: {  	s0 =	sand.u32 $0x3000, s30;
	v35 =	vor.u32 v36, v35  }
0x178: {  	s3 =	sand.u32 $0x300, s28;
	s31 =	sor.u32 $0x14400, s0  }
0x179: {  	s0 =	sor.u32 s3, s31;
	v55 =	vadd.s32 v2, v32;
	v56 =	vadd.s32 v18, v33  }
0x17a: {  	v57 =	vshll.u32 v55, $0x8;
	v39 =	vshll.u32 v56, $0x3;
	[tilespmem:s0+$0x0] =	vst v34  }
0x17b: {  	v58 =	vand.u32 $0xFFFFF800, v57;
	v59 =	vand.u32 $0xFFFFFC00, v39;
	v36 =	vshll.u32 v55, $0x7;
	[tilespmem:s0+$0x800] =	vst v34  }
0x17c: {  	v36 =	vand.u32 $0x380, v36;
	v34 =	vadd.s32 v58, v59;
	v35 =	vld.idx.msk [tilespmem:v35+s1+$0x0], $0xffff  }
0x17d: {  	v37 =	vand.u32 $0x7F, v56;
	v34 =	vor.u32 v36, v34  }
0x17e: {  	v34 =	vor.u32 v37, v34;
	_ =	sdelay $0x1  }
0x17f: {  	v60 =	vadd.s32 v3, v32;
	v61 =	vadd.s32 v19, v33  }
0x180: {  	v62 =	vshll.u32 v60, $0x8;
	v63 =	vshll.u32 v61, $0x3;
	[tilespmem:s0+$0x10] =	vst v35  }
0x181: {  	v40 =	vand.u32 $0xFFFFF800, v62;
	v41 =	vand.u32 $0xFFFFFC00, v63;
	v36 =	vshll.u32 v60, $0x7;
	[tilespmem:s0+$0x810] =	vst v35  }
0x182: {  	v36 =	vand.u32 $0x380, v36;
	v35 =	vadd.s32 v40, v41;
	v34 =	vld.idx.msk [tilespmem:v34+s1+$0x0], $0xffff  }
0x183: {  	v37 =	vand.u32 $0x7F, v61;
	v35 =	vor.u32 v36, v35  }
0x184: {  	v35 =	vor.u32 v37, v35;
	_ =	sdelay $0x1  }
0x185: {  	v42 =	vadd.s32 v4, v32;
	v43 =	vadd.s32 v20, v33  }
0x186: {  	v44 =	vshll.u32 v42, $0x8;
	v45 =	vshll.u32 v43, $0x3;
	[tilespmem:s0+$0x20] =	vst v34  }
0x187: {  	v46 =	vand.u32 $0xFFFFF800, v44;
	v47 =	vand.u32 $0xFFFFFC00, v45;
	v36 =	vshll.u32 v42, $0x7;
	[tilespmem:s0+$0x820] =	vst v34  }
0x188: {  	v36 =	vand.u32 $0x380, v36;
	v34 =	vadd.s32 v46, v47;
	v35 =	vld.idx.msk [tilespmem:v35+s1+$0x0], $0xffff  }
0x189: {  	v37 =	vand.u32 $0x7F, v43;
	v34 =	vor.u32 v36, v34  }
0x18a: {  	v34 =	vor.u32 v37, v34;
	_ =	sdelay $0x1  }
0x18b: {  	v48 =	vadd.s32 v5, v32;
	v49 =	vadd.s32 v21, v33  }
0x18c: {  	v50 =	vshll.u32 v48, $0x8;
	v51 =	vshll.u32 v49, $0x3;
	[tilespmem:s0+$0x30] =	vst v35  }
0x18d: {  	v53 =	vand.u32 $0xFFFFFC00, v51;
	v52 =	vand.u32 $0xFFFFF800, v50;
	v36 =	vshll.u32 v48, $0x7;
	[tilespmem:s0+$0x830] =	vst v35  }
0x18e: {  	v36 =	vand.u32 $0x380, v36;
	v35 =	vadd.s32 v52, v53;
	v34 =	vld.idx.msk [tilespmem:v34+s1+$0x0], $0xffff  }
0x18f: {  	v37 =	vand.u32 $0x7F, v49;
	v35 =	vor.u32 v36, v35  }
0x190: {  	v35 =	vor.u32 v37, v35;
	_ =	sdelay $0x1  }
0x191: {  	v54 =	vadd.s32 v6, v32;
	v55 =	vadd.s32 v22, v33  }
0x192: {  	v56 =	vshll.u32 v54, $0x8;
	v57 =	vshll.u32 v55, $0x3;
	[tilespmem:s0+$0x40] =	vst v34  }
0x193: {  	v58 =	vand.u32 $0xFFFFF800, v56;
	v59 =	vand.u32 $0xFFFFFC00, v57;
	v36 =	vshll.u32 v54, $0x7;
	[tilespmem:s0+$0x840] =	vst v34  }
0x194: {  	v36 =	vand.u32 $0x380, v36;
	v34 =	vadd.s32 v58, v59;
	v35 =	vld.idx.msk [tilespmem:v35+s1+$0x0], $0xffff  }
0x195: {  	v37 =	vand.u32 $0x7F, v55;
	v34 =	vor.u32 v36, v34  }
0x196: {  	v34 =	vor.u32 v37, v34;
	_ =	sdelay $0x1  }
0x197: {  	v60 =	vadd.s32 v7, v32;
	v61 =	vadd.s32 v23, v33  }
0x198: {  	v62 =	vshll.u32 v60, $0x8;
	v63 =	vshll.u32 v61, $0x3;
	[tilespmem:s0+$0x50] =	vst v35  }
0x199: {  	v42 =	vand.u32 $0xFFFFF800, v62;
	v43 =	vand.u32 $0xFFFFFC00, v63;
	v36 =	vshll.u32 v60, $0x7;
	[tilespmem:s0+$0x850] =	vst v35  }
0x19a: {  	v36 =	vand.u32 $0x380, v36;
	v35 =	vadd.s32 v42, v43;
	v34 =	vld.idx.msk [tilespmem:v34+s1+$0x0], $0xffff  }
0x19b: {  	v37 =	vand.u32 $0x7F, v61;
	v35 =	vor.u32 v36, v35  }
0x19c: {  	v35 =	vor.u32 v37, v35;
	_ =	sdelay $0x1  }
0x19d: {  	v44 =	vadd.s32 v8, v32;
	v45 =	vadd.s32 v24, v33  }
0x19e: {  	v46 =	vshll.u32 v44, $0x8;
	v47 =	vshll.u32 v45, $0x3;
	[tilespmem:s0+$0x60] =	vst v34  }
0x19f: {  	v48 =	vand.u32 $0xFFFFF800, v46;
	v49 =	vand.u32 $0xFFFFFC00, v47;
	v36 =	vshll.u32 v44, $0x7;
	[tilespmem:s0+$0x860] =	vst v34  }
0x1a0: {  	v36 =	vand.u32 $0x380, v36;
	v34 =	vadd.s32 v48, v49;
	v35 =	vld.idx.msk [tilespmem:v35+s1+$0x0], $0xffff  }
0x1a1: {  	v37 =	vand.u32 $0x7F, v45;
	v34 =	vor.u32 v36, v34  }
0x1a2: {  	v34 =	vor.u32 v37, v34;
	_ =	sdelay $0x1  }
0x1a3: {  	v51 =	vadd.s32 v25, v33;
	v50 =	vadd.s32 v9, v32  }
0x1a4: {  	v52 =	vshll.u32 v50, $0x8;
	v53 =	vshll.u32 v51, $0x3;
	[tilespmem:s0+$0x70] =	vst v35  }
0x1a5: {  	v54 =	vand.u32 $0xFFFFF800, v52;
	v55 =	vand.u32 $0xFFFFFC00, v53;
	v36 =	vshll.u32 v50, $0x7;
	[tilespmem:s0+$0x870] =	vst v35  }
0x1a6: {  	v36 =	vand.u32 $0x380, v36;
	v35 =	vadd.s32 v54, v55;
	v34 =	vld.idx.msk [tilespmem:v34+s1+$0x0], $0xffff  }
0x1a7: {  	v37 =	vand.u32 $0x7F, v51;
	v35 =	vor.u32 v36, v35  }
0x1a8: {  	s4 =	sand.u32 $0x3, s24;
	v35 =	vor.u32 v37, v35  }
0x1a9: {  	s3 =	sshll.u32 s4, $0x8  }
0x1aa: {  	s3 =	sadd.s32 s3, s30;
	v56 =	vadd.s32 v10, v32;
	v57 =	vadd.s32 v26, v33  }
0x1ab: {  	s4 =	sor.u32 $0xC00, s3;
	v58 =	vshll.u32 v56, $0x8;
	v59 =	vshll.u32 v57, $0x3;
	[tilespmem:s0+$0x400] =	vst v34  }
0x1ac: {  	v60 =	vand.u32 $0xFFFFF800, v58;
	v61 =	vand.u32 $0xFFFFFC00, v59;
	v36 =	vshll.u32 v56, $0x7;
	[tilespmem:s4+$0x14400] =	vst v34  }
0x1ad: {  	v36 =	vand.u32 $0x380, v36;
	v34 =	vadd.s32 v60, v61;
	v35 =	vld.idx.msk [tilespmem:v35+s1+$0x0], $0xffff  }
0x1ae: {  	v37 =	vand.u32 $0x7F, v57;
	v34 =	vor.u32 v36, v34  }
0x1af: {  	v34 =	vor.u32 v37, v34;
	_ =	sdelay $0x1  }
0x1b0: {  	v62 =	vadd.s32 v11, v32;
	v63 =	vadd.s32 v27, v33  }
0x1b1: {  	s5 =	sor.u32 $0xC10, s3;
	v42 =	vshll.u32 v62, $0x8;
	v43 =	vshll.u32 v63, $0x3;
	[tilespmem:s0+$0x410] =	vst v35  }
0x1b2: {  	v44 =	vand.u32 $0xFFFFF800, v42;
	v45 =	vand.u32 $0xFFFFFC00, v43;
	v36 =	vshll.u32 v62, $0x7;
	[tilespmem:s5+$0x14400] =	vst v35  }
0x1b3: {  	v36 =	vand.u32 $0x380, v36;
	v35 =	vadd.s32 v44, v45;
	v34 =	vld.idx.msk [tilespmem:v34+s1+$0x0], $0xffff  }
0x1b4: {  	v37 =	vand.u32 $0x7F, v63;
	v35 =	vor.u32 v36, v35  }
0x1b5: {  	v35 =	vor.u32 v37, v35;
	_ =	sdelay $0x1  }
0x1b6: {  	v46 =	vadd.s32 v12, v32;
	v47 =	vadd.s32 v28, v33  }
0x1b7: {  	v48 =	vshll.u32 v46, $0x8;
	v49 =	vshll.u32 v47, $0x3;
	s5 =	sor.u32 $0xC20, s3;
	[tilespmem:s0+$0x420] =	vst v34  }
0x1b8: {  	v50 =	vand.u32 $0xFFFFF800, v48;
	v51 =	vand.u32 $0xFFFFFC00, v49;
	v36 =	vshll.u32 v46, $0x7;
	[tilespmem:s5+$0x14400] =	vst v34  }
0x1b9: {  	v36 =	vand.u32 $0x380, v36;
	v34 =	vadd.s32 v50, v51;
	v35 =	vld.idx.msk [tilespmem:v35+s1+$0x0], $0xffff  }
0x1ba: {  	v37 =	vand.u32 $0x7F, v47;
	v34 =	vor.u32 v36, v34  }
0x1bb: {  	v34 =	vor.u32 v37, v34;
	_ =	sdelay $0x1  }
0x1bc: {  	v52 =	vadd.s32 v13, v32;
	v53 =	vadd.s32 v29, v33  }
0x1bd: {  	v54 =	vshll.u32 v52, $0x8;
	v55 =	vshll.u32 v53, $0x3;
	s5 =	sor.u32 $0xC30, s3;
	[tilespmem:s0+$0x430] =	vst v35  }
0x1be: {  	v56 =	vand.u32 $0xFFFFF800, v54;
	v57 =	vand.u32 $0xFFFFFC00, v55;
	v36 =	vshll.u32 v52, $0x7;
	[tilespmem:s5+$0x14400] =	vst v35  }
0x1bf: {  	v36 =	vand.u32 $0x380, v36;
	v35 =	vadd.s32 v56, v57;
	v34 =	vld.idx.msk [tilespmem:v34+s1+$0x0], $0xffff  }
0x1c0: {  	v37 =	vand.u32 $0x7F, v53;
	v35 =	vor.u32 v36, v35  }
0x1c1: {  	v35 =	vor.u32 v37, v35;
	_ =	sdelay $0x1  }
0x1c2: {  	v58 =	vadd.s32 v14, v32;
	v59 =	vadd.s32 v30, v33  }
0x1c3: {  	v60 =	vshll.u32 v58, $0x8;
	v61 =	vshll.u32 v59, $0x3;
	s5 =	sor.u32 $0xC40, s3;
	[tilespmem:s0+$0x440] =	vst v34  }
0x1c4: {  	v62 =	vand.u32 $0xFFFFF800, v60;
	v63 =	vand.u32 $0xFFFFFC00, v61;
	v36 =	vshll.u32 v58, $0x7;
	[tilespmem:s5+$0x14400] =	vst v34  }
0x1c5: {  	v36 =	vand.u32 $0x380, v36;
	v34 =	vadd.s32 v62, v63;
	v35 =	vld.idx.msk [tilespmem:v35+s1+$0x0], $0xffff  }
0x1c6: {  	v37 =	vand.u32 $0x7F, v59;
	v34 =	vor.u32 v36, v34  }
0x1c7: {  	v34 =	vor.u32 v37, v34;
	_ =	sdelay $0x1  }
0x1c8: {  	v32 =	vadd.s32 v15, v32;
	v33 =	vadd.s32 v31, v33  }
0x1c9: {  	v40 =	vshll.u32 v32, $0x8;
	v41 =	vshll.u32 v33, $0x3;
	s5 =	sor.u32 $0xC50, s3;
	[tilespmem:s0+$0x450] =	vst v35  }
0x1ca: {  	v32 =	vshll.u32 v32, $0x7;
	v42 =	vand.u32 $0xFFFFF800, v40;
	v43 =	vand.u32 $0xFFFFFC00, v41;
	[tilespmem:s5+$0x14400] =	vst v35  }
0x1cb: {  	v32 =	vand.u32 $0x380, v32;
	v35 =	vadd.s32 v42, v43;
	v34 =	vld.idx.msk [tilespmem:v34+s1+$0x0], $0xffff  }
0x1cc: {  	v33 =	vand.u32 $0x7F, v33;
	v32 =	vor.u32 v32, v35  }
0x1cd: {  	v32 =	vor.u32 v33, v32;
	_ =	sdelay $0x2  }
0x1ce: {  	s5 =	sor.u32 $0xC60, s3;
	[tilespmem:s0+$0x460] =	vst v34  }
0x1cf: {  	[tilespmem:s5+$0x14400] =	vst v34  }
0x1d0: {  	v32 =	vld.idx.msk [tilespmem:v32+s1+$0x0], $0xffff  }
0x1d1: {  	s5 =	sadd.s32 $0x1, s2  }
0x1d2: {  	v44 =	vmov s5  }
0x1d3: {  	v45 =	vor.u32 $0x100, v44;
	_ =	sdelay $0x1  }
0x1d4: {  	s3 =	sor.u32 $0xC70, s3;
	[tilespmem:s0+$0x470] =	vst v32  }
0x1d5: {  	[tilespmem:s3+$0x14400] =	vst v32  }
0x1d6: {  	v32 =	vld.idx.msk [tilespmem:v44+s17+$0x0], $0xffff  }
0x1d7: {  	v33 =	vld.idx.msk [tilespmem:v45+s17+$0x0], $0xffff;
	_ =	sdelay $0x4  }
0x1d8: {  	v46 =	vadd.s32 v0, v32;
	v47 =	vadd.s32 v16, v33  }
0x1d9: {  	v48 =	vshll.u32 v46, $0x8;
	v49 =	vshll.u32 v47, $0x3  }
0x1da: {  	v34 =	vshll.u32 v46, $0x7;
	v36 =	vand.u32 $0xFFFFF800, v48;
	v37 =	vand.u32 $0xFFFFFC00, v49  }
0x1db: {  	v34 =	vand.u32 $0x380, v34;
	v36 =	vadd.s32 v36, v37  }
0x1dc: {  	v35 =	vand.u32 $0x7F, v47;
	v34 =	vor.u32 v34, v36  }
0x1dd: {  	v34 =	vor.u32 v35, v34;
	_ =	sdelay $0x1  }
0x1de: {  	v50 =	vadd.s32 v1, v32;
	v51 =	vadd.s32 v17, v33  }
0x1df: {  	v52 =	vshll.u32 v50, $0x8;
	v53 =	vshll.u32 v51, $0x3  }
0x1e0: {  	v38 =	vand.u32 $0xFFFFFC00, v53;
	v37 =	vand.u32 $0xFFFFF800, v52;
	v35 =	vshll.u32 v50, $0x7  }
0x1e1: {  	v37 =	vadd.s32 v37, v38;
	v35 =	vand.u32 $0x380, v35;
	v34 =	vld.idx.msk [tilespmem:v34+s1+$0x0], $0xffff  }
0x1e2: {  	v36 =	vand.u32 $0x7F, v51;
	v35 =	vor.u32 v35, v37  }
0x1e3: {  	s4 =	sadd.s32 $0x80, s28;
	v35 =	vor.u32 v36, v35  }
0x1e4: {  	s0 =	sand.u32 $0x380, s4  }
0x1e5: {  	s0 =	sor.u32 s0, s31;
	v54 =	vadd.s32 v2, v32;
	v55 =	vadd.s32 v18, v33  }
0x1e6: {  	v56 =	vshll.u32 v54, $0x8;
	v57 =	vshll.u32 v55, $0x3;
	[tilespmem:s0+$0x0] =	vst v34  }
0x1e7: {  	v58 =	vand.u32 $0xFFFFF800, v56;
	v59 =	vand.u32 $0xFFFFFC00, v57;
	v36 =	vshll.u32 v54, $0x7;
	[tilespmem:s0+$0x800] =	vst v34  }
0x1e8: {  	v36 =	vand.u32 $0x380, v36;
	v34 =	vadd.s32 v58, v59;
	v35 =	vld.idx.msk [tilespmem:v35+s1+$0x0], $0xffff  }
0x1e9: {  	v37 =	vand.u32 $0x7F, v55;
	v34 =	vor.u32 v36, v34  }
0x1ea: {  	v34 =	vor.u32 v37, v34;
	_ =	sdelay $0x1  }
0x1eb: {  	v60 =	vadd.s32 v3, v32;
	v61 =	vadd.s32 v19, v33  }
0x1ec: {  	v62 =	vshll.u32 v60, $0x8;
	v63 =	vshll.u32 v61, $0x3;
	[tilespmem:s0+$0x10] =	vst v35  }
0x1ed: {  	v40 =	vand.u32 $0xFFFFF800, v62;
	v41 =	vand.u32 $0xFFFFFC00, v63;
	v36 =	vshll.u32 v60, $0x7;
	[tilespmem:s0+$0x810] =	vst v35  }
0x1ee: {  	v36 =	vand.u32 $0x380, v36;
	v35 =	vadd.s32 v40, v41;
	v34 =	vld.idx.msk [tilespmem:v34+s1+$0x0], $0xffff  }
0x1ef: {  	v37 =	vand.u32 $0x7F, v61;
	v35 =	vor.u32 v36, v35  }
0x1f0: {  	v35 =	vor.u32 v37, v35;
	_ =	sdelay $0x1  }
0x1f1: {  	v42 =	vadd.s32 v4, v32;
	v43 =	vadd.s32 v20, v33  }
0x1f2: {  	v44 =	vshll.u32 v42, $0x8;
	v45 =	vshll.u32 v43, $0x3;
	[tilespmem:s0+$0x20] =	vst v34  }
0x1f3: {  	v46 =	vand.u32 $0xFFFFF800, v44;
	v47 =	vand.u32 $0xFFFFFC00, v45;
	v36 =	vshll.u32 v42, $0x7;
	[tilespmem:s0+$0x820] =	vst v34  }
0x1f4: {  	v36 =	vand.u32 $0x380, v36;
	v34 =	vadd.s32 v46, v47;
	v35 =	vld.idx.msk [tilespmem:v35+s1+$0x0], $0xffff  }
0x1f5: {  	v37 =	vand.u32 $0x7F, v43;
	v34 =	vor.u32 v36, v34  }
0x1f6: {  	v34 =	vor.u32 v37, v34;
	_ =	sdelay $0x1  }
0x1f7: {  	v48 =	vadd.s32 v5, v32;
	v49 =	vadd.s32 v21, v33  }
0x1f8: {  	v51 =	vshll.u32 v49, $0x3;
	v50 =	vshll.u32 v48, $0x8;
	[tilespmem:s0+$0x30] =	vst v35  }
0x1f9: {  	v53 =	vand.u32 $0xFFFFFC00, v51;
	v52 =	vand.u32 $0xFFFFF800, v50;
	v36 =	vshll.u32 v48, $0x7;
	[tilespmem:s0+$0x830] =	vst v35  }
0x1fa: {  	v36 =	vand.u32 $0x380, v36;
	v35 =	vadd.s32 v52, v53;
	v34 =	vld.idx.msk [tilespmem:v34+s1+$0x0], $0xffff  }
0x1fb: {  	v37 =	vand.u32 $0x7F, v49;
	v35 =	vor.u32 v36, v35  }
0x1fc: {  	v35 =	vor.u32 v37, v35;
	_ =	sdelay $0x1  }
0x1fd: {  	v55 =	vadd.s32 v22, v33;
	v54 =	vadd.s32 v6, v32  }
0x1fe: {  	v57 =	vshll.u32 v55, $0x3;
	v56 =	vshll.u32 v54, $0x8;
	[tilespmem:s0+$0x40] =	vst v34  }
0x1ff: {  	v58 =	vand.u32 $0xFFFFF800, v56;
	v59 =	vand.u32 $0xFFFFFC00, v57;
	v36 =	vshll.u32 v54, $0x7;
	[tilespmem:s0+$0x840] =	vst v34  }
0x200: {  	v36 =	vand.u32 $0x380, v36;
	v34 =	vadd.s32 v58, v59;
	v35 =	vld.idx.msk [tilespmem:v35+s1+$0x0], $0xffff  }
0x201: {  	v37 =	vand.u32 $0x7F, v55;
	v34 =	vor.u32 v36, v34  }
0x202: {  	v34 =	vor.u32 v37, v34;
	_ =	sdelay $0x1  }
0x203: {  	v60 =	vadd.s32 v7, v32;
	v61 =	vadd.s32 v23, v33  }
0x204: {  	v62 =	vshll.u32 v60, $0x8;
	v63 =	vshll.u32 v61, $0x3;
	[tilespmem:s0+$0x50] =	vst v35  }
0x205: {  	v40 =	vand.u32 $0xFFFFF800, v62;
	v41 =	vand.u32 $0xFFFFFC00, v63;
	v36 =	vshll.u32 v60, $0x7;
	[tilespmem:s0+$0x850] =	vst v35  }
0x206: {  	v36 =	vand.u32 $0x380, v36;
	v35 =	vadd.s32 v40, v41;
	v34 =	vld.idx.msk [tilespmem:v34+s1+$0x0], $0xffff  }
0x207: {  	v37 =	vand.u32 $0x7F, v61;
	v35 =	vor.u32 v36, v35  }
0x208: {  	v35 =	vor.u32 v37, v35;
	_ =	sdelay $0x1  }
0x209: {  	v42 =	vadd.s32 v8, v32;
	v43 =	vadd.s32 v24, v33  }
0x20a: {  	v44 =	vshll.u32 v42, $0x8;
	v45 =	vshll.u32 v43, $0x3;
	[tilespmem:s0+$0x60] =	vst v34  }
0x20b: {  	v46 =	vand.u32 $0xFFFFF800, v44;
	v47 =	vand.u32 $0xFFFFFC00, v45;
	v36 =	vshll.u32 v42, $0x7;
	[tilespmem:s0+$0x860] =	vst v34  }
0x20c: {  	v36 =	vand.u32 $0x380, v36;
	v34 =	vadd.s32 v46, v47;
	v35 =	vld.idx.msk [tilespmem:v35+s1+$0x0], $0xffff  }
0x20d: {  	v37 =	vand.u32 $0x7F, v43;
	v34 =	vor.u32 v36, v34  }
0x20e: {  	v34 =	vor.u32 v37, v34;
	_ =	sdelay $0x1  }
0x20f: {  	v48 =	vadd.s32 v9, v32;
	v49 =	vadd.s32 v25, v33  }
0x210: {  	v50 =	vshll.u32 v48, $0x8;
	v51 =	vshll.u32 v49, $0x3;
	[tilespmem:s0+$0x70] =	vst v35  }
0x211: {  	v52 =	vand.u32 $0xFFFFF800, v50;
	v53 =	vand.u32 $0xFFFFFC00, v51;
	v36 =	vshll.u32 v48, $0x7;
	[tilespmem:s0+$0x870] =	vst v35  }
0x212: {  	v36 =	vand.u32 $0x380, v36;
	v35 =	vadd.s32 v52, v53;
	v34 =	vld.idx.msk [tilespmem:v34+s1+$0x0], $0xffff  }
0x213: {  	s5 =	sand.u32 $0x7, s25;
	v37 =	vand.u32 $0x7F, v49;
	v35 =	vor.u32 v36, v35  }
0x214: {  	s3 =	sshll.u32 s5, $0x7;
	v35 =	vor.u32 v37, v35  }
0x215: {  	s3 =	sadd.s32 s30, s3  }
0x216: {  	s3 =	sadd.s32 $0x80, s3;
	v54 =	vadd.s32 v10, v32;
	v55 =	vadd.s32 v26, v33  }
0x217: {  	s31 =	sor.u32 $0xC00, s3;
	v56 =	vshll.u32 v54, $0x8;
	v57 =	vshll.u32 v55, $0x3;
	[tilespmem:s0+$0x400] =	vst v34  }
0x218: {  	v58 =	vand.u32 $0xFFFFF800, v56;
	v59 =	vand.u32 $0xFFFFFC00, v57;
	v36 =	vshll.u32 v54, $0x7;
	[tilespmem:s31+$0x14400] =	vst v34  }
0x219: {  	v36 =	vand.u32 $0x380, v36;
	v34 =	vadd.s32 v58, v59;
	v35 =	vld.idx.msk [tilespmem:v35+s1+$0x0], $0xffff  }
0x21a: {  	v37 =	vand.u32 $0x7F, v55;
	v34 =	vor.u32 v36, v34  }
0x21b: {  	v34 =	vor.u32 v37, v34;
	_ =	sdelay $0x1  }
0x21c: {  	v60 =	vadd.s32 v11, v32;
	v61 =	vadd.s32 v27, v33  }
0x21d: {  	s5 =	sor.u32 $0xC10, s3;
	v62 =	vshll.u32 v60, $0x8;
	v63 =	vshll.u32 v61, $0x3;
	[tilespmem:s0+$0x410] =	vst v35  }
0x21e: {  	v40 =	vand.u32 $0xFFFFF800, v62;
	v41 =	vand.u32 $0xFFFFFC00, v63;
	v36 =	vshll.u32 v60, $0x7;
	[tilespmem:s5+$0x14400] =	vst v35  }
0x21f: {  	v36 =	vand.u32 $0x380, v36;
	v35 =	vadd.s32 v40, v41;
	v34 =	vld.idx.msk [tilespmem:v34+s1+$0x0], $0xffff  }
0x220: {  	v37 =	vand.u32 $0x7F, v61;
	v35 =	vor.u32 v36, v35  }
0x221: {  	v35 =	vor.u32 v37, v35;
	_ =	sdelay $0x1  }
0x222: {  	v42 =	vadd.s32 v12, v32;
	v43 =	vadd.s32 v28, v33  }
0x223: {  	v44 =	vshll.u32 v42, $0x8;
	v45 =	vshll.u32 v43, $0x3;
	s31 =	sor.u32 $0xC20, s3;
	[tilespmem:s0+$0x420] =	vst v34  }
0x224: {  	v46 =	vand.u32 $0xFFFFF800, v44;
	v47 =	vand.u32 $0xFFFFFC00, v45;
	v36 =	vshll.u32 v42, $0x7;
	[tilespmem:s31+$0x14400] =	vst v34  }
0x225: {  	v36 =	vand.u32 $0x380, v36;
	v34 =	vadd.s32 v46, v47;
	v35 =	vld.idx.msk [tilespmem:v35+s1+$0x0], $0xffff  }
0x226: {  	v37 =	vand.u32 $0x7F, v43;
	v34 =	vor.u32 v36, v34  }
0x227: {  	v34 =	vor.u32 v37, v34;
	_ =	sdelay $0x1  }
0x228: {  	v48 =	vadd.s32 v13, v32;
	v49 =	vadd.s32 v29, v33  }
0x229: {  	v50 =	vshll.u32 v48, $0x8;
	v51 =	vshll.u32 v49, $0x3;
	s5 =	sor.u32 $0xC30, s3;
	[tilespmem:s0+$0x430] =	vst v35  }
0x22a: {  	v52 =	vand.u32 $0xFFFFF800, v50;
	v53 =	vand.u32 $0xFFFFFC00, v51;
	v36 =	vshll.u32 v48, $0x7;
	[tilespmem:s5+$0x14400] =	vst v35  }
0x22b: {  	v36 =	vand.u32 $0x380, v36;
	v35 =	vadd.s32 v52, v53;
	v34 =	vld.idx.msk [tilespmem:v34+s1+$0x0], $0xffff  }
0x22c: {  	v37 =	vand.u32 $0x7F, v49;
	v35 =	vor.u32 v36, v35  }
0x22d: {  	v35 =	vor.u32 v37, v35;
	_ =	sdelay $0x1  }
0x22e: {  	v54 =	vadd.s32 v14, v32;
	v55 =	vadd.s32 v30, v33  }
0x22f: {  	v56 =	vshll.u32 v54, $0x8;
	v57 =	vshll.u32 v55, $0x3;
	s31 =	sor.u32 $0xC40, s3;
	[tilespmem:s0+$0x440] =	vst v34  }
0x230: {  	v58 =	vand.u32 $0xFFFFF800, v56;
	v59 =	vand.u32 $0xFFFFFC00, v57;
	v36 =	vshll.u32 v54, $0x7;
	[tilespmem:s31+$0x14400] =	vst v34  }
0x231: {  	v36 =	vand.u32 $0x380, v36;
	v34 =	vadd.s32 v58, v59;
	v35 =	vld.idx.msk [tilespmem:v35+s1+$0x0], $0xffff  }
0x232: {  	v37 =	vand.u32 $0x7F, v55;
	v34 =	vor.u32 v36, v34  }
0x233: {  	v34 =	vor.u32 v37, v34;
	_ =	sdelay $0x1  }
0x234: {  	v32 =	vadd.s32 v15, v32;
	v33 =	vadd.s32 v31, v33  }
0x235: {  	v60 =	vshll.u32 v32, $0x8;
	v61 =	vshll.u32 v33, $0x3;
	s5 =	sor.u32 $0xC50, s3;
	[tilespmem:s0+$0x450] =	vst v35  }
0x236: {  	v32 =	vshll.u32 v32, $0x7;
	v62 =	vand.u32 $0xFFFFF800, v60;
	v63 =	vand.u32 $0xFFFFFC00, v61;
	[tilespmem:s5+$0x14400] =	vst v35  }
0x237: {  	v32 =	vand.u32 $0x380, v32;
	v35 =	vadd.s32 v62, v63;
	v34 =	vld.idx.msk [tilespmem:v34+s1+$0x0], $0xffff  }
0x238: {  	v33 =	vand.u32 $0x7F, v33;
	v32 =	vor.u32 v32, v35  }
0x239: {  	v32 =	vor.u32 v33, v32;
	_ =	sdelay $0x2  }
0x23a: {  	s31 =	sor.u32 $0xC60, s3;
	[tilespmem:s0+$0x460] =	vst v34  }
0x23b: {  	[tilespmem:s31+$0x14400] =	vst v34  }
0x23c: {  	v32 =	vld.idx.msk [tilespmem:v32+s1+$0x0], $0xffff  }
0x23d: {  	p0 =	sne.s32 s30, $0x3C00  }
.Ltmp1:
0x23e: {  	_ = 	snop;
	(pc) =	sbr.rel @p0 .LBB2_4-.Ltmp1, $3  }
0x23f: {  	_ =	sdelay $0x1  }
0x240: {  	s24 =	sadd.s32 $0x1, s24;
	s28 =	sadd.s32 $0x100, s28;
	s3 =	sor.u32 $0xC70, s3;
	[tilespmem:s0+$0x470] =	vst v32  }
0x241: {  	s2 =	sadd.s32 $0x2, s2;
	s25 =	sadd.s32 $0x2, s25;
	s30 =	sadd.s32 $0x400, s30;
	[tilespmem:s3+$0x14400] =	vst v32  }
0x242: {  	s24 =	simm.s32 $0x0;
	s0 =	rddreg [dreg:$0xd]  }
0x243: {  	[hbm4b:s0+s24] =	stream.linear.scatter [tilespmem:s20], [sflag:$0x3], $0x4000, $0x38;
	[tilespmem:$0x1C400] =	vst v63  }
0x244: {  	s31 =	rddreg [dreg:$0xe]  }
0x245: {  	[hbm4b:s31+s24] =	stream.linear.scatter [tilespmem:s20], [sflag:$0x3], $0x4000, $0x38;
	[tilespmem:$0x1C400] =	vst v63  }
0x246: {  	s2 =	rddreg [dreg:$0xf]  }
0x247: {  	[hbm4b:s2+s24] =	stream.linear.scatter [tilespmem:s20], [sflag:$0x3], $0x4000, $0x38;
	[tilespmem:$0x1C400] =	vst v63  }
0x248: {  	s3 =	rddreg [dreg:$0x10]  }
0x249: {  	[hbm4b:s3+s24] =	stream.linear.scatter [tilespmem:s20], [sflag:$0x3], $0x4000, $0x38;
	[tilespmem:$0x1C400] =	vst v63  }
0x24a: {  	s4 =	rddreg [dreg:$0x11]  }
0x24b: {  	[hbm4b:s4+s24] =	stream.linear.scatter [tilespmem:s20], [sflag:$0x3], $0x4000, $0x38;
	[tilespmem:$0x1C400] =	vst v63  }
0x24c: {  	s5 =	rddreg [dreg:$0x12]  }
0x24d: {  	[hbm4b:s5+s24] =	stream.linear.scatter [tilespmem:s20], [sflag:$0x3], $0x4000, $0x38;
	[tilespmem:$0x1C400] =	vst v63  }
0x24e: {  	s25 =	rddreg [dreg:$0x13];
	s28 =	simm.s32 $0x0;
	s30 =	simm.s32 $0x0  }
0x24f: {  	[hbm4b:s25+s24] =	stream.linear.scatter [tilespmem:s20], [sflag:$0x3], $0x4000, $0x38;
	[tilespmem:$0x1C400] =	vst v63  }
0x250: {  	s31 =	rddreg [dreg:$0x14];
	s2 =	smov.u32 s19;
	s25 =	simm.s32 $0x0  }
0x251: {  	[hbm4b:s31+s24] =	stream.linear.scatter [tilespmem:s20], [sflag:$0x3], $0x4000, $0x38;
	[tilespmem:$0x1C400] =	vst v63  }
.LBB2_6:
0x252: {  	v32 =	vmov s2  }
0x253: {  	v33 =	vor.u32 $0x100, v32;
	_ =	sdelay $0x3  }
0x254: {  	v32 =	vld.idx.msk [tilespmem:v32+s17+$0x0], $0xffff  }
0x255: {  	v33 =	vld.idx.msk [tilespmem:v33+s17+$0x0], $0xffff;
	_ =	sdelay $0x4  }
0x256: {  	v34 =	vadd.s32 v0, v32;
	v35 =	vadd.s32 v16, v33  }
0x257: {  	v36 =	vshll.u32 v34, $0x8;
	v37 =	vshll.u32 v35, $0x3  }
0x258: {  	v34 =	vshll.u32 v34, $0x7;
	v36 =	vand.u32 $0xFFFFF800, v36;
	v37 =	vand.u32 $0xFFFFFC00, v37  }
0x259: {  	v34 =	vand.u32 $0x380, v34;
	v36 =	vadd.s32 v36, v37  }
0x25a: {  	v35 =	vand.u32 $0x7F, v35;
	v34 =	vor.u32 v34, v36  }
0x25b: {  	v34 =	vor.u32 v35, v34;
	_ =	sdelay $0x1  }
0x25c: {  	v52 =	vadd.s32 v1, v32;
	v53 =	vadd.s32 v17, v33  }
0x25d: {  	v54 =	vshll.u32 v52, $0x8;
	v38 =	vshll.u32 v53, $0x3  }
0x25e: {  	v38 =	vand.u32 $0xFFFFFC00, v38;
	v37 =	vand.u32 $0xFFFFF800, v54;
	v35 =	vshll.u32 v52, $0x7  }
0x25f: {  	v37 =	vadd.s32 v37, v38;
	v35 =	vand.u32 $0x380, v35;
	v34 =	vld.idx.msk [tilespmem:v34+s1+$0x0], $0xffff  }
0x260: {  	v36 =	vand.u32 $0x7F, v53;
	v35 =	vor.u32 v35, v37  }
0x261: {  	s0 =	sand.u32 $0x3000, s30;
	v35 =	vor.u32 v36, v35  }
0x262: {  	s3 =	sand.u32 $0x300, s28;
	s31 =	sor.u32 $0x18400, s0  }
0x263: {  	s0 =	sor.u32 s3, s31;
	v55 =	vadd.s32 v2, v32;
	v56 =	vadd.s32 v18, v33  }
0x264: {  	v57 =	vshll.u32 v55, $0x8;
	v39 =	vshll.u32 v56, $0x3;
	[tilespmem:s0+$0x0] =	vst v34  }
0x265: {  	v58 =	vand.u32 $0xFFFFF800, v57;
	v59 =	vand.u32 $0xFFFFFC00, v39;
	v36 =	vshll.u32 v55, $0x7;
	[tilespmem:s0+$0x800] =	vst v34  }
0x266: {  	v36 =	vand.u32 $0x380, v36;
	v34 =	vadd.s32 v58, v59;
	v35 =	vld.idx.msk [tilespmem:v35+s1+$0x0], $0xffff  }
0x267: {  	v37 =	vand.u32 $0x7F, v56;
	v34 =	vor.u32 v36, v34  }
0x268: {  	v34 =	vor.u32 v37, v34;
	_ =	sdelay $0x1  }
0x269: {  	v60 =	vadd.s32 v3, v32;
	v61 =	vadd.s32 v19, v33  }
0x26a: {  	v62 =	vshll.u32 v60, $0x8;
	v63 =	vshll.u32 v61, $0x3;
	[tilespmem:s0+$0x10] =	vst v35  }
0x26b: {  	v40 =	vand.u32 $0xFFFFF800, v62;
	v41 =	vand.u32 $0xFFFFFC00, v63;
	v36 =	vshll.u32 v60, $0x7;
	[tilespmem:s0+$0x810] =	vst v35  }
0x26c: {  	v36 =	vand.u32 $0x380, v36;
	v35 =	vadd.s32 v40, v41;
	v34 =	vld.idx.msk [tilespmem:v34+s1+$0x0], $0xffff  }
0x26d: {  	v37 =	vand.u32 $0x7F, v61;
	v35 =	vor.u32 v36, v35  }
0x26e: {  	v35 =	vor.u32 v37, v35;
	_ =	sdelay $0x1  }
0x26f: {  	v42 =	vadd.s32 v4, v32;
	v43 =	vadd.s32 v20, v33  }
0x270: {  	v44 =	vshll.u32 v42, $0x8;
	v45 =	vshll.u32 v43, $0x3;
	[tilespmem:s0+$0x20] =	vst v34  }
0x271: {  	v46 =	vand.u32 $0xFFFFF800, v44;
	v47 =	vand.u32 $0xFFFFFC00, v45;
	v36 =	vshll.u32 v42, $0x7;
	[tilespmem:s0+$0x820] =	vst v34  }
0x272: {  	v36 =	vand.u32 $0x380, v36;
	v34 =	vadd.s32 v46, v47;
	v35 =	vld.idx.msk [tilespmem:v35+s1+$0x0], $0xffff  }
0x273: {  	v37 =	vand.u32 $0x7F, v43;
	v34 =	vor.u32 v36, v34  }
0x274: {  	v34 =	vor.u32 v37, v34;
	_ =	sdelay $0x1  }
0x275: {  	v48 =	vadd.s32 v5, v32;
	v49 =	vadd.s32 v21, v33  }
0x276: {  	v50 =	vshll.u32 v48, $0x8;
	v51 =	vshll.u32 v49, $0x3;
	[tilespmem:s0+$0x30] =	vst v35  }
0x277: {  	v53 =	vand.u32 $0xFFFFFC00, v51;
	v52 =	vand.u32 $0xFFFFF800, v50;
	v36 =	vshll.u32 v48, $0x7;
	[tilespmem:s0+$0x830] =	vst v35  }
0x278: {  	v36 =	vand.u32 $0x380, v36;
	v35 =	vadd.s32 v52, v53;
	v34 =	vld.idx.msk [tilespmem:v34+s1+$0x0], $0xffff  }
0x279: {  	v37 =	vand.u32 $0x7F, v49;
	v35 =	vor.u32 v36, v35  }
0x27a: {  	v35 =	vor.u32 v37, v35;
	_ =	sdelay $0x1  }
0x27b: {  	v54 =	vadd.s32 v6, v32;
	v55 =	vadd.s32 v22, v33  }
0x27c: {  	v56 =	vshll.u32 v54, $0x8;
	v57 =	vshll.u32 v55, $0x3;
	[tilespmem:s0+$0x40] =	vst v34  }
0x27d: {  	v58 =	vand.u32 $0xFFFFF800, v56;
	v59 =	vand.u32 $0xFFFFFC00, v57;
	v36 =	vshll.u32 v54, $0x7;
	[tilespmem:s0+$0x840] =	vst v34  }
0x27e: {  	v36 =	vand.u32 $0x380, v36;
	v34 =	vadd.s32 v58, v59;
	v35 =	vld.idx.msk [tilespmem:v35+s1+$0x0], $0xffff  }
0x27f: {  	v37 =	vand.u32 $0x7F, v55;
	v34 =	vor.u32 v36, v34  }
0x280: {  	v34 =	vor.u32 v37, v34;
	_ =	sdelay $0x1  }
0x281: {  	v60 =	vadd.s32 v7, v32;
	v61 =	vadd.s32 v23, v33  }
0x282: {  	v62 =	vshll.u32 v60, $0x8;
	v63 =	vshll.u32 v61, $0x3;
	[tilespmem:s0+$0x50] =	vst v35  }
0x283: {  	v42 =	vand.u32 $0xFFFFF800, v62;
	v43 =	vand.u32 $0xFFFFFC00, v63;
	v36 =	vshll.u32 v60, $0x7;
	[tilespmem:s0+$0x850] =	vst v35  }
0x284: {  	v36 =	vand.u32 $0x380, v36;
	v35 =	vadd.s32 v42, v43;
	v34 =	vld.idx.msk [tilespmem:v34+s1+$0x0], $0xffff  }
0x285: {  	v37 =	vand.u32 $0x7F, v61;
	v35 =	vor.u32 v36, v35  }
0x286: {  	v35 =	vor.u32 v37, v35;
	_ =	sdelay $0x1  }
0x287: {  	v44 =	vadd.s32 v8, v32;
	v45 =	vadd.s32 v24, v33  }
0x288: {  	v46 =	vshll.u32 v44, $0x8;
	v47 =	vshll.u32 v45, $0x3;
	[tilespmem:s0+$0x60] =	vst v34  }
0x289: {  	v48 =	vand.u32 $0xFFFFF800, v46;
	v49 =	vand.u32 $0xFFFFFC00, v47;
	v36 =	vshll.u32 v44, $0x7;
	[tilespmem:s0+$0x860] =	vst v34  }
0x28a: {  	v36 =	vand.u32 $0x380, v36;
	v34 =	vadd.s32 v48, v49;
	v35 =	vld.idx.msk [tilespmem:v35+s1+$0x0], $0xffff  }
0x28b: {  	v37 =	vand.u32 $0x7F, v45;
	v34 =	vor.u32 v36, v34  }
0x28c: {  	v34 =	vor.u32 v37, v34;
	_ =	sdelay $0x1  }
0x28d: {  	v51 =	vadd.s32 v25, v33;
	v50 =	vadd.s32 v9, v32  }
0x28e: {  	v52 =	vshll.u32 v50, $0x8;
	v53 =	vshll.u32 v51, $0x3;
	[tilespmem:s0+$0x70] =	vst v35  }
0x28f: {  	v54 =	vand.u32 $0xFFFFF800, v52;
	v55 =	vand.u32 $0xFFFFFC00, v53;
	v36 =	vshll.u32 v50, $0x7;
	[tilespmem:s0+$0x870] =	vst v35  }
0x290: {  	v36 =	vand.u32 $0x380, v36;
	v35 =	vadd.s32 v54, v55;
	v34 =	vld.idx.msk [tilespmem:v34+s1+$0x0], $0xffff  }
0x291: {  	v37 =	vand.u32 $0x7F, v51;
	v35 =	vor.u32 v36, v35  }
0x292: {  	s4 =	sand.u32 $0x3, s24;
	v35 =	vor.u32 v37, v35  }
0x293: {  	s3 =	sshll.u32 s4, $0x8  }
0x294: {  	s3 =	sadd.s32 s3, s30;
	v56 =	vadd.s32 v10, v32;
	v57 =	vadd.s32 v26, v33  }
0x295: {  	s4 =	sor.u32 $0xC00, s3;
	v58 =	vshll.u32 v56, $0x8;
	v59 =	vshll.u32 v57, $0x3;
	[tilespmem:s0+$0x400] =	vst v34  }
0x296: {  	v60 =	vand.u32 $0xFFFFF800, v58;
	v61 =	vand.u32 $0xFFFFFC00, v59;
	v36 =	vshll.u32 v56, $0x7;
	[tilespmem:s4+$0x18400] =	vst v34  }
0x297: {  	v36 =	vand.u32 $0x380, v36;
	v34 =	vadd.s32 v60, v61;
	v35 =	vld.idx.msk [tilespmem:v35+s1+$0x0], $0xffff  }
0x298: {  	v37 =	vand.u32 $0x7F, v57;
	v34 =	vor.u32 v36, v34  }
0x299: {  	v34 =	vor.u32 v37, v34;
	_ =	sdelay $0x1  }
0x29a: {  	v62 =	vadd.s32 v11, v32;
	v63 =	vadd.s32 v27, v33  }
0x29b: {  	s5 =	sor.u32 $0xC10, s3;
	v42 =	vshll.u32 v62, $0x8;
	v43 =	vshll.u32 v63, $0x3;
	[tilespmem:s0+$0x410] =	vst v35  }
0x29c: {  	v44 =	vand.u32 $0xFFFFF800, v42;
	v45 =	vand.u32 $0xFFFFFC00, v43;
	v36 =	vshll.u32 v62, $0x7;
	[tilespmem:s5+$0x18400] =	vst v35  }
0x29d: {  	v36 =	vand.u32 $0x380, v36;
	v35 =	vadd.s32 v44, v45;
	v34 =	vld.idx.msk [tilespmem:v34+s1+$0x0], $0xffff  }
0x29e: {  	v37 =	vand.u32 $0x7F, v63;
	v35 =	vor.u32 v36, v35  }
0x29f: {  	v35 =	vor.u32 v37, v35;
	_ =	sdelay $0x1  }
0x2a0: {  	v46 =	vadd.s32 v12, v32;
	v47 =	vadd.s32 v28, v33  }
0x2a1: {  	v48 =	vshll.u32 v46, $0x8;
	v49 =	vshll.u32 v47, $0x3;
	s5 =	sor.u32 $0xC20, s3;
	[tilespmem:s0+$0x420] =	vst v34  }
0x2a2: {  	v50 =	vand.u32 $0xFFFFF800, v48;
	v51 =	vand.u32 $0xFFFFFC00, v49;
	v36 =	vshll.u32 v46, $0x7;
	[tilespmem:s5+$0x18400] =	vst v34  }
0x2a3: {  	v36 =	vand.u32 $0x380, v36;
	v34 =	vadd.s32 v50, v51;
	v35 =	vld.idx.msk [tilespmem:v35+s1+$0x0], $0xffff  }
0x2a4: {  	v37 =	vand.u32 $0x7F, v47;
	v34 =	vor.u32 v36, v34  }
0x2a5: {  	v34 =	vor.u32 v37, v34;
	_ =	sdelay $0x1  }
0x2a6: {  	v52 =	vadd.s32 v13, v32;
	v53 =	vadd.s32 v29, v33  }
0x2a7: {  	v54 =	vshll.u32 v52, $0x8;
	v55 =	vshll.u32 v53, $0x3;
	s5 =	sor.u32 $0xC30, s3;
	[tilespmem:s0+$0x430] =	vst v35  }
0x2a8: {  	v56 =	vand.u32 $0xFFFFF800, v54;
	v57 =	vand.u32 $0xFFFFFC00, v55;
	v36 =	vshll.u32 v52, $0x7;
	[tilespmem:s5+$0x18400] =	vst v35  }
0x2a9: {  	v36 =	vand.u32 $0x380, v36;
	v35 =	vadd.s32 v56, v57;
	v34 =	vld.idx.msk [tilespmem:v34+s1+$0x0], $0xffff  }
0x2aa: {  	v37 =	vand.u32 $0x7F, v53;
	v35 =	vor.u32 v36, v35  }
0x2ab: {  	v35 =	vor.u32 v37, v35;
	_ =	sdelay $0x1  }
0x2ac: {  	v58 =	vadd.s32 v14, v32;
	v59 =	vadd.s32 v30, v33  }
0x2ad: {  	v60 =	vshll.u32 v58, $0x8;
	v61 =	vshll.u32 v59, $0x3;
	s5 =	sor.u32 $0xC40, s3;
	[tilespmem:s0+$0x440] =	vst v34  }
0x2ae: {  	v62 =	vand.u32 $0xFFFFF800, v60;
	v63 =	vand.u32 $0xFFFFFC00, v61;
	v36 =	vshll.u32 v58, $0x7;
	[tilespmem:s5+$0x18400] =	vst v34  }
0x2af: {  	v36 =	vand.u32 $0x380, v36;
	v34 =	vadd.s32 v62, v63;
	v35 =	vld.idx.msk [tilespmem:v35+s1+$0x0], $0xffff  }
0x2b0: {  	v37 =	vand.u32 $0x7F, v59;
	v34 =	vor.u32 v36, v34  }
0x2b1: {  	v34 =	vor.u32 v37, v34;
	_ =	sdelay $0x1  }
0x2b2: {  	v32 =	vadd.s32 v15, v32;
	v33 =	vadd.s32 v31, v33  }
0x2b3: {  	v40 =	vshll.u32 v32, $0x8;
	v41 =	vshll.u32 v33, $0x3;
	s5 =	sor.u32 $0xC50, s3;
	[tilespmem:s0+$0x450] =	vst v35  }
0x2b4: {  	v32 =	vshll.u32 v32, $0x7;
	v42 =	vand.u32 $0xFFFFF800, v40;
	v43 =	vand.u32 $0xFFFFFC00, v41;
	[tilespmem:s5+$0x18400] =	vst v35  }
0x2b5: {  	v32 =	vand.u32 $0x380, v32;
	v35 =	vadd.s32 v42, v43;
	v34 =	vld.idx.msk [tilespmem:v34+s1+$0x0], $0xffff  }
0x2b6: {  	v33 =	vand.u32 $0x7F, v33;
	v32 =	vor.u32 v32, v35  }
0x2b7: {  	v32 =	vor.u32 v33, v32;
	_ =	sdelay $0x2  }
0x2b8: {  	s5 =	sor.u32 $0xC60, s3;
	[tilespmem:s0+$0x460] =	vst v34  }
0x2b9: {  	[tilespmem:s5+$0x18400] =	vst v34  }
0x2ba: {  	v32 =	vld.idx.msk [tilespmem:v32+s1+$0x0], $0xffff  }
0x2bb: {  	s5 =	sadd.s32 $0x1, s2  }
0x2bc: {  	v44 =	vmov s5  }
0x2bd: {  	v45 =	vor.u32 $0x100, v44;
	_ =	sdelay $0x1  }
0x2be: {  	s3 =	sor.u32 $0xC70, s3;
	[tilespmem:s0+$0x470] =	vst v32  }
0x2bf: {  	[tilespmem:s3+$0x18400] =	vst v32  }
0x2c0: {  	v32 =	vld.idx.msk [tilespmem:v44+s17+$0x0], $0xffff  }
0x2c1: {  	v33 =	vld.idx.msk [tilespmem:v45+s17+$0x0], $0xffff;
	_ =	sdelay $0x4  }
0x2c2: {  	v46 =	vadd.s32 v0, v32;
	v47 =	vadd.s32 v16, v33  }
0x2c3: {  	v48 =	vshll.u32 v46, $0x8;
	v49 =	vshll.u32 v47, $0x3  }
0x2c4: {  	v34 =	vshll.u32 v46, $0x7;
	v36 =	vand.u32 $0xFFFFF800, v48;
	v37 =	vand.u32 $0xFFFFFC00, v49  }
0x2c5: {  	v34 =	vand.u32 $0x380, v34;
	v36 =	vadd.s32 v36, v37  }
0x2c6: {  	v35 =	vand.u32 $0x7F, v47;
	v34 =	vor.u32 v34, v36  }
0x2c7: {  	v34 =	vor.u32 v35, v34;
	_ =	sdelay $0x1  }
0x2c8: {  	v50 =	vadd.s32 v1, v32;
	v51 =	vadd.s32 v17, v33  }
0x2c9: {  	v52 =	vshll.u32 v50, $0x8;
	v53 =	vshll.u32 v51, $0x3  }
0x2ca: {  	v38 =	vand.u32 $0xFFFFFC00, v53;
	v37 =	vand.u32 $0xFFFFF800, v52;
	v35 =	vshll.u32 v50, $0x7  }
0x2cb: {  	v37 =	vadd.s32 v37, v38;
	v35 =	vand.u32 $0x380, v35;
	v34 =	vld.idx.msk [tilespmem:v34+s1+$0x0], $0xffff  }
0x2cc: {  	v36 =	vand.u32 $0x7F, v51;
	v35 =	vor.u32 v35, v37  }
0x2cd: {  	s4 =	sadd.s32 $0x80, s28;
	v35 =	vor.u32 v36, v35  }
0x2ce: {  	s0 =	sand.u32 $0x380, s4  }
0x2cf: {  	s0 =	sor.u32 s0, s31;
	v54 =	vadd.s32 v2, v32;
	v55 =	vadd.s32 v18, v33  }
0x2d0: {  	v56 =	vshll.u32 v54, $0x8;
	v57 =	vshll.u32 v55, $0x3;
	[tilespmem:s0+$0x0] =	vst v34  }
0x2d1: {  	v58 =	vand.u32 $0xFFFFF800, v56;
	v59 =	vand.u32 $0xFFFFFC00, v57;
	v36 =	vshll.u32 v54, $0x7;
	[tilespmem:s0+$0x800] =	vst v34  }
0x2d2: {  	v36 =	vand.u32 $0x380, v36;
	v34 =	vadd.s32 v58, v59;
	v35 =	vld.idx.msk [tilespmem:v35+s1+$0x0], $0xffff  }
0x2d3: {  	v37 =	vand.u32 $0x7F, v55;
	v34 =	vor.u32 v36, v34  }
0x2d4: {  	v34 =	vor.u32 v37, v34;
	_ =	sdelay $0x1  }
0x2d5: {  	v60 =	vadd.s32 v3, v32;
	v61 =	vadd.s32 v19, v33  }
0x2d6: {  	v62 =	vshll.u32 v60, $0x8;
	v63 =	vshll.u32 v61, $0x3;
	[tilespmem:s0+$0x10] =	vst v35  }
0x2d7: {  	v40 =	vand.u32 $0xFFFFF800, v62;
	v41 =	vand.u32 $0xFFFFFC00, v63;
	v36 =	vshll.u32 v60, $0x7;
	[tilespmem:s0+$0x810] =	vst v35  }
0x2d8: {  	v36 =	vand.u32 $0x380, v36;
	v35 =	vadd.s32 v40, v41;
	v34 =	vld.idx.msk [tilespmem:v34+s1+$0x0], $0xffff  }
0x2d9: {  	v37 =	vand.u32 $0x7F, v61;
	v35 =	vor.u32 v36, v35  }
0x2da: {  	v35 =	vor.u32 v37, v35;
	_ =	sdelay $0x1  }
0x2db: {  	v42 =	vadd.s32 v4, v32;
	v43 =	vadd.s32 v20, v33  }
0x2dc: {  	v44 =	vshll.u32 v42, $0x8;
	v45 =	vshll.u32 v43, $0x3;
	[tilespmem:s0+$0x20] =	vst v34  }
0x2dd: {  	v46 =	vand.u32 $0xFFFFF800, v44;
	v47 =	vand.u32 $0xFFFFFC00, v45;
	v36 =	vshll.u32 v42, $0x7;
	[tilespmem:s0+$0x820] =	vst v34  }
0x2de: {  	v36 =	vand.u32 $0x380, v36;
	v34 =	vadd.s32 v46, v47;
	v35 =	vld.idx.msk [tilespmem:v35+s1+$0x0], $0xffff  }
0x2df: {  	v37 =	vand.u32 $0x7F, v43;
	v34 =	vor.u32 v36, v34  }
0x2e0: {  	v34 =	vor.u32 v37, v34;
	_ =	sdelay $0x1  }
0x2e1: {  	v48 =	vadd.s32 v5, v32;
	v49 =	vadd.s32 v21, v33  }
0x2e2: {  	v51 =	vshll.u32 v49, $0x3;
	v50 =	vshll.u32 v48, $0x8;
	[tilespmem:s0+$0x30] =	vst v35  }
0x2e3: {  	v53 =	vand.u32 $0xFFFFFC00, v51;
	v52 =	vand.u32 $0xFFFFF800, v50;
	v36 =	vshll.u32 v48, $0x7;
	[tilespmem:s0+$0x830] =	vst v35  }
0x2e4: {  	v36 =	vand.u32 $0x380, v36;
	v35 =	vadd.s32 v52, v53;
	v34 =	vld.idx.msk [tilespmem:v34+s1+$0x0], $0xffff  }
0x2e5: {  	v37 =	vand.u32 $0x7F, v49;
	v35 =	vor.u32 v36, v35  }
0x2e6: {  	v35 =	vor.u32 v37, v35;
	_ =	sdelay $0x1  }
0x2e7: {  	v55 =	vadd.s32 v22, v33;
	v54 =	vadd.s32 v6, v32  }
0x2e8: {  	v57 =	vshll.u32 v55, $0x3;
	v56 =	vshll.u32 v54, $0x8;
	[tilespmem:s0+$0x40] =	vst v34  }
0x2e9: {  	v58 =	vand.u32 $0xFFFFF800, v56;
	v59 =	vand.u32 $0xFFFFFC00, v57;
	v36 =	vshll.u32 v54, $0x7;
	[tilespmem:s0+$0x840] =	vst v34  }
0x2ea: {  	v36 =	vand.u32 $0x380, v36;
	v34 =	vadd.s32 v58, v59;
	v35 =	vld.idx.msk [tilespmem:v35+s1+$0x0], $0xffff  }
0x2eb: {  	v37 =	vand.u32 $0x7F, v55;
	v34 =	vor.u32 v36, v34  }
0x2ec: {  	v34 =	vor.u32 v37, v34;
	_ =	sdelay $0x1  }
0x2ed: {  	v60 =	vadd.s32 v7, v32;
	v61 =	vadd.s32 v23, v33  }
0x2ee: {  	v62 =	vshll.u32 v60, $0x8;
	v63 =	vshll.u32 v61, $0x3;
	[tilespmem:s0+$0x50] =	vst v35  }
0x2ef: {  	v40 =	vand.u32 $0xFFFFF800, v62;
	v41 =	vand.u32 $0xFFFFFC00, v63;
	v36 =	vshll.u32 v60, $0x7;
	[tilespmem:s0+$0x850] =	vst v35  }
0x2f0: {  	v36 =	vand.u32 $0x380, v36;
	v35 =	vadd.s32 v40, v41;
	v34 =	vld.idx.msk [tilespmem:v34+s1+$0x0], $0xffff  }
0x2f1: {  	v37 =	vand.u32 $0x7F, v61;
	v35 =	vor.u32 v36, v35  }
0x2f2: {  	v35 =	vor.u32 v37, v35;
	_ =	sdelay $0x1  }
0x2f3: {  	v42 =	vadd.s32 v8, v32;
	v43 =	vadd.s32 v24, v33  }
0x2f4: {  	v44 =	vshll.u32 v42, $0x8;
	v45 =	vshll.u32 v43, $0x3;
	[tilespmem:s0+$0x60] =	vst v34  }
0x2f5: {  	v46 =	vand.u32 $0xFFFFF800, v44;
	v47 =	vand.u32 $0xFFFFFC00, v45;
	v36 =	vshll.u32 v42, $0x7;
	[tilespmem:s0+$0x860] =	vst v34  }
0x2f6: {  	v36 =	vand.u32 $0x380, v36;
	v34 =	vadd.s32 v46, v47;
	v35 =	vld.idx.msk [tilespmem:v35+s1+$0x0], $0xffff  }
0x2f7: {  	v37 =	vand.u32 $0x7F, v43;
	v34 =	vor.u32 v36, v34  }
0x2f8: {  	v34 =	vor.u32 v37, v34;
	_ =	sdelay $0x1  }
0x2f9: {  	v48 =	vadd.s32 v9, v32;
	v49 =	vadd.s32 v25, v33  }
0x2fa: {  	v50 =	vshll.u32 v48, $0x8;
	v51 =	vshll.u32 v49, $0x3;
	[tilespmem:s0+$0x70] =	vst v35  }
0x2fb: {  	v52 =	vand.u32 $0xFFFFF800, v50;
	v53 =	vand.u32 $0xFFFFFC00, v51;
	v36 =	vshll.u32 v48, $0x7;
	[tilespmem:s0+$0x870] =	vst v35  }
0x2fc: {  	v36 =	vand.u32 $0x380, v36;
	v35 =	vadd.s32 v52, v53;
	v34 =	vld.idx.msk [tilespmem:v34+s1+$0x0], $0xffff  }
0x2fd: {  	s5 =	sand.u32 $0x7, s25;
	v37 =	vand.u32 $0x7F, v49;
	v35 =	vor.u32 v36, v35  }
0x2fe: {  	s3 =	sshll.u32 s5, $0x7;
	v35 =	vor.u32 v37, v35  }
0x2ff: {  	s3 =	sadd.s32 s30, s3  }
0x300: {  	s3 =	sadd.s32 $0x80, s3;
	v54 =	vadd.s32 v10, v32;
	v55 =	vadd.s32 v26, v33  }
0x301: {  	s31 =	sor.u32 $0xC00, s3;
	v56 =	vshll.u32 v54, $0x8;
	v57 =	vshll.u32 v55, $0x3;
	[tilespmem:s0+$0x400] =	vst v34  }
0x302: {  	v58 =	vand.u32 $0xFFFFF800, v56;
	v59 =	vand.u32 $0xFFFFFC00, v57;
	v36 =	vshll.u32 v54, $0x7;
	[tilespmem:s31+$0x18400] =	vst v34  }
0x303: {  	v36 =	vand.u32 $0x380, v36;
	v34 =	vadd.s32 v58, v59;
	v35 =	vld.idx.msk [tilespmem:v35+s1+$0x0], $0xffff  }
0x304: {  	v37 =	vand.u32 $0x7F, v55;
	v34 =	vor.u32 v36, v34  }
0x305: {  	v34 =	vor.u32 v37, v34;
	_ =	sdelay $0x1  }
0x306: {  	v60 =	vadd.s32 v11, v32;
	v61 =	vadd.s32 v27, v33  }
0x307: {  	s5 =	sor.u32 $0xC10, s3;
	v62 =	vshll.u32 v60, $0x8;
	v63 =	vshll.u32 v61, $0x3;
	[tilespmem:s0+$0x410] =	vst v35  }
0x308: {  	v40 =	vand.u32 $0xFFFFF800, v62;
	v41 =	vand.u32 $0xFFFFFC00, v63;
	v36 =	vshll.u32 v60, $0x7;
	[tilespmem:s5+$0x18400] =	vst v35  }
0x309: {  	v36 =	vand.u32 $0x380, v36;
	v35 =	vadd.s32 v40, v41;
	v34 =	vld.idx.msk [tilespmem:v34+s1+$0x0], $0xffff  }
0x30a: {  	v37 =	vand.u32 $0x7F, v61;
	v35 =	vor.u32 v36, v35  }
0x30b: {  	v35 =	vor.u32 v37, v35;
	_ =	sdelay $0x1  }
0x30c: {  	v42 =	vadd.s32 v12, v32;
	v43 =	vadd.s32 v28, v33  }
0x30d: {  	v44 =	vshll.u32 v42, $0x8;
	v45 =	vshll.u32 v43, $0x3;
	s31 =	sor.u32 $0xC20, s3;
	[tilespmem:s0+$0x420] =	vst v34  }
0x30e: {  	v46 =	vand.u32 $0xFFFFF800, v44;
	v47 =	vand.u32 $0xFFFFFC00, v45;
	v36 =	vshll.u32 v42, $0x7;
	[tilespmem:s31+$0x18400] =	vst v34  }
0x30f: {  	v36 =	vand.u32 $0x380, v36;
	v34 =	vadd.s32 v46, v47;
	v35 =	vld.idx.msk [tilespmem:v35+s1+$0x0], $0xffff  }
0x310: {  	v37 =	vand.u32 $0x7F, v43;
	v34 =	vor.u32 v36, v34  }
0x311: {  	v34 =	vor.u32 v37, v34;
	_ =	sdelay $0x1  }
0x312: {  	v48 =	vadd.s32 v13, v32;
	v49 =	vadd.s32 v29, v33  }
0x313: {  	v50 =	vshll.u32 v48, $0x8;
	v51 =	vshll.u32 v49, $0x3;
	s5 =	sor.u32 $0xC30, s3;
	[tilespmem:s0+$0x430] =	vst v35  }
0x314: {  	v52 =	vand.u32 $0xFFFFF800, v50;
	v53 =	vand.u32 $0xFFFFFC00, v51;
	v36 =	vshll.u32 v48, $0x7;
	[tilespmem:s5+$0x18400] =	vst v35  }
0x315: {  	v36 =	vand.u32 $0x380, v36;
	v35 =	vadd.s32 v52, v53;
	v34 =	vld.idx.msk [tilespmem:v34+s1+$0x0], $0xffff  }
0x316: {  	v37 =	vand.u32 $0x7F, v49;
	v35 =	vor.u32 v36, v35  }
0x317: {  	v35 =	vor.u32 v37, v35;
	_ =	sdelay $0x1  }
0x318: {  	v54 =	vadd.s32 v14, v32;
	v55 =	vadd.s32 v30, v33  }
0x319: {  	v56 =	vshll.u32 v54, $0x8;
	v57 =	vshll.u32 v55, $0x3;
	s31 =	sor.u32 $0xC40, s3;
	[tilespmem:s0+$0x440] =	vst v34  }
0x31a: {  	v58 =	vand.u32 $0xFFFFF800, v56;
	v59 =	vand.u32 $0xFFFFFC00, v57;
	v36 =	vshll.u32 v54, $0x7;
	[tilespmem:s31+$0x18400] =	vst v34  }
0x31b: {  	v36 =	vand.u32 $0x380, v36;
	v34 =	vadd.s32 v58, v59;
	v35 =	vld.idx.msk [tilespmem:v35+s1+$0x0], $0xffff  }
0x31c: {  	v37 =	vand.u32 $0x7F, v55;
	v34 =	vor.u32 v36, v34  }
0x31d: {  	v34 =	vor.u32 v37, v34;
	_ =	sdelay $0x1  }
0x31e: {  	v32 =	vadd.s32 v15, v32;
	v33 =	vadd.s32 v31, v33  }
0x31f: {  	v60 =	vshll.u32 v32, $0x8;
	v61 =	vshll.u32 v33, $0x3;
	s5 =	sor.u32 $0xC50, s3;
	[tilespmem:s0+$0x450] =	vst v35  }
0x320: {  	v32 =	vshll.u32 v32, $0x7;
	v62 =	vand.u32 $0xFFFFF800, v60;
	v63 =	vand.u32 $0xFFFFFC00, v61;
	[tilespmem:s5+$0x18400] =	vst v35  }
0x321: {  	v32 =	vand.u32 $0x380, v32;
	v35 =	vadd.s32 v62, v63;
	v34 =	vld.idx.msk [tilespmem:v34+s1+$0x0], $0xffff  }
0x322: {  	v33 =	vand.u32 $0x7F, v33;
	v32 =	vor.u32 v32, v35  }
0x323: {  	v32 =	vor.u32 v33, v32;
	_ =	sdelay $0x2  }
0x324: {  	s31 =	sor.u32 $0xC60, s3;
	[tilespmem:s0+$0x460] =	vst v34  }
0x325: {  	[tilespmem:s31+$0x18400] =	vst v34  }
0x326: {  	v32 =	vld.idx.msk [tilespmem:v32+s1+$0x0], $0xffff  }
0x327: {  	p0 =	sne.s32 s30, $0x3C00  }
.Ltmp2:
0x328: {  	_ = 	snop;
	(pc) =	sbr.rel @p0 .LBB2_6-.Ltmp2, $3  }
0x329: {  	_ =	sdelay $0x1  }
0x32a: {  	s24 =	sadd.s32 $0x1, s24;
	s28 =	sadd.s32 $0x100, s28;
	s3 =	sor.u32 $0xC70, s3;
	[tilespmem:s0+$0x470] =	vst v32  }
0x32b: {  	s2 =	sadd.s32 $0x2, s2;
	s25 =	sadd.s32 $0x2, s25;
	s30 =	sadd.s32 $0x400, s30;
	[tilespmem:s3+$0x18400] =	vst v32  }
0x32c: {  	s24 =	simm.s32 $0x0;
	s0 =	rddreg [dreg:$0x15]  }
0x32d: {  	[hbm4b:s0+s24] =	stream.linear.scatter [tilespmem:s21], [sflag:$0x4], $0x4000, $0x38;
	[tilespmem:$0x1C400] =	vst v63  }
0x32e: {  	s31 =	rddreg [dreg:$0x16]  }
0x32f: {  	[hbm4b:s31+s24] =	stream.linear.scatter [tilespmem:s21], [sflag:$0x4], $0x4000, $0x38;
	[tilespmem:$0x1C400] =	vst v63  }
0x330: {  	s2 =	rddreg [dreg:$0x17]  }
0x331: {  	[hbm4b:s2+s24] =	stream.linear.scatter [tilespmem:s21], [sflag:$0x4], $0x4000, $0x38;
	[tilespmem:$0x1C400] =	vst v63  }
0x332: {  	s3 =	rddreg [dreg:$0x18]  }
0x333: {  	[hbm4b:s3+s24] =	stream.linear.scatter [tilespmem:s21], [sflag:$0x4], $0x4000, $0x38;
	[tilespmem:$0x1C400] =	vst v63  }
0x334: {  	s4 =	rddreg [dreg:$0x19]  }
0x335: {  	[hbm4b:s4+s24] =	stream.linear.scatter [tilespmem:s21], [sflag:$0x4], $0x4000, $0x38;
	[tilespmem:$0x1C400] =	vst v63  }
0x336: {  	s5 =	rddreg [dreg:$0x1a]  }
0x337: {  	[hbm4b:s5+s24] =	stream.linear.scatter [tilespmem:s21], [sflag:$0x4], $0x4000, $0x38;
	[tilespmem:$0x1C400] =	vst v63  }
0x338: {  	s25 =	rddreg [dreg:$0x1b]  }
0x339: {  	[hbm4b:s25+s24] =	stream.linear.scatter [tilespmem:s21], [sflag:$0x4], $0x4000, $0x38;
	[tilespmem:$0x1C400] =	vst v63  }
0x33a: {  	s31 =	rddreg [dreg:$0x1c]  }
0x33b: {  	[hbm4b:s31+s24] =	stream.linear.scatter [tilespmem:s21], [sflag:$0x4], $0x4000, $0x38;
	[tilespmem:$0x1C400] =	vst v63  }
0x33c: {  	_ =	swait.ge [sflag:s14], $0x4000  }
0x33d: {  	[sflag:s14] =	ssyncset.done $0x0  }
0x33e: {  	[sflag:s14] =	ssyncadd.s32 $0xFFFFC000  }
0x33f: {  	_ =	swait.ge [sflag:s14], $0x4000  }
0x340: {  	[sflag:s14] =	ssyncset.done $0x0  }
0x341: {  	[sflag:s14] =	ssyncadd.s32 $0xFFFFC000  }
0x342: {  	_ =	swait.ge [sflag:s14], $0x4000  }
0x343: {  	[sflag:s14] =	ssyncset.done $0x0  }
0x344: {  	[sflag:s14] =	ssyncadd.s32 $0xFFFFC000  }
0x345: {  	_ =	swait.ge [sflag:s14], $0x4000  }
0x346: {  	[sflag:s14] =	ssyncset.done $0x0  }
0x347: {  	[sflag:s14] =	ssyncadd.s32 $0xFFFFC000  }
0x348: {  	_ =	swait.ge [sflag:s14], $0x4000  }
0x349: {  	[sflag:s14] =	ssyncset.done $0x0  }
0x34a: {  	[sflag:s14] =	ssyncadd.s32 $0xFFFFC000  }
0x34b: {  	_ =	swait.ge [sflag:s14], $0x4000  }
0x34c: {  	[sflag:s14] =	ssyncset.done $0x0  }
0x34d: {  	[sflag:s14] =	ssyncadd.s32 $0xFFFFC000  }
0x34e: {  	_ =	swait.ge [sflag:s14], $0x4000  }
0x34f: {  	[sflag:s14] =	ssyncset.done $0x0  }
0x350: {  	[sflag:s14] =	ssyncadd.s32 $0xFFFFC000  }
0x351: {  	_ =	swait.ge [sflag:s14], $0x4000  }
0x352: {  	s28 =	simm.s32 $0x0;
	s30 =	simm.s32 $0x0;
	[sflag:s14] =	ssyncset.done $0x0  }
0x353: {  	s2 =	smov.u32 s29;
	s25 =	simm.s32 $0x0;
	[sflag:s14] =	ssyncadd.s32 $0xFFFFC000  }
.LBB2_8:
0x354: {  	v32 =	vmov s2  }
0x355: {  	v33 =	vor.u32 $0x100, v32;
	_ =	sdelay $0x3  }
0x356: {  	v32 =	vld.idx.msk [tilespmem:v32+s17+$0x0], $0xffff  }
0x357: {  	v33 =	vld.idx.msk [tilespmem:v33+s17+$0x0], $0xffff;
	_ =	sdelay $0x4  }
0x358: {  	v34 =	vadd.s32 v0, v32;
	v35 =	vadd.s32 v16, v33  }
0x359: {  	v36 =	vshll.u32 v34, $0x8;
	v37 =	vshll.u32 v35, $0x3  }
0x35a: {  	v34 =	vshll.u32 v34, $0x7;
	v36 =	vand.u32 $0xFFFFF800, v36;
	v37 =	vand.u32 $0xFFFFFC00, v37  }
0x35b: {  	v34 =	vand.u32 $0x380, v34;
	v36 =	vadd.s32 v36, v37  }
0x35c: {  	v35 =	vand.u32 $0x7F, v35;
	v34 =	vor.u32 v34, v36  }
0x35d: {  	v34 =	vor.u32 v35, v34;
	_ =	sdelay $0x1  }
0x35e: {  	v52 =	vadd.s32 v1, v32;
	v53 =	vadd.s32 v17, v33  }
0x35f: {  	v54 =	vshll.u32 v52, $0x8;
	v38 =	vshll.u32 v53, $0x3  }
0x360: {  	v38 =	vand.u32 $0xFFFFFC00, v38;
	v37 =	vand.u32 $0xFFFFF800, v54;
	v35 =	vshll.u32 v52, $0x7  }
0x361: {  	v37 =	vadd.s32 v37, v38;
	v35 =	vand.u32 $0x380, v35;
	v34 =	vld.idx.msk [tilespmem:v34+s1+$0x0], $0xffff  }
0x362: {  	v36 =	vand.u32 $0x7F, v53;
	v35 =	vor.u32 v35, v37  }
0x363: {  	s0 =	sand.u32 $0x3000, s30;
	v35 =	vor.u32 v36, v35  }
0x364: {  	s3 =	sand.u32 $0x300, s28;
	s31 =	sor.u32 $0x10400, s0  }
0x365: {  	s0 =	sor.u32 s3, s31;
	v55 =	vadd.s32 v2, v32;
	v56 =	vadd.s32 v18, v33  }
0x366: {  	v57 =	vshll.u32 v55, $0x8;
	v39 =	vshll.u32 v56, $0x3;
	[tilespmem:s0+$0x0] =	vst v34  }
0x367: {  	v58 =	vand.u32 $0xFFFFF800, v57;
	v59 =	vand.u32 $0xFFFFFC00, v39;
	v36 =	vshll.u32 v55, $0x7;
	[tilespmem:s0+$0x800] =	vst v34  }
0x368: {  	v36 =	vand.u32 $0x380, v36;
	v34 =	vadd.s32 v58, v59;
	v35 =	vld.idx.msk [tilespmem:v35+s1+$0x0], $0xffff  }
0x369: {  	v37 =	vand.u32 $0x7F, v56;
	v34 =	vor.u32 v36, v34  }
0x36a: {  	v34 =	vor.u32 v37, v34;
	_ =	sdelay $0x1  }
0x36b: {  	v60 =	vadd.s32 v3, v32;
	v61 =	vadd.s32 v19, v33  }
0x36c: {  	v62 =	vshll.u32 v60, $0x8;
	v63 =	vshll.u32 v61, $0x3;
	[tilespmem:s0+$0x10] =	vst v35  }
0x36d: {  	v40 =	vand.u32 $0xFFFFF800, v62;
	v41 =	vand.u32 $0xFFFFFC00, v63;
	v36 =	vshll.u32 v60, $0x7;
	[tilespmem:s0+$0x810] =	vst v35  }
0x36e: {  	v36 =	vand.u32 $0x380, v36;
	v35 =	vadd.s32 v40, v41;
	v34 =	vld.idx.msk [tilespmem:v34+s1+$0x0], $0xffff  }
0x36f: {  	v37 =	vand.u32 $0x7F, v61;
	v35 =	vor.u32 v36, v35  }
0x370: {  	v35 =	vor.u32 v37, v35;
	_ =	sdelay $0x1  }
0x371: {  	v42 =	vadd.s32 v4, v32;
	v43 =	vadd.s32 v20, v33  }
0x372: {  	v44 =	vshll.u32 v42, $0x8;
	v45 =	vshll.u32 v43, $0x3;
	[tilespmem:s0+$0x20] =	vst v34  }
0x373: {  	v46 =	vand.u32 $0xFFFFF800, v44;
	v47 =	vand.u32 $0xFFFFFC00, v45;
	v36 =	vshll.u32 v42, $0x7;
	[tilespmem:s0+$0x820] =	vst v34  }
0x374: {  	v36 =	vand.u32 $0x380, v36;
	v34 =	vadd.s32 v46, v47;
	v35 =	vld.idx.msk [tilespmem:v35+s1+$0x0], $0xffff  }
0x375: {  	v37 =	vand.u32 $0x7F, v43;
	v34 =	vor.u32 v36, v34  }
0x376: {  	v34 =	vor.u32 v37, v34;
	_ =	sdelay $0x1  }
0x377: {  	v48 =	vadd.s32 v5, v32;
	v49 =	vadd.s32 v21, v33  }
0x378: {  	v50 =	vshll.u32 v48, $0x8;
	v51 =	vshll.u32 v49, $0x3;
	[tilespmem:s0+$0x30] =	vst v35  }
0x379: {  	v53 =	vand.u32 $0xFFFFFC00, v51;
	v52 =	vand.u32 $0xFFFFF800, v50;
	v36 =	vshll.u32 v48, $0x7;
	[tilespmem:s0+$0x830] =	vst v35  }
0x37a: {  	v36 =	vand.u32 $0x380, v36;
	v35 =	vadd.s32 v52, v53;
	v34 =	vld.idx.msk [tilespmem:v34+s1+$0x0], $0xffff  }
0x37b: {  	v37 =	vand.u32 $0x7F, v49;
	v35 =	vor.u32 v36, v35  }
0x37c: {  	v35 =	vor.u32 v37, v35;
	_ =	sdelay $0x1  }
0x37d: {  	v54 =	vadd.s32 v6, v32;
	v55 =	vadd.s32 v22, v33  }
0x37e: {  	v56 =	vshll.u32 v54, $0x8;
	v57 =	vshll.u32 v55, $0x3;
	[tilespmem:s0+$0x40] =	vst v34  }
0x37f: {  	v58 =	vand.u32 $0xFFFFF800, v56;
	v59 =	vand.u32 $0xFFFFFC00, v57;
	v36 =	vshll.u32 v54, $0x7;
	[tilespmem:s0+$0x840] =	vst v34  }
0x380: {  	v36 =	vand.u32 $0x380, v36;
	v34 =	vadd.s32 v58, v59;
	v35 =	vld.idx.msk [tilespmem:v35+s1+$0x0], $0xffff  }
0x381: {  	v37 =	vand.u32 $0x7F, v55;
	v34 =	vor.u32 v36, v34  }
0x382: {  	v34 =	vor.u32 v37, v34;
	_ =	sdelay $0x1  }
0x383: {  	v60 =	vadd.s32 v7, v32;
	v61 =	vadd.s32 v23, v33  }
0x384: {  	v62 =	vshll.u32 v60, $0x8;
	v63 =	vshll.u32 v61, $0x3;
	[tilespmem:s0+$0x50] =	vst v35  }
0x385: {  	v42 =	vand.u32 $0xFFFFF800, v62;
	v43 =	vand.u32 $0xFFFFFC00, v63;
	v36 =	vshll.u32 v60, $0x7;
	[tilespmem:s0+$0x850] =	vst v35  }
0x386: {  	v36 =	vand.u32 $0x380, v36;
	v35 =	vadd.s32 v42, v43;
	v34 =	vld.idx.msk [tilespmem:v34+s1+$0x0], $0xffff  }
0x387: {  	v37 =	vand.u32 $0x7F, v61;
	v35 =	vor.u32 v36, v35  }
0x388: {  	v35 =	vor.u32 v37, v35;
	_ =	sdelay $0x1  }
0x389: {  	v44 =	vadd.s32 v8, v32;
	v45 =	vadd.s32 v24, v33  }
0x38a: {  	v46 =	vshll.u32 v44, $0x8;
	v47 =	vshll.u32 v45, $0x3;
	[tilespmem:s0+$0x60] =	vst v34  }
0x38b: {  	v48 =	vand.u32 $0xFFFFF800, v46;
	v49 =	vand.u32 $0xFFFFFC00, v47;
	v36 =	vshll.u32 v44, $0x7;
	[tilespmem:s0+$0x860] =	vst v34  }
0x38c: {  	v36 =	vand.u32 $0x380, v36;
	v34 =	vadd.s32 v48, v49;
	v35 =	vld.idx.msk [tilespmem:v35+s1+$0x0], $0xffff  }
0x38d: {  	v37 =	vand.u32 $0x7F, v45;
	v34 =	vor.u32 v36, v34  }
0x38e: {  	v34 =	vor.u32 v37, v34;
	_ =	sdelay $0x1  }
0x38f: {  	v51 =	vadd.s32 v25, v33;
	v50 =	vadd.s32 v9, v32  }
0x390: {  	v52 =	vshll.u32 v50, $0x8;
	v53 =	vshll.u32 v51, $0x3;
	[tilespmem:s0+$0x70] =	vst v35  }
0x391: {  	v54 =	vand.u32 $0xFFFFF800, v52;
	v55 =	vand.u32 $0xFFFFFC00, v53;
	v36 =	vshll.u32 v50, $0x7;
	[tilespmem:s0+$0x870] =	vst v35  }
0x392: {  	v36 =	vand.u32 $0x380, v36;
	v35 =	vadd.s32 v54, v55;
	v34 =	vld.idx.msk [tilespmem:v34+s1+$0x0], $0xffff  }
0x393: {  	v37 =	vand.u32 $0x7F, v51;
	v35 =	vor.u32 v36, v35  }
0x394: {  	s4 =	sand.u32 $0x3, s24;
	v35 =	vor.u32 v37, v35  }
0x395: {  	s3 =	sshll.u32 s4, $0x8  }
0x396: {  	s3 =	sadd.s32 s3, s30;
	v56 =	vadd.s32 v10, v32;
	v57 =	vadd.s32 v26, v33  }
0x397: {  	s4 =	sor.u32 $0xC00, s3;
	v58 =	vshll.u32 v56, $0x8;
	v59 =	vshll.u32 v57, $0x3;
	[tilespmem:s0+$0x400] =	vst v34  }
0x398: {  	v60 =	vand.u32 $0xFFFFF800, v58;
	v61 =	vand.u32 $0xFFFFFC00, v59;
	v36 =	vshll.u32 v56, $0x7;
	[tilespmem:s4+$0x10400] =	vst v34  }
0x399: {  	v36 =	vand.u32 $0x380, v36;
	v34 =	vadd.s32 v60, v61;
	v35 =	vld.idx.msk [tilespmem:v35+s1+$0x0], $0xffff  }
0x39a: {  	v37 =	vand.u32 $0x7F, v57;
	v34 =	vor.u32 v36, v34  }
0x39b: {  	v34 =	vor.u32 v37, v34;
	_ =	sdelay $0x1  }
0x39c: {  	v62 =	vadd.s32 v11, v32;
	v63 =	vadd.s32 v27, v33  }
0x39d: {  	s5 =	sor.u32 $0xC10, s3;
	v42 =	vshll.u32 v62, $0x8;
	v43 =	vshll.u32 v63, $0x3;
	[tilespmem:s0+$0x410] =	vst v35  }
0x39e: {  	v44 =	vand.u32 $0xFFFFF800, v42;
	v45 =	vand.u32 $0xFFFFFC00, v43;
	v36 =	vshll.u32 v62, $0x7;
	[tilespmem:s5+$0x10400] =	vst v35  }
0x39f: {  	v36 =	vand.u32 $0x380, v36;
	v35 =	vadd.s32 v44, v45;
	v34 =	vld.idx.msk [tilespmem:v34+s1+$0x0], $0xffff  }
0x3a0: {  	v37 =	vand.u32 $0x7F, v63;
	v35 =	vor.u32 v36, v35  }
0x3a1: {  	v35 =	vor.u32 v37, v35;
	_ =	sdelay $0x1  }
0x3a2: {  	v46 =	vadd.s32 v12, v32;
	v47 =	vadd.s32 v28, v33  }
0x3a3: {  	v48 =	vshll.u32 v46, $0x8;
	v49 =	vshll.u32 v47, $0x3;
	s5 =	sor.u32 $0xC20, s3;
	[tilespmem:s0+$0x420] =	vst v34  }
0x3a4: {  	v50 =	vand.u32 $0xFFFFF800, v48;
	v51 =	vand.u32 $0xFFFFFC00, v49;
	v36 =	vshll.u32 v46, $0x7;
	[tilespmem:s5+$0x10400] =	vst v34  }
0x3a5: {  	v36 =	vand.u32 $0x380, v36;
	v34 =	vadd.s32 v50, v51;
	v35 =	vld.idx.msk [tilespmem:v35+s1+$0x0], $0xffff  }
0x3a6: {  	v37 =	vand.u32 $0x7F, v47;
	v34 =	vor.u32 v36, v34  }
0x3a7: {  	v34 =	vor.u32 v37, v34;
	_ =	sdelay $0x1  }
0x3a8: {  	v52 =	vadd.s32 v13, v32;
	v53 =	vadd.s32 v29, v33  }
0x3a9: {  	v54 =	vshll.u32 v52, $0x8;
	v55 =	vshll.u32 v53, $0x3;
	s5 =	sor.u32 $0xC30, s3;
	[tilespmem:s0+$0x430] =	vst v35  }
0x3aa: {  	v56 =	vand.u32 $0xFFFFF800, v54;
	v57 =	vand.u32 $0xFFFFFC00, v55;
	v36 =	vshll.u32 v52, $0x7;
	[tilespmem:s5+$0x10400] =	vst v35  }
0x3ab: {  	v36 =	vand.u32 $0x380, v36;
	v35 =	vadd.s32 v56, v57;
	v34 =	vld.idx.msk [tilespmem:v34+s1+$0x0], $0xffff  }
0x3ac: {  	v37 =	vand.u32 $0x7F, v53;
	v35 =	vor.u32 v36, v35  }
0x3ad: {  	v35 =	vor.u32 v37, v35;
	_ =	sdelay $0x1  }
0x3ae: {  	v58 =	vadd.s32 v14, v32;
	v59 =	vadd.s32 v30, v33  }
0x3af: {  	v60 =	vshll.u32 v58, $0x8;
	v61 =	vshll.u32 v59, $0x3;
	s5 =	sor.u32 $0xC40, s3;
	[tilespmem:s0+$0x440] =	vst v34  }
0x3b0: {  	v62 =	vand.u32 $0xFFFFF800, v60;
	v63 =	vand.u32 $0xFFFFFC00, v61;
	v36 =	vshll.u32 v58, $0x7;
	[tilespmem:s5+$0x10400] =	vst v34  }
0x3b1: {  	v36 =	vand.u32 $0x380, v36;
	v34 =	vadd.s32 v62, v63;
	v35 =	vld.idx.msk [tilespmem:v35+s1+$0x0], $0xffff  }
0x3b2: {  	v37 =	vand.u32 $0x7F, v59;
	v34 =	vor.u32 v36, v34  }
0x3b3: {  	v34 =	vor.u32 v37, v34;
	_ =	sdelay $0x1  }
0x3b4: {  	v32 =	vadd.s32 v15, v32;
	v33 =	vadd.s32 v31, v33  }
0x3b5: {  	v40 =	vshll.u32 v32, $0x8;
	v41 =	vshll.u32 v33, $0x3;
	s5 =	sor.u32 $0xC50, s3;
	[tilespmem:s0+$0x450] =	vst v35  }
0x3b6: {  	v32 =	vshll.u32 v32, $0x7;
	v42 =	vand.u32 $0xFFFFF800, v40;
	v43 =	vand.u32 $0xFFFFFC00, v41;
	[tilespmem:s5+$0x10400] =	vst v35  }
0x3b7: {  	v32 =	vand.u32 $0x380, v32;
	v35 =	vadd.s32 v42, v43;
	v34 =	vld.idx.msk [tilespmem:v34+s1+$0x0], $0xffff  }
0x3b8: {  	v33 =	vand.u32 $0x7F, v33;
	v32 =	vor.u32 v32, v35  }
0x3b9: {  	v32 =	vor.u32 v33, v32;
	_ =	sdelay $0x2  }
0x3ba: {  	s5 =	sor.u32 $0xC60, s3;
	[tilespmem:s0+$0x460] =	vst v34  }
0x3bb: {  	[tilespmem:s5+$0x10400] =	vst v34  }
0x3bc: {  	v32 =	vld.idx.msk [tilespmem:v32+s1+$0x0], $0xffff  }
0x3bd: {  	s5 =	sadd.s32 $0x1, s2  }
0x3be: {  	v44 =	vmov s5  }
0x3bf: {  	v45 =	vor.u32 $0x100, v44;
	_ =	sdelay $0x1  }
0x3c0: {  	s3 =	sor.u32 $0xC70, s3;
	[tilespmem:s0+$0x470] =	vst v32  }
0x3c1: {  	[tilespmem:s3+$0x10400] =	vst v32  }
0x3c2: {  	v32 =	vld.idx.msk [tilespmem:v44+s17+$0x0], $0xffff  }
0x3c3: {  	v33 =	vld.idx.msk [tilespmem:v45+s17+$0x0], $0xffff;
	_ =	sdelay $0x4  }
0x3c4: {  	v46 =	vadd.s32 v0, v32;
	v47 =	vadd.s32 v16, v33  }
0x3c5: {  	v48 =	vshll.u32 v46, $0x8;
	v49 =	vshll.u32 v47, $0x3  }
0x3c6: {  	v34 =	vshll.u32 v46, $0x7;
	v36 =	vand.u32 $0xFFFFF800, v48;
	v37 =	vand.u32 $0xFFFFFC00, v49  }
0x3c7: {  	v34 =	vand.u32 $0x380, v34;
	v36 =	vadd.s32 v36, v37  }
0x3c8: {  	v35 =	vand.u32 $0x7F, v47;
	v34 =	vor.u32 v34, v36  }
0x3c9: {  	v34 =	vor.u32 v35, v34;
	_ =	sdelay $0x1  }
0x3ca: {  	v50 =	vadd.s32 v1, v32;
	v51 =	vadd.s32 v17, v33  }
0x3cb: {  	v52 =	vshll.u32 v50, $0x8;
	v53 =	vshll.u32 v51, $0x3  }
0x3cc: {  	v38 =	vand.u32 $0xFFFFFC00, v53;
	v37 =	vand.u32 $0xFFFFF800, v52;
	v35 =	vshll.u32 v50, $0x7  }
0x3cd: {  	v37 =	vadd.s32 v37, v38;
	v35 =	vand.u32 $0x380, v35;
	v34 =	vld.idx.msk [tilespmem:v34+s1+$0x0], $0xffff  }
0x3ce: {  	v36 =	vand.u32 $0x7F, v51;
	v35 =	vor.u32 v35, v37  }
0x3cf: {  	s4 =	sadd.s32 $0x80, s28;
	v35 =	vor.u32 v36, v35  }
0x3d0: {  	s0 =	sand.u32 $0x380, s4  }
0x3d1: {  	s0 =	sor.u32 s0, s31;
	v54 =	vadd.s32 v2, v32;
	v55 =	vadd.s32 v18, v33  }
0x3d2: {  	v56 =	vshll.u32 v54, $0x8;
	v57 =	vshll.u32 v55, $0x3;
	[tilespmem:s0+$0x0] =	vst v34  }
0x3d3: {  	v58 =	vand.u32 $0xFFFFF800, v56;
	v59 =	vand.u32 $0xFFFFFC00, v57;
	v36 =	vshll.u32 v54, $0x7;
	[tilespmem:s0+$0x800] =	vst v34  }
0x3d4: {  	v36 =	vand.u32 $0x380, v36;
	v34 =	vadd.s32 v58, v59;
	v35 =	vld.idx.msk [tilespmem:v35+s1+$0x0], $0xffff  }
0x3d5: {  	v37 =	vand.u32 $0x7F, v55;
	v34 =	vor.u32 v36, v34  }
0x3d6: {  	v34 =	vor.u32 v37, v34;
	_ =	sdelay $0x1  }
0x3d7: {  	v60 =	vadd.s32 v3, v32;
	v61 =	vadd.s32 v19, v33  }
0x3d8: {  	v62 =	vshll.u32 v60, $0x8;
	v63 =	vshll.u32 v61, $0x3;
	[tilespmem:s0+$0x10] =	vst v35  }
0x3d9: {  	v40 =	vand.u32 $0xFFFFF800, v62;
	v41 =	vand.u32 $0xFFFFFC00, v63;
	v36 =	vshll.u32 v60, $0x7;
	[tilespmem:s0+$0x810] =	vst v35  }
0x3da: {  	v36 =	vand.u32 $0x380, v36;
	v35 =	vadd.s32 v40, v41;
	v34 =	vld.idx.msk [tilespmem:v34+s1+$0x0], $0xffff  }
0x3db: {  	v37 =	vand.u32 $0x7F, v61;
	v35 =	vor.u32 v36, v35  }
0x3dc: {  	v35 =	vor.u32 v37, v35;
	_ =	sdelay $0x1  }
0x3dd: {  	v42 =	vadd.s32 v4, v32;
	v43 =	vadd.s32 v20, v33  }
0x3de: {  	v44 =	vshll.u32 v42, $0x8;
	v45 =	vshll.u32 v43, $0x3;
	[tilespmem:s0+$0x20] =	vst v34  }
0x3df: {  	v46 =	vand.u32 $0xFFFFF800, v44;
	v47 =	vand.u32 $0xFFFFFC00, v45;
	v36 =	vshll.u32 v42, $0x7;
	[tilespmem:s0+$0x820] =	vst v34  }
0x3e0: {  	v36 =	vand.u32 $0x380, v36;
	v34 =	vadd.s32 v46, v47;
	v35 =	vld.idx.msk [tilespmem:v35+s1+$0x0], $0xffff  }
0x3e1: {  	v37 =	vand.u32 $0x7F, v43;
	v34 =	vor.u32 v36, v34  }
0x3e2: {  	v34 =	vor.u32 v37, v34;
	_ =	sdelay $0x1  }
0x3e3: {  	v48 =	vadd.s32 v5, v32;
	v49 =	vadd.s32 v21, v33  }
0x3e4: {  	v51 =	vshll.u32 v49, $0x3;
	v50 =	vshll.u32 v48, $0x8;
	[tilespmem:s0+$0x30] =	vst v35  }
0x3e5: {  	v53 =	vand.u32 $0xFFFFFC00, v51;
	v52 =	vand.u32 $0xFFFFF800, v50;
	v36 =	vshll.u32 v48, $0x7;
	[tilespmem:s0+$0x830] =	vst v35  }
0x3e6: {  	v36 =	vand.u32 $0x380, v36;
	v35 =	vadd.s32 v52, v53;
	v34 =	vld.idx.msk [tilespmem:v34+s1+$0x0], $0xffff  }
0x3e7: {  	v37 =	vand.u32 $0x7F, v49;
	v35 =	vor.u32 v36, v35  }
0x3e8: {  	v35 =	vor.u32 v37, v35;
	_ =	sdelay $0x1  }
0x3e9: {  	v55 =	vadd.s32 v22, v33;
	v54 =	vadd.s32 v6, v32  }
0x3ea: {  	v57 =	vshll.u32 v55, $0x3;
	v56 =	vshll.u32 v54, $0x8;
	[tilespmem:s0+$0x40] =	vst v34  }
0x3eb: {  	v58 =	vand.u32 $0xFFFFF800, v56;
	v59 =	vand.u32 $0xFFFFFC00, v57;
	v36 =	vshll.u32 v54, $0x7;
	[tilespmem:s0+$0x840] =	vst v34  }
0x3ec: {  	v36 =	vand.u32 $0x380, v36;
	v34 =	vadd.s32 v58, v59;
	v35 =	vld.idx.msk [tilespmem:v35+s1+$0x0], $0xffff  }
0x3ed: {  	v37 =	vand.u32 $0x7F, v55;
	v34 =	vor.u32 v36, v34  }
0x3ee: {  	v34 =	vor.u32 v37, v34;
	_ =	sdelay $0x1  }
0x3ef: {  	v60 =	vadd.s32 v7, v32;
	v61 =	vadd.s32 v23, v33  }
0x3f0: {  	v62 =	vshll.u32 v60, $0x8;
	v63 =	vshll.u32 v61, $0x3;
	[tilespmem:s0+$0x50] =	vst v35  }
0x3f1: {  	v40 =	vand.u32 $0xFFFFF800, v62;
	v41 =	vand.u32 $0xFFFFFC00, v63;
	v36 =	vshll.u32 v60, $0x7;
	[tilespmem:s0+$0x850] =	vst v35  }
0x3f2: {  	v36 =	vand.u32 $0x380, v36;
	v35 =	vadd.s32 v40, v41;
	v34 =	vld.idx.msk [tilespmem:v34+s1+$0x0], $0xffff  }
0x3f3: {  	v37 =	vand.u32 $0x7F, v61;
	v35 =	vor.u32 v36, v35  }
0x3f4: {  	v35 =	vor.u32 v37, v35;
	_ =	sdelay $0x1  }
0x3f5: {  	v42 =	vadd.s32 v8, v32;
	v43 =	vadd.s32 v24, v33  }
0x3f6: {  	v44 =	vshll.u32 v42, $0x8;
	v45 =	vshll.u32 v43, $0x3;
	[tilespmem:s0+$0x60] =	vst v34  }
0x3f7: {  	v46 =	vand.u32 $0xFFFFF800, v44;
	v47 =	vand.u32 $0xFFFFFC00, v45;
	v36 =	vshll.u32 v42, $0x7;
	[tilespmem:s0+$0x860] =	vst v34  }
0x3f8: {  	v36 =	vand.u32 $0x380, v36;
	v34 =	vadd.s32 v46, v47;
	v35 =	vld.idx.msk [tilespmem:v35+s1+$0x0], $0xffff  }
0x3f9: {  	v37 =	vand.u32 $0x7F, v43;
	v34 =	vor.u32 v36, v34  }
0x3fa: {  	v34 =	vor.u32 v37, v34;
	_ =	sdelay $0x1  }
0x3fb: {  	v48 =	vadd.s32 v9, v32;
	v49 =	vadd.s32 v25, v33  }
0x3fc: {  	v50 =	vshll.u32 v48, $0x8;
	v51 =	vshll.u32 v49, $0x3;
	[tilespmem:s0+$0x70] =	vst v35  }
0x3fd: {  	v52 =	vand.u32 $0xFFFFF800, v50;
	v53 =	vand.u32 $0xFFFFFC00, v51;
	v36 =	vshll.u32 v48, $0x7;
	[tilespmem:s0+$0x870] =	vst v35  }
0x3fe: {  	v36 =	vand.u32 $0x380, v36;
	v35 =	vadd.s32 v52, v53;
	v34 =	vld.idx.msk [tilespmem:v34+s1+$0x0], $0xffff  }
0x3ff: {  	s5 =	sand.u32 $0x7, s25;
	v37 =	vand.u32 $0x7F, v49;
	v35 =	vor.u32 v36, v35  }
0x400: {  	s3 =	sshll.u32 s5, $0x7;
	v35 =	vor.u32 v37, v35  }
0x401: {  	s3 =	sadd.s32 s30, s3  }
0x402: {  	s3 =	sadd.s32 $0x80, s3;
	v54 =	vadd.s32 v10, v32;
	v55 =	vadd.s32 v26, v33  }
0x403: {  	s31 =	sor.u32 $0xC00, s3;
	v56 =	vshll.u32 v54, $0x8;
	v57 =	vshll.u32 v55, $0x3;
	[tilespmem:s0+$0x400] =	vst v34  }
0x404: {  	v58 =	vand.u32 $0xFFFFF800, v56;
	v59 =	vand.u32 $0xFFFFFC00, v57;
	v36 =	vshll.u32 v54, $0x7;
	[tilespmem:s31+$0x10400] =	vst v34  }
0x405: {  	v36 =	vand.u32 $0x380, v36;
	v34 =	vadd.s32 v58, v59;
	v35 =	vld.idx.msk [tilespmem:v35+s1+$0x0], $0xffff  }
0x406: {  	v37 =	vand.u32 $0x7F, v55;
	v34 =	vor.u32 v36, v34  }
0x407: {  	v34 =	vor.u32 v37, v34;
	_ =	sdelay $0x1  }
0x408: {  	v60 =	vadd.s32 v11, v32;
	v61 =	vadd.s32 v27, v33  }
0x409: {  	s5 =	sor.u32 $0xC10, s3;
	v62 =	vshll.u32 v60, $0x8;
	v63 =	vshll.u32 v61, $0x3;
	[tilespmem:s0+$0x410] =	vst v35  }
0x40a: {  	v40 =	vand.u32 $0xFFFFF800, v62;
	v41 =	vand.u32 $0xFFFFFC00, v63;
	v36 =	vshll.u32 v60, $0x7;
	[tilespmem:s5+$0x10400] =	vst v35  }
0x40b: {  	v36 =	vand.u32 $0x380, v36;
	v35 =	vadd.s32 v40, v41;
	v34 =	vld.idx.msk [tilespmem:v34+s1+$0x0], $0xffff  }
0x40c: {  	v37 =	vand.u32 $0x7F, v61;
	v35 =	vor.u32 v36, v35  }
0x40d: {  	v35 =	vor.u32 v37, v35;
	_ =	sdelay $0x1  }
0x40e: {  	v42 =	vadd.s32 v12, v32;
	v43 =	vadd.s32 v28, v33  }
0x40f: {  	v44 =	vshll.u32 v42, $0x8;
	v45 =	vshll.u32 v43, $0x3;
	s31 =	sor.u32 $0xC20, s3;
	[tilespmem:s0+$0x420] =	vst v34  }
0x410: {  	v46 =	vand.u32 $0xFFFFF800, v44;
	v47 =	vand.u32 $0xFFFFFC00, v45;
	v36 =	vshll.u32 v42, $0x7;
	[tilespmem:s31+$0x10400] =	vst v34  }
0x411: {  	v36 =	vand.u32 $0x380, v36;
	v34 =	vadd.s32 v46, v47;
	v35 =	vld.idx.msk [tilespmem:v35+s1+$0x0], $0xffff  }
0x412: {  	v37 =	vand.u32 $0x7F, v43;
	v34 =	vor.u32 v36, v34  }
0x413: {  	v34 =	vor.u32 v37, v34;
	_ =	sdelay $0x1  }
0x414: {  	v48 =	vadd.s32 v13, v32;
	v49 =	vadd.s32 v29, v33  }
0x415: {  	v50 =	vshll.u32 v48, $0x8;
	v51 =	vshll.u32 v49, $0x3;
	s5 =	sor.u32 $0xC30, s3;
	[tilespmem:s0+$0x430] =	vst v35  }
0x416: {  	v52 =	vand.u32 $0xFFFFF800, v50;
	v53 =	vand.u32 $0xFFFFFC00, v51;
	v36 =	vshll.u32 v48, $0x7;
	[tilespmem:s5+$0x10400] =	vst v35  }
0x417: {  	v36 =	vand.u32 $0x380, v36;
	v35 =	vadd.s32 v52, v53;
	v34 =	vld.idx.msk [tilespmem:v34+s1+$0x0], $0xffff  }
0x418: {  	v37 =	vand.u32 $0x7F, v49;
	v35 =	vor.u32 v36, v35  }
0x419: {  	v35 =	vor.u32 v37, v35;
	_ =	sdelay $0x1  }
0x41a: {  	v54 =	vadd.s32 v14, v32;
	v55 =	vadd.s32 v30, v33  }
0x41b: {  	v56 =	vshll.u32 v54, $0x8;
	v57 =	vshll.u32 v55, $0x3;
	s31 =	sor.u32 $0xC40, s3;
	[tilespmem:s0+$0x440] =	vst v34  }
0x41c: {  	v58 =	vand.u32 $0xFFFFF800, v56;
	v59 =	vand.u32 $0xFFFFFC00, v57;
	v36 =	vshll.u32 v54, $0x7;
	[tilespmem:s31+$0x10400] =	vst v34  }
0x41d: {  	v36 =	vand.u32 $0x380, v36;
	v34 =	vadd.s32 v58, v59;
	v35 =	vld.idx.msk [tilespmem:v35+s1+$0x0], $0xffff  }
0x41e: {  	v37 =	vand.u32 $0x7F, v55;
	v34 =	vor.u32 v36, v34  }
0x41f: {  	v34 =	vor.u32 v37, v34;
	_ =	sdelay $0x1  }
0x420: {  	v32 =	vadd.s32 v15, v32;
	v33 =	vadd.s32 v31, v33  }
0x421: {  	v60 =	vshll.u32 v32, $0x8;
	v61 =	vshll.u32 v33, $0x3;
	s5 =	sor.u32 $0xC50, s3;
	[tilespmem:s0+$0x450] =	vst v35  }
0x422: {  	v32 =	vshll.u32 v32, $0x7;
	v62 =	vand.u32 $0xFFFFF800, v60;
	v63 =	vand.u32 $0xFFFFFC00, v61;
	[tilespmem:s5+$0x10400] =	vst v35  }
0x423: {  	v32 =	vand.u32 $0x380, v32;
	v35 =	vadd.s32 v62, v63;
	v34 =	vld.idx.msk [tilespmem:v34+s1+$0x0], $0xffff  }
0x424: {  	v33 =	vand.u32 $0x7F, v33;
	v32 =	vor.u32 v32, v35  }
0x425: {  	v32 =	vor.u32 v33, v32;
	_ =	sdelay $0x2  }
0x426: {  	s31 =	sor.u32 $0xC60, s3;
	[tilespmem:s0+$0x460] =	vst v34  }
0x427: {  	[tilespmem:s31+$0x10400] =	vst v34  }
0x428: {  	v32 =	vld.idx.msk [tilespmem:v32+s1+$0x0], $0xffff  }
0x429: {  	p0 =	sne.s32 s30, $0x3C00  }
.Ltmp3:
0x42a: {  	_ = 	snop;
	(pc) =	sbr.rel @p0 .LBB2_8-.Ltmp3, $3  }
0x42b: {  	_ =	sdelay $0x1  }
0x42c: {  	s24 =	sadd.s32 $0x1, s24;
	s28 =	sadd.s32 $0x100, s28;
	s3 =	sor.u32 $0xC70, s3;
	[tilespmem:s0+$0x470] =	vst v32  }
0x42d: {  	s2 =	sadd.s32 $0x2, s2;
	s25 =	sadd.s32 $0x2, s25;
	s30 =	sadd.s32 $0x400, s30;
	[tilespmem:s3+$0x10400] =	vst v32  }
0x42e: {  	s0 =	rddreg [dreg:$0x1d]  }
0x42f: {  	s28 =	rddreg [dreg:$0x1e]  }
0x430: {  	[hbm4b:s0+s1] =	stream.linear.scatter [tilespmem:s18], [sflag:$0x2], $0x4000, $0x38;
	[tilespmem:$0x1C400] =	vst v63  }
0x431: {  	s30 =	rddreg [dreg:$0x1f]  }
0x432: {  	[hbm4b:s28+s1] =	stream.linear.scatter [tilespmem:s18], [sflag:$0x2], $0x4000, $0x38;
	[tilespmem:$0x1C400] =	vst v63  }
0x433: {  	s31 =	sld [smem:$0x7FD]  }
0x434: {  	[hbm4b:s30+s1] =	stream.linear.scatter [tilespmem:s18], [sflag:$0x2], $0x4000, $0x38;
	[tilespmem:$0x1C400] =	vst v63  }
0x435: {  	_ = 	snop  }
0x436: {  	[hbm4b:s31+s1] =	stream.linear.scatter [tilespmem:s18], [sflag:$0x2], $0x4000, $0x38;
	[tilespmem:$0x1C400] =	vst v63  }
0x437: {  	_ = 	snop  }
0x438: {  	[hbm4b:s6+s1] =	stream.linear.scatter [tilespmem:s18], [sflag:$0x2], $0x4000, $0x38;
	[tilespmem:$0x1C400] =	vst v63  }
0x439: {  	_ = 	snop  }
0x43a: {  	[hbm4b:s7+s1] =	stream.linear.scatter [tilespmem:s18], [sflag:$0x2], $0x4000, $0x38;
	[tilespmem:$0x1C400] =	vst v63  }
0x43b: {  	_ = 	snop  }
0x43c: {  	[hbm4b:s8+s1] =	stream.linear.scatter [tilespmem:s18], [sflag:$0x2], $0x4000, $0x38;
	[tilespmem:$0x1C400] =	vst v63  }
0x43d: {  	_ = 	snop  }
0x43e: {  	[hbm4b:s9+s1] =	stream.linear.scatter [tilespmem:s18], [sflag:$0x2], $0x4000, $0x38;
	[tilespmem:$0x1C400] =	vst v63  }
0x43f: {  	_ =	swait.ge [sflag:s14], $0x4000  }
0x440: {  	[sflag:s14] =	ssyncset.done $0x0  }
0x441: {  	[sflag:s14] =	ssyncadd.s32 $0xFFFFC000  }
0x442: {  	_ =	swait.ge [sflag:s14], $0x4000  }
0x443: {  	[sflag:s14] =	ssyncset.done $0x0  }
0x444: {  	[sflag:s14] =	ssyncadd.s32 $0xFFFFC000  }
0x445: {  	_ =	swait.ge [sflag:s14], $0x4000  }
0x446: {  	[sflag:s14] =	ssyncset.done $0x0  }
0x447: {  	[sflag:s14] =	ssyncadd.s32 $0xFFFFC000  }
0x448: {  	_ =	swait.ge [sflag:s14], $0x4000  }
0x449: {  	[sflag:s14] =	ssyncset.done $0x0  }
0x44a: {  	[sflag:s14] =	ssyncadd.s32 $0xFFFFC000  }
0x44b: {  	_ =	swait.ge [sflag:s14], $0x4000  }
0x44c: {  	[sflag:s14] =	ssyncset.done $0x0  }
0x44d: {  	[sflag:s14] =	ssyncadd.s32 $0xFFFFC000  }
0x44e: {  	_ =	swait.ge [sflag:s14], $0x4000  }
0x44f: {  	[sflag:s14] =	ssyncset.done $0x0  }
0x450: {  	[sflag:s14] =	ssyncadd.s32 $0xFFFFC000  }
0x451: {  	_ =	swait.ge [sflag:s14], $0x4000  }
0x452: {  	[sflag:s14] =	ssyncset.done $0x0  }
0x453: {  	[sflag:s14] =	ssyncadd.s32 $0xFFFFC000  }
0x454: {  	_ =	swait.ge [sflag:s14], $0x4000  }
0x455: {  	[sflag:s14] =	ssyncset.done $0x0  }
0x456: {  	[sflag:s14] =	ssyncadd.s32 $0xFFFFC000  }
0x457: {  	_ =	swait.ge [sflag:s22], $0x4000  }
0x458: {  	[sflag:s22] =	ssyncset.done $0x0  }
0x459: {  	[sflag:s22] =	ssyncadd.s32 $0xFFFFC000  }
0x45a: {  	_ =	swait.ge [sflag:s22], $0x4000  }
0x45b: {  	[sflag:s22] =	ssyncset.done $0x0  }
0x45c: {  	[sflag:s22] =	ssyncadd.s32 $0xFFFFC000  }
0x45d: {  	_ =	swait.ge [sflag:s22], $0x4000  }
0x45e: {  	[sflag:s22] =	ssyncset.done $0x0  }
0x45f: {  	[sflag:s22] =	ssyncadd.s32 $0xFFFFC000  }
0x460: {  	_ =	swait.ge [sflag:s22], $0x4000  }
0x461: {  	[sflag:s22] =	ssyncset.done $0x0  }
0x462: {  	[sflag:s22] =	ssyncadd.s32 $0xFFFFC000  }
0x463: {  	_ =	swait.ge [sflag:s22], $0x4000  }
0x464: {  	[sflag:s22] =	ssyncset.done $0x0  }
0x465: {  	[sflag:s22] =	ssyncadd.s32 $0xFFFFC000  }
0x466: {  	_ =	swait.ge [sflag:s22], $0x4000  }
0x467: {  	[sflag:s22] =	ssyncset.done $0x0  }
0x468: {  	[sflag:s22] =	ssyncadd.s32 $0xFFFFC000  }
0x469: {  	_ =	swait.ge [sflag:s22], $0x4000  }
0x46a: {  	[sflag:s22] =	ssyncset.done $0x0  }
0x46b: {  	[sflag:s22] =	ssyncadd.s32 $0xFFFFC000  }
0x46c: {  	_ =	swait.ge [sflag:s22], $0x4000  }
0x46d: {  	[sflag:s22] =	ssyncset.done $0x0  }
0x46e: {  	[sflag:s22] =	ssyncadd.s32 $0xFFFFC000  }
0x46f: {  	_ =	swait.ge [sflag:s15], $0x4000  }
0x470: {  	[sflag:s15] =	ssyncset.done $0x0  }
0x471: {  	[sflag:s15] =	ssyncadd.s32 $0xFFFFC000  }
0x472: {  	_ =	swait.ge [sflag:s15], $0x4000  }
0x473: {  	[sflag:s15] =	ssyncset.done $0x0  }
0x474: {  	[sflag:s15] =	ssyncadd.s32 $0xFFFFC000  }
0x475: {  	_ =	swait.ge [sflag:s15], $0x4000  }
0x476: {  	[sflag:s15] =	ssyncset.done $0x0  }
0x477: {  	[sflag:s15] =	ssyncadd.s32 $0xFFFFC000  }
0x478: {  	_ =	swait.ge [sflag:s15], $0x4000  }
0x479: {  	[sflag:s15] =	ssyncset.done $0x0  }
0x47a: {  	[sflag:s15] =	ssyncadd.s32 $0xFFFFC000  }
0x47b: {  	_ =	swait.ge [sflag:s15], $0x4000  }
0x47c: {  	[sflag:s15] =	ssyncset.done $0x0  }
0x47d: {  	[sflag:s15] =	ssyncadd.s32 $0xFFFFC000  }
0x47e: {  	_ =	swait.ge [sflag:s15], $0x4000  }
0x47f: {  	[sflag:s15] =	ssyncset.done $0x0  }
0x480: {  	s23 =	sadd.s32 $0x1, s23;
	[sflag:s15] =	ssyncadd.s32 $0xFFFFC000  }
0x481: {  	p0 =	sne.s32 s23, s13;
	_ =	swait.ge [sflag:s15], $0x4000  }
.Ltmp4:
0x482: {  	[sflag:s15] =	ssyncset.done $0x0;
	(pc) =	sbr.rel @p0 .LBB2_1-.Ltmp4, $4  }
0x483: {  	[sflag:s15] =	ssyncadd.s32 $0xFFFFC000  }
0x484: {  	_ =	swait.ge [sflag:s15], $0x4000  }
0x485: {  	[sflag:s15] =	ssyncset.done $0x0  }
0x486: {  	[sflag:s15] =	ssyncadd.s32 $0xFFFFC000  }
0x487: {  	_ =	sfence.sel $0x180000  }
0x488: {  	[bflag:$0x0] =	sbarrier.arrive $0xFFFF  }
0x489: {  	_ =	strace $0x90000047  }
0x48a: {  	s0 =	stileid.u32;
	[bflag:$0x2] =	sbarrier.arrive $0xFFFF  }
0x48b: {  	p0 =	sne.s32 s0, $0x0;
	s0 =	rddreg [dreg:$0x3]  }
0x48c: {  	s0 =	sadd.s32 @!p0 $0x100000, s0  }
0x48d: {  	[sflag:s0] =	ssyncadd.tile.s32 @!p0 $0x1;
	_ =	shalt  }
.Lfunc_end2:
_tile_overlayer_lowered:
.L_overlay_start_2:
0x48e: {  	(tag) =	ssettag $0x2  }
0x48f: {  	s0 =	rddreg [dreg:$0x0];
	s2 =	stileid.u32  }
0x490: {  	s1 =	rddreg [dreg:$0x1];
	p0 =	sne.s32 s2, $0x0  }
0x491: {  	s3 =	rddreg [dreg:$0x2];
	[bflag:$0x3] =	sbarrier.arrive $0xFFFF;
	s2 =	simm.s32 @!p0 $0x1C05  }
0x492: {  	[timem:s3], [sflag:s2] =	dma.local @!p0 [hbm:s0], s1  }
0x493: {  	s0 =	simm.s32 @!p0 $0x5  }
0x494: {  	_ =	swait.ge @!p0 [sflag:s0], s1  }
0x495: {  	s1 =	ssub.s32 @!p0 $0x0, s1;
	[sflag:s0] =	ssyncset.done @!p0 $0x0  }
0x496: {  	[sflag:s0] =	ssyncadd.s32 @!p0 s1  }
0x497: {  	[bflag:$0x3] =	sbarrier.arrive $0xFFFF  }
0x498: {  	_ =	shalt  }

</sc_bundles>
